<compile_context>
chip_gen: v7x
topology: tpu7x:2x2x1
jax: 0.10.2.dev20260603
libtpu: 0.0.44.dev20260713+nightly
codegen_flags: <defaults>
</compile_context>

<pallas_src>
import jax
import jax.numpy as jnp
from jax import lax
from jax.experimental import pallas as pl
from jax.experimental.pallas import tpu as pltpu
from jax.experimental.pallas import tpu_sc as plsc

B, S, CIN = 4, 8192, 1024
STRIDE = 4
COUT = CIN // STRIDE
ROWS = B * S

NC, NS = 2, 16
NW = NC * NS
RW = ROWS // NW

R = 32
NCH = RW // R


def _selector_body(x_hbm, out_hbm, in0, in1, ob0, ob1, si0, si1, so0, so1):
    wid = lax.axis_index("s") * NC + lax.axis_index("c")
    row0 = wid * RW
    lanes4 = lax.iota(jnp.int32, 16) * STRIDE
    colvecs = [lanes4 + j * (16 * STRIDE) for j in range(COUT // 16)]
    ins, obs, sis, sos = (in0, in1), (ob0, ob1), (si0, si1), (so0, so1)

    def in_slice(c):
        return x_hbm.at[pl.ds(row0 + c * R, R), :]

    def out_slice(c):
        return out_hbm.at[pl.ds(row0 + c * R, R), :]

    pltpu.async_copy(in_slice(0), ins[0], sis[0])

    @pl.loop(0, NCH // 2)
    def _pair(p):
        for b in range(2):
            c = p * 2 + b

            @pl.when(c + 1 < NCH)
            def _start_next_in():
                pltpu.async_copy(in_slice(c + 1), ins[1 - b], sis[1 - b])

            pltpu.make_async_copy(in_slice(c), ins[b], sis[b]).wait()

            @pl.loop(0, R, unroll=8)
            def _row(r):
                ridx = jnp.full((16,), r, jnp.int32)
                for j in range(COUT // 16):
                    v = plsc.load_gather(ins[b], [ridx, colvecs[j]])
                    obs[b][r, pl.ds(j * 16, 16)] = v

            @pl.when(c >= 2)
            def _drain_prev_out():
                pltpu.make_async_copy(obs[b], out_slice(c - 2), sos[b]).wait()

            pltpu.async_copy(obs[b], out_slice(c), sos[b])

    for b in range(2):
        pltpu.make_async_copy(obs[b], out_slice(NCH - 2 + b), sos[b]).wait()


_mesh = plsc.VectorSubcoreMesh(core_axis_name="c", subcore_axis_name="s")

_selector = pl.kernel(
    _selector_body,
    out_type=jax.ShapeDtypeStruct((ROWS, COUT), jnp.float32),
    mesh=_mesh,
    scratch_types=[
        pltpu.VMEM((R, CIN), jnp.float32),
        pltpu.VMEM((R, CIN), jnp.float32),
        pltpu.VMEM((R, COUT), jnp.float32),
        pltpu.VMEM((R, COUT), jnp.float32),
        pltpu.SemaphoreType.DMA,
        pltpu.SemaphoreType.DMA,
        pltpu.SemaphoreType.DMA,
        pltpu.SemaphoreType.DMA,
    ],
    compiler_params=pltpu.CompilerParams(
        use_tc_tiling_on_sc=True,
        needs_layout_passes=False,
    ),
)


def kernel(x):
    out2 = _selector(x.reshape(ROWS, CIN))
    return out2.reshape(B, S, COUT)

# --- scband reference (transcript-rebuilt; emitter-appended) ---
"""Pipeline reference for scband-channel-selector-3917010174093 (READ-ONLY COPY).

The authoritative reference and input builder live on the scoring server;
editing this copy changes nothing except your own understanding.
"""

import jax, jax.numpy as jnp
import numpy as np

# num_channels init arg: 256 channel indices, stride 4 over 1024 channels
CHANNELS = jnp.asarray(np.arange(0, 1024, 4), dtype=jnp.int32)


def setup_inputs(seed: int = 0) -> dict:
    key = jax.random.key(seed)
    x = jax.random.normal(key, (4, 8192, 1024), dtype=jnp.float32)
    return {"x": x}


def reference(x):
    # x[..., self.num_channels] -> gather along last axis
    return jnp.take(x, CHANNELS, axis=-1)

if __name__ == "__main__":
    import jax
    _d = setup_inputs()
    print(jax.jit(kernel)(*tuple(_d.values())))

</pallas_src>

<mosaic_0001>
#map = affine_map<(d0, d1) -> (0, 0)>
module attributes {stable_mosaic.version = 14 : i64} {
  func.func @_selector_body(%arg0: i32, %arg1: i32, %arg2: memref<32768x1024xf32, #tpu.memory_space<hbm>>, %arg3: memref<32768x256xf32, #tpu.memory_space<hbm>>, %arg4: memref<32x1024xf32, #tpu.memory_space<vmem>>, %arg5: memref<32x1024xf32, #tpu.memory_space<vmem>>, %arg6: memref<32x256xf32, #tpu.memory_space<vmem>>, %arg7: memref<32x256xf32, #tpu.memory_space<vmem>>, %arg8: memref<!tpu.dma_semaphore, #tpu.memory_space<semaphore_mem>>, %arg9: memref<!tpu.dma_semaphore, #tpu.memory_space<semaphore_mem>>, %arg10: memref<!tpu.dma_semaphore, #tpu.memory_space<semaphore_mem>>, %arg11: memref<!tpu.dma_semaphore, #tpu.memory_space<semaphore_mem>>) attributes {dimension_semantics = [#tpu.dimension_semantics<core_parallel>, #tpu.dimension_semantics<subcore_parallel>], iteration_bounds = array<i64: 2, 16>, scalar_prefetch = 0 : i64, scratch_operands = 8 : i64, tpu.core_type = #tpu.core_type<sc_vector_subcore>, window_params = [{transform_indices = #map}, {transform_indices = #map}]} {
    %mul3A = arith.constant 2 : i32
    %mul3A_0 = arith.muli %arg1, %mul3A : i32
    %add3A = arith.addi %mul3A_0, %arg0 : i32
    %mul3A_1 = arith.constant 1024 : i32
    %mul3A_2 = arith.muli %add3A, %mul3A_1 : i32
    %iota3A = tpu.iota {dimensions = array<i32: 0>} : vector<16xi32>
    %mul3A_3 = arith.constant 4 : i32
    %mul3A_4 = vector.broadcast %mul3A_3 : i32 to vector<16xi32>
    %mul3A_5 = arith.muli %iota3A, %mul3A_4 : vector<16xi32>
    %add3A_6 = arith.constant 0 : i32
    %add3A_7 = vector.broadcast %add3A_6 : i32 to vector<16xi32>
    %add3A_8 = arith.addi %mul3A_5, %add3A_7 : vector<16xi32>
    %add3A_9 = arith.constant 64 : i32
    %add3A_10 = vector.broadcast %add3A_9 : i32 to vector<16xi32>
    %add3A_11 = arith.addi %mul3A_5, %add3A_10 : vector<16xi32>
    %add3A_12 = arith.constant 128 : i32
    %add3A_13 = vector.broadcast %add3A_12 : i32 to vector<16xi32>
    %add3A_14 = arith.addi %mul3A_5, %add3A_13 : vector<16xi32>
    %add3A_15 = arith.constant 192 : i32
    %add3A_16 = vector.broadcast %add3A_15 : i32 to vector<16xi32>
    %add3A_17 = arith.addi %mul3A_5, %add3A_16 : vector<16xi32>
    %add3A_18 = arith.constant 256 : i32
    %add3A_19 = vector.broadcast %add3A_18 : i32 to vector<16xi32>
    %add3A_20 = arith.addi %mul3A_5, %add3A_19 : vector<16xi32>
    %add3A_21 = arith.constant 320 : i32
    %add3A_22 = vector.broadcast %add3A_21 : i32 to vector<16xi32>
    %add3A_23 = arith.addi %mul3A_5, %add3A_22 : vector<16xi32>
    %add3A_24 = arith.constant 384 : i32
    %add3A_25 = vector.broadcast %add3A_24 : i32 to vector<16xi32>
    %add3A_26 = arith.addi %mul3A_5, %add3A_25 : vector<16xi32>
    %add3A_27 = arith.constant 448 : i32
    %add3A_28 = vector.broadcast %add3A_27 : i32 to vector<16xi32>
    %add3A_29 = arith.addi %mul3A_5, %add3A_28 : vector<16xi32>
    %add3A_30 = arith.constant 512 : i32
    %add3A_31 = vector.broadcast %add3A_30 : i32 to vector<16xi32>
    %add3A_32 = arith.addi %mul3A_5, %add3A_31 : vector<16xi32>
    %add3A_33 = arith.constant 576 : i32
    %add3A_34 = vector.broadcast %add3A_33 : i32 to vector<16xi32>
    %add3A_35 = arith.addi %mul3A_5, %add3A_34 : vector<16xi32>
    %add3A_36 = arith.constant 640 : i32
    %add3A_37 = vector.broadcast %add3A_36 : i32 to vector<16xi32>
    %add3A_38 = arith.addi %mul3A_5, %add3A_37 : vector<16xi32>
    %add3A_39 = arith.constant 704 : i32
    %add3A_40 = vector.broadcast %add3A_39 : i32 to vector<16xi32>
    %add3A_41 = arith.addi %mul3A_5, %add3A_40 : vector<16xi32>
    %add3A_42 = arith.constant 768 : i32
    %add3A_43 = vector.broadcast %add3A_42 : i32 to vector<16xi32>
    %add3A_44 = arith.addi %mul3A_5, %add3A_43 : vector<16xi32>
    %add3A_45 = arith.constant 832 : i32
    %add3A_46 = vector.broadcast %add3A_45 : i32 to vector<16xi32>
    %add3A_47 = arith.addi %mul3A_5, %add3A_46 : vector<16xi32>
    %add3A_48 = arith.constant 896 : i32
    %add3A_49 = vector.broadcast %add3A_48 : i32 to vector<16xi32>
    %add3A_50 = arith.addi %mul3A_5, %add3A_49 : vector<16xi32>
    %add3A_51 = arith.constant 960 : i32
    %add3A_52 = vector.broadcast %add3A_51 : i32 to vector<16xi32>
    %add3A_53 = arith.addi %mul3A_5, %add3A_52 : vector<16xi32>
    %add3A_54 = arith.constant 0 : i32
    %add3A_55 = arith.addi %mul3A_2, %add3A_54 : i32
    %dma_start3A = arith.constant 0 : i32
    %dma_start3A_56 = tpu.memref_slice %arg2[%add3A_55, %dma_start3A] : memref<32768x1024xf32, #tpu.memory_space<hbm>> -> memref<32x1024xf32, #tpu.memory_space<hbm>>
    %dma_start3A_57 = arith.constant 0 : i32
    %dma_start3A_58 = tpu.memref_slice %arg2[%add3A_55, %dma_start3A_57] : memref<32768x1024xf32, #tpu.memory_space<hbm>> -> memref<32x1024xf32, #tpu.memory_space<hbm>>
    tpu.enqueue_dma source(%dma_start3A_58 : memref<32x1024xf32, #tpu.memory_space<hbm>>) target(%arg4 : memref<32x1024xf32, #tpu.memory_space<vmem>>) target_semaphore(%arg8 : memref<!tpu.dma_semaphore, #tpu.memory_space<semaphore_mem>>)
    %scan3A = arith.constant 0 : i32
    %scan3A_59 = arith.constant 16 : i32
    %scan3A_60 = arith.addi %scan3A, %scan3A_59 : i32
    %scan3A_61 = arith.constant 1 : i32
    scf.for %scan3A_74 = %scan3A to %scan3A_60 step %scan3A_61  : i32 {
      %mul3A_75 = arith.constant 1 : i32
      %mul3A_76 = arith.muli %scan3A_74, %mul3A_75 : i32
      %add3A_77 = arith.constant 0 : i32
      %add3A_78 = arith.addi %add3A_77, %mul3A_76 : i32
      %mul3A_79 = arith.constant 2 : i32
      %mul3A_80 = arith.muli %add3A_78, %mul3A_79 : i32
      %add3A_81 = arith.constant 0 : i32
      %add3A_82 = arith.addi %mul3A_80, %add3A_81 : i32
      %add3A_83 = arith.constant 1 : i32
      %add3A_84 = arith.addi %add3A_82, %add3A_83 : i32
      %lt3A = arith.constant 32 : i32
      %lt3A_85 = arith.cmpi slt, %add3A_84, %lt3A : i32
      %convert_element_type3A = arith.extui %lt3A_85 : i1 to i32
      %cond3A = arith.constant 0 : i32
      %cond3A_86 = arith.cmpi ne, %convert_element_type3A, %cond3A : i32
      scf.if %cond3A_86 {
        %add3A_145 = arith.constant 1 : i32
        %add3A_146 = arith.addi %add3A_82, %add3A_145 : i32
        %mul3A_147 = arith.constant 32 : i32
        %mul3A_148 = arith.muli %add3A_146, %mul3A_147 : i32
        %add3A_149 = arith.addi %mul3A_2, %mul3A_148 : i32
        %dma_start3A_150 = arith.constant 0 : i32
        %dma_start3A_151 = tpu.memref_slice %arg2[%add3A_149, %dma_start3A_150] : memref<32768x1024xf32, #tpu.memory_space<hbm>> -> memref<32x1024xf32, #tpu.memory_space<hbm>>
        %dma_start3A_152 = arith.constant 0 : i32
        %dma_start3A_153 = tpu.memref_slice %arg2[%add3A_149, %dma_start3A_152] : memref<32768x1024xf32, #tpu.memory_space<hbm>> -> memref<32x1024xf32, #tpu.memory_space<hbm>>
        tpu.enqueue_dma source(%dma_start3A_153 : memref<32x1024xf32, #tpu.memory_space<hbm>>) target(%arg5 : memref<32x1024xf32, #tpu.memory_space<vmem>>) target_semaphore(%arg9 : memref<!tpu.dma_semaphore, #tpu.memory_space<semaphore_mem>>)
      } else {
      }
      %mul3A_87 = arith.constant 32 : i32
      %mul3A_88 = arith.muli %add3A_82, %mul3A_87 : i32
      %add3A_89 = arith.addi %mul3A_2, %mul3A_88 : i32
      %dma_wait3A_90 = arith.constant 0 : i32
      %dma_wait3A_91 = tpu.memref_slice %arg2[%add3A_89, %dma_wait3A_90] : memref<32768x1024xf32, #tpu.memory_space<hbm>> -> memref<32x1024xf32, #tpu.memory_space<hbm>>
      %dma_wait3A_92 = arith.constant 0 : i32
      %dma_wait3A_93 = tpu.memref_slice %arg2[%add3A_89, %dma_wait3A_92] : memref<32768x1024xf32, #tpu.memory_space<hbm>> -> memref<32x1024xf32, #tpu.memory_space<hbm>>
      tpu.wait_dma2 semaphore(%arg8 : memref<!tpu.dma_semaphore, #tpu.memory_space<semaphore_mem>>) src(%dma_wait3A_93 : memref<32x1024xf32, #tpu.memory_space<hbm>>) dst(%arg4 : memref<32x1024xf32, #tpu.memory_space<vmem>>)
      %scan3A_94 = arith.constant 0 : i32
      %scan3A_95 = arith.constant 32 : i32
      %scan3A_96 = arith.addi %scan3A_94, %scan3A_95 : i32
      %scan3A_97 = arith.constant 8 : i32
      scf.for %scan3A_145 = %scan3A_94 to %scan3A_96 step %scan3A_97  : i32 {
        %mul3A_146 = arith.constant 1 : i32
        %mul3A_147 = arith.muli %scan3A_145, %mul3A_146 : i32
        %add3A_148 = arith.constant 0 : i32
        %add3A_149 = arith.addi %add3A_148, %mul3A_147 : i32
        %broadcast_in_dim3A = vector.broadcast %add3A_149 : i32 to vector<16xi32>
        %gather3A = tpu.vector_load_idx %arg4[%broadcast_in_dim3A, %add3A_8] : memref<32x1024xf32, #tpu.memory_space<vmem>>[vector<16xi32>, vector<16xi32>], vector<16xf32>,
        %swap3A = arith.index_cast %add3A_149 : i32 to index
        %swap3A_150 = arith.constant 0 : index
        %swap3A_151 = tpu.vector_load %arg6[%swap3A, %swap3A_150] {strides = array<i32>} : memref<32x256xf32, #tpu.memory_space<vmem>>, vector<16xf32>,
        tpu.vector_store %arg6[%swap3A, %swap3A_150], %gather3A {strides = array<i32>} : memref<32x256xf32, #tpu.memory_space<vmem>>, vector<16xf32>,
        %gather3A_152 = tpu.vector_load_idx %arg4[%broadcast_in_dim3A, %add3A_11] : memref<32x1024xf32, #tpu.memory_space<vmem>>[vector<16xi32>, vector<16xi32>], vector<16xf32>,
        %swap3A_153 = arith.index_cast %add3A_149 : i32 to index
        %swap3A_154 = arith.constant 16 : index
        %swap3A_155 = tpu.vector_load %arg6[%swap3A_153, %swap3A_154] {strides = array<i32>} : memref<32x256xf32, #tpu.memory_space<vmem>>, vector<16xf32>,
        tpu.vector_store %arg6[%swap3A_153, %swap3A_154], %gather3A_152 {strides = array<i32>} : memref<32x256xf32, #tpu.memory_space<vmem>>, vector<16xf32>,
        %gather3A_156 = tpu.vector_load_idx %arg4[%broadcast_in_dim3A, %add3A_14] : memref<32x1024xf32, #tpu.memory_space<vmem>>[vector<16xi32>, vector<16xi32>], vector<16xf32>,
        %swap3A_157 = arith.index_cast %add3A_149 : i32 to index
        %swap3A_158 = arith.constant 32 : index
        %swap3A_159 = tpu.vector_load %arg6[%swap3A_157, %swap3A_158] {strides = array<i32>} : memref<32x256xf32, #tpu.memory_space<vmem>>, vector<16xf32>,
        tpu.vector_store %arg6[%swap3A_157, %swap3A_158], %gather3A_156 {strides = array<i32>} : memref<32x256xf32, #tpu.memory_space<vmem>>, vector<16xf32>,
        %gather3A_160 = tpu.vector_load_idx %arg4[%broadcast_in_dim3A, %add3A_17] : memref<32x1024xf32, #tpu.memory_space<vmem>>[vector<16xi32>, vector<16xi32>], vector<16xf32>,
        %swap3A_161 = arith.index_cast %add3A_149 : i32 to index
        %swap3A_162 = arith.constant 48 : index
        %swap3A_163 = tpu.vector_load %arg6[%swap3A_161, %swap3A_162] {strides = array<i32>} : memref<32x256xf32, #tpu.memory_space<vmem>>, vector<16xf32>,
        tpu.vector_store %arg6[%swap3A_161, %swap3A_162], %gather3A_160 {strides = array<i32>} : memref<32x256xf32, #tpu.memory_space<vmem>>, vector<16xf32>,
        %gather3A_164 = tpu.vector_load_idx %arg4[%broadcast_in_dim3A, %add3A_20] : memref<32x1024xf32, #tpu.memory_space<vmem>>[vector<16xi32>, vector<16xi32>], vector<16xf32>,
        %swap3A_165 = arith.index_cast %add3A_149 : i32 to index
        %swap3A_166 = arith.constant 64 : index
        %swap3A_167 = tpu.vector_load %arg6[%swap3A_165, %swap3A_166] {strides = array<i32>} : memref<32x256xf32, #tpu.memory_space<vmem>>, vector<16xf32>,
        tpu.vector_store %arg6[%swap3A_165, %swap3A_166], %gather3A_164 {strides = array<i32>} : memref<32x256xf32, #tpu.memory_space<vmem>>, vector<16xf32>,
        %gather3A_168 = tpu.vector_load_idx %arg4[%broadcast_in_dim3A, %add3A_23] : memref<32x1024xf32, #tpu.memory_space<vmem>>[vector<16xi32>, vector<16xi32>], vector<16xf32>,
        %swap3A_169 = arith.index_cast %add3A_149 : i32 to index
        %swap3A_170 = arith.constant 80 : index
        %swap3A_171 = tpu.vector_load %arg6[%swap3A_169, %swap3A_170] {strides = array<i32>} : memref<32x256xf32, #tpu.memory_space<vmem>>, vector<16xf32>,
        tpu.vector_store %arg6[%swap3A_169, %swap3A_170], %gather3A_168 {strides = array<i32>} : memref<32x256xf32, #tpu.memory_space<vmem>>, vector<16xf32>,
        %gather3A_172 = tpu.vector_load_idx %arg4[%broadcast_in_dim3A, %add3A_26] : memref<32x1024xf32, #tpu.memory_space<vmem>>[vector<16xi32>, vector<16xi32>], vector<16xf32>,
        %swap3A_173 = arith.index_cast %add3A_149 : i32 to index
        %swap3A_174 = arith.constant 96 : index
        %swap3A_175 = tpu.vector_load %arg6[%swap3A_173, %swap3A_174] {strides = array<i32>} : memref<32x256xf32, #tpu.memory_space<vmem>>, vector<16xf32>,
        tpu.vector_store %arg6[%swap3A_173, %swap3A_174], %gather3A_172 {strides = array<i32>} : memref<32x256xf32, #tpu.memory_space<vmem>>, vector<16xf32>,
        %gather3A_176 = tpu.vector_load_idx %arg4[%broadcast_in_dim3A, %add3A_29] : memref<32x1024xf32, #tpu.memory_space<vmem>>[vector<16xi32>, vector<16xi32>], vector<16xf32>,
        %swap3A_177 = arith.index_cast %add3A_149 : i32 to index
        %swap3A_178 = arith.constant 112 : index
        %swap3A_179 = tpu.vector_load %arg6[%swap3A_177, %swap3A_178] {strides = array<i32>} : memref<32x256xf32, #tpu.memory_space<vmem>>, vector<16xf32>,
        tpu.vector_store %arg6[%swap3A_177, %swap3A_178], %gather3A_176 {strides = array<i32>} : memref<32x256xf32, #tpu.memory_space<vmem>>, vector<16xf32>,
        %gather3A_180 = tpu.vector_load_idx %arg4[%broadcast_in_dim3A, %add3A_32] : memref<32x1024xf32, #tpu.memory_space<vmem>>[vector<16xi32>, vector<16xi32>], vector<16xf32>,
        %swap3A_181 = arith.index_cast %add3A_149 : i32 to index
        %swap3A_182 = arith.constant 128 : index
        %swap3A_183 = tpu.vector_load %arg6[%swap3A_181, %swap3A_182] {strides = array<i32>} : memref<32x256xf32, #tpu.memory_space<vmem>>, vector<16xf32>,
        tpu.vector_store %arg6[%swap3A_181, %swap3A_182], %gather3A_180 {strides = array<i32>} : memref<32x256xf32, #tpu.memory_space<vmem>>, vector<16xf32>,
        %gather3A_184 = tpu.vector_load_idx %arg4[%broadcast_in_dim3A, %add3A_35] : memref<32x1024xf32, #tpu.memory_space<vmem>>[vector<16xi32>, vector<16xi32>], vector<16xf32>,
        %swap3A_185 = arith.index_cast %add3A_149 : i32 to index
        %swap3A_186 = arith.constant 144 : index
        %swap3A_187 = tpu.vector_load %arg6[%swap3A_185, %swap3A_186] {strides = array<i32>} : memref<32x256xf32, #tpu.memory_space<vmem>>, vector<16xf32>,
        tpu.vector_store %arg6[%swap3A_185, %swap3A_186], %gather3A_184 {strides = array<i32>} : memref<32x256xf32, #tpu.memory_space<vmem>>, vector<16xf32>,
        %gather3A_188 = tpu.vector_load_idx %arg4[%broadcast_in_dim3A, %add3A_38] : memref<32x1024xf32, #tpu.memory_space<vmem>>[vector<16xi32>, vector<16xi32>], vector<16xf32>,
        %swap3A_189 = arith.index_cast %add3A_149 : i32 to index
        %swap3A_190 = arith.constant 160 : index
        %swap3A_191 = tpu.vector_load %arg6[%swap3A_189, %swap3A_190] {strides = array<i32>} : memref<32x256xf32, #tpu.memory_space<vmem>>, vector<16xf32>,
        tpu.vector_store %arg6[%swap3A_189, %swap3A_190], %gather3A_188 {strides = array<i32>} : memref<32x256xf32, #tpu.memory_space<vmem>>, vector<16xf32>,
        %gather3A_192 = tpu.vector_load_idx %arg4[%broadcast_in_dim3A, %add3A_41] : memref<32x1024xf32, #tpu.memory_space<vmem>>[vector<16xi32>, vector<16xi32>], vector<16xf32>,
        %swap3A_193 = arith.index_cast %add3A_149 : i32 to index
        %swap3A_194 = arith.constant 176 : index
        %swap3A_195 = tpu.vector_load %arg6[%swap3A_193, %swap3A_194] {strides = array<i32>} : memref<32x256xf32, #tpu.memory_space<vmem>>, vector<16xf32>,
        tpu.vector_store %arg6[%swap3A_193, %swap3A_194], %gather3A_192 {strides = array<i32>} : memref<32x256xf32, #tpu.memory_space<vmem>>, vector<16xf32>,
        %gather3A_196 = tpu.vector_load_idx %arg4[%broadcast_in_dim3A, %add3A_44] : memref<32x1024xf32, #tpu.memory_space<vmem>>[vector<16xi32>, vector<16xi32>], vector<16xf32>,
        %swap3A_197 = arith.index_cast %add3A_149 : i32 to index
        %swap3A_198 = arith.constant 192 : index
        %swap3A_199 = tpu.vector_load %arg6[%swap3A_197, %swap3A_198] {strides = array<i32>} : memref<32x256xf32, #tpu.memory_space<vmem>>, vector<16xf32>,
        tpu.vector_store %arg6[%swap3A_197, %swap3A_198], %gather3A_196 {strides = array<i32>} : memref<32x256xf32, #tpu.memory_space<vmem>>, vector<16xf32>,
        %gather3A_200 = tpu.vector_load_idx %arg4[%broadcast_in_dim3A, %add3A_47] : memref<32x1024xf32, #tpu.memory_space<vmem>>[vector<16xi32>, vector<16xi32>], vector<16xf32>,
        %swap3A_201 = arith.index_cast %add3A_149 : i32 to index
        %swap3A_202 = arith.constant 208 : index
        %swap3A_203 = tpu.vector_load %arg6[%swap3A_201, %swap3A_202] {strides = array<i32>} : memref<32x256xf32, #tpu.memory_space<vmem>>, vector<16xf32>,
        tpu.vector_store %arg6[%swap3A_201, %swap3A_202], %gather3A_200 {strides = array<i32>} : memref<32x256xf32, #tpu.memory_space<vmem>>, vector<16xf32>,
        %gather3A_204 = tpu.vector_load_idx %arg4[%broadcast_in_dim3A, %add3A_50] : memref<32x1024xf32, #tpu.memory_space<vmem>>[vector<16xi32>, vector<16xi32>], vector<16xf32>,
        %swap3A_205 = arith.index_cast %add3A_149 : i32 to index
        %swap3A_206 = arith.constant 224 : index
        %swap3A_207 = tpu.vector_load %arg6[%swap3A_205, %swap3A_206] {strides = array<i32>} : memref<32x256xf32, #tpu.memory_space<vmem>>, vector<16xf32>,
        tpu.vector_store %arg6[%swap3A_205, %swap3A_206], %gather3A_204 {strides = array<i32>} : memref<32x256xf32, #tpu.memory_space<vmem>>, vector<16xf32>,
        %gather3A_208 = tpu.vector_load_idx %arg4[%broadcast_in_dim3A, %add3A_53] : memref<32x1024xf32, #tpu.memory_space<vmem>>[vector<16xi32>, vector<16xi32>], vector<16xf32>,
        %swap3A_209 = arith.index_cast %add3A_149 : i32 to index
        %swap3A_210 = arith.constant 240 : index
        %swap3A_211 = tpu.vector_load %arg6[%swap3A_209, %swap3A_210] {strides = array<i32>} : memref<32x256xf32, #tpu.memory_space<vmem>>, vector<16xf32>,
        tpu.vector_store %arg6[%swap3A_209, %swap3A_210], %gather3A_208 {strides = array<i32>} : memref<32x256xf32, #tpu.memory_space<vmem>>, vector<16xf32>,
        %scan3A_212 = arith.constant 1 : i32
        %scan3A_213 = arith.addi %scan3A_145, %scan3A_212 : i32
        %mul3A_214 = arith.constant 1 : i32
        %mul3A_215 = arith.muli %scan3A_213, %mul3A_214 : i32
        %add3A_216 = arith.constant 0 : i32
        %add3A_217 = arith.addi %add3A_216, %mul3A_215 : i32
        %broadcast_in_dim3A_218 = vector.broadcast %add3A_217 : i32 to vector<16xi32>
        %gather3A_219 = tpu.vector_load_idx %arg4[%broadcast_in_dim3A_218, %add3A_8] : memref<32x1024xf32, #tpu.memory_space<vmem>>[vector<16xi32>, vector<16xi32>], vector<16xf32>,
        %swap3A_220 = arith.index_cast %add3A_217 : i32 to index
        %swap3A_221 = arith.constant 0 : index
        %swap3A_222 = tpu.vector_load %arg6[%swap3A_220, %swap3A_221] {strides = array<i32>} : memref<32x256xf32, #tpu.memory_space<vmem>>, vector<16xf32>,
        tpu.vector_store %arg6[%swap3A_220, %swap3A_221], %gather3A_219 {strides = array<i32>} : memref<32x256xf32, #tpu.memory_space<vmem>>, vector<16xf32>,
        %gather3A_223 = tpu.vector_load_idx %arg4[%broadcast_in_dim3A_218, %add3A_11] : memref<32x1024xf32, #tpu.memory_space<vmem>>[vector<16xi32>, vector<16xi32>], vector<16xf32>,
        %swap3A_224 = arith.index_cast %add3A_217 : i32 to index
        %swap3A_225 = arith.constant 16 : index
        %swap3A_226 = tpu.vector_load %arg6[%swap3A_224, %swap3A_225] {strides = array<i32>} : memref<32x256xf32, #tpu.memory_space<vmem>>, vector<16xf32>,
        tpu.vector_store %arg6[%swap3A_224, %swap3A_225], %gather3A_223 {strides = array<i32>} : memref<32x256xf32, #tpu.memory_space<vmem>>, vector<16xf32>,
        %gather3A_227 = tpu.vector_load_idx %arg4[%broadcast_in_dim3A_218, %add3A_14] : memref<32x1024xf32, #tpu.memory_space<vmem>>[vector<16xi32>, vector<16xi32>], vector<16xf32>,
        %swap3A_228 = arith.index_cast %add3A_217 : i32 to index
        %swap3A_229 = arith.constant 32 : index
        %swap3A_230 = tpu.vector_load %arg6[%swap3A_228, %swap3A_229] {strides = array<i32>} : memref<32x256xf32, #tpu.memory_space<vmem>>, vector<16xf32>,
        tpu.vector_store %arg6[%swap3A_228, %swap3A_229], %gather3A_227 {strides = array<i32>} : memref<32x256xf32, #tpu.memory_space<vmem>>, vector<16xf32>,
        %gather3A_231 = tpu.vector_load_idx %arg4[%broadcast_in_dim3A_218, %add3A_17] : memref<32x1024xf32, #tpu.memory_space<vmem>>[vector<16xi32>, vector<16xi32>], vector<16xf32>,
        %swap3A_232 = arith.index_cast %add3A_217 : i32 to index
        %swap3A_233 = arith.constant 48 : index
        %swap3A_234 = tpu.vector_load %arg6[%swap3A_232, %swap3A_233] {strides = array<i32>} : memref<32x256xf32, #tpu.memory_space<vmem>>, vector<16xf32>,
        tpu.vector_store %arg6[%swap3A_232, %swap3A_233], %gather3A_231 {strides = array<i32>} : memref<32x256xf32, #tpu.memory_space<vmem>>, vector<16xf32>,
        %gather3A_235 = tpu.vector_load_idx %arg4[%broadcast_in_dim3A_218, %add3A_20] : memref<32x1024xf32, #tpu.memory_space<vmem>>[vector<16xi32>, vector<16xi32>], vector<16xf32>,
        %swap3A_236 = arith.index_cast %add3A_217 : i32 to index
        %swap3A_237 = arith.constant 64 : index
        %swap3A_238 = tpu.vector_load %arg6[%swap3A_236, %swap3A_237] {strides = array<i32>} : memref<32x256xf32, #tpu.memory_space<vmem>>, vector<16xf32>,
        tpu.vector_store %arg6[%swap3A_236, %swap3A_237], %gather3A_235 {strides = array<i32>} : memref<32x256xf32, #tpu.memory_space<vmem>>, vector<16xf32>,
        %gather3A_239 = tpu.vector_load_idx %arg4[%broadcast_in_dim3A_218, %add3A_23] : memref<32x1024xf32, #tpu.memory_space<vmem>>[vector<16xi32>, vector<16xi32>], vector<16xf32>,
        %swap3A_240 = arith.index_cast %add3A_217 : i32 to index
        %swap3A_241 = arith.constant 80 : index
        %swap3A_242 = tpu.vector_load %arg6[%swap3A_240, %swap3A_241] {strides = array<i32>} : memref<32x256xf32, #tpu.memory_space<vmem>>, vector<16xf32>,
        tpu.vector_store %arg6[%swap3A_240, %swap3A_241], %gather3A_239 {strides = array<i32>} : memref<32x256xf32, #tpu.memory_space<vmem>>, vector<16xf32>,
        %gather3A_243 = tpu.vector_load_idx %arg4[%broadcast_in_dim3A_218, %add3A_26] : memref<32x1024xf32, #tpu.memory_space<vmem>>[vector<16xi32>, vector<16xi32>], vector<16xf32>,
        %swap3A_244 = arith.index_cast %add3A_217 : i32 to index
        %swap3A_245 = arith.constant 96 : index
        %swap3A_246 = tpu.vector_load %arg6[%swap3A_244, %swap3A_245] {strides = array<i32>} : memref<32x256xf32, #tpu.memory_space<vmem>>, vector<16xf32>,
        tpu.vector_store %arg6[%swap3A_244, %swap3A_245], %gather3A_243 {strides = array<i32>} : memref<32x256xf32, #tpu.memory_space<vmem>>, vector<16xf32>,
        %gather3A_247 = tpu.vector_load_idx %arg4[%broadcast_in_dim3A_218, %add3A_29] : memref<32x1024xf32, #tpu.memory_space<vmem>>[vector<16xi32>, vector<16xi32>], vector<16xf32>,
        %swap3A_248 = arith.index_cast %add3A_217 : i32 to index
        %swap3A_249 = arith.constant 112 : index
        %swap3A_250 = tpu.vector_load %arg6[%swap3A_248, %swap3A_249] {strides = array<i32>} : memref<32x256xf32, #tpu.memory_space<vmem>>, vector<16xf32>,
        tpu.vector_store %arg6[%swap3A_248, %swap3A_249], %gather3A_247 {strides = array<i32>} : memref<32x256xf32, #tpu.memory_space<vmem>>, vector<16xf32>,
        %gather3A_251 = tpu.vector_load_idx %arg4[%broadcast_in_dim3A_218, %add3A_32] : memref<32x1024xf32, #tpu.memory_space<vmem>>[vector<16xi32>, vector<16xi32>], vector<16xf32>,
        %swap3A_252 = arith.index_cast %add3A_217 : i32 to index
        %swap3A_253 = arith.constant 128 : index
        %swap3A_254 = tpu.vector_load %arg6[%swap3A_252, %swap3A_253] {strides = array<i32>} : memref<32x256xf32, #tpu.memory_space<vmem>>, vector<16xf32>,
        tpu.vector_store %arg6[%swap3A_252, %swap3A_253], %gather3A_251 {strides = array<i32>} : memref<32x256xf32, #tpu.memory_space<vmem>>, vector<16xf32>,
        %gather3A_255 = tpu.vector_load_idx %arg4[%broadcast_in_dim3A_218, %add3A_35] : memref<32x1024xf32, #tpu.memory_space<vmem>>[vector<16xi32>, vector<16xi32>], vector<16xf32>,
        %swap3A_256 = arith.index_cast %add3A_217 : i32 to index
        %swap3A_257 = arith.constant 144 : index
        %swap3A_258 = tpu.vector_load %arg6[%swap3A_256, %swap3A_257] {strides = array<i32>} : memref<32x256xf32, #tpu.memory_space<vmem>>, vector<16xf32>,
        tpu.vector_store %arg6[%swap3A_256, %swap3A_257], %gather3A_255 {strides = array<i32>} : memref<32x256xf32, #tpu.memory_space<vmem>>, vector<16xf32>,
        %gather3A_259 = tpu.vector_load_idx %arg4[%broadcast_in_dim3A_218, %add3A_38] : memref<32x1024xf32, #tpu.memory_space<vmem>>[vector<16xi32>, vector<16xi32>], vector<16xf32>,
        %swap3A_260 = arith.index_cast %add3A_217 : i32 to index
        %swap3A_261 = arith.constant 160 : index
        %swap3A_262 = tpu.vector_load %arg6[%swap3A_260, %swap3A_261] {strides = array<i32>} : memref<32x256xf32, #tpu.memory_space<vmem>>, vector<16xf32>,
        tpu.vector_store %arg6[%swap3A_260, %swap3A_261], %gather3A_259 {strides = array<i32>} : memref<32x256xf32, #tpu.memory_space<vmem>>, vector<16xf32>,
        %gather3A_263 = tpu.vector_load_idx %arg4[%broadcast_in_dim3A_218, %add3A_41] : memref<32x1024xf32, #tpu.memory_space<vmem>>[vector<16xi32>, vector<16xi32>], vector<16xf32>,
        %swap3A_264 = arith.index_cast %add3A_217 : i32 to index
        %swap3A_265 = arith.constant 176 : index
        %swap3A_266 = tpu.vector_load %arg6[%swap3A_264, %swap3A_265] {strides = array<i32>} : memref<32x256xf32, #tpu.memory_space<vmem>>, vector<16xf32>,
        tpu.vector_store %arg6[%swap3A_264, %swap3A_265], %gather3A_263 {strides = array<i32>} : memref<32x256xf32, #tpu.memory_space<vmem>>, vector<16xf32>,
        %gather3A_267 = tpu.vector_load_idx %arg4[%broadcast_in_dim3A_218, %add3A_44] : memref<32x1024xf32, #tpu.memory_space<vmem>>[vector<16xi32>, vector<16xi32>], vector<16xf32>,
        %swap3A_268 = arith.index_cast %add3A_217 : i32 to index
        %swap3A_269 = arith.constant 192 : index
        %swap3A_270 = tpu.vector_load %arg6[%swap3A_268, %swap3A_269] {strides = array<i32>} : memref<32x256xf32, #tpu.memory_space<vmem>>, vector<16xf32>,
        tpu.vector_store %arg6[%swap3A_268, %swap3A_269], %gather3A_267 {strides = array<i32>} : memref<32x256xf32, #tpu.memory_space<vmem>>, vector<16xf32>,
        %gather3A_271 = tpu.vector_load_idx %arg4[%broadcast_in_dim3A_218, %add3A_47] : memref<32x1024xf32, #tpu.memory_space<vmem>>[vector<16xi32>, vector<16xi32>], vector<16xf32>,
        %swap3A_272 = arith.index_cast %add3A_217 : i32 to index
        %swap3A_273 = arith.constant 208 : index
        %swap3A_274 = tpu.vector_load %arg6[%swap3A_272, %swap3A_273] {strides = array<i32>} : memref<32x256xf32, #tpu.memory_space<vmem>>, vector<16xf32>,
        tpu.vector_store %arg6[%swap3A_272, %swap3A_273], %gather3A_271 {strides = array<i32>} : memref<32x256xf32, #tpu.memory_space<vmem>>, vector<16xf32>,
        %gather3A_275 = tpu.vector_load_idx %arg4[%broadcast_in_dim3A_218, %add3A_50] : memref<32x1024xf32, #tpu.memory_space<vmem>>[vector<16xi32>, vector<16xi32>], vector<16xf32>,
        %swap3A_276 = arith.index_cast %add3A_217 : i32 to index
        %swap3A_277 = arith.constant 224 : index
        %swap3A_278 = tpu.vector_load %arg6[%swap3A_276, %swap3A_277] {strides = array<i32>} : memref<32x256xf32, #tpu.memory_space<vmem>>, vector<16xf32>,
        tpu.vector_store %arg6[%swap3A_276, %swap3A_277], %gather3A_275 {strides = array<i32>} : memref<32x256xf32, #tpu.memory_space<vmem>>, vector<16xf32>,
        %gather3A_279 = tpu.vector_load_idx %arg4[%broadcast_in_dim3A_218, %add3A_53] : memref<32x1024xf32, #tpu.memory_space<vmem>>[vector<16xi32>, vector<16xi32>], vector<16xf32>,
        %swap3A_280 = arith.index_cast %add3A_217 : i32 to index
        %swap3A_281 = arith.constant 240 : index
        %swap3A_282 = tpu.vector_load %arg6[%swap3A_280, %swap3A_281] {strides = array<i32>} : memref<32x256xf32, #tpu.memory_space<vmem>>, vector<16xf32>,
        tpu.vector_store %arg6[%swap3A_280, %swap3A_281], %gather3A_279 {strides = array<i32>} : memref<32x256xf32, #tpu.memory_space<vmem>>, vector<16xf32>,
        %scan3A_283 = arith.constant 2 : i32
        %scan3A_284 = arith.addi %scan3A_145, %scan3A_283 : i32
        %mul3A_285 = arith.constant 1 : i32
        %mul3A_286 = arith.muli %scan3A_284, %mul3A_285 : i32
        %add3A_287 = arith.constant 0 : i32
        %add3A_288 = arith.addi %add3A_287, %mul3A_286 : i32
        %broadcast_in_dim3A_289 = vector.broadcast %add3A_288 : i32 to vector<16xi32>
        %gather3A_290 = tpu.vector_load_idx %arg4[%broadcast_in_dim3A_289, %add3A_8] : memref<32x1024xf32, #tpu.memory_space<vmem>>[vector<16xi32>, vector<16xi32>], vector<16xf32>,
        %swap3A_291 = arith.index_cast %add3A_288 : i32 to index
        %swap3A_292 = arith.constant 0 : index
        %swap3A_293 = tpu.vector_load %arg6[%swap3A_291, %swap3A_292] {strides = array<i32>} : memref<32x256xf32, #tpu.memory_space<vmem>>, vector<16xf32>,
        tpu.vector_store %arg6[%swap3A_291, %swap3A_292], %gather3A_290 {strides = array<i32>} : memref<32x256xf32, #tpu.memory_space<vmem>>, vector<16xf32>,
        %gather3A_294 = tpu.vector_load_idx %arg4[%broadcast_in_dim3A_289, %add3A_11] : memref<32x1024xf32, #tpu.memory_space<vmem>>[vector<16xi32>, vector<16xi32>], vector<16xf32>,
        %swap3A_295 = arith.index_cast %add3A_288 : i32 to index
        %swap3A_296 = arith.constant 16 : index
        %swap3A_297 = tpu.vector_load %arg6[%swap3A_295, %swap3A_296] {strides = array<i32>} : memref<32x256xf32, #tpu.memory_space<vmem>>, vector<16xf32>,
        tpu.vector_store %arg6[%swap3A_295, %swap3A_296], %gather3A_294 {strides = array<i32>} : memref<32x256xf32, #tpu.memory_space<vmem>>, vector<16xf32>,
        %gather3A_298 = tpu.vector_load_idx %arg4[%broadcast_in_dim3A_289, %add3A_14] : memref<32x1024xf32, #tpu.memory_space<vmem>>[vector<16xi32>, vector<16xi32>], vector<16xf32>,
        %swap3A_299 = arith.index_cast %add3A_288 : i32 to index
        %swap3A_300 = arith.constant 32 : index
        %swap3A_301 = tpu.vector_load %arg6[%swap3A_299, %swap3A_300] {strides = array<i32>} : memref<32x256xf32, #tpu.memory_space<vmem>>, vector<16xf32>,
        tpu.vector_store %arg6[%swap3A_299, %swap3A_300], %gather3A_298 {strides = array<i32>} : memref<32x256xf32, #tpu.memory_space<vmem>>, vector<16xf32>,
        %gather3A_302 = tpu.vector_load_idx %arg4[%broadcast_in_dim3A_289, %add3A_17] : memref<32x1024xf32, #tpu.memory_space<vmem>>[vector<16xi32>, vector<16xi32>], vector<16xf32>,
        %swap3A_303 = arith.index_cast %add3A_288 : i32 to index
        %swap3A_304 = arith.constant 48 : index
        %swap3A_305 = tpu.vector_load %arg6[%swap3A_303, %swap3A_304] {strides = array<i32>} : memref<32x256xf32, #tpu.memory_space<vmem>>, vector<16xf32>,
        tpu.vector_store %arg6[%swap3A_303, %swap3A_304], %gather3A_302 {strides = array<i32>} : memref<32x256xf32, #tpu.memory_space<vmem>>, vector<16xf32>,
        %gather3A_306 = tpu.vector_load_idx %arg4[%broadcast_in_dim3A_289, %add3A_20] : memref<32x1024xf32, #tpu.memory_space<vmem>>[vector<16xi32>, vector<16xi32>], vector<16xf32>,
        %swap3A_307 = arith.index_cast %add3A_288 : i32 to index
        %swap3A_308 = arith.constant 64 : index
        %swap3A_309 = tpu.vector_load %arg6[%swap3A_307, %swap3A_308] {strides = array<i32>} : memref<32x256xf32, #tpu.memory_space<vmem>>, vector<16xf32>,
        tpu.vector_store %arg6[%swap3A_307, %swap3A_308], %gather3A_306 {strides = array<i32>} : memref<32x256xf32, #tpu.memory_space<vmem>>, vector<16xf32>,
        %gather3A_310 = tpu.vector_load_idx %arg4[%broadcast_in_dim3A_289, %add3A_23] : memref<32x1024xf32, #tpu.memory_space<vmem>>[vector<16xi32>, vector<16xi32>], vector<16xf32>,
        %swap3A_311 = arith.index_cast %add3A_288 : i32 to index
        %swap3A_312 = arith.constant 80 : index
        %swap3A_313 = tpu.vector_load %arg6[%swap3A_311, %swap3A_312] {strides = array<i32>} : memref<32x256xf32, #tpu.memory_space<vmem>>, vector<16xf32>,
        tpu.vector_store %arg6[%swap3A_311, %swap3A_312], %gather3A_310 {strides = array<i32>} : memref<32x256xf32, #tpu.memory_space<vmem>>, vector<16xf32>,
        %gather3A_314 = tpu.vector_load_idx %arg4[%broadcast_in_dim3A_289, %add3A_26] : memref<32x1024xf32, #tpu.memory_space<vmem>>[vector<16xi32>, vector<16xi32>], vector<16xf32>,
        %swap3A_315 = arith.index_cast %add3A_288 : i32 to index
        %swap3A_316 = arith.constant 96 : index
        %swap3A_317 = tpu.vector_load %arg6[%swap3A_315, %swap3A_316] {strides = array<i32>} : memref<32x256xf32, #tpu.memory_space<vmem>>, vector<16xf32>,
        tpu.vector_store %arg6[%swap3A_315, %swap3A_316], %gather3A_314 {strides = array<i32>} : memref<32x256xf32, #tpu.memory_space<vmem>>, vector<16xf32>,
        %gather3A_318 = tpu.vector_load_idx %arg4[%broadcast_in_dim3A_289, %add3A_29] : memref<32x1024xf32, #tpu.memory_space<vmem>>[vector<16xi32>, vector<16xi32>], vector<16xf32>,
        %swap3A_319 = arith.index_cast %add3A_288 : i32 to index
        %swap3A_320 = arith.constant 112 : index
        %swap3A_321 = tpu.vector_load %arg6[%swap3A_319, %swap3A_320] {strides = array<i32>} : memref<32x256xf32, #tpu.memory_space<vmem>>, vector<16xf32>,
        tpu.vector_store %arg6[%swap3A_319, %swap3A_320], %gather3A_318 {strides = array<i32>} : memref<32x256xf32, #tpu.memory_space<vmem>>, vector<16xf32>,
        %gather3A_322 = tpu.vector_load_idx %arg4[%broadcast_in_dim3A_289, %add3A_32] : memref<32x1024xf32, #tpu.memory_space<vmem>>[vector<16xi32>, vector<16xi32>], vector<16xf32>,
        %swap3A_323 = arith.index_cast %add3A_288 : i32 to index
        %swap3A_324 = arith.constant 128 : index
        %swap3A_325 = tpu.vector_load %arg6[%swap3A_323, %swap3A_324] {strides = array<i32>} : memref<32x256xf32, #tpu.memory_space<vmem>>, vector<16xf32>,
        tpu.vector_store %arg6[%swap3A_323, %swap3A_324], %gather3A_322 {strides = array<i32>} : memref<32x256xf32, #tpu.memory_space<vmem>>, vector<16xf32>,
        %gather3A_326 = tpu.vector_load_idx %arg4[%broadcast_in_dim3A_289, %add3A_35] : memref<32x1024xf32, #tpu.memory_space<vmem>>[vector<16xi32>, vector<16xi32>], vector<16xf32>,
        %swap3A_327 = arith.index_cast %add3A_288 : i32 to index
        %swap3A_328 = arith.constant 144 : index
        %swap3A_329 = tpu.vector_load %arg6[%swap3A_327, %swap3A_328] {strides = array<i32>} : memref<32x256xf32, #tpu.memory_space<vmem>>, vector<16xf32>,
        tpu.vector_store %arg6[%swap3A_327, %swap3A_328], %gather3A_326 {strides = array<i32>} : memref<32x256xf32, #tpu.memory_space<vmem>>, vector<16xf32>,
        %gather3A_330 = tpu.vector_load_idx %arg4[%broadcast_in_dim3A_289, %add3A_38] : memref<32x1024xf32, #tpu.memory_space<vmem>>[vector<16xi32>, vector<16xi32>], vector<16xf32>,
        %swap3A_331 = arith.index_cast %add3A_288 : i32 to index
        %swap3A_332 = arith.constant 160 : index
        %swap3A_333 = tpu.vector_load %arg6[%swap3A_331, %swap3A_332] {strides = array<i32>} : memref<32x256xf32, #tpu.memory_space<vmem>>, vector<16xf32>,
        tpu.vector_store %arg6[%swap3A_331, %swap3A_332], %gather3A_330 {strides = array<i32>} : memref<32x256xf32, #tpu.memory_space<vmem>>, vector<16xf32>,
        %gather3A_334 = tpu.vector_load_idx %arg4[%broadcast_in_dim3A_289, %add3A_41] : memref<32x1024xf32, #tpu.memory_space<vmem>>[vector<16xi32>, vector<16xi32>], vector<16xf32>,
        %swap3A_335 = arith.index_cast %add3A_288 : i32 to index
        %swap3A_336 = arith.constant 176 : index
        %swap3A_337 = tpu.vector_load %arg6[%swap3A_335, %swap3A_336] {strides = array<i32>} : memref<32x256xf32, #tpu.memory_space<vmem>>, vector<16xf32>,
        tpu.vector_store %arg6[%swap3A_335, %swap3A_336], %gather3A_334 {strides = array<i32>} : memref<32x256xf32, #tpu.memory_space<vmem>>, vector<16xf32>,
        %gather3A_338 = tpu.vector_load_idx %arg4[%broadcast_in_dim3A_289, %add3A_44] : memref<32x1024xf32, #tpu.memory_space<vmem>>[vector<16xi32>, vector<16xi32>], vector<16xf32>,
        %swap3A_339 = arith.index_cast %add3A_288 : i32 to index
        %swap3A_340 = arith.constant 192 : index
        %swap3A_341 = tpu.vector_load %arg6[%swap3A_339, %swap3A_340] {strides = array<i32>} : memref<32x256xf32, #tpu.memory_space<vmem>>, vector<16xf32>,
        tpu.vector_store %arg6[%swap3A_339, %swap3A_340], %gather3A_338 {strides = array<i32>} : memref<32x256xf32, #tpu.memory_space<vmem>>, vector<16xf32>,
        %gather3A_342 = tpu.vector_load_idx %arg4[%broadcast_in_dim3A_289, %add3A_47] : memref<32x1024xf32, #tpu.memory_space<vmem>>[vector<16xi32>, vector<16xi32>], vector<16xf32>,
        %swap3A_343 = arith.index_cast %add3A_288 : i32 to index
        %swap3A_344 = arith.constant 208 : index
        %swap3A_345 = tpu.vector_load %arg6[%swap3A_343, %swap3A_344] {strides = array<i32>} : memref<32x256xf32, #tpu.memory_space<vmem>>, vector<16xf32>,
        tpu.vector_store %arg6[%swap3A_343, %swap3A_344], %gather3A_342 {strides = array<i32>} : memref<32x256xf32, #tpu.memory_space<vmem>>, vector<16xf32>,
        %gather3A_346 = tpu.vector_load_idx %arg4[%broadcast_in_dim3A_289, %add3A_50] : memref<32x1024xf32, #tpu.memory_space<vmem>>[vector<16xi32>, vector<16xi32>], vector<16xf32>,
        %swap3A_347 = arith.index_cast %add3A_288 : i32 to index
        %swap3A_348 = arith.constant 224 : index
        %swap3A_349 = tpu.vector_load %arg6[%swap3A_347, %swap3A_348] {strides = array<i32>} : memref<32x256xf32, #tpu.memory_space<vmem>>, vector<16xf32>,
        tpu.vector_store %arg6[%swap3A_347, %swap3A_348], %gather3A_346 {strides = array<i32>} : memref<32x256xf32, #tpu.memory_space<vmem>>, vector<16xf32>,
        %gather3A_350 = tpu.vector_load_idx %arg4[%broadcast_in_dim3A_289, %add3A_53] : memref<32x1024xf32, #tpu.memory_space<vmem>>[vector<16xi32>, vector<16xi32>], vector<16xf32>,
        %swap3A_351 = arith.index_cast %add3A_288 : i32 to index
        %swap3A_352 = arith.constant 240 : index
        %swap3A_353 = tpu.vector_load %arg6[%swap3A_351, %swap3A_352] {strides = array<i32>} : memref<32x256xf32, #tpu.memory_space<vmem>>, vector<16xf32>,
        tpu.vector_store %arg6[%swap3A_351, %swap3A_352], %gather3A_350 {strides = array<i32>} : memref<32x256xf32, #tpu.memory_space<vmem>>, vector<16xf32>,
        %scan3A_354 = arith.constant 3 : i32
        %scan3A_355 = arith.addi %scan3A_145, %scan3A_354 : i32
        %mul3A_356 = arith.constant 1 : i32
        %mul3A_357 = arith.muli %scan3A_355, %mul3A_356 : i32
        %add3A_358 = arith.constant 0 : i32
        %add3A_359 = arith.addi %add3A_358, %mul3A_357 : i32
        %broadcast_in_dim3A_360 = vector.broadcast %add3A_359 : i32 to vector<16xi32>
        %gather3A_361 = tpu.vector_load_idx %arg4[%broadcast_in_dim3A_360, %add3A_8] : memref<32x1024xf32, #tpu.memory_space<vmem>>[vector<16xi32>, vector<16xi32>], vector<16xf32>,
        %swap3A_362 = arith.index_cast %add3A_359 : i32 to index
        %swap3A_363 = arith.constant 0 : index
        %swap3A_364 = tpu.vector_load %arg6[%swap3A_362, %swap3A_363] {strides = array<i32>} : memref<32x256xf32, #tpu.memory_space<vmem>>, vector<16xf32>,
        tpu.vector_store %arg6[%swap3A_362, %swap3A_363], %gather3A_361 {strides = array<i32>} : memref<32x256xf32, #tpu.memory_space<vmem>>, vector<16xf32>,
        %gather3A_365 = tpu.vector_load_idx %arg4[%broadcast_in_dim3A_360, %add3A_11] : memref<32x1024xf32, #tpu.memory_space<vmem>>[vector<16xi32>, vector<16xi32>], vector<16xf32>,
        %swap3A_366 = arith.index_cast %add3A_359 : i32 to index
        %swap3A_367 = arith.constant 16 : index
        %swap3A_368 = tpu.vector_load %arg6[%swap3A_366, %swap3A_367] {strides = array<i32>} : memref<32x256xf32, #tpu.memory_space<vmem>>, vector<16xf32>,
        tpu.vector_store %arg6[%swap3A_366, %swap3A_367], %gather3A_365 {strides = array<i32>} : memref<32x256xf32, #tpu.memory_space<vmem>>, vector<16xf32>,
        %gather3A_369 = tpu.vector_load_idx %arg4[%broadcast_in_dim3A_360, %add3A_14] : memref<32x1024xf32, #tpu.memory_space<vmem>>[vector<16xi32>, vector<16xi32>], vector<16xf32>,
        %swap3A_370 = arith.index_cast %add3A_359 : i32 to index
        %swap3A_371 = arith.constant 32 : index
        %swap3A_372 = tpu.vector_load %arg6[%swap3A_370, %swap3A_371] {strides = array<i32>} : memref<32x256xf32, #tpu.memory_space<vmem>>, vector<16xf32>,
        tpu.vector_store %arg6[%swap3A_370, %swap3A_371], %gather3A_369 {strides = array<i32>} : memref<32x256xf32, #tpu.memory_space<vmem>>, vector<16xf32>,
        %gather3A_373 = tpu.vector_load_idx %arg4[%broadcast_in_dim3A_360, %add3A_17] : memref<32x1024xf32, #tpu.memory_space<vmem>>[vector<16xi32>, vector<16xi32>], vector<16xf32>,
        %swap3A_374 = arith.index_cast %add3A_359 : i32 to index
        %swap3A_375 = arith.constant 48 : index
        %swap3A_376 = tpu.vector_load %arg6[%swap3A_374, %swap3A_375] {strides = array<i32>} : memref<32x256xf32, #tpu.memory_space<vmem>>, vector<16xf32>,
        tpu.vector_store %arg6[%swap3A_374, %swap3A_375], %gather3A_373 {strides = array<i32>} : memref<32x256xf32, #tpu.memory_space<vmem>>, vector<16xf32>,
        %gather3A_377 = tpu.vector_load_idx %arg4[%broadcast_in_dim3A_360, %add3A_20] : memref<32x1024xf32, #tpu.memory_space<vmem>>[vector<16xi32>, vector<16xi32>], vector<16xf32>,
        %swap3A_378 = arith.index_cast %add3A_359 : i32 to index
        %swap3A_379 = arith.constant 64 : index
        %swap3A_380 = tpu.vector_load %arg6[%swap3A_378, %swap3A_379] {strides = array<i32>} : memref<32x256xf32, #tpu.memory_space<vmem>>, vector<16xf32>,
        tpu.vector_store %arg6[%swap3A_378, %swap3A_379], %gather3A_377 {strides = array<i32>} : memref<32x256xf32, #tpu.memory_space<vmem>>, vector<16xf32>,
        %gather3A_381 = tpu.vector_load_idx %arg4[%broadcast_in_dim3A_360, %add3A_23] : memref<32x1024xf32, #tpu.memory_space<vmem>>[vector<16xi32>, vector<16xi32>], vector<16xf32>,
        %swap3A_382 = arith.index_cast %add3A_359 : i32 to index
        %swap3A_383 = arith.constant 80 : index
        %swap3A_384 = tpu.vector_load %arg6[%swap3A_382, %swap3A_383] {strides = array<i32>} : memref<32x256xf32, #tpu.memory_space<vmem>>, vector<16xf32>,
        tpu.vector_store %arg6[%swap3A_382, %swap3A_383], %gather3A_381 {strides = array<i32>} : memref<32x256xf32, #tpu.memory_space<vmem>>, vector<16xf32>,
        %gather3A_385 = tpu.vector_load_idx %arg4[%broadcast_in_dim3A_360, %add3A_26] : memref<32x1024xf32, #tpu.memory_space<vmem>>[vector<16xi32>, vector<16xi32>], vector<16xf32>,
        %swap3A_386 = arith.index_cast %add3A_359 : i32 to index
        %swap3A_387 = arith.constant 96 : index
        %swap3A_388 = tpu.vector_load %arg6[%swap3A_386, %swap3A_387] {strides = array<i32>} : memref<32x256xf32, #tpu.memory_space<vmem>>, vector<16xf32>,
        tpu.vector_store %arg6[%swap3A_386, %swap3A_387], %gather3A_385 {strides = array<i32>} : memref<32x256xf32, #tpu.memory_space<vmem>>, vector<16xf32>,
        %gather3A_389 = tpu.vector_load_idx %arg4[%broadcast_in_dim3A_360, %add3A_29] : memref<32x1024xf32, #tpu.memory_space<vmem>>[vector<16xi32>, vector<16xi32>], vector<16xf32>,
        %swap3A_390 = arith.index_cast %add3A_359 : i32 to index
        %swap3A_391 = arith.constant 112 : index
        %swap3A_392 = tpu.vector_load %arg6[%swap3A_390, %swap3A_391] {strides = array<i32>} : memref<32x256xf32, #tpu.memory_space<vmem>>, vector<16xf32>,
        tpu.vector_store %arg6[%swap3A_390, %swap3A_391], %gather3A_389 {strides = array<i32>} : memref<32x256xf32, #tpu.memory_space<vmem>>, vector<16xf32>,
        %gather3A_393 = tpu.vector_load_idx %arg4[%broadcast_in_dim3A_360, %add3A_32] : memref<32x1024xf32, #tpu.memory_space<vmem>>[vector<16xi32>, vector<16xi32>], vector<16xf32>,
        %swap3A_394 = arith.index_cast %add3A_359 : i32 to index
        %swap3A_395 = arith.constant 128 : index
        %swap3A_396 = tpu.vector_load %arg6[%swap3A_394, %swap3A_395] {strides = array<i32>} : memref<32x256xf32, #tpu.memory_space<vmem>>, vector<16xf32>,
        tpu.vector_store %arg6[%swap3A_394, %swap3A_395], %gather3A_393 {strides = array<i32>} : memref<32x256xf32, #tpu.memory_space<vmem>>, vector<16xf32>,
        %gather3A_397 = tpu.vector_load_idx %arg4[%broadcast_in_dim3A_360, %add3A_35] : memref<32x1024xf32, #tpu.memory_space<vmem>>[vector<16xi32>, vector<16xi32>], vector<16xf32>,
        %swap3A_398 = arith.index_cast %add3A_359 : i32 to index
        %swap3A_399 = arith.constant 144 : index
        %swap3A_400 = tpu.vector_load %arg6[%swap3A_398, %swap3A_399] {strides = array<i32>} : memref<32x256xf32, #tpu.memory_space<vmem>>, vector<16xf32>,
        tpu.vector_store %arg6[%swap3A_398, %swap3A_399], %gather3A_397 {strides = array<i32>} : memref<32x256xf32, #tpu.memory_space<vmem>>, vector<16xf32>,
        %gather3A_401 = tpu.vector_load_idx %arg4[%broadcast_in_dim3A_360, %add3A_38] : memref<32x1024xf32, #tpu.memory_space<vmem>>[vector<16xi32>, vector<16xi32>], vector<16xf32>,
        %swap3A_402 = arith.index_cast %add3A_359 : i32 to index
        %swap3A_403 = arith.constant 160 : index
        %swap3A_404 = tpu.vector_load %arg6[%swap3A_402, %swap3A_403] {strides = array<i32>} : memref<32x256xf32, #tpu.memory_space<vmem>>, vector<16xf32>,
        tpu.vector_store %arg6[%swap3A_402, %swap3A_403], %gather3A_401 {strides = array<i32>} : memref<32x256xf32, #tpu.memory_space<vmem>>, vector<16xf32>,
        %gather3A_405 = tpu.vector_load_idx %arg4[%broadcast_in_dim3A_360, %add3A_41] : memref<32x1024xf32, #tpu.memory_space<vmem>>[vector<16xi32>, vector<16xi32>], vector<16xf32>,
        %swap3A_406 = arith.index_cast %add3A_359 : i32 to index
        %swap3A_407 = arith.constant 176 : index
        %swap3A_408 = tpu.vector_load %arg6[%swap3A_406, %swap3A_407] {strides = array<i32>} : memref<32x256xf32, #tpu.memory_space<vmem>>, vector<16xf32>,
        tpu.vector_store %arg6[%swap3A_406, %swap3A_407], %gather3A_405 {strides = array<i32>} : memref<32x256xf32, #tpu.memory_space<vmem>>, vector<16xf32>,
        %gather3A_409 = tpu.vector_load_idx %arg4[%broadcast_in_dim3A_360, %add3A_44] : memref<32x1024xf32, #tpu.memory_space<vmem>>[vector<16xi32>, vector<16xi32>], vector<16xf32>,
        %swap3A_410 = arith.index_cast %add3A_359 : i32 to index
        %swap3A_411 = arith.constant 192 : index
        %swap3A_412 = tpu.vector_load %arg6[%swap3A_410, %swap3A_411] {strides = array<i32>} : memref<32x256xf32, #tpu.memory_space<vmem>>, vector<16xf32>,
        tpu.vector_store %arg6[%swap3A_410, %swap3A_411], %gather3A_409 {strides = array<i32>} : memref<32x256xf32, #tpu.memory_space<vmem>>, vector<16xf32>,
        %gather3A_413 = tpu.vector_load_idx %arg4[%broadcast_in_dim3A_360, %add3A_47] : memref<32x1024xf32, #tpu.memory_space<vmem>>[vector<16xi32>, vector<16xi32>], vector<16xf32>,
        %swap3A_414 = arith.index_cast %add3A_359 : i32 to index
        %swap3A_415 = arith.constant 208 : index
        %swap3A_416 = tpu.vector_load %arg6[%swap3A_414, %swap3A_415] {strides = array<i32>} : memref<32x256xf32, #tpu.memory_space<vmem>>, vector<16xf32>,
        tpu.vector_store %arg6[%swap3A_414, %swap3A_415], %gather3A_413 {strides = array<i32>} : memref<32x256xf32, #tpu.memory_space<vmem>>, vector<16xf32>,
        %gather3A_417 = tpu.vector_load_idx %arg4[%broadcast_in_dim3A_360, %add3A_50] : memref<32x1024xf32, #tpu.memory_space<vmem>>[vector<16xi32>, vector<16xi32>], vector<16xf32>,
        %swap3A_418 = arith.index_cast %add3A_359 : i32 to index
        %swap3A_419 = arith.constant 224 : index
        %swap3A_420 = tpu.vector_load %arg6[%swap3A_418, %swap3A_419] {strides = array<i32>} : memref<32x256xf32, #tpu.memory_space<vmem>>, vector<16xf32>,
        tpu.vector_store %arg6[%swap3A_418, %swap3A_419], %gather3A_417 {strides = array<i32>} : memref<32x256xf32, #tpu.memory_space<vmem>>, vector<16xf32>,
        %gather3A_421 = tpu.vector_load_idx %arg4[%broadcast_in_dim3A_360, %add3A_53] : memref<32x1024xf32, #tpu.memory_space<vmem>>[vector<16xi32>, vector<16xi32>], vector<16xf32>,
        %swap3A_422 = arith.index_cast %add3A_359 : i32 to index
        %swap3A_423 = arith.constant 240 : index
        %swap3A_424 = tpu.vector_load %arg6[%swap3A_422, %swap3A_423] {strides = array<i32>} : memref<32x256xf32, #tpu.memory_space<vmem>>, vector<16xf32>,
        tpu.vector_store %arg6[%swap3A_422, %swap3A_423], %gather3A_421 {strides = array<i32>} : memref<32x256xf32, #tpu.memory_space<vmem>>, vector<16xf32>,
        %scan3A_425 = arith.constant 4 : i32
        %scan3A_426 = arith.addi %scan3A_145, %scan3A_425 : i32
        %mul3A_427 = arith.constant 1 : i32
        %mul3A_428 = arith.muli %scan3A_426, %mul3A_427 : i32
        %add3A_429 = arith.constant 0 : i32
        %add3A_430 = arith.addi %add3A_429, %mul3A_428 : i32
        %broadcast_in_dim3A_431 = vector.broadcast %add3A_430 : i32 to vector<16xi32>
        %gather3A_432 = tpu.vector_load_idx %arg4[%broadcast_in_dim3A_431, %add3A_8] : memref<32x1024xf32, #tpu.memory_space<vmem>>[vector<16xi32>, vector<16xi32>], vector<16xf32>,
        %swap3A_433 = arith.index_cast %add3A_430 : i32 to index
        %swap3A_434 = arith.constant 0 : index
        %swap3A_435 = tpu.vector_load %arg6[%swap3A_433, %swap3A_434] {strides = array<i32>} : memref<32x256xf32, #tpu.memory_space<vmem>>, vector<16xf32>,
        tpu.vector_store %arg6[%swap3A_433, %swap3A_434], %gather3A_432 {strides = array<i32>} : memref<32x256xf32, #tpu.memory_space<vmem>>, vector<16xf32>,
        %gather3A_436 = tpu.vector_load_idx %arg4[%broadcast_in_dim3A_431, %add3A_11] : memref<32x1024xf32, #tpu.memory_space<vmem>>[vector<16xi32>, vector<16xi32>], vector<16xf32>,
        %swap3A_437 = arith.index_cast %add3A_430 : i32 to index
        %swap3A_438 = arith.constant 16 : index
        %swap3A_439 = tpu.vector_load %arg6[%swap3A_437, %swap3A_438] {strides = array<i32>} : memref<32x256xf32, #tpu.memory_space<vmem>>, vector<16xf32>,
        tpu.vector_store %arg6[%swap3A_437, %swap3A_438], %gather3A_436 {strides = array<i32>} : memref<32x256xf32, #tpu.memory_space<vmem>>, vector<16xf32>,
        %gather3A_440 = tpu.vector_load_idx %arg4[%broadcast_in_dim3A_431, %add3A_14] : memref<32x1024xf32, #tpu.memory_space<vmem>>[vector<16xi32>, vector<16xi32>], vector<16xf32>,
        %swap3A_441 = arith.index_cast %add3A_430 : i32 to index
        %swap3A_442 = arith.constant 32 : index
        %swap3A_443 = tpu.vector_load %arg6[%swap3A_441, %swap3A_442] {strides = array<i32>} : memref<32x256xf32, #tpu.memory_space<vmem>>, vector<16xf32>,
        tpu.vector_store %arg6[%swap3A_441, %swap3A_442], %gather3A_440 {strides = array<i32>} : memref<32x256xf32, #tpu.memory_space<vmem>>, vector<16xf32>,
        %gather3A_444 = tpu.vector_load_idx %arg4[%broadcast_in_dim3A_431, %add3A_17] : memref<32x1024xf32, #tpu.memory_space<vmem>>[vector<16xi32>, vector<16xi32>], vector<16xf32>,
        %swap3A_445 = arith.index_cast %add3A_430 : i32 to index
        %swap3A_446 = arith.constant 48 : index
        %swap3A_447 = tpu.vector_load %arg6[%swap3A_445, %swap3A_446] {strides = array<i32>} : memref<32x256xf32, #tpu.memory_space<vmem>>, vector<16xf32>,
        tpu.vector_store %arg6[%swap3A_445, %swap3A_446], %gather3A_444 {strides = array<i32>} : memref<32x256xf32, #tpu.memory_space<vmem>>, vector<16xf32>,
        %gather3A_448 = tpu.vector_load_idx %arg4[%broadcast_in_dim3A_431, %add3A_20] : memref<32x1024xf32, #tpu.memory_space<vmem>>[vector<16xi32>, vector<16xi32>], vector<16xf32>,
        %swap3A_449 = arith.index_cast %add3A_430 : i32 to index
        %swap3A_450 = arith.constant 64 : index
        %swap3A_451 = tpu.vector_load %arg6[%swap3A_449, %swap3A_450] {strides = array<i32>} : memref<32x256xf32, #tpu.memory_space<vmem>>, vector<16xf32>,
        tpu.vector_store %arg6[%swap3A_449, %swap3A_450], %gather3A_448 {strides = array<i32>} : memref<32x256xf32, #tpu.memory_space<vmem>>, vector<16xf32>,
        %gather3A_452 = tpu.vector_load_idx %arg4[%broadcast_in_dim3A_431, %add3A_23] : memref<32x1024xf32, #tpu.memory_space<vmem>>[vector<16xi32>, vector<16xi32>], vector<16xf32>,
        %swap3A_453 = arith.index_cast %add3A_430 : i32 to index
        %swap3A_454 = arith.constant 80 : index
        %swap3A_455 = tpu.vector_load %arg6[%swap3A_453, %swap3A_454] {strides = array<i32>} : memref<32x256xf32, #tpu.memory_space<vmem>>, vector<16xf32>,
        tpu.vector_store %arg6[%swap3A_453, %swap3A_454], %gather3A_452 {strides = array<i32>} : memref<32x256xf32, #tpu.memory_space<vmem>>, vector<16xf32>,
        %gather3A_456 = tpu.vector_load_idx %arg4[%broadcast_in_dim3A_431, %add3A_26] : memref<32x1024xf32, #tpu.memory_space<vmem>>[vector<16xi32>, vector<16xi32>], vector<16xf32>,
        %swap3A_457 = arith.index_cast %add3A_430 : i32 to index
        %swap3A_458 = arith.constant 96 : index
        %swap3A_459 = tpu.vector_load %arg6[%swap3A_457, %swap3A_458] {strides = array<i32>} : memref<32x256xf32, #tpu.memory_space<vmem>>, vector<16xf32>,
        tpu.vector_store %arg6[%swap3A_457, %swap3A_458], %gather3A_456 {strides = array<i32>} : memref<32x256xf32, #tpu.memory_space<vmem>>, vector<16xf32>,
        %gather3A_460 = tpu.vector_load_idx %arg4[%broadcast_in_dim3A_431, %add3A_29] : memref<32x1024xf32, #tpu.memory_space<vmem>>[vector<16xi32>, vector<16xi32>], vector<16xf32>,
        %swap3A_461 = arith.index_cast %add3A_430 : i32 to index
        %swap3A_462 = arith.constant 112 : index
        %swap3A_463 = tpu.vector_load %arg6[%swap3A_461, %swap3A_462] {strides = array<i32>} : memref<32x256xf32, #tpu.memory_space<vmem>>, vector<16xf32>,
        tpu.vector_store %arg6[%swap3A_461, %swap3A_462], %gather3A_460 {strides = array<i32>} : memref<32x256xf32, #tpu.memory_space<vmem>>, vector<16xf32>,
        %gather3A_464 = tpu.vector_load_idx %arg4[%broadcast_in_dim3A_431, %add3A_32] : memref<32x1024xf32, #tpu.memory_space<vmem>>[vector<16xi32>, vector<16xi32>], vector<16xf32>,
        %swap3A_465 = arith.index_cast %add3A_430 : i32 to index
        %swap3A_466 = arith.constant 128 : index
        %swap3A_467 = tpu.vector_load %arg6[%swap3A_465, %swap3A_466] {strides = array<i32>} : memref<32x256xf32, #tpu.memory_space<vmem>>, vector<16xf32>,
        tpu.vector_store %arg6[%swap3A_465, %swap3A_466], %gather3A_464 {strides = array<i32>} : memref<32x256xf32, #tpu.memory_space<vmem>>, vector<16xf32>,
        %gather3A_468 = tpu.vector_load_idx %arg4[%broadcast_in_dim3A_431, %add3A_35] : memref<32x1024xf32, #tpu.memory_space<vmem>>[vector<16xi32>, vector<16xi32>], vector<16xf32>,
        %swap3A_469 = arith.index_cast %add3A_430 : i32 to index
        %swap3A_470 = arith.constant 144 : index
        %swap3A_471 = tpu.vector_load %arg6[%swap3A_469, %swap3A_470] {strides = array<i32>} : memref<32x256xf32, #tpu.memory_space<vmem>>, vector<16xf32>,
        tpu.vector_store %arg6[%swap3A_469, %swap3A_470], %gather3A_468 {strides = array<i32>} : memref<32x256xf32, #tpu.memory_space<vmem>>, vector<16xf32>,
        %gather3A_472 = tpu.vector_load_idx %arg4[%broadcast_in_dim3A_431, %add3A_38] : memref<32x1024xf32, #tpu.memory_space<vmem>>[vector<16xi32>, vector<16xi32>], vector<16xf32>,
        %swap3A_473 = arith.index_cast %add3A_430 : i32 to index
        %swap3A_474 = arith.constant 160 : index
        %swap3A_475 = tpu.vector_load %arg6[%swap3A_473, %swap3A_474] {strides = array<i32>} : memref<32x256xf32, #tpu.memory_space<vmem>>, vector<16xf32>,
        tpu.vector_store %arg6[%swap3A_473, %swap3A_474], %gather3A_472 {strides = array<i32>} : memref<32x256xf32, #tpu.memory_space<vmem>>, vector<16xf32>,
        %gather3A_476 = tpu.vector_load_idx %arg4[%broadcast_in_dim3A_431, %add3A_41] : memref<32x1024xf32, #tpu.memory_space<vmem>>[vector<16xi32>, vector<16xi32>], vector<16xf32>,
        %swap3A_477 = arith.index_cast %add3A_430 : i32 to index
        %swap3A_478 = arith.constant 176 : index
        %swap3A_479 = tpu.vector_load %arg6[%swap3A_477, %swap3A_478] {strides = array<i32>} : memref<32x256xf32, #tpu.memory_space<vmem>>, vector<16xf32>,
        tpu.vector_store %arg6[%swap3A_477, %swap3A_478], %gather3A_476 {strides = array<i32>} : memref<32x256xf32, #tpu.memory_space<vmem>>, vector<16xf32>,
        %gather3A_480 = tpu.vector_load_idx %arg4[%broadcast_in_dim3A_431, %add3A_44] : memref<32x1024xf32, #tpu.memory_space<vmem>>[vector<16xi32>, vector<16xi32>], vector<16xf32>,
        %swap3A_481 = arith.index_cast %add3A_430 : i32 to index
        %swap3A_482 = arith.constant 192 : index
        %swap3A_483 = tpu.vector_load %arg6[%swap3A_481, %swap3A_482] {strides = array<i32>} : memref<32x256xf32, #tpu.memory_space<vmem>>, vector<16xf32>,
        tpu.vector_store %arg6[%swap3A_481, %swap3A_482], %gather3A_480 {strides = array<i32>} : memref<32x256xf32, #tpu.memory_space<vmem>>, vector<16xf32>,
        %gather3A_484 = tpu.vector_load_idx %arg4[%broadcast_in_dim3A_431, %add3A_47] : memref<32x1024xf32, #tpu.memory_space<vmem>>[vector<16xi32>, vector<16xi32>], vector<16xf32>,
        %swap3A_485 = arith.index_cast %add3A_430 : i32 to index
        %swap3A_486 = arith.constant 208 : index
        %swap3A_487 = tpu.vector_load %arg6[%swap3A_485, %swap3A_486] {strides = array<i32>} : memref<32x256xf32, #tpu.memory_space<vmem>>, vector<16xf32>,
        tpu.vector_store %arg6[%swap3A_485, %swap3A_486], %gather3A_484 {strides = array<i32>} : memref<32x256xf32, #tpu.memory_space<vmem>>, vector<16xf32>,
        %gather3A_488 = tpu.vector_load_idx %arg4[%broadcast_in_dim3A_431, %add3A_50] : memref<32x1024xf32, #tpu.memory_space<vmem>>[vector<16xi32>, vector<16xi32>], vector<16xf32>,
        %swap3A_489 = arith.index_cast %add3A_430 : i32 to index
        %swap3A_490 = arith.constant 224 : index
        %swap3A_491 = tpu.vector_load %arg6[%swap3A_489, %swap3A_490] {strides = array<i32>} : memref<32x256xf32, #tpu.memory_space<vmem>>, vector<16xf32>,
        tpu.vector_store %arg6[%swap3A_489, %swap3A_490], %gather3A_488 {strides = array<i32>} : memref<32x256xf32, #tpu.memory_space<vmem>>, vector<16xf32>,
        %gather3A_492 = tpu.vector_load_idx %arg4[%broadcast_in_dim3A_431, %add3A_53] : memref<32x1024xf32, #tpu.memory_space<vmem>>[vector<16xi32>, vector<16xi32>], vector<16xf32>,
        %swap3A_493 = arith.index_cast %add3A_430 : i32 to index
        %swap3A_494 = arith.constant 240 : index
        %swap3A_495 = tpu.vector_load %arg6[%swap3A_493, %swap3A_494] {strides = array<i32>} : memref<32x256xf32, #tpu.memory_space<vmem>>, vector<16xf32>,
        tpu.vector_store %arg6[%swap3A_493, %swap3A_494], %gather3A_492 {strides = array<i32>} : memref<32x256xf32, #tpu.memory_space<vmem>>, vector<16xf32>,
        %scan3A_496 = arith.constant 5 : i32
        %scan3A_497 = arith.addi %scan3A_145, %scan3A_496 : i32
        %mul3A_498 = arith.constant 1 : i32
        %mul3A_499 = arith.muli %scan3A_497, %mul3A_498 : i32
        %add3A_500 = arith.constant 0 : i32
        %add3A_501 = arith.addi %add3A_500, %mul3A_499 : i32
        %broadcast_in_dim3A_502 = vector.broadcast %add3A_501 : i32 to vector<16xi32>
        %gather3A_503 = tpu.vector_load_idx %arg4[%broadcast_in_dim3A_502, %add3A_8] : memref<32x1024xf32, #tpu.memory_space<vmem>>[vector<16xi32>, vector<16xi32>], vector<16xf32>,
        %swap3A_504 = arith.index_cast %add3A_501 : i32 to index
        %swap3A_505 = arith.constant 0 : index
        %swap3A_506 = tpu.vector_load %arg6[%swap3A_504, %swap3A_505] {strides = array<i32>} : memref<32x256xf32, #tpu.memory_space<vmem>>, vector<16xf32>,
        tpu.vector_store %arg6[%swap3A_504, %swap3A_505], %gather3A_503 {strides = array<i32>} : memref<32x256xf32, #tpu.memory_space<vmem>>, vector<16xf32>,
        %gather3A_507 = tpu.vector_load_idx %arg4[%broadcast_in_dim3A_502, %add3A_11] : memref<32x1024xf32, #tpu.memory_space<vmem>>[vector<16xi32>, vector<16xi32>], vector<16xf32>,
        %swap3A_508 = arith.index_cast %add3A_501 : i32 to index
        %swap3A_509 = arith.constant 16 : index
        %swap3A_510 = tpu.vector_load %arg6[%swap3A_508, %swap3A_509] {strides = array<i32>} : memref<32x256xf32, #tpu.memory_space<vmem>>, vector<16xf32>,
        tpu.vector_store %arg6[%swap3A_508, %swap3A_509], %gather3A_507 {strides = array<i32>} : memref<32x256xf32, #tpu.memory_space<vmem>>, vector<16xf32>,
        %gather3A_511 = tpu.vector_load_idx %arg4[%broadcast_in_dim3A_502, %add3A_14] : memref<32x1024xf32, #tpu.memory_space<vmem>>[vector<16xi32>, vector<16xi32>], vector<16xf32>,
        %swap3A_512 = arith.index_cast %add3A_501 : i32 to index
        %swap3A_513 = arith.constant 32 : index
        %swap3A_514 = tpu.vector_load %arg6[%swap3A_512, %swap3A_513] {strides = array<i32>} : memref<32x256xf32, #tpu.memory_space<vmem>>, vector<16xf32>,
        tpu.vector_store %arg6[%swap3A_512, %swap3A_513], %gather3A_511 {strides = array<i32>} : memref<32x256xf32, #tpu.memory_space<vmem>>, vector<16xf32>,
        %gather3A_515 = tpu.vector_load_idx %arg4[%broadcast_in_dim3A_502, %add3A_17] : memref<32x1024xf32, #tpu.memory_space<vmem>>[vector<16xi32>, vector<16xi32>], vector<16xf32>,
        %swap3A_516 = arith.index_cast %add3A_501 : i32 to index
        %swap3A_517 = arith.constant 48 : index
        %swap3A_518 = tpu.vector_load %arg6[%swap3A_516, %swap3A_517] {strides = array<i32>} : memref<32x256xf32, #tpu.memory_space<vmem>>, vector<16xf32>,
        tpu.vector_store %arg6[%swap3A_516, %swap3A_517], %gather3A_515 {strides = array<i32>} : memref<32x256xf32, #tpu.memory_space<vmem>>, vector<16xf32>,
        %gather3A_519 = tpu.vector_load_idx %arg4[%broadcast_in_dim3A_502, %add3A_20] : memref<32x1024xf32, #tpu.memory_space<vmem>>[vector<16xi32>, vector<16xi32>], vector<16xf32>,
        %swap3A_520 = arith.index_cast %add3A_501 : i32 to index
        %swap3A_521 = arith.constant 64 : index
        %swap3A_522 = tpu.vector_load %arg6[%swap3A_520, %swap3A_521] {strides = array<i32>} : memref<32x256xf32, #tpu.memory_space<vmem>>, vector<16xf32>,
        tpu.vector_store %arg6[%swap3A_520, %swap3A_521], %gather3A_519 {strides = array<i32>} : memref<32x256xf32, #tpu.memory_space<vmem>>, vector<16xf32>,
        %gather3A_523 = tpu.vector_load_idx %arg4[%broadcast_in_dim3A_502, %add3A_23] : memref<32x1024xf32, #tpu.memory_space<vmem>>[vector<16xi32>, vector<16xi32>], vector<16xf32>,
        %swap3A_524 = arith.index_cast %add3A_501 : i32 to index
        %swap3A_525 = arith.constant 80 : index
        %swap3A_526 = tpu.vector_load %arg6[%swap3A_524, %swap3A_525] {strides = array<i32>} : memref<32x256xf32, #tpu.memory_space<vmem>>, vector<16xf32>,
        tpu.vector_store %arg6[%swap3A_524, %swap3A_525], %gather3A_523 {strides = array<i32>} : memref<32x256xf32, #tpu.memory_space<vmem>>, vector<16xf32>,
        %gather3A_527 = tpu.vector_load_idx %arg4[%broadcast_in_dim3A_502, %add3A_26] : memref<32x1024xf32, #tpu.memory_space<vmem>>[vector<16xi32>, vector<16xi32>], vector<16xf32>,
        %swap3A_528 = arith.index_cast %add3A_501 : i32 to index
        %swap3A_529 = arith.constant 96 : index
        %swap3A_530 = tpu.vector_load %arg6[%swap3A_528, %swap3A_529] {strides = array<i32>} : memref<32x256xf32, #tpu.memory_space<vmem>>, vector<16xf32>,
        tpu.vector_store %arg6[%swap3A_528, %swap3A_529], %gather3A_527 {strides = array<i32>} : memref<32x256xf32, #tpu.memory_space<vmem>>, vector<16xf32>,
        %gather3A_531 = tpu.vector_load_idx %arg4[%broadcast_in_dim3A_502, %add3A_29] : memref<32x1024xf32, #tpu.memory_space<vmem>>[vector<16xi32>, vector<16xi32>], vector<16xf32>,
        %swap3A_532 = arith.index_cast %add3A_501 : i32 to index
        %swap3A_533 = arith.constant 112 : index
        %swap3A_534 = tpu.vector_load %arg6[%swap3A_532, %swap3A_533] {strides = array<i32>} : memref<32x256xf32, #tpu.memory_space<vmem>>, vector<16xf32>,
        tpu.vector_store %arg6[%swap3A_532, %swap3A_533], %gather3A_531 {strides = array<i32>} : memref<32x256xf32, #tpu.memory_space<vmem>>, vector<16xf32>,
        %gather3A_535 = tpu.vector_load_idx %arg4[%broadcast_in_dim3A_502, %add3A_32] : memref<32x1024xf32, #tpu.memory_space<vmem>>[vector<16xi32>, vector<16xi32>], vector<16xf32>,
        %swap3A_536 = arith.index_cast %add3A_501 : i32 to index
        %swap3A_537 = arith.constant 128 : index
        %swap3A_538 = tpu.vector_load %arg6[%swap3A_536, %swap3A_537] {strides = array<i32>} : memref<32x256xf32, #tpu.memory_space<vmem>>, vector<16xf32>,
        tpu.vector_store %arg6[%swap3A_536, %swap3A_537], %gather3A_535 {strides = array<i32>} : memref<32x256xf32, #tpu.memory_space<vmem>>, vector<16xf32>,
        %gather3A_539 = tpu.vector_load_idx %arg4[%broadcast_in_dim3A_502, %add3A_35] : memref<32x1024xf32, #tpu.memory_space<vmem>>[vector<16xi32>, vector<16xi32>], vector<16xf32>,
        %swap3A_540 = arith.index_cast %add3A_501 : i32 to index
        %swap3A_541 = arith.constant 144 : index
        %swap3A_542 = tpu.vector_load %arg6[%swap3A_540, %swap3A_541] {strides = array<i32>} : memref<32x256xf32, #tpu.memory_space<vmem>>, vector<16xf32>,
        tpu.vector_store %arg6[%swap3A_540, %swap3A_541], %gather3A_539 {strides = array<i32>} : memref<32x256xf32, #tpu.memory_space<vmem>>, vector<16xf32>,
        %gather3A_543 = tpu.vector_load_idx %arg4[%broadcast_in_dim3A_502, %add3A_38] : memref<32x1024xf32, #tpu.memory_space<vmem>>[vector<16xi32>, vector<16xi32>], vector<16xf32>,
        %swap3A_544 = arith.index_cast %add3A_501 : i32 to index
        %swap3A_545 = arith.constant 160 : index
        %swap3A_546 = tpu.vector_load %arg6[%swap3A_544, %swap3A_545] {strides = array<i32>} : memref<32x256xf32, #tpu.memory_space<vmem>>, vector<16xf32>,
        tpu.vector_store %arg6[%swap3A_544, %swap3A_545], %gather3A_543 {strides = array<i32>} : memref<32x256xf32, #tpu.memory_space<vmem>>, vector<16xf32>,
        %gather3A_547 = tpu.vector_load_idx %arg4[%broadcast_in_dim3A_502, %add3A_41] : memref<32x1024xf32, #tpu.memory_space<vmem>>[vector<16xi32>, vector<16xi32>], vector<16xf32>,
        %swap3A_548 = arith.index_cast %add3A_501 : i32 to index
        %swap3A_549 = arith.constant 176 : index
        %swap3A_550 = tpu.vector_load %arg6[%swap3A_548, %swap3A_549] {strides = array<i32>} : memref<32x256xf32, #tpu.memory_space<vmem>>, vector<16xf32>,
        tpu.vector_store %arg6[%swap3A_548, %swap3A_549], %gather3A_547 {strides = array<i32>} : memref<32x256xf32, #tpu.memory_space<vmem>>, vector<16xf32>,
        %gather3A_551 = tpu.vector_load_idx %arg4[%broadcast_in_dim3A_502, %add3A_44] : memref<32x1024xf32, #tpu.memory_space<vmem>>[vector<16xi32>, vector<16xi32>], vector<16xf32>,
        %swap3A_552 = arith.index_cast %add3A_501 : i32 to index
        %swap3A_553 = arith.constant 192 : index
        %swap3A_554 = tpu.vector_load %arg6[%swap3A_552, %swap3A_553] {strides = array<i32>} : memref<32x256xf32, #tpu.memory_space<vmem>>, vector<16xf32>,
        tpu.vector_store %arg6[%swap3A_552, %swap3A_553], %gather3A_551 {strides = array<i32>} : memref<32x256xf32, #tpu.memory_space<vmem>>, vector<16xf32>,
        %gather3A_555 = tpu.vector_load_idx %arg4[%broadcast_in_dim3A_502, %add3A_47] : memref<32x1024xf32, #tpu.memory_space<vmem>>[vector<16xi32>, vector<16xi32>], vector<16xf32>,
        %swap3A_556 = arith.index_cast %add3A_501 : i32 to index
        %swap3A_557 = arith.constant 208 : index
        %swap3A_558 = tpu.vector_load %arg6[%swap3A_556, %swap3A_557] {strides = array<i32>} : memref<32x256xf32, #tpu.memory_space<vmem>>, vector<16xf32>,
        tpu.vector_store %arg6[%swap3A_556, %swap3A_557], %gather3A_555 {strides = array<i32>} : memref<32x256xf32, #tpu.memory_space<vmem>>, vector<16xf32>,
        %gather3A_559 = tpu.vector_load_idx %arg4[%broadcast_in_dim3A_502, %add3A_50] : memref<32x1024xf32, #tpu.memory_space<vmem>>[vector<16xi32>, vector<16xi32>], vector<16xf32>,
        %swap3A_560 = arith.index_cast %add3A_501 : i32 to index
        %swap3A_561 = arith.constant 224 : index
        %swap3A_562 = tpu.vector_load %arg6[%swap3A_560, %swap3A_561] {strides = array<i32>} : memref<32x256xf32, #tpu.memory_space<vmem>>, vector<16xf32>,
        tpu.vector_store %arg6[%swap3A_560, %swap3A_561], %gather3A_559 {strides = array<i32>} : memref<32x256xf32, #tpu.memory_space<vmem>>, vector<16xf32>,
        %gather3A_563 = tpu.vector_load_idx %arg4[%broadcast_in_dim3A_502, %add3A_53] : memref<32x1024xf32, #tpu.memory_space<vmem>>[vector<16xi32>, vector<16xi32>], vector<16xf32>,
        %swap3A_564 = arith.index_cast %add3A_501 : i32 to index
        %swap3A_565 = arith.constant 240 : index
        %swap3A_566 = tpu.vector_load %arg6[%swap3A_564, %swap3A_565] {strides = array<i32>} : memref<32x256xf32, #tpu.memory_space<vmem>>, vector<16xf32>,
        tpu.vector_store %arg6[%swap3A_564, %swap3A_565], %gather3A_563 {strides = array<i32>} : memref<32x256xf32, #tpu.memory_space<vmem>>, vector<16xf32>,
        %scan3A_567 = arith.constant 6 : i32
        %scan3A_568 = arith.addi %scan3A_145, %scan3A_567 : i32
        %mul3A_569 = arith.constant 1 : i32
        %mul3A_570 = arith.muli %scan3A_568, %mul3A_569 : i32
        %add3A_571 = arith.constant 0 : i32
        %add3A_572 = arith.addi %add3A_571, %mul3A_570 : i32
        %broadcast_in_dim3A_573 = vector.broadcast %add3A_572 : i32 to vector<16xi32>
        %gather3A_574 = tpu.vector_load_idx %arg4[%broadcast_in_dim3A_573, %add3A_8] : memref<32x1024xf32, #tpu.memory_space<vmem>>[vector<16xi32>, vector<16xi32>], vector<16xf32>,
        %swap3A_575 = arith.index_cast %add3A_572 : i32 to index
        %swap3A_576 = arith.constant 0 : index
        %swap3A_577 = tpu.vector_load %arg6[%swap3A_575, %swap3A_576] {strides = array<i32>} : memref<32x256xf32, #tpu.memory_space<vmem>>, vector<16xf32>,
        tpu.vector_store %arg6[%swap3A_575, %swap3A_576], %gather3A_574 {strides = array<i32>} : memref<32x256xf32, #tpu.memory_space<vmem>>, vector<16xf32>,
        %gather3A_578 = tpu.vector_load_idx %arg4[%broadcast_in_dim3A_573, %add3A_11] : memref<32x1024xf32, #tpu.memory_space<vmem>>[vector<16xi32>, vector<16xi32>], vector<16xf32>,
        %swap3A_579 = arith.index_cast %add3A_572 : i32 to index
        %swap3A_580 = arith.constant 16 : index
        %swap3A_581 = tpu.vector_load %arg6[%swap3A_579, %swap3A_580] {strides = array<i32>} : memref<32x256xf32, #tpu.memory_space<vmem>>, vector<16xf32>,
        tpu.vector_store %arg6[%swap3A_579, %swap3A_580], %gather3A_578 {strides = array<i32>} : memref<32x256xf32, #tpu.memory_space<vmem>>, vector<16xf32>,
        %gather3A_582 = tpu.vector_load_idx %arg4[%broadcast_in_dim3A_573, %add3A_14] : memref<32x1024xf32, #tpu.memory_space<vmem>>[vector<16xi32>, vector<16xi32>], vector<16xf32>,
        %swap3A_583 = arith.index_cast %add3A_572 : i32 to index
        %swap3A_584 = arith.constant 32 : index
        %swap3A_585 = tpu.vector_load %arg6[%swap3A_583, %swap3A_584] {strides = array<i32>} : memref<32x256xf32, #tpu.memory_space<vmem>>, vector<16xf32>,
        tpu.vector_store %arg6[%swap3A_583, %swap3A_584], %gather3A_582 {strides = array<i32>} : memref<32x256xf32, #tpu.memory_space<vmem>>, vector<16xf32>,
        %gather3A_586 = tpu.vector_load_idx %arg4[%broadcast_in_dim3A_573, %add3A_17] : memref<32x1024xf32, #tpu.memory_space<vmem>>[vector<16xi32>, vector<16xi32>], vector<16xf32>,
        %swap3A_587 = arith.index_cast %add3A_572 : i32 to index
        %swap3A_588 = arith.constant 48 : index
        %swap3A_589 = tpu.vector_load %arg6[%swap3A_587, %swap3A_588] {strides = array<i32>} : memref<32x256xf32, #tpu.memory_space<vmem>>, vector<16xf32>,
        tpu.vector_store %arg6[%swap3A_587, %swap3A_588], %gather3A_586 {strides = array<i32>} : memref<32x256xf32, #tpu.memory_space<vmem>>, vector<16xf32>,
        %gather3A_590 = tpu.vector_load_idx %arg4[%broadcast_in_dim3A_573, %add3A_20] : memref<32x1024xf32, #tpu.memory_space<vmem>>[vector<16xi32>, vector<16xi32>], vector<16xf32>,
        %swap3A_591 = arith.index_cast %add3A_572 : i32 to index
        %swap3A_592 = arith.constant 64 : index
        %swap3A_593 = tpu.vector_load %arg6[%swap3A_591, %swap3A_592] {strides = array<i32>} : memref<32x256xf32, #tpu.memory_space<vmem>>, vector<16xf32>,
        tpu.vector_store %arg6[%swap3A_591, %swap3A_592], %gather3A_590 {strides = array<i32>} : memref<32x256xf32, #tpu.memory_space<vmem>>, vector<16xf32>,
        %gather3A_594 = tpu.vector_load_idx %arg4[%broadcast_in_dim3A_573, %add3A_23] : memref<32x1024xf32, #tpu.memory_space<vmem>>[vector<16xi32>, vector<16xi32>], vector<16xf32>,
        %swap3A_595 = arith.index_cast %add3A_572 : i32 to index
        %swap3A_596 = arith.constant 80 : index
        %swap3A_597 = tpu.vector_load %arg6[%swap3A_595, %swap3A_596] {strides = array<i32>} : memref<32x256xf32, #tpu.memory_space<vmem>>, vector<16xf32>,
        tpu.vector_store %arg6[%swap3A_595, %swap3A_596], %gather3A_594 {strides = array<i32>} : memref<32x256xf32, #tpu.memory_space<vmem>>, vector<16xf32>,
        %gather3A_598 = tpu.vector_load_idx %arg4[%broadcast_in_dim3A_573, %add3A_26] : memref<32x1024xf32, #tpu.memory_space<vmem>>[vector<16xi32>, vector<16xi32>], vector<16xf32>,
        %swap3A_599 = arith.index_cast %add3A_572 : i32 to index
        %swap3A_600 = arith.constant 96 : index
        %swap3A_601 = tpu.vector_load %arg6[%swap3A_599, %swap3A_600] {strides = array<i32>} : memref<32x256xf32, #tpu.memory_space<vmem>>, vector<16xf32>,
        tpu.vector_store %arg6[%swap3A_599, %swap3A_600], %gather3A_598 {strides = array<i32>} : memref<32x256xf32, #tpu.memory_space<vmem>>, vector<16xf32>,
        %gather3A_602 = tpu.vector_load_idx %arg4[%broadcast_in_dim3A_573, %add3A_29] : memref<32x1024xf32, #tpu.memory_space<vmem>>[vector<16xi32>, vector<16xi32>], vector<16xf32>,
        %swap3A_603 = arith.index_cast %add3A_572 : i32 to index
        %swap3A_604 = arith.constant 112 : index
        %swap3A_605 = tpu.vector_load %arg6[%swap3A_603, %swap3A_604] {strides = array<i32>} : memref<32x256xf32, #tpu.memory_space<vmem>>, vector<16xf32>,
        tpu.vector_store %arg6[%swap3A_603, %swap3A_604], %gather3A_602 {strides = array<i32>} : memref<32x256xf32, #tpu.memory_space<vmem>>, vector<16xf32>,
        %gather3A_606 = tpu.vector_load_idx %arg4[%broadcast_in_dim3A_573, %add3A_32] : memref<32x1024xf32, #tpu.memory_space<vmem>>[vector<16xi32>, vector<16xi32>], vector<16xf32>,
        %swap3A_607 = arith.index_cast %add3A_572 : i32 to index
        %swap3A_608 = arith.constant 128 : index
        %swap3A_609 = tpu.vector_load %arg6[%swap3A_607, %swap3A_608] {strides = array<i32>} : memref<32x256xf32, #tpu.memory_space<vmem>>, vector<16xf32>,
        tpu.vector_store %arg6[%swap3A_607, %swap3A_608], %gather3A_606 {strides = array<i32>} : memref<32x256xf32, #tpu.memory_space<vmem>>, vector<16xf32>,
        %gather3A_610 = tpu.vector_load_idx %arg4[%broadcast_in_dim3A_573, %add3A_35] : memref<32x1024xf32, #tpu.memory_space<vmem>>[vector<16xi32>, vector<16xi32>], vector<16xf32>,
        %swap3A_611 = arith.index_cast %add3A_572 : i32 to index
        %swap3A_612 = arith.constant 144 : index
        %swap3A_613 = tpu.vector_load %arg6[%swap3A_611, %swap3A_612] {strides = array<i32>} : memref<32x256xf32, #tpu.memory_space<vmem>>, vector<16xf32>,
        tpu.vector_store %arg6[%swap3A_611, %swap3A_612], %gather3A_610 {strides = array<i32>} : memref<32x256xf32, #tpu.memory_space<vmem>>, vector<16xf32>,
        %gather3A_614 = tpu.vector_load_idx %arg4[%broadcast_in_dim3A_573, %add3A_38] : memref<32x1024xf32, #tpu.memory_space<vmem>>[vector<16xi32>, vector<16xi32>], vector<16xf32>,
        %swap3A_615 = arith.index_cast %add3A_572 : i32 to index
        %swap3A_616 = arith.constant 160 : index
        %swap3A_617 = tpu.vector_load %arg6[%swap3A_615, %swap3A_616] {strides = array<i32>} : memref<32x256xf32, #tpu.memory_space<vmem>>, vector<16xf32>,
        tpu.vector_store %arg6[%swap3A_615, %swap3A_616], %gather3A_614 {strides = array<i32>} : memref<32x256xf32, #tpu.memory_space<vmem>>, vector<16xf32>,
        %gather3A_618 = tpu.vector_load_idx %arg4[%broadcast_in_dim3A_573, %add3A_41] : memref<32x1024xf32, #tpu.memory_space<vmem>>[vector<16xi32>, vector<16xi32>], vector<16xf32>,
        %swap3A_619 = arith.index_cast %add3A_572 : i32 to index
        %swap3A_620 = arith.constant 176 : index
        %swap3A_621 = tpu.vector_load %arg6[%swap3A_619, %swap3A_620] {strides = array<i32>} : memref<32x256xf32, #tpu.memory_space<vmem>>, vector<16xf32>,
        tpu.vector_store %arg6[%swap3A_619, %swap3A_620], %gather3A_618 {strides = array<i32>} : memref<32x256xf32, #tpu.memory_space<vmem>>, vector<16xf32>,
        %gather3A_622 = tpu.vector_load_idx %arg4[%broadcast_in_dim3A_573, %add3A_44] : memref<32x1024xf32, #tpu.memory_space<vmem>>[vector<16xi32>, vector<16xi32>], vector<16xf32>,
        %swap3A_623 = arith.index_cast %add3A_572 : i32 to index
        %swap3A_624 = arith.constant 192 : index
        %swap3A_625 = tpu.vector_load %arg6[%swap3A_623, %swap3A_624] {strides = array<i32>} : memref<32x256xf32, #tpu.memory_space<vmem>>, vector<16xf32>,
        tpu.vector_store %arg6[%swap3A_623, %swap3A_624], %gather3A_622 {strides = array<i32>} : memref<32x256xf32, #tpu.memory_space<vmem>>, vector<16xf32>,
        %gather3A_626 = tpu.vector_load_idx %arg4[%broadcast_in_dim3A_573, %add3A_47] : memref<32x1024xf32, #tpu.memory_space<vmem>>[vector<16xi32>, vector<16xi32>], vector<16xf32>,
        %swap3A_627 = arith.index_cast %add3A_572 : i32 to index
        %swap3A_628 = arith.constant 208 : index
        %swap3A_629 = tpu.vector_load %arg6[%swap3A_627, %swap3A_628] {strides = array<i32>} : memref<32x256xf32, #tpu.memory_space<vmem>>, vector<16xf32>,
        tpu.vector_store %arg6[%swap3A_627, %swap3A_628], %gather3A_626 {strides = array<i32>} : memref<32x256xf32, #tpu.memory_space<vmem>>, vector<16xf32>,
        %gather3A_630 = tpu.vector_load_idx %arg4[%broadcast_in_dim3A_573, %add3A_50] : memref<32x1024xf32, #tpu.memory_space<vmem>>[vector<16xi32>, vector<16xi32>], vector<16xf32>,
        %swap3A_631 = arith.index_cast %add3A_572 : i32 to index
        %swap3A_632 = arith.constant 224 : index
        %swap3A_633 = tpu.vector_load %arg6[%swap3A_631, %swap3A_632] {strides = array<i32>} : memref<32x256xf32, #tpu.memory_space<vmem>>, vector<16xf32>,
        tpu.vector_store %arg6[%swap3A_631, %swap3A_632], %gather3A_630 {strides = array<i32>} : memref<32x256xf32, #tpu.memory_space<vmem>>, vector<16xf32>,
        %gather3A_634 = tpu.vector_load_idx %arg4[%broadcast_in_dim3A_573, %add3A_53] : memref<32x1024xf32, #tpu.memory_space<vmem>>[vector<16xi32>, vector<16xi32>], vector<16xf32>,
        %swap3A_635 = arith.index_cast %add3A_572 : i32 to index
        %swap3A_636 = arith.constant 240 : index
        %swap3A_637 = tpu.vector_load %arg6[%swap3A_635, %swap3A_636] {strides = array<i32>} : memref<32x256xf32, #tpu.memory_space<vmem>>, vector<16xf32>,
        tpu.vector_store %arg6[%swap3A_635, %swap3A_636], %gather3A_634 {strides = array<i32>} : memref<32x256xf32, #tpu.memory_space<vmem>>, vector<16xf32>,
        %scan3A_638 = arith.constant 7 : i32
        %scan3A_639 = arith.addi %scan3A_145, %scan3A_638 : i32
        %mul3A_640 = arith.constant 1 : i32
        %mul3A_641 = arith.muli %scan3A_639, %mul3A_640 : i32
        %add3A_642 = arith.constant 0 : i32
        %add3A_643 = arith.addi %add3A_642, %mul3A_641 : i32
        %broadcast_in_dim3A_644 = vector.broadcast %add3A_643 : i32 to vector<16xi32>
        %gather3A_645 = tpu.vector_load_idx %arg4[%broadcast_in_dim3A_644, %add3A_8] : memref<32x1024xf32, #tpu.memory_space<vmem>>[vector<16xi32>, vector<16xi32>], vector<16xf32>,
        %swap3A_646 = arith.index_cast %add3A_643 : i32 to index
        %swap3A_647 = arith.constant 0 : index
        %swap3A_648 = tpu.vector_load %arg6[%swap3A_646, %swap3A_647] {strides = array<i32>} : memref<32x256xf32, #tpu.memory_space<vmem>>, vector<16xf32>,
        tpu.vector_store %arg6[%swap3A_646, %swap3A_647], %gather3A_645 {strides = array<i32>} : memref<32x256xf32, #tpu.memory_space<vmem>>, vector<16xf32>,
        %gather3A_649 = tpu.vector_load_idx %arg4[%broadcast_in_dim3A_644, %add3A_11] : memref<32x1024xf32, #tpu.memory_space<vmem>>[vector<16xi32>, vector<16xi32>], vector<16xf32>,
        %swap3A_650 = arith.index_cast %add3A_643 : i32 to index
        %swap3A_651 = arith.constant 16 : index
        %swap3A_652 = tpu.vector_load %arg6[%swap3A_650, %swap3A_651] {strides = array<i32>} : memref<32x256xf32, #tpu.memory_space<vmem>>, vector<16xf32>,
        tpu.vector_store %arg6[%swap3A_650, %swap3A_651], %gather3A_649 {strides = array<i32>} : memref<32x256xf32, #tpu.memory_space<vmem>>, vector<16xf32>,
        %gather3A_653 = tpu.vector_load_idx %arg4[%broadcast_in_dim3A_644, %add3A_14] : memref<32x1024xf32, #tpu.memory_space<vmem>>[vector<16xi32>, vector<16xi32>], vector<16xf32>,
        %swap3A_654 = arith.index_cast %add3A_643 : i32 to index
        %swap3A_655 = arith.constant 32 : index
        %swap3A_656 = tpu.vector_load %arg6[%swap3A_654, %swap3A_655] {strides = array<i32>} : memref<32x256xf32, #tpu.memory_space<vmem>>, vector<16xf32>,
        tpu.vector_store %arg6[%swap3A_654, %swap3A_655], %gather3A_653 {strides = array<i32>} : memref<32x256xf32, #tpu.memory_space<vmem>>, vector<16xf32>,
        %gather3A_657 = tpu.vector_load_idx %arg4[%broadcast_in_dim3A_644, %add3A_17] : memref<32x1024xf32, #tpu.memory_space<vmem>>[vector<16xi32>, vector<16xi32>], vector<16xf32>,
        %swap3A_658 = arith.index_cast %add3A_643 : i32 to index
        %swap3A_659 = arith.constant 48 : index
        %swap3A_660 = tpu.vector_load %arg6[%swap3A_658, %swap3A_659] {strides = array<i32>} : memref<32x256xf32, #tpu.memory_space<vmem>>, vector<16xf32>,
        tpu.vector_store %arg6[%swap3A_658, %swap3A_659], %gather3A_657 {strides = array<i32>} : memref<32x256xf32, #tpu.memory_space<vmem>>, vector<16xf32>,
        %gather3A_661 = tpu.vector_load_idx %arg4[%broadcast_in_dim3A_644, %add3A_20] : memref<32x1024xf32, #tpu.memory_space<vmem>>[vector<16xi32>, vector<16xi32>], vector<16xf32>,
        %swap3A_662 = arith.index_cast %add3A_643 : i32 to index
        %swap3A_663 = arith.constant 64 : index
        %swap3A_664 = tpu.vector_load %arg6[%swap3A_662, %swap3A_663] {strides = array<i32>} : memref<32x256xf32, #tpu.memory_space<vmem>>, vector<16xf32>,
        tpu.vector_store %arg6[%swap3A_662, %swap3A_663], %gather3A_661 {strides = array<i32>} : memref<32x256xf32, #tpu.memory_space<vmem>>, vector<16xf32>,
        %gather3A_665 = tpu.vector_load_idx %arg4[%broadcast_in_dim3A_644, %add3A_23] : memref<32x1024xf32, #tpu.memory_space<vmem>>[vector<16xi32>, vector<16xi32>], vector<16xf32>,
        %swap3A_666 = arith.index_cast %add3A_643 : i32 to index
        %swap3A_667 = arith.constant 80 : index
        %swap3A_668 = tpu.vector_load %arg6[%swap3A_666, %swap3A_667] {strides = array<i32>} : memref<32x256xf32, #tpu.memory_space<vmem>>, vector<16xf32>,
        tpu.vector_store %arg6[%swap3A_666, %swap3A_667], %gather3A_665 {strides = array<i32>} : memref<32x256xf32, #tpu.memory_space<vmem>>, vector<16xf32>,
        %gather3A_669 = tpu.vector_load_idx %arg4[%broadcast_in_dim3A_644, %add3A_26] : memref<32x1024xf32, #tpu.memory_space<vmem>>[vector<16xi32>, vector<16xi32>], vector<16xf32>,
        %swap3A_670 = arith.index_cast %add3A_643 : i32 to index
        %swap3A_671 = arith.constant 96 : index
        %swap3A_672 = tpu.vector_load %arg6[%swap3A_670, %swap3A_671] {strides = array<i32>} : memref<32x256xf32, #tpu.memory_space<vmem>>, vector<16xf32>,
        tpu.vector_store %arg6[%swap3A_670, %swap3A_671], %gather3A_669 {strides = array<i32>} : memref<32x256xf32, #tpu.memory_space<vmem>>, vector<16xf32>,
        %gather3A_673 = tpu.vector_load_idx %arg4[%broadcast_in_dim3A_644, %add3A_29] : memref<32x1024xf32, #tpu.memory_space<vmem>>[vector<16xi32>, vector<16xi32>], vector<16xf32>,
        %swap3A_674 = arith.index_cast %add3A_643 : i32 to index
        %swap3A_675 = arith.constant 112 : index
        %swap3A_676 = tpu.vector_load %arg6[%swap3A_674, %swap3A_675] {strides = array<i32>} : memref<32x256xf32, #tpu.memory_space<vmem>>, vector<16xf32>,
        tpu.vector_store %arg6[%swap3A_674, %swap3A_675], %gather3A_673 {strides = array<i32>} : memref<32x256xf32, #tpu.memory_space<vmem>>, vector<16xf32>,
        %gather3A_677 = tpu.vector_load_idx %arg4[%broadcast_in_dim3A_644, %add3A_32] : memref<32x1024xf32, #tpu.memory_space<vmem>>[vector<16xi32>, vector<16xi32>], vector<16xf32>,
        %swap3A_678 = arith.index_cast %add3A_643 : i32 to index
        %swap3A_679 = arith.constant 128 : index
        %swap3A_680 = tpu.vector_load %arg6[%swap3A_678, %swap3A_679] {strides = array<i32>} : memref<32x256xf32, #tpu.memory_space<vmem>>, vector<16xf32>,
        tpu.vector_store %arg6[%swap3A_678, %swap3A_679], %gather3A_677 {strides = array<i32>} : memref<32x256xf32, #tpu.memory_space<vmem>>, vector<16xf32>,
        %gather3A_681 = tpu.vector_load_idx %arg4[%broadcast_in_dim3A_644, %add3A_35] : memref<32x1024xf32, #tpu.memory_space<vmem>>[vector<16xi32>, vector<16xi32>], vector<16xf32>,
        %swap3A_682 = arith.index_cast %add3A_643 : i32 to index
        %swap3A_683 = arith.constant 144 : index
        %swap3A_684 = tpu.vector_load %arg6[%swap3A_682, %swap3A_683] {strides = array<i32>} : memref<32x256xf32, #tpu.memory_space<vmem>>, vector<16xf32>,
        tpu.vector_store %arg6[%swap3A_682, %swap3A_683], %gather3A_681 {strides = array<i32>} : memref<32x256xf32, #tpu.memory_space<vmem>>, vector<16xf32>,
        %gather3A_685 = tpu.vector_load_idx %arg4[%broadcast_in_dim3A_644, %add3A_38] : memref<32x1024xf32, #tpu.memory_space<vmem>>[vector<16xi32>, vector<16xi32>], vector<16xf32>,
        %swap3A_686 = arith.index_cast %add3A_643 : i32 to index
        %swap3A_687 = arith.constant 160 : index
        %swap3A_688 = tpu.vector_load %arg6[%swap3A_686, %swap3A_687] {strides = array<i32>} : memref<32x256xf32, #tpu.memory_space<vmem>>, vector<16xf32>,
        tpu.vector_store %arg6[%swap3A_686, %swap3A_687], %gather3A_685 {strides = array<i32>} : memref<32x256xf32, #tpu.memory_space<vmem>>, vector<16xf32>,
        %gather3A_689 = tpu.vector_load_idx %arg4[%broadcast_in_dim3A_644, %add3A_41] : memref<32x1024xf32, #tpu.memory_space<vmem>>[vector<16xi32>, vector<16xi32>], vector<16xf32>,
        %swap3A_690 = arith.index_cast %add3A_643 : i32 to index
        %swap3A_691 = arith.constant 176 : index
        %swap3A_692 = tpu.vector_load %arg6[%swap3A_690, %swap3A_691] {strides = array<i32>} : memref<32x256xf32, #tpu.memory_space<vmem>>, vector<16xf32>,
        tpu.vector_store %arg6[%swap3A_690, %swap3A_691], %gather3A_689 {strides = array<i32>} : memref<32x256xf32, #tpu.memory_space<vmem>>, vector<16xf32>,
        %gather3A_693 = tpu.vector_load_idx %arg4[%broadcast_in_dim3A_644, %add3A_44] : memref<32x1024xf32, #tpu.memory_space<vmem>>[vector<16xi32>, vector<16xi32>], vector<16xf32>,
        %swap3A_694 = arith.index_cast %add3A_643 : i32 to index
        %swap3A_695 = arith.constant 192 : index
        %swap3A_696 = tpu.vector_load %arg6[%swap3A_694, %swap3A_695] {strides = array<i32>} : memref<32x256xf32, #tpu.memory_space<vmem>>, vector<16xf32>,
        tpu.vector_store %arg6[%swap3A_694, %swap3A_695], %gather3A_693 {strides = array<i32>} : memref<32x256xf32, #tpu.memory_space<vmem>>, vector<16xf32>,
        %gather3A_697 = tpu.vector_load_idx %arg4[%broadcast_in_dim3A_644, %add3A_47] : memref<32x1024xf32, #tpu.memory_space<vmem>>[vector<16xi32>, vector<16xi32>], vector<16xf32>,
        %swap3A_698 = arith.index_cast %add3A_643 : i32 to index
        %swap3A_699 = arith.constant 208 : index
        %swap3A_700 = tpu.vector_load %arg6[%swap3A_698, %swap3A_699] {strides = array<i32>} : memref<32x256xf32, #tpu.memory_space<vmem>>, vector<16xf32>,
        tpu.vector_store %arg6[%swap3A_698, %swap3A_699], %gather3A_697 {strides = array<i32>} : memref<32x256xf32, #tpu.memory_space<vmem>>, vector<16xf32>,
        %gather3A_701 = tpu.vector_load_idx %arg4[%broadcast_in_dim3A_644, %add3A_50] : memref<32x1024xf32, #tpu.memory_space<vmem>>[vector<16xi32>, vector<16xi32>], vector<16xf32>,
        %swap3A_702 = arith.index_cast %add3A_643 : i32 to index
        %swap3A_703 = arith.constant 224 : index
        %swap3A_704 = tpu.vector_load %arg6[%swap3A_702, %swap3A_703] {strides = array<i32>} : memref<32x256xf32, #tpu.memory_space<vmem>>, vector<16xf32>,
        tpu.vector_store %arg6[%swap3A_702, %swap3A_703], %gather3A_701 {strides = array<i32>} : memref<32x256xf32, #tpu.memory_space<vmem>>, vector<16xf32>,
        %gather3A_705 = tpu.vector_load_idx %arg4[%broadcast_in_dim3A_644, %add3A_53] : memref<32x1024xf32, #tpu.memory_space<vmem>>[vector<16xi32>, vector<16xi32>], vector<16xf32>,
        %swap3A_706 = arith.index_cast %add3A_643 : i32 to index
        %swap3A_707 = arith.constant 240 : index
        %swap3A_708 = tpu.vector_load %arg6[%swap3A_706, %swap3A_707] {strides = array<i32>} : memref<32x256xf32, #tpu.memory_space<vmem>>, vector<16xf32>,
        tpu.vector_store %arg6[%swap3A_706, %swap3A_707], %gather3A_705 {strides = array<i32>} : memref<32x256xf32, #tpu.memory_space<vmem>>, vector<16xf32>,
      }
      %scan3A_98 = arith.constant 32 : i32
      %ge3A = arith.constant 2 : i32
      %ge3A_99 = arith.cmpi sge, %add3A_82, %ge3A : i32
      %convert_element_type3A_100 = arith.extui %ge3A_99 : i1 to i32
      %cond3A_101 = arith.constant 0 : i32
      %cond3A_102 = arith.cmpi ne, %convert_element_type3A_100, %cond3A_101 : i32
      scf.if %cond3A_102 {
        %sub3A = arith.constant 2 : i32
        %sub3A_145 = arith.subi %add3A_82, %sub3A : i32
        %mul3A_146 = arith.constant 32 : i32
        %mul3A_147 = arith.muli %sub3A_145, %mul3A_146 : i32
        %add3A_148 = arith.addi %mul3A_2, %mul3A_147 : i32
        %dma_wait3A_149 = arith.constant 0 : i32
        %dma_wait3A_150 = tpu.memref_slice %arg3[%add3A_148, %dma_wait3A_149] : memref<32768x256xf32, #tpu.memory_space<hbm>> -> memref<32x256xf32, #tpu.memory_space<hbm>>
        %dma_wait3A_151 = arith.constant 0 : i32
        %dma_wait3A_152 = tpu.memref_slice %arg3[%add3A_148, %dma_wait3A_151] : memref<32768x256xf32, #tpu.memory_space<hbm>> -> memref<32x256xf32, #tpu.memory_space<hbm>>
        tpu.wait_dma2 semaphore(%arg10 : memref<!tpu.dma_semaphore, #tpu.memory_space<semaphore_mem>>) src(%arg6 : memref<32x256xf32, #tpu.memory_space<vmem>>) dst(%dma_wait3A_152 : memref<32x256xf32, #tpu.memory_space<hbm>>)
      } else {
      }
      %mul3A_103 = arith.constant 32 : i32
      %mul3A_104 = arith.muli %add3A_82, %mul3A_103 : i32
      %add3A_105 = arith.addi %mul3A_2, %mul3A_104 : i32
      %dma_start3A_106 = arith.constant 0 : i32
      %dma_start3A_107 = tpu.memref_slice %arg3[%add3A_105, %dma_start3A_106] : memref<32768x256xf32, #tpu.memory_space<hbm>> -> memref<32x256xf32, #tpu.memory_space<hbm>>
      %dma_start3A_108 = arith.constant 0 : i32
      %dma_start3A_109 = tpu.memref_slice %arg3[%add3A_105, %dma_start3A_108] : memref<32768x256xf32, #tpu.memory_space<hbm>> -> memref<32x256xf32, #tpu.memory_space<hbm>>
      tpu.enqueue_dma source(%arg6 : memref<32x256xf32, #tpu.memory_space<vmem>>) target(%dma_start3A_109 : memref<32x256xf32, #tpu.memory_space<hbm>>) target_semaphore(%arg10 : memref<!tpu.dma_semaphore, #tpu.memory_space<semaphore_mem>>)
      %mul3A_110 = arith.constant 2 : i32
      %mul3A_111 = arith.muli %add3A_78, %mul3A_110 : i32
      %add3A_112 = arith.constant 1 : i32
      %add3A_113 = arith.addi %mul3A_111, %add3A_112 : i32
      %add3A_114 = arith.constant 1 : i32
      %add3A_115 = arith.addi %add3A_113, %add3A_114 : i32
      %lt3A_116 = arith.constant 32 : i32
      %lt3A_117 = arith.cmpi slt, %add3A_115, %lt3A_116 : i32
      %convert_element_type3A_118 = arith.extui %lt3A_117 : i1 to i32
      %cond3A_119 = arith.constant 0 : i32
      %cond3A_120 = arith.cmpi ne, %convert_element_type3A_118, %cond3A_119 : i32
      scf.if %cond3A_120 {
        %add3A_145 = arith.constant 1 : i32
        %add3A_146 = arith.addi %add3A_113, %add3A_145 : i32
        %mul3A_147 = arith.constant 32 : i32
        %mul3A_148 = arith.muli %add3A_146, %mul3A_147 : i32
        %add3A_149 = arith.addi %mul3A_2, %mul3A_148 : i32
        %dma_start3A_150 = arith.constant 0 : i32
        %dma_start3A_151 = tpu.memref_slice %arg2[%add3A_149, %dma_start3A_150] : memref<32768x1024xf32, #tpu.memory_space<hbm>> -> memref<32x1024xf32, #tpu.memory_space<hbm>>
        %dma_start3A_152 = arith.constant 0 : i32
        %dma_start3A_153 = tpu.memref_slice %arg2[%add3A_149, %dma_start3A_152] : memref<32768x1024xf32, #tpu.memory_space<hbm>> -> memref<32x1024xf32, #tpu.memory_space<hbm>>
        tpu.enqueue_dma source(%dma_start3A_153 : memref<32x1024xf32, #tpu.memory_space<hbm>>) target(%arg4 : memref<32x1024xf32, #tpu.memory_space<vmem>>) target_semaphore(%arg8 : memref<!tpu.dma_semaphore, #tpu.memory_space<semaphore_mem>>)
      } else {
      }
      %mul3A_121 = arith.constant 32 : i32
      %mul3A_122 = arith.muli %add3A_113, %mul3A_121 : i32
      %add3A_123 = arith.addi %mul3A_2, %mul3A_122 : i32
      %dma_wait3A_124 = arith.constant 0 : i32
      %dma_wait3A_125 = tpu.memref_slice %arg2[%add3A_123, %dma_wait3A_124] : memref<32768x1024xf32, #tpu.memory_space<hbm>> -> memref<32x1024xf32, #tpu.memory_space<hbm>>
      %dma_wait3A_126 = arith.constant 0 : i32
      %dma_wait3A_127 = tpu.memref_slice %arg2[%add3A_123, %dma_wait3A_126] : memref<32768x1024xf32, #tpu.memory_space<hbm>> -> memref<32x1024xf32, #tpu.memory_space<hbm>>
      tpu.wait_dma2 semaphore(%arg9 : memref<!tpu.dma_semaphore, #tpu.memory_space<semaphore_mem>>) src(%dma_wait3A_127 : memref<32x1024xf32, #tpu.memory_space<hbm>>) dst(%arg5 : memref<32x1024xf32, #tpu.memory_space<vmem>>)
      %scan3A_128 = arith.constant 0 : i32
      %scan3A_129 = arith.constant 32 : i32
      %scan3A_130 = arith.addi %scan3A_128, %scan3A_129 : i32
      %scan3A_131 = arith.constant 8 : i32
      scf.for %scan3A_145 = %scan3A_128 to %scan3A_130 step %scan3A_131  : i32 {
        %mul3A_146 = arith.constant 1 : i32
        %mul3A_147 = arith.muli %scan3A_145, %mul3A_146 : i32
        %add3A_148 = arith.constant 0 : i32
        %add3A_149 = arith.addi %add3A_148, %mul3A_147 : i32
        %broadcast_in_dim3A = vector.broadcast %add3A_149 : i32 to vector<16xi32>
        %gather3A = tpu.vector_load_idx %arg5[%broadcast_in_dim3A, %add3A_8] : memref<32x1024xf32, #tpu.memory_space<vmem>>[vector<16xi32>, vector<16xi32>], vector<16xf32>,
        %swap3A = arith.index_cast %add3A_149 : i32 to index
        %swap3A_150 = arith.constant 0 : index
        %swap3A_151 = tpu.vector_load %arg7[%swap3A, %swap3A_150] {strides = array<i32>} : memref<32x256xf32, #tpu.memory_space<vmem>>, vector<16xf32>,
        tpu.vector_store %arg7[%swap3A, %swap3A_150], %gather3A {strides = array<i32>} : memref<32x256xf32, #tpu.memory_space<vmem>>, vector<16xf32>,
        %gather3A_152 = tpu.vector_load_idx %arg5[%broadcast_in_dim3A, %add3A_11] : memref<32x1024xf32, #tpu.memory_space<vmem>>[vector<16xi32>, vector<16xi32>], vector<16xf32>,
        %swap3A_153 = arith.index_cast %add3A_149 : i32 to index
        %swap3A_154 = arith.constant 16 : index
        %swap3A_155 = tpu.vector_load %arg7[%swap3A_153, %swap3A_154] {strides = array<i32>} : memref<32x256xf32, #tpu.memory_space<vmem>>, vector<16xf32>,
        tpu.vector_store %arg7[%swap3A_153, %swap3A_154], %gather3A_152 {strides = array<i32>} : memref<32x256xf32, #tpu.memory_space<vmem>>, vector<16xf32>,
        %gather3A_156 = tpu.vector_load_idx %arg5[%broadcast_in_dim3A, %add3A_14] : memref<32x1024xf32, #tpu.memory_space<vmem>>[vector<16xi32>, vector<16xi32>], vector<16xf32>,
        %swap3A_157 = arith.index_cast %add3A_149 : i32 to index
        %swap3A_158 = arith.constant 32 : index
        %swap3A_159 = tpu.vector_load %arg7[%swap3A_157, %swap3A_158] {strides = array<i32>} : memref<32x256xf32, #tpu.memory_space<vmem>>, vector<16xf32>,
        tpu.vector_store %arg7[%swap3A_157, %swap3A_158], %gather3A_156 {strides = array<i32>} : memref<32x256xf32, #tpu.memory_space<vmem>>, vector<16xf32>,
        %gather3A_160 = tpu.vector_load_idx %arg5[%broadcast_in_dim3A, %add3A_17] : memref<32x1024xf32, #tpu.memory_space<vmem>>[vector<16xi32>, vector<16xi32>], vector<16xf32>,
        %swap3A_161 = arith.index_cast %add3A_149 : i32 to index
        %swap3A_162 = arith.constant 48 : index
        %swap3A_163 = tpu.vector_load %arg7[%swap3A_161, %swap3A_162] {strides = array<i32>} : memref<32x256xf32, #tpu.memory_space<vmem>>, vector<16xf32>,
        tpu.vector_store %arg7[%swap3A_161, %swap3A_162], %gather3A_160 {strides = array<i32>} : memref<32x256xf32, #tpu.memory_space<vmem>>, vector<16xf32>,
        %gather3A_164 = tpu.vector_load_idx %arg5[%broadcast_in_dim3A, %add3A_20] : memref<32x1024xf32, #tpu.memory_space<vmem>>[vector<16xi32>, vector<16xi32>], vector<16xf32>,
        %swap3A_165 = arith.index_cast %add3A_149 : i32 to index
        %swap3A_166 = arith.constant 64 : index
        %swap3A_167 = tpu.vector_load %arg7[%swap3A_165, %swap3A_166] {strides = array<i32>} : memref<32x256xf32, #tpu.memory_space<vmem>>, vector<16xf32>,
        tpu.vector_store %arg7[%swap3A_165, %swap3A_166], %gather3A_164 {strides = array<i32>} : memref<32x256xf32, #tpu.memory_space<vmem>>, vector<16xf32>,
        %gather3A_168 = tpu.vector_load_idx %arg5[%broadcast_in_dim3A, %add3A_23] : memref<32x1024xf32, #tpu.memory_space<vmem>>[vector<16xi32>, vector<16xi32>], vector<16xf32>,
        %swap3A_169 = arith.index_cast %add3A_149 : i32 to index
        %swap3A_170 = arith.constant 80 : index
        %swap3A_171 = tpu.vector_load %arg7[%swap3A_169, %swap3A_170] {strides = array<i32>} : memref<32x256xf32, #tpu.memory_space<vmem>>, vector<16xf32>,
        tpu.vector_store %arg7[%swap3A_169, %swap3A_170], %gather3A_168 {strides = array<i32>} : memref<32x256xf32, #tpu.memory_space<vmem>>, vector<16xf32>,
        %gather3A_172 = tpu.vector_load_idx %arg5[%broadcast_in_dim3A, %add3A_26] : memref<32x1024xf32, #tpu.memory_space<vmem>>[vector<16xi32>, vector<16xi32>], vector<16xf32>,
        %swap3A_173 = arith.index_cast %add3A_149 : i32 to index
        %swap3A_174 = arith.constant 96 : index
        %swap3A_175 = tpu.vector_load %arg7[%swap3A_173, %swap3A_174] {strides = array<i32>} : memref<32x256xf32, #tpu.memory_space<vmem>>, vector<16xf32>,
        tpu.vector_store %arg7[%swap3A_173, %swap3A_174], %gather3A_172 {strides = array<i32>} : memref<32x256xf32, #tpu.memory_space<vmem>>, vector<16xf32>,
        %gather3A_176 = tpu.vector_load_idx %arg5[%broadcast_in_dim3A, %add3A_29] : memref<32x1024xf32, #tpu.memory_space<vmem>>[vector<16xi32>, vector<16xi32>], vector<16xf32>,
        %swap3A_177 = arith.index_cast %add3A_149 : i32 to index
        %swap3A_178 = arith.constant 112 : index
        %swap3A_179 = tpu.vector_load %arg7[%swap3A_177, %swap3A_178] {strides = array<i32>} : memref<32x256xf32, #tpu.memory_space<vmem>>, vector<16xf32>,
        tpu.vector_store %arg7[%swap3A_177, %swap3A_178], %gather3A_176 {strides = array<i32>} : memref<32x256xf32, #tpu.memory_space<vmem>>, vector<16xf32>,
        %gather3A_180 = tpu.vector_load_idx %arg5[%broadcast_in_dim3A, %add3A_32] : memref<32x1024xf32, #tpu.memory_space<vmem>>[vector<16xi32>, vector<16xi32>], vector<16xf32>,
        %swap3A_181 = arith.index_cast %add3A_149 : i32 to index
        %swap3A_182 = arith.constant 128 : index
        %swap3A_183 = tpu.vector_load %arg7[%swap3A_181, %swap3A_182] {strides = array<i32>} : memref<32x256xf32, #tpu.memory_space<vmem>>, vector<16xf32>,
        tpu.vector_store %arg7[%swap3A_181, %swap3A_182], %gather3A_180 {strides = array<i32>} : memref<32x256xf32, #tpu.memory_space<vmem>>, vector<16xf32>,
        %gather3A_184 = tpu.vector_load_idx %arg5[%broadcast_in_dim3A, %add3A_35] : memref<32x1024xf32, #tpu.memory_space<vmem>>[vector<16xi32>, vector<16xi32>], vector<16xf32>,
        %swap3A_185 = arith.index_cast %add3A_149 : i32 to index
        %swap3A_186 = arith.constant 144 : index
        %swap3A_187 = tpu.vector_load %arg7[%swap3A_185, %swap3A_186] {strides = array<i32>} : memref<32x256xf32, #tpu.memory_space<vmem>>, vector<16xf32>,
        tpu.vector_store %arg7[%swap3A_185, %swap3A_186], %gather3A_184 {strides = array<i32>} : memref<32x256xf32, #tpu.memory_space<vmem>>, vector<16xf32>,
        %gather3A_188 = tpu.vector_load_idx %arg5[%broadcast_in_dim3A, %add3A_38] : memref<32x1024xf32, #tpu.memory_space<vmem>>[vector<16xi32>, vector<16xi32>], vector<16xf32>,
        %swap3A_189 = arith.index_cast %add3A_149 : i32 to index
        %swap3A_190 = arith.constant 160 : index
        %swap3A_191 = tpu.vector_load %arg7[%swap3A_189, %swap3A_190] {strides = array<i32>} : memref<32x256xf32, #tpu.memory_space<vmem>>, vector<16xf32>,
        tpu.vector_store %arg7[%swap3A_189, %swap3A_190], %gather3A_188 {strides = array<i32>} : memref<32x256xf32, #tpu.memory_space<vmem>>, vector<16xf32>,
        %gather3A_192 = tpu.vector_load_idx %arg5[%broadcast_in_dim3A, %add3A_41] : memref<32x1024xf32, #tpu.memory_space<vmem>>[vector<16xi32>, vector<16xi32>], vector<16xf32>,
        %swap3A_193 = arith.index_cast %add3A_149 : i32 to index
        %swap3A_194 = arith.constant 176 : index
        %swap3A_195 = tpu.vector_load %arg7[%swap3A_193, %swap3A_194] {strides = array<i32>} : memref<32x256xf32, #tpu.memory_space<vmem>>, vector<16xf32>,
        tpu.vector_store %arg7[%swap3A_193, %swap3A_194], %gather3A_192 {strides = array<i32>} : memref<32x256xf32, #tpu.memory_space<vmem>>, vector<16xf32>,
        %gather3A_196 = tpu.vector_load_idx %arg5[%broadcast_in_dim3A, %add3A_44] : memref<32x1024xf32, #tpu.memory_space<vmem>>[vector<16xi32>, vector<16xi32>], vector<16xf32>,
        %swap3A_197 = arith.index_cast %add3A_149 : i32 to index
        %swap3A_198 = arith.constant 192 : index
        %swap3A_199 = tpu.vector_load %arg7[%swap3A_197, %swap3A_198] {strides = array<i32>} : memref<32x256xf32, #tpu.memory_space<vmem>>, vector<16xf32>,
        tpu.vector_store %arg7[%swap3A_197, %swap3A_198], %gather3A_196 {strides = array<i32>} : memref<32x256xf32, #tpu.memory_space<vmem>>, vector<16xf32>,
        %gather3A_200 = tpu.vector_load_idx %arg5[%broadcast_in_dim3A, %add3A_47] : memref<32x1024xf32, #tpu.memory_space<vmem>>[vector<16xi32>, vector<16xi32>], vector<16xf32>,
        %swap3A_201 = arith.index_cast %add3A_149 : i32 to index
        %swap3A_202 = arith.constant 208 : index
        %swap3A_203 = tpu.vector_load %arg7[%swap3A_201, %swap3A_202] {strides = array<i32>} : memref<32x256xf32, #tpu.memory_space<vmem>>, vector<16xf32>,
        tpu.vector_store %arg7[%swap3A_201, %swap3A_202], %gather3A_200 {strides = array<i32>} : memref<32x256xf32, #tpu.memory_space<vmem>>, vector<16xf32>,
        %gather3A_204 = tpu.vector_load_idx %arg5[%broadcast_in_dim3A, %add3A_50] : memref<32x1024xf32, #tpu.memory_space<vmem>>[vector<16xi32>, vector<16xi32>], vector<16xf32>,
        %swap3A_205 = arith.index_cast %add3A_149 : i32 to index
        %swap3A_206 = arith.constant 224 : index
        %swap3A_207 = tpu.vector_load %arg7[%swap3A_205, %swap3A_206] {strides = array<i32>} : memref<32x256xf32, #tpu.memory_space<vmem>>, vector<16xf32>,
        tpu.vector_store %arg7[%swap3A_205, %swap3A_206], %gather3A_204 {strides = array<i32>} : memref<32x256xf32, #tpu.memory_space<vmem>>, vector<16xf32>,
        %gather3A_208 = tpu.vector_load_idx %arg5[%broadcast_in_dim3A, %add3A_53] : memref<32x1024xf32, #tpu.memory_space<vmem>>[vector<16xi32>, vector<16xi32>], vector<16xf32>,
        %swap3A_209 = arith.index_cast %add3A_149 : i32 to index
        %swap3A_210 = arith.constant 240 : index
        %swap3A_211 = tpu.vector_load %arg7[%swap3A_209, %swap3A_210] {strides = array<i32>} : memref<32x256xf32, #tpu.memory_space<vmem>>, vector<16xf32>,
        tpu.vector_store %arg7[%swap3A_209, %swap3A_210], %gather3A_208 {strides = array<i32>} : memref<32x256xf32, #tpu.memory_space<vmem>>, vector<16xf32>,
        %scan3A_212 = arith.constant 1 : i32
        %scan3A_213 = arith.addi %scan3A_145, %scan3A_212 : i32
        %mul3A_214 = arith.constant 1 : i32
        %mul3A_215 = arith.muli %scan3A_213, %mul3A_214 : i32
        %add3A_216 = arith.constant 0 : i32
        %add3A_217 = arith.addi %add3A_216, %mul3A_215 : i32
        %broadcast_in_dim3A_218 = vector.broadcast %add3A_217 : i32 to vector<16xi32>
        %gather3A_219 = tpu.vector_load_idx %arg5[%broadcast_in_dim3A_218, %add3A_8] : memref<32x1024xf32, #tpu.memory_space<vmem>>[vector<16xi32>, vector<16xi32>], vector<16xf32>,
        %swap3A_220 = arith.index_cast %add3A_217 : i32 to index
        %swap3A_221 = arith.constant 0 : index
        %swap3A_222 = tpu.vector_load %arg7[%swap3A_220, %swap3A_221] {strides = array<i32>} : memref<32x256xf32, #tpu.memory_space<vmem>>, vector<16xf32>,
        tpu.vector_store %arg7[%swap3A_220, %swap3A_221], %gather3A_219 {strides = array<i32>} : memref<32x256xf32, #tpu.memory_space<vmem>>, vector<16xf32>,
        %gather3A_223 = tpu.vector_load_idx %arg5[%broadcast_in_dim3A_218, %add3A_11] : memref<32x1024xf32, #tpu.memory_space<vmem>>[vector<16xi32>, vector<16xi32>], vector<16xf32>,
        %swap3A_224 = arith.index_cast %add3A_217 : i32 to index
        %swap3A_225 = arith.constant 16 : index
        %swap3A_226 = tpu.vector_load %arg7[%swap3A_224, %swap3A_225] {strides = array<i32>} : memref<32x256xf32, #tpu.memory_space<vmem>>, vector<16xf32>,
        tpu.vector_store %arg7[%swap3A_224, %swap3A_225], %gather3A_223 {strides = array<i32>} : memref<32x256xf32, #tpu.memory_space<vmem>>, vector<16xf32>,
        %gather3A_227 = tpu.vector_load_idx %arg5[%broadcast_in_dim3A_218, %add3A_14] : memref<32x1024xf32, #tpu.memory_space<vmem>>[vector<16xi32>, vector<16xi32>], vector<16xf32>,
        %swap3A_228 = arith.index_cast %add3A_217 : i32 to index
        %swap3A_229 = arith.constant 32 : index
        %swap3A_230 = tpu.vector_load %arg7[%swap3A_228, %swap3A_229] {strides = array<i32>} : memref<32x256xf32, #tpu.memory_space<vmem>>, vector<16xf32>,
        tpu.vector_store %arg7[%swap3A_228, %swap3A_229], %gather3A_227 {strides = array<i32>} : memref<32x256xf32, #tpu.memory_space<vmem>>, vector<16xf32>,
        %gather3A_231 = tpu.vector_load_idx %arg5[%broadcast_in_dim3A_218, %add3A_17] : memref<32x1024xf32, #tpu.memory_space<vmem>>[vector<16xi32>, vector<16xi32>], vector<16xf32>,
        %swap3A_232 = arith.index_cast %add3A_217 : i32 to index
        %swap3A_233 = arith.constant 48 : index
        %swap3A_234 = tpu.vector_load %arg7[%swap3A_232, %swap3A_233] {strides = array<i32>} : memref<32x256xf32, #tpu.memory_space<vmem>>, vector<16xf32>,
        tpu.vector_store %arg7[%swap3A_232, %swap3A_233], %gather3A_231 {strides = array<i32>} : memref<32x256xf32, #tpu.memory_space<vmem>>, vector<16xf32>,
        %gather3A_235 = tpu.vector_load_idx %arg5[%broadcast_in_dim3A_218, %add3A_20] : memref<32x1024xf32, #tpu.memory_space<vmem>>[vector<16xi32>, vector<16xi32>], vector<16xf32>,
        %swap3A_236 = arith.index_cast %add3A_217 : i32 to index
        %swap3A_237 = arith.constant 64 : index
        %swap3A_238 = tpu.vector_load %arg7[%swap3A_236, %swap3A_237] {strides = array<i32>} : memref<32x256xf32, #tpu.memory_space<vmem>>, vector<16xf32>,
        tpu.vector_store %arg7[%swap3A_236, %swap3A_237], %gather3A_235 {strides = array<i32>} : memref<32x256xf32, #tpu.memory_space<vmem>>, vector<16xf32>,
        %gather3A_239 = tpu.vector_load_idx %arg5[%broadcast_in_dim3A_218, %add3A_23] : memref<32x1024xf32, #tpu.memory_space<vmem>>[vector<16xi32>, vector<16xi32>], vector<16xf32>,
        %swap3A_240 = arith.index_cast %add3A_217 : i32 to index
        %swap3A_241 = arith.constant 80 : index
        %swap3A_242 = tpu.vector_load %arg7[%swap3A_240, %swap3A_241] {strides = array<i32>} : memref<32x256xf32, #tpu.memory_space<vmem>>, vector<16xf32>,
        tpu.vector_store %arg7[%swap3A_240, %swap3A_241], %gather3A_239 {strides = array<i32>} : memref<32x256xf32, #tpu.memory_space<vmem>>, vector<16xf32>,
        %gather3A_243 = tpu.vector_load_idx %arg5[%broadcast_in_dim3A_218, %add3A_26] : memref<32x1024xf32, #tpu.memory_space<vmem>>[vector<16xi32>, vector<16xi32>], vector<16xf32>,
        %swap3A_244 = arith.index_cast %add3A_217 : i32 to index
        %swap3A_245 = arith.constant 96 : index
        %swap3A_246 = tpu.vector_load %arg7[%swap3A_244, %swap3A_245] {strides = array<i32>} : memref<32x256xf32, #tpu.memory_space<vmem>>, vector<16xf32>,
        tpu.vector_store %arg7[%swap3A_244, %swap3A_245], %gather3A_243 {strides = array<i32>} : memref<32x256xf32, #tpu.memory_space<vmem>>, vector<16xf32>,
        %gather3A_247 = tpu.vector_load_idx %arg5[%broadcast_in_dim3A_218, %add3A_29] : memref<32x1024xf32, #tpu.memory_space<vmem>>[vector<16xi32>, vector<16xi32>], vector<16xf32>,
        %swap3A_248 = arith.index_cast %add3A_217 : i32 to index
        %swap3A_249 = arith.constant 112 : index
        %swap3A_250 = tpu.vector_load %arg7[%swap3A_248, %swap3A_249] {strides = array<i32>} : memref<32x256xf32, #tpu.memory_space<vmem>>, vector<16xf32>,
        tpu.vector_store %arg7[%swap3A_248, %swap3A_249], %gather3A_247 {strides = array<i32>} : memref<32x256xf32, #tpu.memory_space<vmem>>, vector<16xf32>,
        %gather3A_251 = tpu.vector_load_idx %arg5[%broadcast_in_dim3A_218, %add3A_32] : memref<32x1024xf32, #tpu.memory_space<vmem>>[vector<16xi32>, vector<16xi32>], vector<16xf32>,
        %swap3A_252 = arith.index_cast %add3A_217 : i32 to index
        %swap3A_253 = arith.constant 128 : index
        %swap3A_254 = tpu.vector_load %arg7[%swap3A_252, %swap3A_253] {strides = array<i32>} : memref<32x256xf32, #tpu.memory_space<vmem>>, vector<16xf32>,
        tpu.vector_store %arg7[%swap3A_252, %swap3A_253], %gather3A_251 {strides = array<i32>} : memref<32x256xf32, #tpu.memory_space<vmem>>, vector<16xf32>,
        %gather3A_255 = tpu.vector_load_idx %arg5[%broadcast_in_dim3A_218, %add3A_35] : memref<32x1024xf32, #tpu.memory_space<vmem>>[vector<16xi32>, vector<16xi32>], vector<16xf32>,
        %swap3A_256 = arith.index_cast %add3A_217 : i32 to index
        %swap3A_257 = arith.constant 144 : index
        %swap3A_258 = tpu.vector_load %arg7[%swap3A_256, %swap3A_257] {strides = array<i32>} : memref<32x256xf32, #tpu.memory_space<vmem>>, vector<16xf32>,
        tpu.vector_store %arg7[%swap3A_256, %swap3A_257], %gather3A_255 {strides = array<i32>} : memref<32x256xf32, #tpu.memory_space<vmem>>, vector<16xf32>,
        %gather3A_259 = tpu.vector_load_idx %arg5[%broadcast_in_dim3A_218, %add3A_38] : memref<32x1024xf32, #tpu.memory_space<vmem>>[vector<16xi32>, vector<16xi32>], vector<16xf32>,
        %swap3A_260 = arith.index_cast %add3A_217 : i32 to index
        %swap3A_261 = arith.constant 160 : index
        %swap3A_262 = tpu.vector_load %arg7[%swap3A_260, %swap3A_261] {strides = array<i32>} : memref<32x256xf32, #tpu.memory_space<vmem>>, vector<16xf32>,
        tpu.vector_store %arg7[%swap3A_260, %swap3A_261], %gather3A_259 {strides = array<i32>} : memref<32x256xf32, #tpu.memory_space<vmem>>, vector<16xf32>,
        %gather3A_263 = tpu.vector_load_idx %arg5[%broadcast_in_dim3A_218, %add3A_41] : memref<32x1024xf32, #tpu.memory_space<vmem>>[vector<16xi32>, vector<16xi32>], vector<16xf32>,
        %swap3A_264 = arith.index_cast %add3A_217 : i32 to index
        %swap3A_265 = arith.constant 176 : index
        %swap3A_266 = tpu.vector_load %arg7[%swap3A_264, %swap3A_265] {strides = array<i32>} : memref<32x256xf32, #tpu.memory_space<vmem>>, vector<16xf32>,
        tpu.vector_store %arg7[%swap3A_264, %swap3A_265], %gather3A_263 {strides = array<i32>} : memref<32x256xf32, #tpu.memory_space<vmem>>, vector<16xf32>,
        %gather3A_267 = tpu.vector_load_idx %arg5[%broadcast_in_dim3A_218, %add3A_44] : memref<32x1024xf32, #tpu.memory_space<vmem>>[vector<16xi32>, vector<16xi32>], vector<16xf32>,
        %swap3A_268 = arith.index_cast %add3A_217 : i32 to index
        %swap3A_269 = arith.constant 192 : index
        %swap3A_270 = tpu.vector_load %arg7[%swap3A_268, %swap3A_269] {strides = array<i32>} : memref<32x256xf32, #tpu.memory_space<vmem>>, vector<16xf32>,
        tpu.vector_store %arg7[%swap3A_268, %swap3A_269], %gather3A_267 {strides = array<i32>} : memref<32x256xf32, #tpu.memory_space<vmem>>, vector<16xf32>,
        %gather3A_271 = tpu.vector_load_idx %arg5[%broadcast_in_dim3A_218, %add3A_47] : memref<32x1024xf32, #tpu.memory_space<vmem>>[vector<16xi32>, vector<16xi32>], vector<16xf32>,
        %swap3A_272 = arith.index_cast %add3A_217 : i32 to index
        %swap3A_273 = arith.constant 208 : index
        %swap3A_274 = tpu.vector_load %arg7[%swap3A_272, %swap3A_273] {strides = array<i32>} : memref<32x256xf32, #tpu.memory_space<vmem>>, vector<16xf32>,
        tpu.vector_store %arg7[%swap3A_272, %swap3A_273], %gather3A_271 {strides = array<i32>} : memref<32x256xf32, #tpu.memory_space<vmem>>, vector<16xf32>,
        %gather3A_275 = tpu.vector_load_idx %arg5[%broadcast_in_dim3A_218, %add3A_50] : memref<32x1024xf32, #tpu.memory_space<vmem>>[vector<16xi32>, vector<16xi32>], vector<16xf32>,
        %swap3A_276 = arith.index_cast %add3A_217 : i32 to index
        %swap3A_277 = arith.constant 224 : index
        %swap3A_278 = tpu.vector_load %arg7[%swap3A_276, %swap3A_277] {strides = array<i32>} : memref<32x256xf32, #tpu.memory_space<vmem>>, vector<16xf32>,
        tpu.vector_store %arg7[%swap3A_276, %swap3A_277], %gather3A_275 {strides = array<i32>} : memref<32x256xf32, #tpu.memory_space<vmem>>, vector<16xf32>,
        %gather3A_279 = tpu.vector_load_idx %arg5[%broadcast_in_dim3A_218, %add3A_53] : memref<32x1024xf32, #tpu.memory_space<vmem>>[vector<16xi32>, vector<16xi32>], vector<16xf32>,
        %swap3A_280 = arith.index_cast %add3A_217 : i32 to index
        %swap3A_281 = arith.constant 240 : index
        %swap3A_282 = tpu.vector_load %arg7[%swap3A_280, %swap3A_281] {strides = array<i32>} : memref<32x256xf32, #tpu.memory_space<vmem>>, vector<16xf32>,
        tpu.vector_store %arg7[%swap3A_280, %swap3A_281], %gather3A_279 {strides = array<i32>} : memref<32x256xf32, #tpu.memory_space<vmem>>, vector<16xf32>,
        %scan3A_283 = arith.constant 2 : i32
        %scan3A_284 = arith.addi %scan3A_145, %scan3A_283 : i32
        %mul3A_285 = arith.constant 1 : i32
        %mul3A_286 = arith.muli %scan3A_284, %mul3A_285 : i32
        %add3A_287 = arith.constant 0 : i32
        %add3A_288 = arith.addi %add3A_287, %mul3A_286 : i32
        %broadcast_in_dim3A_289 = vector.broadcast %add3A_288 : i32 to vector<16xi32>
        %gather3A_290 = tpu.vector_load_idx %arg5[%broadcast_in_dim3A_289, %add3A_8] : memref<32x1024xf32, #tpu.memory_space<vmem>>[vector<16xi32>, vector<16xi32>], vector<16xf32>,
        %swap3A_291 = arith.index_cast %add3A_288 : i32 to index
        %swap3A_292 = arith.constant 0 : index
        %swap3A_293 = tpu.vector_load %arg7[%swap3A_291, %swap3A_292] {strides = array<i32>} : memref<32x256xf32, #tpu.memory_space<vmem>>, vector<16xf32>,
        tpu.vector_store %arg7[%swap3A_291, %swap3A_292], %gather3A_290 {strides = array<i32>} : memref<32x256xf32, #tpu.memory_space<vmem>>, vector<16xf32>,
        %gather3A_294 = tpu.vector_load_idx %arg5[%broadcast_in_dim3A_289, %add3A_11] : memref<32x1024xf32, #tpu.memory_space<vmem>>[vector<16xi32>, vector<16xi32>], vector<16xf32>,
        %swap3A_295 = arith.index_cast %add3A_288 : i32 to index
        %swap3A_296 = arith.constant 16 : index
        %swap3A_297 = tpu.vector_load %arg7[%swap3A_295, %swap3A_296] {strides = array<i32>} : memref<32x256xf32, #tpu.memory_space<vmem>>, vector<16xf32>,
        tpu.vector_store %arg7[%swap3A_295, %swap3A_296], %gather3A_294 {strides = array<i32>} : memref<32x256xf32, #tpu.memory_space<vmem>>, vector<16xf32>,
        %gather3A_298 = tpu.vector_load_idx %arg5[%broadcast_in_dim3A_289, %add3A_14] : memref<32x1024xf32, #tpu.memory_space<vmem>>[vector<16xi32>, vector<16xi32>], vector<16xf32>,
        %swap3A_299 = arith.index_cast %add3A_288 : i32 to index
        %swap3A_300 = arith.constant 32 : index
        %swap3A_301 = tpu.vector_load %arg7[%swap3A_299, %swap3A_300] {strides = array<i32>} : memref<32x256xf32, #tpu.memory_space<vmem>>, vector<16xf32>,
        tpu.vector_store %arg7[%swap3A_299, %swap3A_300], %gather3A_298 {strides = array<i32>} : memref<32x256xf32, #tpu.memory_space<vmem>>, vector<16xf32>,
        %gather3A_302 = tpu.vector_load_idx %arg5[%broadcast_in_dim3A_289, %add3A_17] : memref<32x1024xf32, #tpu.memory_space<vmem>>[vector<16xi32>, vector<16xi32>], vector<16xf32>,
        %swap3A_303 = arith.index_cast %add3A_288 : i32 to index
        %swap3A_304 = arith.constant 48 : index
        %swap3A_305 = tpu.vector_load %arg7[%swap3A_303, %swap3A_304] {strides = array<i32>} : memref<32x256xf32, #tpu.memory_space<vmem>>, vector<16xf32>,
        tpu.vector_store %arg7[%swap3A_303, %swap3A_304], %gather3A_302 {strides = array<i32>} : memref<32x256xf32, #tpu.memory_space<vmem>>, vector<16xf32>,
        %gather3A_306 = tpu.vector_load_idx %arg5[%broadcast_in_dim3A_289, %add3A_20] : memref<32x1024xf32, #tpu.memory_space<vmem>>[vector<16xi32>, vector<16xi32>], vector<16xf32>,
        %swap3A_307 = arith.index_cast %add3A_288 : i32 to index
        %swap3A_308 = arith.constant 64 : index
        %swap3A_309 = tpu.vector_load %arg7[%swap3A_307, %swap3A_308] {strides = array<i32>} : memref<32x256xf32, #tpu.memory_space<vmem>>, vector<16xf32>,
        tpu.vector_store %arg7[%swap3A_307, %swap3A_308], %gather3A_306 {strides = array<i32>} : memref<32x256xf32, #tpu.memory_space<vmem>>, vector<16xf32>,
        %gather3A_310 = tpu.vector_load_idx %arg5[%broadcast_in_dim3A_289, %add3A_23] : memref<32x1024xf32, #tpu.memory_space<vmem>>[vector<16xi32>, vector<16xi32>], vector<16xf32>,
        %swap3A_311 = arith.index_cast %add3A_288 : i32 to index
        %swap3A_312 = arith.constant 80 : index
        %swap3A_313 = tpu.vector_load %arg7[%swap3A_311, %swap3A_312] {strides = array<i32>} : memref<32x256xf32, #tpu.memory_space<vmem>>, vector<16xf32>,
        tpu.vector_store %arg7[%swap3A_311, %swap3A_312], %gather3A_310 {strides = array<i32>} : memref<32x256xf32, #tpu.memory_space<vmem>>, vector<16xf32>,
        %gather3A_314 = tpu.vector_load_idx %arg5[%broadcast_in_dim3A_289, %add3A_26] : memref<32x1024xf32, #tpu.memory_space<vmem>>[vector<16xi32>, vector<16xi32>], vector<16xf32>,
        %swap3A_315 = arith.index_cast %add3A_288 : i32 to index
        %swap3A_316 = arith.constant 96 : index
        %swap3A_317 = tpu.vector_load %arg7[%swap3A_315, %swap3A_316] {strides = array<i32>} : memref<32x256xf32, #tpu.memory_space<vmem>>, vector<16xf32>,
        tpu.vector_store %arg7[%swap3A_315, %swap3A_316], %gather3A_314 {strides = array<i32>} : memref<32x256xf32, #tpu.memory_space<vmem>>, vector<16xf32>,
        %gather3A_318 = tpu.vector_load_idx %arg5[%broadcast_in_dim3A_289, %add3A_29] : memref<32x1024xf32, #tpu.memory_space<vmem>>[vector<16xi32>, vector<16xi32>], vector<16xf32>,
        %swap3A_319 = arith.index_cast %add3A_288 : i32 to index
        %swap3A_320 = arith.constant 112 : index
        %swap3A_321 = tpu.vector_load %arg7[%swap3A_319, %swap3A_320] {strides = array<i32>} : memref<32x256xf32, #tpu.memory_space<vmem>>, vector<16xf32>,
        tpu.vector_store %arg7[%swap3A_319, %swap3A_320], %gather3A_318 {strides = array<i32>} : memref<32x256xf32, #tpu.memory_space<vmem>>, vector<16xf32>,
        %gather3A_322 = tpu.vector_load_idx %arg5[%broadcast_in_dim3A_289, %add3A_32] : memref<32x1024xf32, #tpu.memory_space<vmem>>[vector<16xi32>, vector<16xi32>], vector<16xf32>,
        %swap3A_323 = arith.index_cast %add3A_288 : i32 to index
        %swap3A_324 = arith.constant 128 : index
        %swap3A_325 = tpu.vector_load %arg7[%swap3A_323, %swap3A_324] {strides = array<i32>} : memref<32x256xf32, #tpu.memory_space<vmem>>, vector<16xf32>,
        tpu.vector_store %arg7[%swap3A_323, %swap3A_324], %gather3A_322 {strides = array<i32>} : memref<32x256xf32, #tpu.memory_space<vmem>>, vector<16xf32>,
        %gather3A_326 = tpu.vector_load_idx %arg5[%broadcast_in_dim3A_289, %add3A_35] : memref<32x1024xf32, #tpu.memory_space<vmem>>[vector<16xi32>, vector<16xi32>], vector<16xf32>,
        %swap3A_327 = arith.index_cast %add3A_288 : i32 to index
        %swap3A_328 = arith.constant 144 : index
        %swap3A_329 = tpu.vector_load %arg7[%swap3A_327, %swap3A_328] {strides = array<i32>} : memref<32x256xf32, #tpu.memory_space<vmem>>, vector<16xf32>,
        tpu.vector_store %arg7[%swap3A_327, %swap3A_328], %gather3A_326 {strides = array<i32>} : memref<32x256xf32, #tpu.memory_space<vmem>>, vector<16xf32>,
        %gather3A_330 = tpu.vector_load_idx %arg5[%broadcast_in_dim3A_289, %add3A_38] : memref<32x1024xf32, #tpu.memory_space<vmem>>[vector<16xi32>, vector<16xi32>], vector<16xf32>,
        %swap3A_331 = arith.index_cast %add3A_288 : i32 to index
        %swap3A_332 = arith.constant 160 : index
        %swap3A_333 = tpu.vector_load %arg7[%swap3A_331, %swap3A_332] {strides = array<i32>} : memref<32x256xf32, #tpu.memory_space<vmem>>, vector<16xf32>,
        tpu.vector_store %arg7[%swap3A_331, %swap3A_332], %gather3A_330 {strides = array<i32>} : memref<32x256xf32, #tpu.memory_space<vmem>>, vector<16xf32>,
        %gather3A_334 = tpu.vector_load_idx %arg5[%broadcast_in_dim3A_289, %add3A_41] : memref<32x1024xf32, #tpu.memory_space<vmem>>[vector<16xi32>, vector<16xi32>], vector<16xf32>,
        %swap3A_335 = arith.index_cast %add3A_288 : i32 to index
        %swap3A_336 = arith.constant 176 : index
        %swap3A_337 = tpu.vector_load %arg7[%swap3A_335, %swap3A_336] {strides = array<i32>} : memref<32x256xf32, #tpu.memory_space<vmem>>, vector<16xf32>,
        tpu.vector_store %arg7[%swap3A_335, %swap3A_336], %gather3A_334 {strides = array<i32>} : memref<32x256xf32, #tpu.memory_space<vmem>>, vector<16xf32>,
        %gather3A_338 = tpu.vector_load_idx %arg5[%broadcast_in_dim3A_289, %add3A_44] : memref<32x1024xf32, #tpu.memory_space<vmem>>[vector<16xi32>, vector<16xi32>], vector<16xf32>,
        %swap3A_339 = arith.index_cast %add3A_288 : i32 to index
        %swap3A_340 = arith.constant 192 : index
        %swap3A_341 = tpu.vector_load %arg7[%swap3A_339, %swap3A_340] {strides = array<i32>} : memref<32x256xf32, #tpu.memory_space<vmem>>, vector<16xf32>,
        tpu.vector_store %arg7[%swap3A_339, %swap3A_340], %gather3A_338 {strides = array<i32>} : memref<32x256xf32, #tpu.memory_space<vmem>>, vector<16xf32>,
        %gather3A_342 = tpu.vector_load_idx %arg5[%broadcast_in_dim3A_289, %add3A_47] : memref<32x1024xf32, #tpu.memory_space<vmem>>[vector<16xi32>, vector<16xi32>], vector<16xf32>,
        %swap3A_343 = arith.index_cast %add3A_288 : i32 to index
        %swap3A_344 = arith.constant 208 : index
        %swap3A_345 = tpu.vector_load %arg7[%swap3A_343, %swap3A_344] {strides = array<i32>} : memref<32x256xf32, #tpu.memory_space<vmem>>, vector<16xf32>,
        tpu.vector_store %arg7[%swap3A_343, %swap3A_344], %gather3A_342 {strides = array<i32>} : memref<32x256xf32, #tpu.memory_space<vmem>>, vector<16xf32>,
        %gather3A_346 = tpu.vector_load_idx %arg5[%broadcast_in_dim3A_289, %add3A_50] : memref<32x1024xf32, #tpu.memory_space<vmem>>[vector<16xi32>, vector<16xi32>], vector<16xf32>,
        %swap3A_347 = arith.index_cast %add3A_288 : i32 to index
        %swap3A_348 = arith.constant 224 : index
        %swap3A_349 = tpu.vector_load %arg7[%swap3A_347, %swap3A_348] {strides = array<i32>} : memref<32x256xf32, #tpu.memory_space<vmem>>, vector<16xf32>,
        tpu.vector_store %arg7[%swap3A_347, %swap3A_348], %gather3A_346 {strides = array<i32>} : memref<32x256xf32, #tpu.memory_space<vmem>>, vector<16xf32>,
        %gather3A_350 = tpu.vector_load_idx %arg5[%broadcast_in_dim3A_289, %add3A_53] : memref<32x1024xf32, #tpu.memory_space<vmem>>[vector<16xi32>, vector<16xi32>], vector<16xf32>,
        %swap3A_351 = arith.index_cast %add3A_288 : i32 to index
        %swap3A_352 = arith.constant 240 : index
        %swap3A_353 = tpu.vector_load %arg7[%swap3A_351, %swap3A_352] {strides = array<i32>} : memref<32x256xf32, #tpu.memory_space<vmem>>, vector<16xf32>,
        tpu.vector_store %arg7[%swap3A_351, %swap3A_352], %gather3A_350 {strides = array<i32>} : memref<32x256xf32, #tpu.memory_space<vmem>>, vector<16xf32>,
        %scan3A_354 = arith.constant 3 : i32
        %scan3A_355 = arith.addi %scan3A_145, %scan3A_354 : i32
        %mul3A_356 = arith.constant 1 : i32
        %mul3A_357 = arith.muli %scan3A_355, %mul3A_356 : i32
        %add3A_358 = arith.constant 0 : i32
        %add3A_359 = arith.addi %add3A_358, %mul3A_357 : i32
        %broadcast_in_dim3A_360 = vector.broadcast %add3A_359 : i32 to vector<16xi32>
        %gather3A_361 = tpu.vector_load_idx %arg5[%broadcast_in_dim3A_360, %add3A_8] : memref<32x1024xf32, #tpu.memory_space<vmem>>[vector<16xi32>, vector<16xi32>], vector<16xf32>,
        %swap3A_362 = arith.index_cast %add3A_359 : i32 to index
        %swap3A_363 = arith.constant 0 : index
        %swap3A_364 = tpu.vector_load %arg7[%swap3A_362, %swap3A_363] {strides = array<i32>} : memref<32x256xf32, #tpu.memory_space<vmem>>, vector<16xf32>,
        tpu.vector_store %arg7[%swap3A_362, %swap3A_363], %gather3A_361 {strides = array<i32>} : memref<32x256xf32, #tpu.memory_space<vmem>>, vector<16xf32>,
        %gather3A_365 = tpu.vector_load_idx %arg5[%broadcast_in_dim3A_360, %add3A_11] : memref<32x1024xf32, #tpu.memory_space<vmem>>[vector<16xi32>, vector<16xi32>], vector<16xf32>,
        %swap3A_366 = arith.index_cast %add3A_359 : i32 to index
        %swap3A_367 = arith.constant 16 : index
        %swap3A_368 = tpu.vector_load %arg7[%swap3A_366, %swap3A_367] {strides = array<i32>} : memref<32x256xf32, #tpu.memory_space<vmem>>, vector<16xf32>,
        tpu.vector_store %arg7[%swap3A_366, %swap3A_367], %gather3A_365 {strides = array<i32>} : memref<32x256xf32, #tpu.memory_space<vmem>>, vector<16xf32>,
        %gather3A_369 = tpu.vector_load_idx %arg5[%broadcast_in_dim3A_360, %add3A_14] : memref<32x1024xf32, #tpu.memory_space<vmem>>[vector<16xi32>, vector<16xi32>], vector<16xf32>,
        %swap3A_370 = arith.index_cast %add3A_359 : i32 to index
        %swap3A_371 = arith.constant 32 : index
        %swap3A_372 = tpu.vector_load %arg7[%swap3A_370, %swap3A_371] {strides = array<i32>} : memref<32x256xf32, #tpu.memory_space<vmem>>, vector<16xf32>,
        tpu.vector_store %arg7[%swap3A_370, %swap3A_371], %gather3A_369 {strides = array<i32>} : memref<32x256xf32, #tpu.memory_space<vmem>>, vector<16xf32>,
        %gather3A_373 = tpu.vector_load_idx %arg5[%broadcast_in_dim3A_360, %add3A_17] : memref<32x1024xf32, #tpu.memory_space<vmem>>[vector<16xi32>, vector<16xi32>], vector<16xf32>,
        %swap3A_374 = arith.index_cast %add3A_359 : i32 to index
        %swap3A_375 = arith.constant 48 : index
        %swap3A_376 = tpu.vector_load %arg7[%swap3A_374, %swap3A_375] {strides = array<i32>} : memref<32x256xf32, #tpu.memory_space<vmem>>, vector<16xf32>,
        tpu.vector_store %arg7[%swap3A_374, %swap3A_375], %gather3A_373 {strides = array<i32>} : memref<32x256xf32, #tpu.memory_space<vmem>>, vector<16xf32>,
        %gather3A_377 = tpu.vector_load_idx %arg5[%broadcast_in_dim3A_360, %add3A_20] : memref<32x1024xf32, #tpu.memory_space<vmem>>[vector<16xi32>, vector<16xi32>], vector<16xf32>,
        %swap3A_378 = arith.index_cast %add3A_359 : i32 to index
        %swap3A_379 = arith.constant 64 : index
        %swap3A_380 = tpu.vector_load %arg7[%swap3A_378, %swap3A_379] {strides = array<i32>} : memref<32x256xf32, #tpu.memory_space<vmem>>, vector<16xf32>,
        tpu.vector_store %arg7[%swap3A_378, %swap3A_379], %gather3A_377 {strides = array<i32>} : memref<32x256xf32, #tpu.memory_space<vmem>>, vector<16xf32>,
        %gather3A_381 = tpu.vector_load_idx %arg5[%broadcast_in_dim3A_360, %add3A_23] : memref<32x1024xf32, #tpu.memory_space<vmem>>[vector<16xi32>, vector<16xi32>], vector<16xf32>,
        %swap3A_382 = arith.index_cast %add3A_359 : i32 to index
        %swap3A_383 = arith.constant 80 : index
        %swap3A_384 = tpu.vector_load %arg7[%swap3A_382, %swap3A_383] {strides = array<i32>} : memref<32x256xf32, #tpu.memory_space<vmem>>, vector<16xf32>,
        tpu.vector_store %arg7[%swap3A_382, %swap3A_383], %gather3A_381 {strides = array<i32>} : memref<32x256xf32, #tpu.memory_space<vmem>>, vector<16xf32>,
        %gather3A_385 = tpu.vector_load_idx %arg5[%broadcast_in_dim3A_360, %add3A_26] : memref<32x1024xf32, #tpu.memory_space<vmem>>[vector<16xi32>, vector<16xi32>], vector<16xf32>,
        %swap3A_386 = arith.index_cast %add3A_359 : i32 to index
        %swap3A_387 = arith.constant 96 : index
        %swap3A_388 = tpu.vector_load %arg7[%swap3A_386, %swap3A_387] {strides = array<i32>} : memref<32x256xf32, #tpu.memory_space<vmem>>, vector<16xf32>,
        tpu.vector_store %arg7[%swap3A_386, %swap3A_387], %gather3A_385 {strides = array<i32>} : memref<32x256xf32, #tpu.memory_space<vmem>>, vector<16xf32>,
        %gather3A_389 = tpu.vector_load_idx %arg5[%broadcast_in_dim3A_360, %add3A_29] : memref<32x1024xf32, #tpu.memory_space<vmem>>[vector<16xi32>, vector<16xi32>], vector<16xf32>,
        %swap3A_390 = arith.index_cast %add3A_359 : i32 to index
        %swap3A_391 = arith.constant 112 : index
        %swap3A_392 = tpu.vector_load %arg7[%swap3A_390, %swap3A_391] {strides = array<i32>} : memref<32x256xf32, #tpu.memory_space<vmem>>, vector<16xf32>,
        tpu.vector_store %arg7[%swap3A_390, %swap3A_391], %gather3A_389 {strides = array<i32>} : memref<32x256xf32, #tpu.memory_space<vmem>>, vector<16xf32>,
        %gather3A_393 = tpu.vector_load_idx %arg5[%broadcast_in_dim3A_360, %add3A_32] : memref<32x1024xf32, #tpu.memory_space<vmem>>[vector<16xi32>, vector<16xi32>], vector<16xf32>,
        %swap3A_394 = arith.index_cast %add3A_359 : i32 to index
        %swap3A_395 = arith.constant 128 : index
        %swap3A_396 = tpu.vector_load %arg7[%swap3A_394, %swap3A_395] {strides = array<i32>} : memref<32x256xf32, #tpu.memory_space<vmem>>, vector<16xf32>,
        tpu.vector_store %arg7[%swap3A_394, %swap3A_395], %gather3A_393 {strides = array<i32>} : memref<32x256xf32, #tpu.memory_space<vmem>>, vector<16xf32>,
        %gather3A_397 = tpu.vector_load_idx %arg5[%broadcast_in_dim3A_360, %add3A_35] : memref<32x1024xf32, #tpu.memory_space<vmem>>[vector<16xi32>, vector<16xi32>], vector<16xf32>,
        %swap3A_398 = arith.index_cast %add3A_359 : i32 to index
        %swap3A_399 = arith.constant 144 : index
        %swap3A_400 = tpu.vector_load %arg7[%swap3A_398, %swap3A_399] {strides = array<i32>} : memref<32x256xf32, #tpu.memory_space<vmem>>, vector<16xf32>,
        tpu.vector_store %arg7[%swap3A_398, %swap3A_399], %gather3A_397 {strides = array<i32>} : memref<32x256xf32, #tpu.memory_space<vmem>>, vector<16xf32>,
        %gather3A_401 = tpu.vector_load_idx %arg5[%broadcast_in_dim3A_360, %add3A_38] : memref<32x1024xf32, #tpu.memory_space<vmem>>[vector<16xi32>, vector<16xi32>], vector<16xf32>,
        %swap3A_402 = arith.index_cast %add3A_359 : i32 to index
        %swap3A_403 = arith.constant 160 : index
        %swap3A_404 = tpu.vector_load %arg7[%swap3A_402, %swap3A_403] {strides = array<i32>} : memref<32x256xf32, #tpu.memory_space<vmem>>, vector<16xf32>,
        tpu.vector_store %arg7[%swap3A_402, %swap3A_403], %gather3A_401 {strides = array<i32>} : memref<32x256xf32, #tpu.memory_space<vmem>>, vector<16xf32>,
        %gather3A_405 = tpu.vector_load_idx %arg5[%broadcast_in_dim3A_360, %add3A_41] : memref<32x1024xf32, #tpu.memory_space<vmem>>[vector<16xi32>, vector<16xi32>], vector<16xf32>,
        %swap3A_406 = arith.index_cast %add3A_359 : i32 to index
        %swap3A_407 = arith.constant 176 : index
        %swap3A_408 = tpu.vector_load %arg7[%swap3A_406, %swap3A_407] {strides = array<i32>} : memref<32x256xf32, #tpu.memory_space<vmem>>, vector<16xf32>,
        tpu.vector_store %arg7[%swap3A_406, %swap3A_407], %gather3A_405 {strides = array<i32>} : memref<32x256xf32, #tpu.memory_space<vmem>>, vector<16xf32>,
        %gather3A_409 = tpu.vector_load_idx %arg5[%broadcast_in_dim3A_360, %add3A_44] : memref<32x1024xf32, #tpu.memory_space<vmem>>[vector<16xi32>, vector<16xi32>], vector<16xf32>,
        %swap3A_410 = arith.index_cast %add3A_359 : i32 to index
        %swap3A_411 = arith.constant 192 : index
        %swap3A_412 = tpu.vector_load %arg7[%swap3A_410, %swap3A_411] {strides = array<i32>} : memref<32x256xf32, #tpu.memory_space<vmem>>, vector<16xf32>,
        tpu.vector_store %arg7[%swap3A_410, %swap3A_411], %gather3A_409 {strides = array<i32>} : memref<32x256xf32, #tpu.memory_space<vmem>>, vector<16xf32>,
        %gather3A_413 = tpu.vector_load_idx %arg5[%broadcast_in_dim3A_360, %add3A_47] : memref<32x1024xf32, #tpu.memory_space<vmem>>[vector<16xi32>, vector<16xi32>], vector<16xf32>,
        %swap3A_414 = arith.index_cast %add3A_359 : i32 to index
        %swap3A_415 = arith.constant 208 : index
        %swap3A_416 = tpu.vector_load %arg7[%swap3A_414, %swap3A_415] {strides = array<i32>} : memref<32x256xf32, #tpu.memory_space<vmem>>, vector<16xf32>,
        tpu.vector_store %arg7[%swap3A_414, %swap3A_415], %gather3A_413 {strides = array<i32>} : memref<32x256xf32, #tpu.memory_space<vmem>>, vector<16xf32>,
        %gather3A_417 = tpu.vector_load_idx %arg5[%broadcast_in_dim3A_360, %add3A_50] : memref<32x1024xf32, #tpu.memory_space<vmem>>[vector<16xi32>, vector<16xi32>], vector<16xf32>,
        %swap3A_418 = arith.index_cast %add3A_359 : i32 to index
        %swap3A_419 = arith.constant 224 : index
        %swap3A_420 = tpu.vector_load %arg7[%swap3A_418, %swap3A_419] {strides = array<i32>} : memref<32x256xf32, #tpu.memory_space<vmem>>, vector<16xf32>,
        tpu.vector_store %arg7[%swap3A_418, %swap3A_419], %gather3A_417 {strides = array<i32>} : memref<32x256xf32, #tpu.memory_space<vmem>>, vector<16xf32>,
        %gather3A_421 = tpu.vector_load_idx %arg5[%broadcast_in_dim3A_360, %add3A_53] : memref<32x1024xf32, #tpu.memory_space<vmem>>[vector<16xi32>, vector<16xi32>], vector<16xf32>,
        %swap3A_422 = arith.index_cast %add3A_359 : i32 to index
        %swap3A_423 = arith.constant 240 : index
        %swap3A_424 = tpu.vector_load %arg7[%swap3A_422, %swap3A_423] {strides = array<i32>} : memref<32x256xf32, #tpu.memory_space<vmem>>, vector<16xf32>,
        tpu.vector_store %arg7[%swap3A_422, %swap3A_423], %gather3A_421 {strides = array<i32>} : memref<32x256xf32, #tpu.memory_space<vmem>>, vector<16xf32>,
        %scan3A_425 = arith.constant 4 : i32
        %scan3A_426 = arith.addi %scan3A_145, %scan3A_425 : i32
        %mul3A_427 = arith.constant 1 : i32
        %mul3A_428 = arith.muli %scan3A_426, %mul3A_427 : i32
        %add3A_429 = arith.constant 0 : i32
        %add3A_430 = arith.addi %add3A_429, %mul3A_428 : i32
        %broadcast_in_dim3A_431 = vector.broadcast %add3A_430 : i32 to vector<16xi32>
        %gather3A_432 = tpu.vector_load_idx %arg5[%broadcast_in_dim3A_431, %add3A_8] : memref<32x1024xf32, #tpu.memory_space<vmem>>[vector<16xi32>, vector<16xi32>], vector<16xf32>,
        %swap3A_433 = arith.index_cast %add3A_430 : i32 to index
        %swap3A_434 = arith.constant 0 : index
        %swap3A_435 = tpu.vector_load %arg7[%swap3A_433, %swap3A_434] {strides = array<i32>} : memref<32x256xf32, #tpu.memory_space<vmem>>, vector<16xf32>,
        tpu.vector_store %arg7[%swap3A_433, %swap3A_434], %gather3A_432 {strides = array<i32>} : memref<32x256xf32, #tpu.memory_space<vmem>>, vector<16xf32>,
        %gather3A_436 = tpu.vector_load_idx %arg5[%broadcast_in_dim3A_431, %add3A_11] : memref<32x1024xf32, #tpu.memory_space<vmem>>[vector<16xi32>, vector<16xi32>], vector<16xf32>,
        %swap3A_437 = arith.index_cast %add3A_430 : i32 to index
        %swap3A_438 = arith.constant 16 : index
        %swap3A_439 = tpu.vector_load %arg7[%swap3A_437, %swap3A_438] {strides = array<i32>} : memref<32x256xf32, #tpu.memory_space<vmem>>, vector<16xf32>,
        tpu.vector_store %arg7[%swap3A_437, %swap3A_438], %gather3A_436 {strides = array<i32>} : memref<32x256xf32, #tpu.memory_space<vmem>>, vector<16xf32>,
        %gather3A_440 = tpu.vector_load_idx %arg5[%broadcast_in_dim3A_431, %add3A_14] : memref<32x1024xf32, #tpu.memory_space<vmem>>[vector<16xi32>, vector<16xi32>], vector<16xf32>,
        %swap3A_441 = arith.index_cast %add3A_430 : i32 to index
        %swap3A_442 = arith.constant 32 : index
        %swap3A_443 = tpu.vector_load %arg7[%swap3A_441, %swap3A_442] {strides = array<i32>} : memref<32x256xf32, #tpu.memory_space<vmem>>, vector<16xf32>,
        tpu.vector_store %arg7[%swap3A_441, %swap3A_442], %gather3A_440 {strides = array<i32>} : memref<32x256xf32, #tpu.memory_space<vmem>>, vector<16xf32>,
        %gather3A_444 = tpu.vector_load_idx %arg5[%broadcast_in_dim3A_431, %add3A_17] : memref<32x1024xf32, #tpu.memory_space<vmem>>[vector<16xi32>, vector<16xi32>], vector<16xf32>,
        %swap3A_445 = arith.index_cast %add3A_430 : i32 to index
        %swap3A_446 = arith.constant 48 : index
        %swap3A_447 = tpu.vector_load %arg7[%swap3A_445, %swap3A_446] {strides = array<i32>} : memref<32x256xf32, #tpu.memory_space<vmem>>, vector<16xf32>,
        tpu.vector_store %arg7[%swap3A_445, %swap3A_446], %gather3A_444 {strides = array<i32>} : memref<32x256xf32, #tpu.memory_space<vmem>>, vector<16xf32>,
        %gather3A_448 = tpu.vector_load_idx %arg5[%broadcast_in_dim3A_431, %add3A_20] : memref<32x1024xf32, #tpu.memory_space<vmem>>[vector<16xi32>, vector<16xi32>], vector<16xf32>,
        %swap3A_449 = arith.index_cast %add3A_430 : i32 to index
        %swap3A_450 = arith.constant 64 : index
        %swap3A_451 = tpu.vector_load %arg7[%swap3A_449, %swap3A_450] {strides = array<i32>} : memref<32x256xf32, #tpu.memory_space<vmem>>, vector<16xf32>,
        tpu.vector_store %arg7[%swap3A_449, %swap3A_450], %gather3A_448 {strides = array<i32>} : memref<32x256xf32, #tpu.memory_space<vmem>>, vector<16xf32>,
        %gather3A_452 = tpu.vector_load_idx %arg5[%broadcast_in_dim3A_431, %add3A_23] : memref<32x1024xf32, #tpu.memory_space<vmem>>[vector<16xi32>, vector<16xi32>], vector<16xf32>,
        %swap3A_453 = arith.index_cast %add3A_430 : i32 to index
        %swap3A_454 = arith.constant 80 : index
        %swap3A_455 = tpu.vector_load %arg7[%swap3A_453, %swap3A_454] {strides = array<i32>} : memref<32x256xf32, #tpu.memory_space<vmem>>, vector<16xf32>,
        tpu.vector_store %arg7[%swap3A_453, %swap3A_454], %gather3A_452 {strides = array<i32>} : memref<32x256xf32, #tpu.memory_space<vmem>>, vector<16xf32>,
        %gather3A_456 = tpu.vector_load_idx %arg5[%broadcast_in_dim3A_431, %add3A_26] : memref<32x1024xf32, #tpu.memory_space<vmem>>[vector<16xi32>, vector<16xi32>], vector<16xf32>,
        %swap3A_457 = arith.index_cast %add3A_430 : i32 to index
        %swap3A_458 = arith.constant 96 : index
        %swap3A_459 = tpu.vector_load %arg7[%swap3A_457, %swap3A_458] {strides = array<i32>} : memref<32x256xf32, #tpu.memory_space<vmem>>, vector<16xf32>,
        tpu.vector_store %arg7[%swap3A_457, %swap3A_458], %gather3A_456 {strides = array<i32>} : memref<32x256xf32, #tpu.memory_space<vmem>>, vector<16xf32>,
        %gather3A_460 = tpu.vector_load_idx %arg5[%broadcast_in_dim3A_431, %add3A_29] : memref<32x1024xf32, #tpu.memory_space<vmem>>[vector<16xi32>, vector<16xi32>], vector<16xf32>,
        %swap3A_461 = arith.index_cast %add3A_430 : i32 to index
        %swap3A_462 = arith.constant 112 : index
        %swap3A_463 = tpu.vector_load %arg7[%swap3A_461, %swap3A_462] {strides = array<i32>} : memref<32x256xf32, #tpu.memory_space<vmem>>, vector<16xf32>,
        tpu.vector_store %arg7[%swap3A_461, %swap3A_462], %gather3A_460 {strides = array<i32>} : memref<32x256xf32, #tpu.memory_space<vmem>>, vector<16xf32>,
        %gather3A_464 = tpu.vector_load_idx %arg5[%broadcast_in_dim3A_431, %add3A_32] : memref<32x1024xf32, #tpu.memory_space<vmem>>[vector<16xi32>, vector<16xi32>], vector<16xf32>,
        %swap3A_465 = arith.index_cast %add3A_430 : i32 to index
        %swap3A_466 = arith.constant 128 : index
        %swap3A_467 = tpu.vector_load %arg7[%swap3A_465, %swap3A_466] {strides = array<i32>} : memref<32x256xf32, #tpu.memory_space<vmem>>, vector<16xf32>,
        tpu.vector_store %arg7[%swap3A_465, %swap3A_466], %gather3A_464 {strides = array<i32>} : memref<32x256xf32, #tpu.memory_space<vmem>>, vector<16xf32>,
        %gather3A_468 = tpu.vector_load_idx %arg5[%broadcast_in_dim3A_431, %add3A_35] : memref<32x1024xf32, #tpu.memory_space<vmem>>[vector<16xi32>, vector<16xi32>], vector<16xf32>,
        %swap3A_469 = arith.index_cast %add3A_430 : i32 to index
        %swap3A_470 = arith.constant 144 : index
        %swap3A_471 = tpu.vector_load %arg7[%swap3A_469, %swap3A_470] {strides = array<i32>} : memref<32x256xf32, #tpu.memory_space<vmem>>, vector<16xf32>,
        tpu.vector_store %arg7[%swap3A_469, %swap3A_470], %gather3A_468 {strides = array<i32>} : memref<32x256xf32, #tpu.memory_space<vmem>>, vector<16xf32>,
        %gather3A_472 = tpu.vector_load_idx %arg5[%broadcast_in_dim3A_431, %add3A_38] : memref<32x1024xf32, #tpu.memory_space<vmem>>[vector<16xi32>, vector<16xi32>], vector<16xf32>,
        %swap3A_473 = arith.index_cast %add3A_430 : i32 to index
        %swap3A_474 = arith.constant 160 : index
        %swap3A_475 = tpu.vector_load %arg7[%swap3A_473, %swap3A_474] {strides = array<i32>} : memref<32x256xf32, #tpu.memory_space<vmem>>, vector<16xf32>,
        tpu.vector_store %arg7[%swap3A_473, %swap3A_474], %gather3A_472 {strides = array<i32>} : memref<32x256xf32, #tpu.memory_space<vmem>>, vector<16xf32>,
        %gather3A_476 = tpu.vector_load_idx %arg5[%broadcast_in_dim3A_431, %add3A_41] : memref<32x1024xf32, #tpu.memory_space<vmem>>[vector<16xi32>, vector<16xi32>], vector<16xf32>,
        %swap3A_477 = arith.index_cast %add3A_430 : i32 to index
        %swap3A_478 = arith.constant 176 : index
        %swap3A_479 = tpu.vector_load %arg7[%swap3A_477, %swap3A_478] {strides = array<i32>} : memref<32x256xf32, #tpu.memory_space<vmem>>, vector<16xf32>,
        tpu.vector_store %arg7[%swap3A_477, %swap3A_478], %gather3A_476 {strides = array<i32>} : memref<32x256xf32, #tpu.memory_space<vmem>>, vector<16xf32>,
        %gather3A_480 = tpu.vector_load_idx %arg5[%broadcast_in_dim3A_431, %add3A_44] : memref<32x1024xf32, #tpu.memory_space<vmem>>[vector<16xi32>, vector<16xi32>], vector<16xf32>,
        %swap3A_481 = arith.index_cast %add3A_430 : i32 to index
        %swap3A_482 = arith.constant 192 : index
        %swap3A_483 = tpu.vector_load %arg7[%swap3A_481, %swap3A_482] {strides = array<i32>} : memref<32x256xf32, #tpu.memory_space<vmem>>, vector<16xf32>,
        tpu.vector_store %arg7[%swap3A_481, %swap3A_482], %gather3A_480 {strides = array<i32>} : memref<32x256xf32, #tpu.memory_space<vmem>>, vector<16xf32>,
        %gather3A_484 = tpu.vector_load_idx %arg5[%broadcast_in_dim3A_431, %add3A_47] : memref<32x1024xf32, #tpu.memory_space<vmem>>[vector<16xi32>, vector<16xi32>], vector<16xf32>,
        %swap3A_485 = arith.index_cast %add3A_430 : i32 to index
        %swap3A_486 = arith.constant 208 : index
        %swap3A_487 = tpu.vector_load %arg7[%swap3A_485, %swap3A_486] {strides = array<i32>} : memref<32x256xf32, #tpu.memory_space<vmem>>, vector<16xf32>,
        tpu.vector_store %arg7[%swap3A_485, %swap3A_486], %gather3A_484 {strides = array<i32>} : memref<32x256xf32, #tpu.memory_space<vmem>>, vector<16xf32>,
        %gather3A_488 = tpu.vector_load_idx %arg5[%broadcast_in_dim3A_431, %add3A_50] : memref<32x1024xf32, #tpu.memory_space<vmem>>[vector<16xi32>, vector<16xi32>], vector<16xf32>,
        %swap3A_489 = arith.index_cast %add3A_430 : i32 to index
        %swap3A_490 = arith.constant 224 : index
        %swap3A_491 = tpu.vector_load %arg7[%swap3A_489, %swap3A_490] {strides = array<i32>} : memref<32x256xf32, #tpu.memory_space<vmem>>, vector<16xf32>,
        tpu.vector_store %arg7[%swap3A_489, %swap3A_490], %gather3A_488 {strides = array<i32>} : memref<32x256xf32, #tpu.memory_space<vmem>>, vector<16xf32>,
        %gather3A_492 = tpu.vector_load_idx %arg5[%broadcast_in_dim3A_431, %add3A_53] : memref<32x1024xf32, #tpu.memory_space<vmem>>[vector<16xi32>, vector<16xi32>], vector<16xf32>,
        %swap3A_493 = arith.index_cast %add3A_430 : i32 to index
        %swap3A_494 = arith.constant 240 : index
        %swap3A_495 = tpu.vector_load %arg7[%swap3A_493, %swap3A_494] {strides = array<i32>} : memref<32x256xf32, #tpu.memory_space<vmem>>, vector<16xf32>,
        tpu.vector_store %arg7[%swap3A_493, %swap3A_494], %gather3A_492 {strides = array<i32>} : memref<32x256xf32, #tpu.memory_space<vmem>>, vector<16xf32>,
        %scan3A_496 = arith.constant 5 : i32
        %scan3A_497 = arith.addi %scan3A_145, %scan3A_496 : i32
        %mul3A_498 = arith.constant 1 : i32
        %mul3A_499 = arith.muli %scan3A_497, %mul3A_498 : i32
        %add3A_500 = arith.constant 0 : i32
        %add3A_501 = arith.addi %add3A_500, %mul3A_499 : i32
        %broadcast_in_dim3A_502 = vector.broadcast %add3A_501 : i32 to vector<16xi32>
        %gather3A_503 = tpu.vector_load_idx %arg5[%broadcast_in_dim3A_502, %add3A_8] : memref<32x1024xf32, #tpu.memory_space<vmem>>[vector<16xi32>, vector<16xi32>], vector<16xf32>,
        %swap3A_504 = arith.index_cast %add3A_501 : i32 to index
        %swap3A_505 = arith.constant 0 : index
        %swap3A_506 = tpu.vector_load %arg7[%swap3A_504, %swap3A_505] {strides = array<i32>} : memref<32x256xf32, #tpu.memory_space<vmem>>, vector<16xf32>,
        tpu.vector_store %arg7[%swap3A_504, %swap3A_505], %gather3A_503 {strides = array<i32>} : memref<32x256xf32, #tpu.memory_space<vmem>>, vector<16xf32>,
        %gather3A_507 = tpu.vector_load_idx %arg5[%broadcast_in_dim3A_502, %add3A_11] : memref<32x1024xf32, #tpu.memory_space<vmem>>[vector<16xi32>, vector<16xi32>], vector<16xf32>,
        %swap3A_508 = arith.index_cast %add3A_501 : i32 to index
        %swap3A_509 = arith.constant 16 : index
        %swap3A_510 = tpu.vector_load %arg7[%swap3A_508, %swap3A_509] {strides = array<i32>} : memref<32x256xf32, #tpu.memory_space<vmem>>, vector<16xf32>,
        tpu.vector_store %arg7[%swap3A_508, %swap3A_509], %gather3A_507 {strides = array<i32>} : memref<32x256xf32, #tpu.memory_space<vmem>>, vector<16xf32>,
        %gather3A_511 = tpu.vector_load_idx %arg5[%broadcast_in_dim3A_502, %add3A_14] : memref<32x1024xf32, #tpu.memory_space<vmem>>[vector<16xi32>, vector<16xi32>], vector<16xf32>,
        %swap3A_512 = arith.index_cast %add3A_501 : i32 to index
        %swap3A_513 = arith.constant 32 : index
        %swap3A_514 = tpu.vector_load %arg7[%swap3A_512, %swap3A_513] {strides = array<i32>} : memref<32x256xf32, #tpu.memory_space<vmem>>, vector<16xf32>,
        tpu.vector_store %arg7[%swap3A_512, %swap3A_513], %gather3A_511 {strides = array<i32>} : memref<32x256xf32, #tpu.memory_space<vmem>>, vector<16xf32>,
        %gather3A_515 = tpu.vector_load_idx %arg5[%broadcast_in_dim3A_502, %add3A_17] : memref<32x1024xf32, #tpu.memory_space<vmem>>[vector<16xi32>, vector<16xi32>], vector<16xf32>,
        %swap3A_516 = arith.index_cast %add3A_501 : i32 to index
        %swap3A_517 = arith.constant 48 : index
        %swap3A_518 = tpu.vector_load %arg7[%swap3A_516, %swap3A_517] {strides = array<i32>} : memref<32x256xf32, #tpu.memory_space<vmem>>, vector<16xf32>,
        tpu.vector_store %arg7[%swap3A_516, %swap3A_517], %gather3A_515 {strides = array<i32>} : memref<32x256xf32, #tpu.memory_space<vmem>>, vector<16xf32>,
        %gather3A_519 = tpu.vector_load_idx %arg5[%broadcast_in_dim3A_502, %add3A_20] : memref<32x1024xf32, #tpu.memory_space<vmem>>[vector<16xi32>, vector<16xi32>], vector<16xf32>,
        %swap3A_520 = arith.index_cast %add3A_501 : i32 to index
        %swap3A_521 = arith.constant 64 : index
        %swap3A_522 = tpu.vector_load %arg7[%swap3A_520, %swap3A_521] {strides = array<i32>} : memref<32x256xf32, #tpu.memory_space<vmem>>, vector<16xf32>,
        tpu.vector_store %arg7[%swap3A_520, %swap3A_521], %gather3A_519 {strides = array<i32>} : memref<32x256xf32, #tpu.memory_space<vmem>>, vector<16xf32>,
        %gather3A_523 = tpu.vector_load_idx %arg5[%broadcast_in_dim3A_502, %add3A_23] : memref<32x1024xf32, #tpu.memory_space<vmem>>[vector<16xi32>, vector<16xi32>], vector<16xf32>,
        %swap3A_524 = arith.index_cast %add3A_501 : i32 to index
        %swap3A_525 = arith.constant 80 : index
        %swap3A_526 = tpu.vector_load %arg7[%swap3A_524, %swap3A_525] {strides = array<i32>} : memref<32x256xf32, #tpu.memory_space<vmem>>, vector<16xf32>,
        tpu.vector_store %arg7[%swap3A_524, %swap3A_525], %gather3A_523 {strides = array<i32>} : memref<32x256xf32, #tpu.memory_space<vmem>>, vector<16xf32>,
        %gather3A_527 = tpu.vector_load_idx %arg5[%broadcast_in_dim3A_502, %add3A_26] : memref<32x1024xf32, #tpu.memory_space<vmem>>[vector<16xi32>, vector<16xi32>], vector<16xf32>,
        %swap3A_528 = arith.index_cast %add3A_501 : i32 to index
        %swap3A_529 = arith.constant 96 : index
        %swap3A_530 = tpu.vector_load %arg7[%swap3A_528, %swap3A_529] {strides = array<i32>} : memref<32x256xf32, #tpu.memory_space<vmem>>, vector<16xf32>,
        tpu.vector_store %arg7[%swap3A_528, %swap3A_529], %gather3A_527 {strides = array<i32>} : memref<32x256xf32, #tpu.memory_space<vmem>>, vector<16xf32>,
        %gather3A_531 = tpu.vector_load_idx %arg5[%broadcast_in_dim3A_502, %add3A_29] : memref<32x1024xf32, #tpu.memory_space<vmem>>[vector<16xi32>, vector<16xi32>], vector<16xf32>,
        %swap3A_532 = arith.index_cast %add3A_501 : i32 to index
        %swap3A_533 = arith.constant 112 : index
        %swap3A_534 = tpu.vector_load %arg7[%swap3A_532, %swap3A_533] {strides = array<i32>} : memref<32x256xf32, #tpu.memory_space<vmem>>, vector<16xf32>,
        tpu.vector_store %arg7[%swap3A_532, %swap3A_533], %gather3A_531 {strides = array<i32>} : memref<32x256xf32, #tpu.memory_space<vmem>>, vector<16xf32>,
        %gather3A_535 = tpu.vector_load_idx %arg5[%broadcast_in_dim3A_502, %add3A_32] : memref<32x1024xf32, #tpu.memory_space<vmem>>[vector<16xi32>, vector<16xi32>], vector<16xf32>,
        %swap3A_536 = arith.index_cast %add3A_501 : i32 to index
        %swap3A_537 = arith.constant 128 : index
        %swap3A_538 = tpu.vector_load %arg7[%swap3A_536, %swap3A_537] {strides = array<i32>} : memref<32x256xf32, #tpu.memory_space<vmem>>, vector<16xf32>,
        tpu.vector_store %arg7[%swap3A_536, %swap3A_537], %gather3A_535 {strides = array<i32>} : memref<32x256xf32, #tpu.memory_space<vmem>>, vector<16xf32>,
        %gather3A_539 = tpu.vector_load_idx %arg5[%broadcast_in_dim3A_502, %add3A_35] : memref<32x1024xf32, #tpu.memory_space<vmem>>[vector<16xi32>, vector<16xi32>], vector<16xf32>,
        %swap3A_540 = arith.index_cast %add3A_501 : i32 to index
        %swap3A_541 = arith.constant 144 : index
        %swap3A_542 = tpu.vector_load %arg7[%swap3A_540, %swap3A_541] {strides = array<i32>} : memref<32x256xf32, #tpu.memory_space<vmem>>, vector<16xf32>,
        tpu.vector_store %arg7[%swap3A_540, %swap3A_541], %gather3A_539 {strides = array<i32>} : memref<32x256xf32, #tpu.memory_space<vmem>>, vector<16xf32>,
        %gather3A_543 = tpu.vector_load_idx %arg5[%broadcast_in_dim3A_502, %add3A_38] : memref<32x1024xf32, #tpu.memory_space<vmem>>[vector<16xi32>, vector<16xi32>], vector<16xf32>,
        %swap3A_544 = arith.index_cast %add3A_501 : i32 to index
        %swap3A_545 = arith.constant 160 : index
        %swap3A_546 = tpu.vector_load %arg7[%swap3A_544, %swap3A_545] {strides = array<i32>} : memref<32x256xf32, #tpu.memory_space<vmem>>, vector<16xf32>,
        tpu.vector_store %arg7[%swap3A_544, %swap3A_545], %gather3A_543 {strides = array<i32>} : memref<32x256xf32, #tpu.memory_space<vmem>>, vector<16xf32>,
        %gather3A_547 = tpu.vector_load_idx %arg5[%broadcast_in_dim3A_502, %add3A_41] : memref<32x1024xf32, #tpu.memory_space<vmem>>[vector<16xi32>, vector<16xi32>], vector<16xf32>,
        %swap3A_548 = arith.index_cast %add3A_501 : i32 to index
        %swap3A_549 = arith.constant 176 : index
        %swap3A_550 = tpu.vector_load %arg7[%swap3A_548, %swap3A_549] {strides = array<i32>} : memref<32x256xf32, #tpu.memory_space<vmem>>, vector<16xf32>,
        tpu.vector_store %arg7[%swap3A_548, %swap3A_549], %gather3A_547 {strides = array<i32>} : memref<32x256xf32, #tpu.memory_space<vmem>>, vector<16xf32>,
        %gather3A_551 = tpu.vector_load_idx %arg5[%broadcast_in_dim3A_502, %add3A_44] : memref<32x1024xf32, #tpu.memory_space<vmem>>[vector<16xi32>, vector<16xi32>], vector<16xf32>,
        %swap3A_552 = arith.index_cast %add3A_501 : i32 to index
        %swap3A_553 = arith.constant 192 : index
        %swap3A_554 = tpu.vector_load %arg7[%swap3A_552, %swap3A_553] {strides = array<i32>} : memref<32x256xf32, #tpu.memory_space<vmem>>, vector<16xf32>,
        tpu.vector_store %arg7[%swap3A_552, %swap3A_553], %gather3A_551 {strides = array<i32>} : memref<32x256xf32, #tpu.memory_space<vmem>>, vector<16xf32>,
        %gather3A_555 = tpu.vector_load_idx %arg5[%broadcast_in_dim3A_502, %add3A_47] : memref<32x1024xf32, #tpu.memory_space<vmem>>[vector<16xi32>, vector<16xi32>], vector<16xf32>,
        %swap3A_556 = arith.index_cast %add3A_501 : i32 to index
        %swap3A_557 = arith.constant 208 : index
        %swap3A_558 = tpu.vector_load %arg7[%swap3A_556, %swap3A_557] {strides = array<i32>} : memref<32x256xf32, #tpu.memory_space<vmem>>, vector<16xf32>,
        tpu.vector_store %arg7[%swap3A_556, %swap3A_557], %gather3A_555 {strides = array<i32>} : memref<32x256xf32, #tpu.memory_space<vmem>>, vector<16xf32>,
        %gather3A_559 = tpu.vector_load_idx %arg5[%broadcast_in_dim3A_502, %add3A_50] : memref<32x1024xf32, #tpu.memory_space<vmem>>[vector<16xi32>, vector<16xi32>], vector<16xf32>,
        %swap3A_560 = arith.index_cast %add3A_501 : i32 to index
        %swap3A_561 = arith.constant 224 : index
        %swap3A_562 = tpu.vector_load %arg7[%swap3A_560, %swap3A_561] {strides = array<i32>} : memref<32x256xf32, #tpu.memory_space<vmem>>, vector<16xf32>,
        tpu.vector_store %arg7[%swap3A_560, %swap3A_561], %gather3A_559 {strides = array<i32>} : memref<32x256xf32, #tpu.memory_space<vmem>>, vector<16xf32>,
        %gather3A_563 = tpu.vector_load_idx %arg5[%broadcast_in_dim3A_502, %add3A_53] : memref<32x1024xf32, #tpu.memory_space<vmem>>[vector<16xi32>, vector<16xi32>], vector<16xf32>,
        %swap3A_564 = arith.index_cast %add3A_501 : i32 to index
        %swap3A_565 = arith.constant 240 : index
        %swap3A_566 = tpu.vector_load %arg7[%swap3A_564, %swap3A_565] {strides = array<i32>} : memref<32x256xf32, #tpu.memory_space<vmem>>, vector<16xf32>,
        tpu.vector_store %arg7[%swap3A_564, %swap3A_565], %gather3A_563 {strides = array<i32>} : memref<32x256xf32, #tpu.memory_space<vmem>>, vector<16xf32>,
        %scan3A_567 = arith.constant 6 : i32
        %scan3A_568 = arith.addi %scan3A_145, %scan3A_567 : i32
        %mul3A_569 = arith.constant 1 : i32
        %mul3A_570 = arith.muli %scan3A_568, %mul3A_569 : i32
        %add3A_571 = arith.constant 0 : i32
        %add3A_572 = arith.addi %add3A_571, %mul3A_570 : i32
        %broadcast_in_dim3A_573 = vector.broadcast %add3A_572 : i32 to vector<16xi32>
        %gather3A_574 = tpu.vector_load_idx %arg5[%broadcast_in_dim3A_573, %add3A_8] : memref<32x1024xf32, #tpu.memory_space<vmem>>[vector<16xi32>, vector<16xi32>], vector<16xf32>,
        %swap3A_575 = arith.index_cast %add3A_572 : i32 to index
        %swap3A_576 = arith.constant 0 : index
        %swap3A_577 = tpu.vector_load %arg7[%swap3A_575, %swap3A_576] {strides = array<i32>} : memref<32x256xf32, #tpu.memory_space<vmem>>, vector<16xf32>,
        tpu.vector_store %arg7[%swap3A_575, %swap3A_576], %gather3A_574 {strides = array<i32>} : memref<32x256xf32, #tpu.memory_space<vmem>>, vector<16xf32>,
        %gather3A_578 = tpu.vector_load_idx %arg5[%broadcast_in_dim3A_573, %add3A_11] : memref<32x1024xf32, #tpu.memory_space<vmem>>[vector<16xi32>, vector<16xi32>], vector<16xf32>,
        %swap3A_579 = arith.index_cast %add3A_572 : i32 to index
        %swap3A_580 = arith.constant 16 : index
        %swap3A_581 = tpu.vector_load %arg7[%swap3A_579, %swap3A_580] {strides = array<i32>} : memref<32x256xf32, #tpu.memory_space<vmem>>, vector<16xf32>,
        tpu.vector_store %arg7[%swap3A_579, %swap3A_580], %gather3A_578 {strides = array<i32>} : memref<32x256xf32, #tpu.memory_space<vmem>>, vector<16xf32>,
        %gather3A_582 = tpu.vector_load_idx %arg5[%broadcast_in_dim3A_573, %add3A_14] : memref<32x1024xf32, #tpu.memory_space<vmem>>[vector<16xi32>, vector<16xi32>], vector<16xf32>,
        %swap3A_583 = arith.index_cast %add3A_572 : i32 to index
        %swap3A_584 = arith.constant 32 : index
        %swap3A_585 = tpu.vector_load %arg7[%swap3A_583, %swap3A_584] {strides = array<i32>} : memref<32x256xf32, #tpu.memory_space<vmem>>, vector<16xf32>,
        tpu.vector_store %arg7[%swap3A_583, %swap3A_584], %gather3A_582 {strides = array<i32>} : memref<32x256xf32, #tpu.memory_space<vmem>>, vector<16xf32>,
        %gather3A_586 = tpu.vector_load_idx %arg5[%broadcast_in_dim3A_573, %add3A_17] : memref<32x1024xf32, #tpu.memory_space<vmem>>[vector<16xi32>, vector<16xi32>], vector<16xf32>,
        %swap3A_587 = arith.index_cast %add3A_572 : i32 to index
        %swap3A_588 = arith.constant 48 : index
        %swap3A_589 = tpu.vector_load %arg7[%swap3A_587, %swap3A_588] {strides = array<i32>} : memref<32x256xf32, #tpu.memory_space<vmem>>, vector<16xf32>,
        tpu.vector_store %arg7[%swap3A_587, %swap3A_588], %gather3A_586 {strides = array<i32>} : memref<32x256xf32, #tpu.memory_space<vmem>>, vector<16xf32>,
        %gather3A_590 = tpu.vector_load_idx %arg5[%broadcast_in_dim3A_573, %add3A_20] : memref<32x1024xf32, #tpu.memory_space<vmem>>[vector<16xi32>, vector<16xi32>], vector<16xf32>,
        %swap3A_591 = arith.index_cast %add3A_572 : i32 to index
        %swap3A_592 = arith.constant 64 : index
        %swap3A_593 = tpu.vector_load %arg7[%swap3A_591, %swap3A_592] {strides = array<i32>} : memref<32x256xf32, #tpu.memory_space<vmem>>, vector<16xf32>,
        tpu.vector_store %arg7[%swap3A_591, %swap3A_592], %gather3A_590 {strides = array<i32>} : memref<32x256xf32, #tpu.memory_space<vmem>>, vector<16xf32>,
        %gather3A_594 = tpu.vector_load_idx %arg5[%broadcast_in_dim3A_573, %add3A_23] : memref<32x1024xf32, #tpu.memory_space<vmem>>[vector<16xi32>, vector<16xi32>], vector<16xf32>,
        %swap3A_595 = arith.index_cast %add3A_572 : i32 to index
        %swap3A_596 = arith.constant 80 : index
        %swap3A_597 = tpu.vector_load %arg7[%swap3A_595, %swap3A_596] {strides = array<i32>} : memref<32x256xf32, #tpu.memory_space<vmem>>, vector<16xf32>,
        tpu.vector_store %arg7[%swap3A_595, %swap3A_596], %gather3A_594 {strides = array<i32>} : memref<32x256xf32, #tpu.memory_space<vmem>>, vector<16xf32>,
        %gather3A_598 = tpu.vector_load_idx %arg5[%broadcast_in_dim3A_573, %add3A_26] : memref<32x1024xf32, #tpu.memory_space<vmem>>[vector<16xi32>, vector<16xi32>], vector<16xf32>,
        %swap3A_599 = arith.index_cast %add3A_572 : i32 to index
        %swap3A_600 = arith.constant 96 : index
        %swap3A_601 = tpu.vector_load %arg7[%swap3A_599, %swap3A_600] {strides = array<i32>} : memref<32x256xf32, #tpu.memory_space<vmem>>, vector<16xf32>,
        tpu.vector_store %arg7[%swap3A_599, %swap3A_600], %gather3A_598 {strides = array<i32>} : memref<32x256xf32, #tpu.memory_space<vmem>>, vector<16xf32>,
        %gather3A_602 = tpu.vector_load_idx %arg5[%broadcast_in_dim3A_573, %add3A_29] : memref<32x1024xf32, #tpu.memory_space<vmem>>[vector<16xi32>, vector<16xi32>], vector<16xf32>,
        %swap3A_603 = arith.index_cast %add3A_572 : i32 to index
        %swap3A_604 = arith.constant 112 : index
        %swap3A_605 = tpu.vector_load %arg7[%swap3A_603, %swap3A_604] {strides = array<i32>} : memref<32x256xf32, #tpu.memory_space<vmem>>, vector<16xf32>,
        tpu.vector_store %arg7[%swap3A_603, %swap3A_604], %gather3A_602 {strides = array<i32>} : memref<32x256xf32, #tpu.memory_space<vmem>>, vector<16xf32>,
        %gather3A_606 = tpu.vector_load_idx %arg5[%broadcast_in_dim3A_573, %add3A_32] : memref<32x1024xf32, #tpu.memory_space<vmem>>[vector<16xi32>, vector<16xi32>], vector<16xf32>,
        %swap3A_607 = arith.index_cast %add3A_572 : i32 to index
        %swap3A_608 = arith.constant 128 : index
        %swap3A_609 = tpu.vector_load %arg7[%swap3A_607, %swap3A_608] {strides = array<i32>} : memref<32x256xf32, #tpu.memory_space<vmem>>, vector<16xf32>,
        tpu.vector_store %arg7[%swap3A_607, %swap3A_608], %gather3A_606 {strides = array<i32>} : memref<32x256xf32, #tpu.memory_space<vmem>>, vector<16xf32>,
        %gather3A_610 = tpu.vector_load_idx %arg5[%broadcast_in_dim3A_573, %add3A_35] : memref<32x1024xf32, #tpu.memory_space<vmem>>[vector<16xi32>, vector<16xi32>], vector<16xf32>,
        %swap3A_611 = arith.index_cast %add3A_572 : i32 to index
        %swap3A_612 = arith.constant 144 : index
        %swap3A_613 = tpu.vector_load %arg7[%swap3A_611, %swap3A_612] {strides = array<i32>} : memref<32x256xf32, #tpu.memory_space<vmem>>, vector<16xf32>,
        tpu.vector_store %arg7[%swap3A_611, %swap3A_612], %gather3A_610 {strides = array<i32>} : memref<32x256xf32, #tpu.memory_space<vmem>>, vector<16xf32>,
        %gather3A_614 = tpu.vector_load_idx %arg5[%broadcast_in_dim3A_573, %add3A_38] : memref<32x1024xf32, #tpu.memory_space<vmem>>[vector<16xi32>, vector<16xi32>], vector<16xf32>,
        %swap3A_615 = arith.index_cast %add3A_572 : i32 to index
        %swap3A_616 = arith.constant 160 : index
        %swap3A_617 = tpu.vector_load %arg7[%swap3A_615, %swap3A_616] {strides = array<i32>} : memref<32x256xf32, #tpu.memory_space<vmem>>, vector<16xf32>,
        tpu.vector_store %arg7[%swap3A_615, %swap3A_616], %gather3A_614 {strides = array<i32>} : memref<32x256xf32, #tpu.memory_space<vmem>>, vector<16xf32>,
        %gather3A_618 = tpu.vector_load_idx %arg5[%broadcast_in_dim3A_573, %add3A_41] : memref<32x1024xf32, #tpu.memory_space<vmem>>[vector<16xi32>, vector<16xi32>], vector<16xf32>,
        %swap3A_619 = arith.index_cast %add3A_572 : i32 to index
        %swap3A_620 = arith.constant 176 : index
        %swap3A_621 = tpu.vector_load %arg7[%swap3A_619, %swap3A_620] {strides = array<i32>} : memref<32x256xf32, #tpu.memory_space<vmem>>, vector<16xf32>,
        tpu.vector_store %arg7[%swap3A_619, %swap3A_620], %gather3A_618 {strides = array<i32>} : memref<32x256xf32, #tpu.memory_space<vmem>>, vector<16xf32>,
        %gather3A_622 = tpu.vector_load_idx %arg5[%broadcast_in_dim3A_573, %add3A_44] : memref<32x1024xf32, #tpu.memory_space<vmem>>[vector<16xi32>, vector<16xi32>], vector<16xf32>,
        %swap3A_623 = arith.index_cast %add3A_572 : i32 to index
        %swap3A_624 = arith.constant 192 : index
        %swap3A_625 = tpu.vector_load %arg7[%swap3A_623, %swap3A_624] {strides = array<i32>} : memref<32x256xf32, #tpu.memory_space<vmem>>, vector<16xf32>,
        tpu.vector_store %arg7[%swap3A_623, %swap3A_624], %gather3A_622 {strides = array<i32>} : memref<32x256xf32, #tpu.memory_space<vmem>>, vector<16xf32>,
        %gather3A_626 = tpu.vector_load_idx %arg5[%broadcast_in_dim3A_573, %add3A_47] : memref<32x1024xf32, #tpu.memory_space<vmem>>[vector<16xi32>, vector<16xi32>], vector<16xf32>,
        %swap3A_627 = arith.index_cast %add3A_572 : i32 to index
        %swap3A_628 = arith.constant 208 : index
        %swap3A_629 = tpu.vector_load %arg7[%swap3A_627, %swap3A_628] {strides = array<i32>} : memref<32x256xf32, #tpu.memory_space<vmem>>, vector<16xf32>,
        tpu.vector_store %arg7[%swap3A_627, %swap3A_628], %gather3A_626 {strides = array<i32>} : memref<32x256xf32, #tpu.memory_space<vmem>>, vector<16xf32>,
        %gather3A_630 = tpu.vector_load_idx %arg5[%broadcast_in_dim3A_573, %add3A_50] : memref<32x1024xf32, #tpu.memory_space<vmem>>[vector<16xi32>, vector<16xi32>], vector<16xf32>,
        %swap3A_631 = arith.index_cast %add3A_572 : i32 to index
        %swap3A_632 = arith.constant 224 : index
        %swap3A_633 = tpu.vector_load %arg7[%swap3A_631, %swap3A_632] {strides = array<i32>} : memref<32x256xf32, #tpu.memory_space<vmem>>, vector<16xf32>,
        tpu.vector_store %arg7[%swap3A_631, %swap3A_632], %gather3A_630 {strides = array<i32>} : memref<32x256xf32, #tpu.memory_space<vmem>>, vector<16xf32>,
        %gather3A_634 = tpu.vector_load_idx %arg5[%broadcast_in_dim3A_573, %add3A_53] : memref<32x1024xf32, #tpu.memory_space<vmem>>[vector<16xi32>, vector<16xi32>], vector<16xf32>,
        %swap3A_635 = arith.index_cast %add3A_572 : i32 to index
        %swap3A_636 = arith.constant 240 : index
        %swap3A_637 = tpu.vector_load %arg7[%swap3A_635, %swap3A_636] {strides = array<i32>} : memref<32x256xf32, #tpu.memory_space<vmem>>, vector<16xf32>,
        tpu.vector_store %arg7[%swap3A_635, %swap3A_636], %gather3A_634 {strides = array<i32>} : memref<32x256xf32, #tpu.memory_space<vmem>>, vector<16xf32>,
        %scan3A_638 = arith.constant 7 : i32
        %scan3A_639 = arith.addi %scan3A_145, %scan3A_638 : i32
        %mul3A_640 = arith.constant 1 : i32
        %mul3A_641 = arith.muli %scan3A_639, %mul3A_640 : i32
        %add3A_642 = arith.constant 0 : i32
        %add3A_643 = arith.addi %add3A_642, %mul3A_641 : i32
        %broadcast_in_dim3A_644 = vector.broadcast %add3A_643 : i32 to vector<16xi32>
        %gather3A_645 = tpu.vector_load_idx %arg5[%broadcast_in_dim3A_644, %add3A_8] : memref<32x1024xf32, #tpu.memory_space<vmem>>[vector<16xi32>, vector<16xi32>], vector<16xf32>,
        %swap3A_646 = arith.index_cast %add3A_643 : i32 to index
        %swap3A_647 = arith.constant 0 : index
        %swap3A_648 = tpu.vector_load %arg7[%swap3A_646, %swap3A_647] {strides = array<i32>} : memref<32x256xf32, #tpu.memory_space<vmem>>, vector<16xf32>,
        tpu.vector_store %arg7[%swap3A_646, %swap3A_647], %gather3A_645 {strides = array<i32>} : memref<32x256xf32, #tpu.memory_space<vmem>>, vector<16xf32>,
        %gather3A_649 = tpu.vector_load_idx %arg5[%broadcast_in_dim3A_644, %add3A_11] : memref<32x1024xf32, #tpu.memory_space<vmem>>[vector<16xi32>, vector<16xi32>], vector<16xf32>,
        %swap3A_650 = arith.index_cast %add3A_643 : i32 to index
        %swap3A_651 = arith.constant 16 : index
        %swap3A_652 = tpu.vector_load %arg7[%swap3A_650, %swap3A_651] {strides = array<i32>} : memref<32x256xf32, #tpu.memory_space<vmem>>, vector<16xf32>,
        tpu.vector_store %arg7[%swap3A_650, %swap3A_651], %gather3A_649 {strides = array<i32>} : memref<32x256xf32, #tpu.memory_space<vmem>>, vector<16xf32>,
        %gather3A_653 = tpu.vector_load_idx %arg5[%broadcast_in_dim3A_644, %add3A_14] : memref<32x1024xf32, #tpu.memory_space<vmem>>[vector<16xi32>, vector<16xi32>], vector<16xf32>,
        %swap3A_654 = arith.index_cast %add3A_643 : i32 to index
        %swap3A_655 = arith.constant 32 : index
        %swap3A_656 = tpu.vector_load %arg7[%swap3A_654, %swap3A_655] {strides = array<i32>} : memref<32x256xf32, #tpu.memory_space<vmem>>, vector<16xf32>,
        tpu.vector_store %arg7[%swap3A_654, %swap3A_655], %gather3A_653 {strides = array<i32>} : memref<32x256xf32, #tpu.memory_space<vmem>>, vector<16xf32>,
        %gather3A_657 = tpu.vector_load_idx %arg5[%broadcast_in_dim3A_644, %add3A_17] : memref<32x1024xf32, #tpu.memory_space<vmem>>[vector<16xi32>, vector<16xi32>], vector<16xf32>,
        %swap3A_658 = arith.index_cast %add3A_643 : i32 to index
        %swap3A_659 = arith.constant 48 : index
        %swap3A_660 = tpu.vector_load %arg7[%swap3A_658, %swap3A_659] {strides = array<i32>} : memref<32x256xf32, #tpu.memory_space<vmem>>, vector<16xf32>,
        tpu.vector_store %arg7[%swap3A_658, %swap3A_659], %gather3A_657 {strides = array<i32>} : memref<32x256xf32, #tpu.memory_space<vmem>>, vector<16xf32>,
        %gather3A_661 = tpu.vector_load_idx %arg5[%broadcast_in_dim3A_644, %add3A_20] : memref<32x1024xf32, #tpu.memory_space<vmem>>[vector<16xi32>, vector<16xi32>], vector<16xf32>,
        %swap3A_662 = arith.index_cast %add3A_643 : i32 to index
        %swap3A_663 = arith.constant 64 : index
        %swap3A_664 = tpu.vector_load %arg7[%swap3A_662, %swap3A_663] {strides = array<i32>} : memref<32x256xf32, #tpu.memory_space<vmem>>, vector<16xf32>,
        tpu.vector_store %arg7[%swap3A_662, %swap3A_663], %gather3A_661 {strides = array<i32>} : memref<32x256xf32, #tpu.memory_space<vmem>>, vector<16xf32>,
        %gather3A_665 = tpu.vector_load_idx %arg5[%broadcast_in_dim3A_644, %add3A_23] : memref<32x1024xf32, #tpu.memory_space<vmem>>[vector<16xi32>, vector<16xi32>], vector<16xf32>,
        %swap3A_666 = arith.index_cast %add3A_643 : i32 to index
        %swap3A_667 = arith.constant 80 : index
        %swap3A_668 = tpu.vector_load %arg7[%swap3A_666, %swap3A_667] {strides = array<i32>} : memref<32x256xf32, #tpu.memory_space<vmem>>, vector<16xf32>,
        tpu.vector_store %arg7[%swap3A_666, %swap3A_667], %gather3A_665 {strides = array<i32>} : memref<32x256xf32, #tpu.memory_space<vmem>>, vector<16xf32>,
        %gather3A_669 = tpu.vector_load_idx %arg5[%broadcast_in_dim3A_644, %add3A_26] : memref<32x1024xf32, #tpu.memory_space<vmem>>[vector<16xi32>, vector<16xi32>], vector<16xf32>,
        %swap3A_670 = arith.index_cast %add3A_643 : i32 to index
        %swap3A_671 = arith.constant 96 : index
        %swap3A_672 = tpu.vector_load %arg7[%swap3A_670, %swap3A_671] {strides = array<i32>} : memref<32x256xf32, #tpu.memory_space<vmem>>, vector<16xf32>,
        tpu.vector_store %arg7[%swap3A_670, %swap3A_671], %gather3A_669 {strides = array<i32>} : memref<32x256xf32, #tpu.memory_space<vmem>>, vector<16xf32>,
        %gather3A_673 = tpu.vector_load_idx %arg5[%broadcast_in_dim3A_644, %add3A_29] : memref<32x1024xf32, #tpu.memory_space<vmem>>[vector<16xi32>, vector<16xi32>], vector<16xf32>,
        %swap3A_674 = arith.index_cast %add3A_643 : i32 to index
        %swap3A_675 = arith.constant 112 : index
        %swap3A_676 = tpu.vector_load %arg7[%swap3A_674, %swap3A_675] {strides = array<i32>} : memref<32x256xf32, #tpu.memory_space<vmem>>, vector<16xf32>,
        tpu.vector_store %arg7[%swap3A_674, %swap3A_675], %gather3A_673 {strides = array<i32>} : memref<32x256xf32, #tpu.memory_space<vmem>>, vector<16xf32>,
        %gather3A_677 = tpu.vector_load_idx %arg5[%broadcast_in_dim3A_644, %add3A_32] : memref<32x1024xf32, #tpu.memory_space<vmem>>[vector<16xi32>, vector<16xi32>], vector<16xf32>,
        %swap3A_678 = arith.index_cast %add3A_643 : i32 to index
        %swap3A_679 = arith.constant 128 : index
        %swap3A_680 = tpu.vector_load %arg7[%swap3A_678, %swap3A_679] {strides = array<i32>} : memref<32x256xf32, #tpu.memory_space<vmem>>, vector<16xf32>,
        tpu.vector_store %arg7[%swap3A_678, %swap3A_679], %gather3A_677 {strides = array<i32>} : memref<32x256xf32, #tpu.memory_space<vmem>>, vector<16xf32>,
        %gather3A_681 = tpu.vector_load_idx %arg5[%broadcast_in_dim3A_644, %add3A_35] : memref<32x1024xf32, #tpu.memory_space<vmem>>[vector<16xi32>, vector<16xi32>], vector<16xf32>,
        %swap3A_682 = arith.index_cast %add3A_643 : i32 to index
        %swap3A_683 = arith.constant 144 : index
        %swap3A_684 = tpu.vector_load %arg7[%swap3A_682, %swap3A_683] {strides = array<i32>} : memref<32x256xf32, #tpu.memory_space<vmem>>, vector<16xf32>,
        tpu.vector_store %arg7[%swap3A_682, %swap3A_683], %gather3A_681 {strides = array<i32>} : memref<32x256xf32, #tpu.memory_space<vmem>>, vector<16xf32>,
        %gather3A_685 = tpu.vector_load_idx %arg5[%broadcast_in_dim3A_644, %add3A_38] : memref<32x1024xf32, #tpu.memory_space<vmem>>[vector<16xi32>, vector<16xi32>], vector<16xf32>,
        %swap3A_686 = arith.index_cast %add3A_643 : i32 to index
        %swap3A_687 = arith.constant 160 : index
        %swap3A_688 = tpu.vector_load %arg7[%swap3A_686, %swap3A_687] {strides = array<i32>} : memref<32x256xf32, #tpu.memory_space<vmem>>, vector<16xf32>,
        tpu.vector_store %arg7[%swap3A_686, %swap3A_687], %gather3A_685 {strides = array<i32>} : memref<32x256xf32, #tpu.memory_space<vmem>>, vector<16xf32>,
        %gather3A_689 = tpu.vector_load_idx %arg5[%broadcast_in_dim3A_644, %add3A_41] : memref<32x1024xf32, #tpu.memory_space<vmem>>[vector<16xi32>, vector<16xi32>], vector<16xf32>,
        %swap3A_690 = arith.index_cast %add3A_643 : i32 to index
        %swap3A_691 = arith.constant 176 : index
        %swap3A_692 = tpu.vector_load %arg7[%swap3A_690, %swap3A_691] {strides = array<i32>} : memref<32x256xf32, #tpu.memory_space<vmem>>, vector<16xf32>,
        tpu.vector_store %arg7[%swap3A_690, %swap3A_691], %gather3A_689 {strides = array<i32>} : memref<32x256xf32, #tpu.memory_space<vmem>>, vector<16xf32>,
        %gather3A_693 = tpu.vector_load_idx %arg5[%broadcast_in_dim3A_644, %add3A_44] : memref<32x1024xf32, #tpu.memory_space<vmem>>[vector<16xi32>, vector<16xi32>], vector<16xf32>,
        %swap3A_694 = arith.index_cast %add3A_643 : i32 to index
        %swap3A_695 = arith.constant 192 : index
        %swap3A_696 = tpu.vector_load %arg7[%swap3A_694, %swap3A_695] {strides = array<i32>} : memref<32x256xf32, #tpu.memory_space<vmem>>, vector<16xf32>,
        tpu.vector_store %arg7[%swap3A_694, %swap3A_695], %gather3A_693 {strides = array<i32>} : memref<32x256xf32, #tpu.memory_space<vmem>>, vector<16xf32>,
        %gather3A_697 = tpu.vector_load_idx %arg5[%broadcast_in_dim3A_644, %add3A_47] : memref<32x1024xf32, #tpu.memory_space<vmem>>[vector<16xi32>, vector<16xi32>], vector<16xf32>,
        %swap3A_698 = arith.index_cast %add3A_643 : i32 to index
        %swap3A_699 = arith.constant 208 : index
        %swap3A_700 = tpu.vector_load %arg7[%swap3A_698, %swap3A_699] {strides = array<i32>} : memref<32x256xf32, #tpu.memory_space<vmem>>, vector<16xf32>,
        tpu.vector_store %arg7[%swap3A_698, %swap3A_699], %gather3A_697 {strides = array<i32>} : memref<32x256xf32, #tpu.memory_space<vmem>>, vector<16xf32>,
        %gather3A_701 = tpu.vector_load_idx %arg5[%broadcast_in_dim3A_644, %add3A_50] : memref<32x1024xf32, #tpu.memory_space<vmem>>[vector<16xi32>, vector<16xi32>], vector<16xf32>,
        %swap3A_702 = arith.index_cast %add3A_643 : i32 to index
        %swap3A_703 = arith.constant 224 : index
        %swap3A_704 = tpu.vector_load %arg7[%swap3A_702, %swap3A_703] {strides = array<i32>} : memref<32x256xf32, #tpu.memory_space<vmem>>, vector<16xf32>,
        tpu.vector_store %arg7[%swap3A_702, %swap3A_703], %gather3A_701 {strides = array<i32>} : memref<32x256xf32, #tpu.memory_space<vmem>>, vector<16xf32>,
        %gather3A_705 = tpu.vector_load_idx %arg5[%broadcast_in_dim3A_644, %add3A_53] : memref<32x1024xf32, #tpu.memory_space<vmem>>[vector<16xi32>, vector<16xi32>], vector<16xf32>,
        %swap3A_706 = arith.index_cast %add3A_643 : i32 to index
        %swap3A_707 = arith.constant 240 : index
        %swap3A_708 = tpu.vector_load %arg7[%swap3A_706, %swap3A_707] {strides = array<i32>} : memref<32x256xf32, #tpu.memory_space<vmem>>, vector<16xf32>,
        tpu.vector_store %arg7[%swap3A_706, %swap3A_707], %gather3A_705 {strides = array<i32>} : memref<32x256xf32, #tpu.memory_space<vmem>>, vector<16xf32>,
      }
      %scan3A_132 = arith.constant 32 : i32
      %ge3A_133 = arith.constant 2 : i32
      %ge3A_134 = arith.cmpi sge, %add3A_113, %ge3A_133 : i32
      %convert_element_type3A_135 = arith.extui %ge3A_134 : i1 to i32
      %cond3A_136 = arith.constant 0 : i32
      %cond3A_137 = arith.cmpi ne, %convert_element_type3A_135, %cond3A_136 : i32
      scf.if %cond3A_137 {
        %sub3A = arith.constant 2 : i32
        %sub3A_145 = arith.subi %add3A_113, %sub3A : i32
        %mul3A_146 = arith.constant 32 : i32
        %mul3A_147 = arith.muli %sub3A_145, %mul3A_146 : i32
        %add3A_148 = arith.addi %mul3A_2, %mul3A_147 : i32
        %dma_wait3A_149 = arith.constant 0 : i32
        %dma_wait3A_150 = tpu.memref_slice %arg3[%add3A_148, %dma_wait3A_149] : memref<32768x256xf32, #tpu.memory_space<hbm>> -> memref<32x256xf32, #tpu.memory_space<hbm>>
        %dma_wait3A_151 = arith.constant 0 : i32
        %dma_wait3A_152 = tpu.memref_slice %arg3[%add3A_148, %dma_wait3A_151] : memref<32768x256xf32, #tpu.memory_space<hbm>> -> memref<32x256xf32, #tpu.memory_space<hbm>>
        tpu.wait_dma2 semaphore(%arg11 : memref<!tpu.dma_semaphore, #tpu.memory_space<semaphore_mem>>) src(%arg7 : memref<32x256xf32, #tpu.memory_space<vmem>>) dst(%dma_wait3A_152 : memref<32x256xf32, #tpu.memory_space<hbm>>)
      } else {
      }
      %mul3A_138 = arith.constant 32 : i32
      %mul3A_139 = arith.muli %add3A_113, %mul3A_138 : i32
      %add3A_140 = arith.addi %mul3A_2, %mul3A_139 : i32
      %dma_start3A_141 = arith.constant 0 : i32
      %dma_start3A_142 = tpu.memref_slice %arg3[%add3A_140, %dma_start3A_141] : memref<32768x256xf32, #tpu.memory_space<hbm>> -> memref<32x256xf32, #tpu.memory_space<hbm>>
      %dma_start3A_143 = arith.constant 0 : i32
      %dma_start3A_144 = tpu.memref_slice %arg3[%add3A_140, %dma_start3A_143] : memref<32768x256xf32, #tpu.memory_space<hbm>> -> memref<32x256xf32, #tpu.memory_space<hbm>>
      tpu.enqueue_dma source(%arg7 : memref<32x256xf32, #tpu.memory_space<vmem>>) target(%dma_start3A_144 : memref<32x256xf32, #tpu.memory_space<hbm>>) target_semaphore(%arg11 : memref<!tpu.dma_semaphore, #tpu.memory_space<semaphore_mem>>)
    }
    %scan3A_62 = arith.constant 16 : i32
    %add3A_63 = arith.constant 960 : i32
    %add3A_64 = arith.addi %mul3A_2, %add3A_63 : i32
    %dma_wait3A = arith.constant 0 : i32
    %dma_wait3A_65 = tpu.memref_slice %arg3[%add3A_64, %dma_wait3A] : memref<32768x256xf32, #tpu.memory_space<hbm>> -> memref<32x256xf32, #tpu.memory_space<hbm>>
    %dma_wait3A_66 = arith.constant 0 : i32
    %dma_wait3A_67 = tpu.memref_slice %arg3[%add3A_64, %dma_wait3A_66] : memref<32768x256xf32, #tpu.memory_space<hbm>> -> memref<32x256xf32, #tpu.memory_space<hbm>>
    tpu.wait_dma2 semaphore(%arg10 : memref<!tpu.dma_semaphore, #tpu.memory_space<semaphore_mem>>) src(%arg6 : memref<32x256xf32, #tpu.memory_space<vmem>>) dst(%dma_wait3A_67 : memref<32x256xf32, #tpu.memory_space<hbm>>)
    %add3A_68 = arith.constant 992 : i32
    %add3A_69 = arith.addi %mul3A_2, %add3A_68 : i32
    %dma_wait3A_70 = arith.constant 0 : i32
    %dma_wait3A_71 = tpu.memref_slice %arg3[%add3A_69, %dma_wait3A_70] : memref<32768x256xf32, #tpu.memory_space<hbm>> -> memref<32x256xf32, #tpu.memory_space<hbm>>
    %dma_wait3A_72 = arith.constant 0 : i32
    %dma_wait3A_73 = tpu.memref_slice %arg3[%add3A_69, %dma_wait3A_72] : memref<32768x256xf32, #tpu.memory_space<hbm>> -> memref<32x256xf32, #tpu.memory_space<hbm>>
    tpu.wait_dma2 semaphore(%arg11 : memref<!tpu.dma_semaphore, #tpu.memory_space<semaphore_mem>>) src(%arg7 : memref<32x256xf32, #tpu.memory_space<vmem>>) dst(%dma_wait3A_73 : memref<32x256xf32, #tpu.memory_space<hbm>>)
    return
  }
}

</mosaic_0001>

<sc_bundles>
// kernel: kernel.3.cloned.1.call-start
scs
__scs_entry_jumppad:
0x0: {  	(pc) =	sbr.rel $0x88, $3  }
0x1: {  	(tag) =	ssettag $0x0;
	lr =	simm.s32 $0x1  }
0x2: {  	[smem:$0x3FA0] =	sst lr;
	_ =	strace $0xD0000000  }
0x3: {  	_ = 	snop  }
0x4: {  	_ = 	snop  }
0x5: {  	_ = 	snop  }
0x6: {  	_ = 	snop  }
0x7: {  	_ = 	snop  }
__scs_overlays_trampoline_lowered:
0x8: {  	[smem:$0x3FAF] =	sst s0  }
0x9: {  	[smem:$0x3FB0] =	sst s1  }
0xa: {  	[smem:$0x3FB1] =	sst s2  }
0xb: {  	[smem:$0x3FB2] =	sst s3  }
0xc: {  	[smem:$0x3FB3] =	sst s4  }
0xd: {  	[smem:$0x3FB4] =	sst s5  }
0xe: {  	[smem:$0x3FB5] =	sst s6  }
0xf: {  	[smem:$0x3FB6] =	sst s7  }
0x10: {  	[smem:$0x3FB7] =	sst s8  }
0x11: {  	[smem:$0x3FB8] =	sst s9;
	s0 =	simm.s32 @!p0 $0x0  }
0x12: {  	s1 =	sld [smem:$0x3F9E];
	s0 =	simm.s32 @p0 $0x1  }
0x13: {  	[smem:$0x3FB9] =	sst s0;
	s0 =	simm.s32 @!p1 $0x0  }
0x14: {  	s2 =	sld [smem:$0x3F9D];
	s0 =	simm.s32 @p1 $0x1  }
0x15: {  	[smem:$0x3FBA] =	sst s0;
	s0 =	simm.s32 @!p2 $0x0  }
0x16: {  	s3 =	sld [smem:$0x3FDB];
	s0 =	simm.s32 @p2 $0x1  }
0x17: {  	s4 =	simm.s32 $0x1BF5;
	[smem:$0x3FBC] =	sst s0  }
0x18: {  	s0 =	sld [smem:$0x3F9F];
	_ =	swait.ge [sflag:s4], $0x0  }
0x19: {  	s7 =	sld [smem:$0x3FA0]  }
0x1a: {  	s8 =	sadd.s32 $0xFFFFE003, lr  }
0x1b: {  	s9 =	sadd.s32 $0xFFFFFEF7, lr;
	s5 =	simm.s32 $0xFFFFFFFF;
	p2 =	slt.u32 s8, $0xFFFFF086  }
0x1c: {  	p1 =	slt.u32 s9, $0xF7A;
	s5 =	simm.s32 @!p2 $0x0  }
0x1d: {  	s5 =	simm.s32 @p1 $0x1;
	p0 =	seq.s32 s7, s2  }
0x1e: {  	s7 =	smul.u32 @!p0 $0xF7A, s2;
	p2 =	seq.s32 @!p0 s5, $0x0  }
0x1f: {  	s9 =	smul.u32 $0xF7A, s1;
	s8 =	simm.s32 @!p0 $0x1BF5;
	p2 =	por !p2, p0  }
0x20: {  	[sflag:s8] =	ssyncset.s32 @!p0 $0xFFFFF086;
	s6 =	sadd.s32 @!p0 s3, s7;
	s7 =	simm.s32 @!p0 $0x108  }
0x21: {  	s3 =	sadd.s32 s3, s9;
	s6 =	sadd.s32 @!p0 $0x88, s6;
	s7 =	simm.s32 @p2 $0x1082  }
0x22: {  	[simem:s7], [sflag:s8] =	dma.local @!p0 [hbm:s6], $0xF7A  }
0x23: {  	s9 =	sor.u32 $0xD0000000, s2;
	s6 =	simm.s32 $0x108;
	_ =	swait.ge @!p0 [sflag:s8], $0x0  }
0x24: {  	s3 =	sadd.s32 $0x88, s3;
	s6 =	simm.s32 @!p1 $0x1082;
	[sflag:s4] =	ssyncset.s32 $0xFFFFF086  }
0x25: {  	[simem:s6], [sflag:s4] =	dma.local [hbm:s3], $0xF7A  }
0x26: {  	[smem:$0x3FA0] =	sst s1;
	(tag) =	ssettag s2;
	_ =	strace s9  }
0x27: {  	s1 =	sld [smem:$0x3FB0]  }
0x28: {  	s2 =	sld [smem:$0x3FB1]  }
0x29: {  	s4 =	sld [smem:$0x3FB3]  }
0x2a: {  	p0 =	seq.s32 s5, $0x0;
	s5 =	sld [smem:$0x3FB4]  }
0x2b: {  	s6 =	sld [smem:$0x3FB5]  }
0x2c: {  	s7 =	sld [smem:$0x3FB6]  }
0x2d: {  	s3 =	simm.s32 $0x108;
	s8 =	sld [smem:$0x3FB7]  }
0x2e: {  	s3 =	simm.s32 @!p0 $0x1082;
	s9 =	sld [smem:$0x3FB8]  }
0x2f: {  	lr =	sadd.s32 s0, s3;
	s0 =	sld [smem:$0x3FAF]  }
0x30: {  	s3 =	sld [smem:$0x3FB2]  }
0x31: {  	[smem:$0x3FBB] =	sst s10  }
0x32: {  	s10 =	sld [smem:$0x3FB9];
	_ =	sdelay $0x3  }
0x33: {  	p0 =	seq.s32 s10, $0x1;
	s10 =	sld [smem:$0x3FBB];
	_ =	sdelay $0x3  }
0x34: {  	[smem:$0x3FBB] =	sst s10  }
0x35: {  	s10 =	sld [smem:$0x3FBA];
	_ =	sdelay $0x3  }
0x36: {  	p1 =	seq.s32 s10, $0x1;
	s10 =	sld [smem:$0x3FBB];
	_ =	sdelay $0x3  }
0x37: {  	[smem:$0x3FBB] =	sst s10  }
0x38: {  	s10 =	sld [smem:$0x3FBC]  }
0x39: {  	_ = 	snop;
	(pc) =	sbr.ind lr, $3  }
0x3a: {  	_ = 	snop  }
0x3b: {  	_ = 	snop  }
0x3c: {  	p2 =	seq.s32 s10, $0x1;
	s10 =	sld [smem:$0x3FBB]  }
0x3d: {  	_ =	shalt  }
0x3e: {  	_ =	shalt  }
0x3f: {  	_ =	shalt  }
0x40: {  	_ =	shalt  }
0x41: {  	_ =	shalt  }
0x42: {  	_ =	shalt  }
0x43: {  	_ =	shalt  }
0x44: {  	_ =	shalt  }
0x45: {  	_ =	shalt  }
0x46: {  	_ =	shalt  }
0x47: {  	_ =	shalt  }
0x48: {  	_ =	shalt  }
0x49: {  	_ =	shalt  }
0x4a: {  	_ =	shalt  }
0x4b: {  	_ =	shalt  }
0x4c: {  	_ =	shalt  }
0x4d: {  	_ =	shalt  }
0x4e: {  	_ =	shalt  }
0x4f: {  	_ =	shalt  }
0x50: {  	_ =	shalt  }
0x51: {  	_ =	shalt  }
0x52: {  	_ =	shalt  }
0x53: {  	_ =	shalt  }
0x54: {  	_ =	shalt  }
0x55: {  	_ =	shalt  }
0x56: {  	_ =	shalt  }
0x57: {  	_ =	shalt  }
0x58: {  	_ =	shalt  }
0x59: {  	_ =	shalt  }
0x5a: {  	_ =	shalt  }
0x5b: {  	_ =	shalt  }
0x5c: {  	_ =	shalt  }
0x5d: {  	_ =	shalt  }
0x5e: {  	_ =	shalt  }
0x5f: {  	_ =	shalt  }
0x60: {  	_ =	shalt  }
0x61: {  	_ =	shalt  }
0x62: {  	_ =	shalt  }
0x63: {  	_ =	shalt  }
0x64: {  	_ =	shalt  }
0x65: {  	_ =	shalt  }
0x66: {  	_ =	shalt  }
0x67: {  	_ =	shalt  }
0x68: {  	_ =	shalt  }
0x69: {  	_ =	shalt  }
0x6a: {  	_ =	shalt  }
0x6b: {  	_ =	shalt  }
0x6c: {  	_ =	shalt  }
0x6d: {  	_ =	shalt  }
0x6e: {  	_ =	shalt  }
0x6f: {  	_ =	shalt  }
0x70: {  	_ =	shalt  }
0x71: {  	_ =	shalt  }
0x72: {  	_ =	shalt  }
0x73: {  	_ =	shalt  }
0x74: {  	_ =	shalt  }
0x75: {  	_ =	shalt  }
0x76: {  	_ =	shalt  }
0x77: {  	_ =	shalt  }
0x78: {  	_ =	shalt  }
0x79: {  	_ =	shalt  }
0x7a: {  	_ =	shalt  }
0x7b: {  	_ =	shalt  }
0x7c: {  	_ =	shalt  }
0x7d: {  	_ =	shalt  }
0x7e: {  	_ =	shalt  }
0x7f: {  	_ =	shalt  }
0x80: {  	_ =	shalt  }
0x81: {  	_ =	shalt  }
0x82: {  	_ =	shalt  }
0x83: {  	_ =	shalt  }
0x84: {  	_ =	shalt  }
0x85: {  	_ =	shalt  }
0x86: {  	_ =	shalt  }
0x87: {  	_ =	shalt  }
.Lfunc_end0:
.L_simem_size_0:
called_computation_lowered:
.L_overlay_start_0:
0x88: {  	s2 =	sld [smem:$0x3FD9]  }
0x89: {  	s3 =	sld [smem:$0x3FFE];
	_ =	sdelay $0x1  }
0x8a: {  	s1 =	srdreg.scid  }
0x8b: {  	s0 =	sand.u32 $0x1, s1  }
0x8c: {  	s18 =	sshll.u32 s0, $0xA;
	s2 =	sadd.s32 s3, s2  }
0x8d: {  	s2 =	sadd.s32 s2, s18  }
0x8e: {  	[smem:$0x3FC7] =	sst s2  }
0x8f: {  	_ = 	snop  }
0x90: {  	s2 =	sld [smem:$0x3FC9]  }
0x91: {  	s19 =	sld [smem:$0x3FD0];
	(tm) =	ssettm $0x1  }
0x92: {  	s4 =	sld [smem:$0x3FFB];
	_ =	sdelay $0x3  }
0x93: {  	_ =	strace s4  }
0x94: {  	s4 =	sld [smem:$0x3FFC];
	_ =	sdelay $0x3  }
0x95: {  	_ =	strace s4  }
0x96: {  	s4 =	sld [smem:$0x3FFD];
	_ =	sdelay $0x3  }
0x97: {  	_ =	strace s4  }
0x98: {  	_ =	strace $0x8FFFFFFF  }
0x99: {  	s20 =	sld [smem:$0x3FDB];
	_ =	sdelay $0x1  }
0x9a: {  	s5 =	simm.s32 $_scs_section_size  }
0x9b: {  	s6 =	simm.s32 $_size__tile_overlayer_lowered;
	s7 =	simm.s32 $_tile_overlayer_lowered  }
0x9c: {  	s23 =	simm.s32 $0x1BFF;
	s22 =	sshll.u32 s7, $0x1;
	s4 =	sadd.s32 s5, s20  }
0x9d: {  	s8 =	simm.s32 $0x0;
	s21 =	sshll.u32 s6, $0x1;
	s6 =	sadd.s32 s22, s4  }
0x9e: {  	[timem:s8], [sflag:s23] =	dma.local [hbm:s6], s21  }
0x9f: {  	_ =	swait.ge [sflag:s23], s21  }
0xa0: {  	s5 =	ssub.s32 $0x0, s21;
	[sflag:s23] =	ssyncset.done $0x0  }
0xa1: {  	[sflag:s23] =	ssyncadd.s32 s5;
	_ =	sdelay $0x1  }
0xa2: {  	s24 =	simm.s32 $0x1B8B  }
0xa3: {  	_ =	swait.ge [sflag:s24], $0x1  }
0xa4: {  	[sflag:s24] =	ssyncset.done $0x0  }
0xa5: {  	s25 =	simm.s32 $0x1B8E;
	[sflag:s24] =	ssyncadd.s32 $0xFFFFFFFF  }
0xa6: {  	s26 =	simm.s32 $execute0_lowered;
	[smem:$0x3FD2] =	sst s25  }
0xa7: {  	s5 =	sshll.u32 s26, $0x1;
	_ =	strace $0x80000046;
	[dreg:$0x1] =	wrdreg $0xFFFFFFFF  }
0xa8: {  	s28 =	simm.s32 $_size_execute0_lowered;
	s4 =	sadd.s32 s4, s5;
	[dreg:$0x0] =	wrdreg $0x0  }
0xa9: {  	s5 =	sshll.u32 s28, $0x1;
	[dreg:$0x2] =	wrdreg s4  }
0xaa: {  	[dreg:$0x3] =	wrdreg s5  }
0xab: {  	[dreg:$0x4] =	wrdreg $0xC0  }
0xac: {  	_ =	task [dreg:s8], $0x5FFFF  }
0xad: {  	[dreg:$0x1] =	wrdreg $0xFFFFFFFF  }
0xae: {  	[dreg:$0x0] =	wrdreg $0x60  }
0xaf: {  	[dreg:$0x2] =	wrdreg s2  }
0xb0: {  	[dreg:$0x3] =	wrdreg s19  }
0xb1: {  	[dreg:$0x4] =	wrdreg $0x9  }
0xb2: {  	_ =	task.clear_ibuf [dreg:s8], $0x5FFFF;
	_ =	strace $0x90000046  }
0xb3: {  	s29 =	simm.s32 $0x9;
	_ =	strace $0x80000048  }
0xb4: {  	_ =	swait.ge [sflag:s29], $0x1  }
0xb5: {  	[sflag:s29] =	ssyncadd.s32 $0xFFFFFFFF  }
0xb6: {  	_ =	strace $0x90000048  }
0xb7: {  	_ =	sfence  }
0xb8: {  	s30 =	sld [smem:$0x0];
	_ =	sdelay $0x2  }
0xb9: {  	s31 =	sshll.u32 s1, $0xD;
	s1 =	sshrl.u32 s1, $0x2  }
0xba: {  	s3 =	sand.u32 $0x4000, s31;
	s1 =	sadd.s32 s1, s30  }
0xbb: {  	s0 =	sor.u32 s3, s0;
	s1 =	sshll.u32 s1, $0x11  }
0xbc: {  	s0 =	sor.u32 s1, s0  }
0xbd: {  	s0 =	sadd.s32 $0x8F2B, s0  }
0xbe: {  	[sflag:s0] =	ssyncadd.remote.s32 $0x1  }
0xbf: {  	_ =	sfence.sel $0xFFFF  }
0xc0: {  	[dreg:$0x0] =	wrdreg $0xFFFFFFFF;
	(pc) =	sbr.abs _section_cstart, $3  }
0xc1: {  	[dreg:$0x1] =	wrdreg $0xFFFFFFFF  }
0xc2: {  	_ =	task.clear_ibuf [dreg:s8], $0x2FFFF;
	_ =	strace $0x9FFFFFFF  }
0xc3: {  	(tm) =	ssettm $0x7FFFFFFF  }
tec
execute0_lowered:
.L_overlay_start_1:
0x0: {  	(tag) =	ssettag $0x1  }
0x1: {  	v0 =	vlaneseq.u32  }
0x2: {  	v4 =	vmul.u32 $0x4, v0;
	_ =	sdelay $0x1  }
0x3: {  	v2 =	vor.u32 $0x40, v4;
	v7 =	vor.u32 $0x400, v4;
	v6 =	vor.u32 $0x440, v4  }
0x4: {  	v9 =	vor.u32 $0x800, v4;
	v8 =	vor.u32 $0x840, v4;
	v3 =	vor.u32 $0xC00, v4  }
0x5: {  	v10 =	vor.u32 $0xC40, v4;
	v11 =	vor.u32 $0x1000, v4;
	v12 =	vor.u32 $0x1040, v4  }
0x6: {  	v13 =	vor.u32 $0x1400, v4;
	v14 =	vor.u32 $0x1440, v4;
	v15 =	vor.u32 $0x1800, v4  }
0x7: {  	v16 =	vor.u32 $0x1840, v4;
	v17 =	vor.u32 $0x1C00, v4;
	v18 =	vor.u32 $0x1C40, v4  }
0x8: {  	v19 =	vor.u32 $0x80, v4;
	v20 =	vor.u32 $0xC0, v4;
	v21 =	vor.u32 $0x480, v4  }
0x9: {  	v22 =	vor.u32 $0x4C0, v4;
	v23 =	vor.u32 $0x880, v4;
	v24 =	vor.u32 $0x8C0, v4  }
0xa: {  	v25 =	vor.u32 $0xC80, v4;
	v26 =	vor.u32 $0xCC0, v4;
	v27 =	vor.u32 $0x1080, v4  }
0xb: {  	v28 =	vor.u32 $0x10C0, v4;
	v29 =	vor.u32 $0x1480, v4;
	v30 =	vor.u32 $0x14C0, v4  }
0xc: {  	v31 =	vor.u32 $0x1880, v4;
	v32 =	vor.u32 $0x18C0, v4;
	v33 =	vor.u32 $0x1C80, v4  }
0xd: {  	s3 =	rddreg [dreg:$0x0];
	v34 =	vor.u32 $0x1CC0, v4;
	v35 =	vor.u32 $0x100, v4;
	v36 =	vor.u32 $0x140, v4  }
0xe: {  	s4 =	rddreg [dreg:$0x1];
	s2 =	srdreg.scid;
	v37 =	vor.u32 $0x500, v4;
	v38 =	vor.u32 $0x540, v4;
	v39 =	vor.u32 $0x900, v4  }
0xf: {  	s0 =	rddreg [dreg:$0x2];
	s1 =	stileid.u32;
	v40 =	vor.u32 $0x940, v4;
	v41 =	vor.u32 $0xD00, v4;
	v42 =	vor.u32 $0xD40, v4  }
0x10: {  	s9 =	simm.s32 $0x10000;
	s5 =	sand.u32 $0x1, s2;
	s2 =	simm.s32 $0x0;
	v43 =	vor.u32 $0x1100, v4;
	v44 =	vor.u32 $0x1140, v4;
	v45 =	vor.u32 $0x1500, v4  }
0x11: {  	s10 =	simm.s32 $0x2;
	s11 =	simm.s32 $0x12000;
	[smem:$0x7FF] =	sst s2;
	v46 =	vor.u32 $0x1540, v4;
	v47 =	vor.u32 $0x1900, v4;
	v0 =	vor.u32 $0x1D80, v4  }
0x12: {  	s12 =	simm.s32 $0x3;
	s13 =	simm.s32 $0x4;
	v48 =	vor.u32 $0x1940, v4;
	_ =	strace $0x80000047;
	v49 =	vor.u32 $0x1D00, v4;
	v50 =	vor.u32 $0x1D40, v4;
	[tilespmem:$0x1FFA0] =	vst v0  }
0x13: {  	s6 =	sshll.u32 s1, $0xB;
	s7 =	sshll.u32 s5, $0xA;
	s5 =	ssub.s32 $0x2, s5;
	v51 =	vor.u32 $0x180, v4;
	v52 =	vor.u32 $0x1C0, v4;
	v53 =	vor.u32 $0x580, v4;
	[tilespmem:$0x1FFC0] =	vst v2  }
0x14: {  	s14 =	simm.s32 $0x0;
	s6 =	sor.u32 s7, s6;
	s8 =	sshrl.u32 s5, $0x1;
	v54 =	vor.u32 $0x5C0, v4;
	v55 =	vor.u32 $0x980, v4;
	v56 =	vor.u32 $0x9C0, v4;
	[tilespmem:$0x1FFD0] =	vst v7  }
0x15: {  	v57 =	vor.u32 $0xD80, v4;
	v58 =	vor.u32 $0xDC0, v4;
	v59 =	vor.u32 $0x1180, v4;
	s7 =	sshll.u32 s6, $0x7;
	s6 =	sshll.u32 s6, $0x5;
	s31 =	ssub.s32 s5, s8;
	[tilespmem:$0x1FFE0] =	vst v9  }
0x16: {  	v60 =	vor.u32 $0x11C0, v4;
	v61 =	vor.u32 $0x1580, v4;
	s8 =	simm.s32 $0x1;
	v0 =	vor.u32 $0x1DC0, v4;
	[tilespmem:$0x1FFF0] =	vst v3;
	s3 =	sadd.s32 s3, s7;
	s4 =	sadd.s32 s4, s6  }
0x17: {  	v62 =	vor.u32 $0x15C0, v4;
	v63 =	vor.u32 $0x1980, v4;
	v5 =	vor.u32 $0x19C0, v4;
	s6 =	smax.u32 s31, $0x1;
	s7 =	simm.s32 $0x8000;
	[tilespmem:$0x1FFB0] =	vst v0;
	s5 =	sadd.s32 $0x2000, s3  }
.LBB2_1:
0x18: {  	[tilespmem:s2], [sflag:$0x1] =	stream.linear.gather [hbm4b:s3+s2], $0x8000, $0x38;
	[tilespmem:$0x14000] =	vst v63  }
0x19: {  	s15 =	simm.s32 $0x0  }
.LBB2_2:
0x1a: {  	s17 =	simm.s32 $0x0  }
0x1b: {  	v0 =	vmov s17  }
0x1c: {  	v0 =	vshrl.u32 v0, $0x3  }
0x1d: {  	v0 =	vshll.u32 v0, $0xD  }
0x1e: {  	s16 =	sshllo.u32 s15, $0x1;
	v1 =	vbroadcast v0, $0x0  }
0x1f: {  	s18 =	sshll.u32 s16, $0xC  }
0x20: {  	s18 =	sadd.s32 s18, s3;
	v0 =	vor.u32 v4, v1  }
0x21: {  	[tilespmem:s7], [sflag:$0x2] =	stream.linear.gather [hbm4b:s18+s2], $0x8000, $0x38;
	[tilespmem:$0x14000] =	vst v63  }
0x22: {  	_ =	swait.ge [sflag:s8], $0x8000  }
0x23: {  	[sflag:s8] =	ssyncset.done $0x0  }
0x24: {  	[sflag:s8] =	ssyncadd.s32 $0xFFFF8000  }
0x25: {  	v0 =	vld.idx.msk [tilespmem:v0+s2+$0x0], $0xffff  }
0x26: {  	v2 =	vor.u32 v2, v1;
	_ =	sdelay $0x2  }
0x27: {  	s18 =	simm.s32 $0x10400  }
0x28: {  	[tilespmem:s18+$0xFFFFFC00] =	vst v0  }
0x29: {  	v0 =	vld.idx.msk [tilespmem:v2+s2+$0x0], $0xffff  }
0x2a: {  	v2 =	vor.u32 v7, v1;
	_ =	sdelay $0x3  }
0x2b: {  	[tilespmem:s18+$0xFFFFFC10] =	vst v0  }
0x2c: {  	v0 =	vld.idx.msk [tilespmem:v2+s2+$0x0], $0xffff  }
0x2d: {  	v2 =	vor.u32 v6, v1;
	_ =	sdelay $0x3  }
0x2e: {  	[tilespmem:s18+$0xFFFFFC20] =	vst v0  }
0x2f: {  	v0 =	vld.idx.msk [tilespmem:v2+s2+$0x0], $0xffff  }
0x30: {  	v2 =	vor.u32 v9, v1;
	_ =	sdelay $0x3  }
0x31: {  	[tilespmem:s18+$0xFFFFFC30] =	vst v0  }
0x32: {  	v0 =	vld.idx.msk [tilespmem:v2+s2+$0x0], $0xffff  }
0x33: {  	v2 =	vor.u32 v8, v1;
	_ =	sdelay $0x3  }
0x34: {  	[tilespmem:s18+$0xFFFFFC40] =	vst v0  }
0x35: {  	v0 =	vld.idx.msk [tilespmem:v2+s2+$0x0], $0xffff  }
0x36: {  	v2 =	vor.u32 v3, v1;
	_ =	sdelay $0x3  }
0x37: {  	[tilespmem:s18+$0xFFFFFC50] =	vst v0  }
0x38: {  	v0 =	vld.idx.msk [tilespmem:v2+s2+$0x0], $0xffff  }
0x39: {  	v2 =	vor.u32 v10, v1;
	_ =	sdelay $0x3  }
0x3a: {  	[tilespmem:s18+$0xFFFFFC60] =	vst v0  }
0x3b: {  	v0 =	vld.idx.msk [tilespmem:v2+s2+$0x0], $0xffff  }
0x3c: {  	v2 =	vor.u32 v11, v1;
	_ =	sdelay $0x3  }
0x3d: {  	[tilespmem:s18+$0xFFFFFC70] =	vst v0  }
0x3e: {  	v0 =	vld.idx.msk [tilespmem:v2+s2+$0x0], $0xffff  }
0x3f: {  	v2 =	vor.u32 v12, v1;
	_ =	sdelay $0x3  }
0x40: {  	[tilespmem:s18+$0x0] =	vst v0  }
0x41: {  	v0 =	vld.idx.msk [tilespmem:v2+s2+$0x0], $0xffff  }
0x42: {  	v2 =	vor.u32 v13, v1;
	_ =	sdelay $0x3  }
0x43: {  	[tilespmem:s18+$0x10] =	vst v0  }
0x44: {  	v0 =	vld.idx.msk [tilespmem:v2+s2+$0x0], $0xffff  }
0x45: {  	v2 =	vor.u32 v14, v1;
	_ =	sdelay $0x3  }
0x46: {  	[tilespmem:s18+$0x20] =	vst v0  }
0x47: {  	v0 =	vld.idx.msk [tilespmem:v2+s2+$0x0], $0xffff  }
0x48: {  	v2 =	vor.u32 v15, v1;
	_ =	sdelay $0x3  }
0x49: {  	[tilespmem:s18+$0x30] =	vst v0  }
0x4a: {  	v0 =	vld.idx.msk [tilespmem:v2+s2+$0x0], $0xffff  }
0x4b: {  	v2 =	vor.u32 v16, v1;
	_ =	sdelay $0x3  }
0x4c: {  	[tilespmem:s18+$0x40] =	vst v0  }
0x4d: {  	v0 =	vld.idx.msk [tilespmem:v2+s2+$0x0], $0xffff  }
0x4e: {  	v2 =	vor.u32 v17, v1;
	_ =	sdelay $0x3  }
0x4f: {  	[tilespmem:s18+$0x50] =	vst v0  }
0x50: {  	v0 =	vld.idx.msk [tilespmem:v2+s2+$0x0], $0xffff  }
0x51: {  	v2 =	vor.u32 v18, v1;
	_ =	sdelay $0x3  }
0x52: {  	[tilespmem:s18+$0x60] =	vst v0  }
0x53: {  	v0 =	vld.idx.msk [tilespmem:v2+s2+$0x0], $0xffff  }
0x54: {  	v2 =	vor.u32 v19, v1;
	_ =	sdelay $0x3  }
0x55: {  	[tilespmem:s18+$0x70] =	vst v0  }
0x56: {  	v0 =	vld.idx.msk [tilespmem:v2+s2+$0x0], $0xffff  }
0x57: {  	v2 =	vor.u32 v20, v1;
	_ =	sdelay $0x3  }
0x58: {  	[tilespmem:s18+$0xFFFFFC80] =	vst v0  }
0x59: {  	v0 =	vld.idx.msk [tilespmem:v2+s2+$0x0], $0xffff  }
0x5a: {  	v2 =	vor.u32 v21, v1;
	_ =	sdelay $0x3  }
0x5b: {  	[tilespmem:s18+$0xFFFFFC90] =	vst v0  }
0x5c: {  	v0 =	vld.idx.msk [tilespmem:v2+s2+$0x0], $0xffff  }
0x5d: {  	v2 =	vor.u32 v22, v1;
	_ =	sdelay $0x3  }
0x5e: {  	[tilespmem:s18+$0xFFFFFCA0] =	vst v0  }
0x5f: {  	v0 =	vld.idx.msk [tilespmem:v2+s2+$0x0], $0xffff  }
0x60: {  	v2 =	vor.u32 v23, v1;
	_ =	sdelay $0x3  }
0x61: {  	[tilespmem:s18+$0xFFFFFCB0] =	vst v0  }
0x62: {  	v0 =	vld.idx.msk [tilespmem:v2+s2+$0x0], $0xffff  }
0x63: {  	v2 =	vor.u32 v24, v1;
	_ =	sdelay $0x3  }
0x64: {  	[tilespmem:s18+$0xFFFFFCC0] =	vst v0  }
0x65: {  	v0 =	vld.idx.msk [tilespmem:v2+s2+$0x0], $0xffff  }
0x66: {  	v2 =	vor.u32 v25, v1;
	_ =	sdelay $0x3  }
0x67: {  	[tilespmem:s18+$0xFFFFFCD0] =	vst v0  }
0x68: {  	v0 =	vld.idx.msk [tilespmem:v2+s2+$0x0], $0xffff  }
0x69: {  	v2 =	vor.u32 v26, v1;
	_ =	sdelay $0x3  }
0x6a: {  	[tilespmem:s18+$0xFFFFFCE0] =	vst v0  }
0x6b: {  	v0 =	vld.idx.msk [tilespmem:v2+s2+$0x0], $0xffff  }
0x6c: {  	v2 =	vor.u32 v27, v1;
	_ =	sdelay $0x3  }
0x6d: {  	[tilespmem:s18+$0xFFFFFCF0] =	vst v0  }
0x6e: {  	v0 =	vld.idx.msk [tilespmem:v2+s2+$0x0], $0xffff  }
0x6f: {  	v2 =	vor.u32 v28, v1;
	_ =	sdelay $0x3  }
0x70: {  	[tilespmem:s18+$0x80] =	vst v0  }
0x71: {  	v0 =	vld.idx.msk [tilespmem:v2+s2+$0x0], $0xffff  }
0x72: {  	v2 =	vor.u32 v29, v1;
	_ =	sdelay $0x3  }
0x73: {  	[tilespmem:s18+$0x90] =	vst v0  }
0x74: {  	v0 =	vld.idx.msk [tilespmem:v2+s2+$0x0], $0xffff  }
0x75: {  	v2 =	vor.u32 v30, v1;
	_ =	sdelay $0x3  }
0x76: {  	[tilespmem:s18+$0xA0] =	vst v0  }
0x77: {  	v0 =	vld.idx.msk [tilespmem:v2+s2+$0x0], $0xffff  }
0x78: {  	v2 =	vor.u32 v31, v1;
	_ =	sdelay $0x3  }
0x79: {  	[tilespmem:s18+$0xB0] =	vst v0  }
0x7a: {  	v0 =	vld.idx.msk [tilespmem:v2+s2+$0x0], $0xffff  }
0x7b: {  	v2 =	vor.u32 v32, v1;
	_ =	sdelay $0x3  }
0x7c: {  	[tilespmem:s18+$0xC0] =	vst v0  }
0x7d: {  	v0 =	vld.idx.msk [tilespmem:v2+s2+$0x0], $0xffff  }
0x7e: {  	v2 =	vor.u32 v33, v1;
	_ =	sdelay $0x3  }
0x7f: {  	[tilespmem:s18+$0xD0] =	vst v0  }
0x80: {  	v0 =	vld.idx.msk [tilespmem:v2+s2+$0x0], $0xffff  }
0x81: {  	v2 =	vor.u32 v34, v1;
	_ =	sdelay $0x3  }
0x82: {  	[tilespmem:s18+$0xE0] =	vst v0  }
0x83: {  	v0 =	vld.idx.msk [tilespmem:v2+s2+$0x0], $0xffff  }
0x84: {  	v2 =	vor.u32 v35, v1;
	_ =	sdelay $0x3  }
0x85: {  	[tilespmem:s18+$0xF0] =	vst v0  }
0x86: {  	v0 =	vld.idx.msk [tilespmem:v2+s2+$0x0], $0xffff  }
0x87: {  	v2 =	vor.u32 v36, v1;
	_ =	sdelay $0x3  }
0x88: {  	[tilespmem:s18+$0xFFFFFD00] =	vst v0  }
0x89: {  	v0 =	vld.idx.msk [tilespmem:v2+s2+$0x0], $0xffff  }
0x8a: {  	v2 =	vor.u32 v37, v1;
	_ =	sdelay $0x3  }
0x8b: {  	[tilespmem:s18+$0xFFFFFD10] =	vst v0  }
0x8c: {  	v0 =	vld.idx.msk [tilespmem:v2+s2+$0x0], $0xffff  }
0x8d: {  	v2 =	vor.u32 v38, v1;
	_ =	sdelay $0x3  }
0x8e: {  	[tilespmem:s18+$0xFFFFFD20] =	vst v0  }
0x8f: {  	v0 =	vld.idx.msk [tilespmem:v2+s2+$0x0], $0xffff  }
0x90: {  	v2 =	vor.u32 v39, v1;
	_ =	sdelay $0x3  }
0x91: {  	[tilespmem:s18+$0xFFFFFD30] =	vst v0  }
0x92: {  	v0 =	vld.idx.msk [tilespmem:v2+s2+$0x0], $0xffff  }
0x93: {  	v2 =	vor.u32 v40, v1;
	_ =	sdelay $0x3  }
0x94: {  	[tilespmem:s18+$0xFFFFFD40] =	vst v0  }
0x95: {  	v0 =	vld.idx.msk [tilespmem:v2+s2+$0x0], $0xffff  }
0x96: {  	v2 =	vor.u32 v41, v1;
	_ =	sdelay $0x3  }
0x97: {  	[tilespmem:s18+$0xFFFFFD50] =	vst v0  }
0x98: {  	v0 =	vld.idx.msk [tilespmem:v2+s2+$0x0], $0xffff  }
0x99: {  	v2 =	vor.u32 v42, v1;
	_ =	sdelay $0x3  }
0x9a: {  	[tilespmem:s18+$0xFFFFFD60] =	vst v0  }
0x9b: {  	v0 =	vld.idx.msk [tilespmem:v2+s2+$0x0], $0xffff  }
0x9c: {  	v2 =	vor.u32 v43, v1;
	_ =	sdelay $0x3  }
0x9d: {  	[tilespmem:s18+$0xFFFFFD70] =	vst v0  }
0x9e: {  	v0 =	vld.idx.msk [tilespmem:v2+s2+$0x0], $0xffff  }
0x9f: {  	v2 =	vor.u32 v44, v1;
	_ =	sdelay $0x3  }
0xa0: {  	[tilespmem:s18+$0x100] =	vst v0  }
0xa1: {  	v0 =	vld.idx.msk [tilespmem:v2+s2+$0x0], $0xffff  }
0xa2: {  	v2 =	vor.u32 v45, v1;
	_ =	sdelay $0x3  }
0xa3: {  	[tilespmem:s18+$0x110] =	vst v0  }
0xa4: {  	v0 =	vld.idx.msk [tilespmem:v2+s2+$0x0], $0xffff  }
0xa5: {  	v2 =	vor.u32 v46, v1;
	_ =	sdelay $0x3  }
0xa6: {  	[tilespmem:s18+$0x120] =	vst v0  }
0xa7: {  	v0 =	vld.idx.msk [tilespmem:v2+s2+$0x0], $0xffff  }
0xa8: {  	v2 =	vor.u32 v47, v1;
	_ =	sdelay $0x3  }
0xa9: {  	[tilespmem:s18+$0x130] =	vst v0  }
0xaa: {  	v0 =	vld.idx.msk [tilespmem:v2+s2+$0x0], $0xffff  }
0xab: {  	v2 =	vor.u32 v48, v1;
	_ =	sdelay $0x3  }
0xac: {  	[tilespmem:s18+$0x140] =	vst v0  }
0xad: {  	v0 =	vld.idx.msk [tilespmem:v2+s2+$0x0], $0xffff  }
0xae: {  	v2 =	vor.u32 v49, v1;
	_ =	sdelay $0x3  }
0xaf: {  	[tilespmem:s18+$0x150] =	vst v0  }
0xb0: {  	v0 =	vld.idx.msk [tilespmem:v2+s2+$0x0], $0xffff  }
0xb1: {  	v2 =	vor.u32 v50, v1;
	_ =	sdelay $0x3  }
0xb2: {  	[tilespmem:s18+$0x160] =	vst v0  }
0xb3: {  	v0 =	vld.idx.msk [tilespmem:v2+s2+$0x0], $0xffff  }
0xb4: {  	v2 =	vor.u32 v51, v1;
	_ =	sdelay $0x3  }
0xb5: {  	[tilespmem:s18+$0x170] =	vst v0  }
0xb6: {  	v0 =	vld.idx.msk [tilespmem:v2+s2+$0x0], $0xffff  }
0xb7: {  	v2 =	vor.u32 v52, v1;
	_ =	sdelay $0x3  }
0xb8: {  	[tilespmem:s18+$0xFFFFFD80] =	vst v0  }
0xb9: {  	v0 =	vld.idx.msk [tilespmem:v2+s2+$0x0], $0xffff  }
0xba: {  	v2 =	vor.u32 v53, v1;
	_ =	sdelay $0x3  }
0xbb: {  	[tilespmem:s18+$0xFFFFFD90] =	vst v0  }
0xbc: {  	v0 =	vld.idx.msk [tilespmem:v2+s2+$0x0], $0xffff  }
0xbd: {  	v2 =	vor.u32 v54, v1;
	_ =	sdelay $0x3  }
0xbe: {  	[tilespmem:s18+$0xFFFFFDA0] =	vst v0  }
0xbf: {  	v0 =	vld.idx.msk [tilespmem:v2+s2+$0x0], $0xffff  }
0xc0: {  	v2 =	vor.u32 v55, v1;
	_ =	sdelay $0x3  }
0xc1: {  	[tilespmem:s18+$0xFFFFFDB0] =	vst v0  }
0xc2: {  	v0 =	vld.idx.msk [tilespmem:v2+s2+$0x0], $0xffff  }
0xc3: {  	v2 =	vor.u32 v56, v1;
	_ =	sdelay $0x3  }
0xc4: {  	[tilespmem:s18+$0xFFFFFDC0] =	vst v0  }
0xc5: {  	v0 =	vld.idx.msk [tilespmem:v2+s2+$0x0], $0xffff  }
0xc6: {  	v2 =	vor.u32 v57, v1;
	_ =	sdelay $0x3  }
0xc7: {  	[tilespmem:s18+$0xFFFFFDD0] =	vst v0  }
0xc8: {  	v0 =	vld.idx.msk [tilespmem:v2+s2+$0x0], $0xffff  }
0xc9: {  	v2 =	vor.u32 v58, v1;
	_ =	sdelay $0x3  }
0xca: {  	[tilespmem:s18+$0xFFFFFDE0] =	vst v0  }
0xcb: {  	v0 =	vld.idx.msk [tilespmem:v2+s2+$0x0], $0xffff  }
0xcc: {  	v2 =	vor.u32 v59, v1;
	_ =	sdelay $0x3  }
0xcd: {  	[tilespmem:s18+$0xFFFFFDF0] =	vst v0  }
0xce: {  	v0 =	vld.idx.msk [tilespmem:v2+s2+$0x0], $0xffff  }
0xcf: {  	v2 =	vor.u32 v60, v1;
	_ =	sdelay $0x3  }
0xd0: {  	[tilespmem:s18+$0x180] =	vst v0  }
0xd1: {  	v0 =	vld.idx.msk [tilespmem:v2+s2+$0x0], $0xffff  }
0xd2: {  	v2 =	vor.u32 v61, v1;
	_ =	sdelay $0x3  }
0xd3: {  	[tilespmem:s18+$0x190] =	vst v0  }
0xd4: {  	v0 =	vld.idx.msk [tilespmem:v2+s2+$0x0], $0xffff  }
0xd5: {  	v2 =	vor.u32 v62, v1;
	_ =	sdelay $0x3  }
0xd6: {  	[tilespmem:s18+$0x1A0] =	vst v0  }
0xd7: {  	v0 =	vld.idx.msk [tilespmem:v2+s2+$0x0], $0xffff  }
0xd8: {  	v2 =	vor.u32 v63, v1;
	_ =	sdelay $0x3  }
0xd9: {  	[tilespmem:s18+$0x1B0] =	vst v0  }
0xda: {  	v0 =	vld.idx.msk [tilespmem:v2+s2+$0x0], $0xffff  }
0xdb: {  	v2 =	vor.u32 v5, v1;
	_ =	sdelay $0x3  }
0xdc: {  	[tilespmem:s18+$0x1C0] =	vst v0  }
0xdd: {  	v0 =	vld.idx.msk [tilespmem:v2+s2+$0x0], $0xffff  }
0xde: {  	v2 =	vld [tilespmem:$0x1FFA0];
	_ =	sdelay $0x4  }
0xdf: {  	v2 =	vor.u32 v2, v1;
	_ =	sdelay $0x3  }
0xe0: {  	[tilespmem:s18+$0x1D0] =	vst v0  }
0xe1: {  	v0 =	vld.idx.msk [tilespmem:v2+s2+$0x0], $0xffff  }
0xe2: {  	v2 =	vld [tilespmem:$0x1FFB0];
	_ =	sdelay $0x4  }
0xe3: {  	v2 =	vor.u32 v2, v1;
	_ =	sdelay $0x3  }
0xe4: {  	[tilespmem:s18+$0x1E0] =	vst v0  }
0xe5: {  	v0 =	vld.idx.msk [tilespmem:v2+s2+$0x0], $0xffff;
	v2 =	vor.u32 $0x200, v4  }
0xe6: {  	[tilespmem:$0x1FBD0] =	vst v2;
	v2 =	vor.u32 v2, v1;
	_ =	sdelay $0x3  }
0xe7: {  	[tilespmem:s18+$0x1F0] =	vst v0  }
0xe8: {  	v0 =	vld.idx.msk [tilespmem:v2+s2+$0x0], $0xffff;
	v2 =	vor.u32 $0x240, v4  }
0xe9: {  	[tilespmem:$0x1FBE0] =	vst v2;
	v2 =	vor.u32 v2, v1;
	_ =	sdelay $0x3  }
0xea: {  	[tilespmem:s18+$0xFFFFFE00] =	vst v0  }
0xeb: {  	v0 =	vld.idx.msk [tilespmem:v2+s2+$0x0], $0xffff;
	v2 =	vor.u32 $0x600, v4  }
0xec: {  	[tilespmem:$0x1FBF0] =	vst v2;
	v2 =	vor.u32 v2, v1;
	_ =	sdelay $0x3  }
0xed: {  	[tilespmem:s18+$0xFFFFFE10] =	vst v0  }
0xee: {  	v0 =	vld.idx.msk [tilespmem:v2+s2+$0x0], $0xffff;
	v2 =	vor.u32 $0x640, v4  }
0xef: {  	[tilespmem:$0x1FC00] =	vst v2;
	v2 =	vor.u32 v2, v1;
	_ =	sdelay $0x3  }
0xf0: {  	[tilespmem:s18+$0xFFFFFE20] =	vst v0  }
0xf1: {  	v0 =	vld.idx.msk [tilespmem:v2+s2+$0x0], $0xffff;
	v2 =	vor.u32 $0xA00, v4  }
0xf2: {  	[tilespmem:$0x1FC10] =	vst v2;
	v2 =	vor.u32 v2, v1;
	_ =	sdelay $0x3  }
0xf3: {  	[tilespmem:s18+$0xFFFFFE30] =	vst v0  }
0xf4: {  	v0 =	vld.idx.msk [tilespmem:v2+s2+$0x0], $0xffff;
	v2 =	vor.u32 $0xA40, v4  }
0xf5: {  	[tilespmem:$0x1FC20] =	vst v2;
	v2 =	vor.u32 v2, v1;
	_ =	sdelay $0x3  }
0xf6: {  	[tilespmem:s18+$0xFFFFFE40] =	vst v0  }
0xf7: {  	v0 =	vld.idx.msk [tilespmem:v2+s2+$0x0], $0xffff;
	v2 =	vor.u32 $0xE00, v4  }
0xf8: {  	[tilespmem:$0x1FC30] =	vst v2;
	v2 =	vor.u32 v2, v1;
	_ =	sdelay $0x3  }
0xf9: {  	[tilespmem:s18+$0xFFFFFE50] =	vst v0  }
0xfa: {  	v0 =	vld.idx.msk [tilespmem:v2+s2+$0x0], $0xffff;
	v2 =	vor.u32 $0xE40, v4  }
0xfb: {  	[tilespmem:$0x1FC40] =	vst v2;
	v2 =	vor.u32 v2, v1;
	_ =	sdelay $0x3  }
0xfc: {  	[tilespmem:s18+$0xFFFFFE60] =	vst v0  }
0xfd: {  	v0 =	vld.idx.msk [tilespmem:v2+s2+$0x0], $0xffff;
	v2 =	vor.u32 $0x1200, v4  }
0xfe: {  	[tilespmem:$0x1FC50] =	vst v2;
	v2 =	vor.u32 v2, v1;
	_ =	sdelay $0x3  }
0xff: {  	[tilespmem:s18+$0xFFFFFE70] =	vst v0  }
0x100: {  	v0 =	vld.idx.msk [tilespmem:v2+s2+$0x0], $0xffff;
	v2 =	vor.u32 $0x1240, v4  }
0x101: {  	[tilespmem:$0x1FC60] =	vst v2;
	v2 =	vor.u32 v2, v1;
	_ =	sdelay $0x3  }
0x102: {  	[tilespmem:s18+$0x200] =	vst v0  }
0x103: {  	v0 =	vld.idx.msk [tilespmem:v2+s2+$0x0], $0xffff;
	v2 =	vor.u32 $0x1600, v4  }
0x104: {  	[tilespmem:$0x1FC70] =	vst v2;
	v2 =	vor.u32 v2, v1;
	_ =	sdelay $0x3  }
0x105: {  	[tilespmem:s18+$0x210] =	vst v0  }
0x106: {  	v0 =	vld.idx.msk [tilespmem:v2+s2+$0x0], $0xffff;
	v2 =	vor.u32 $0x1640, v4  }
0x107: {  	[tilespmem:$0x1FC80] =	vst v2;
	v2 =	vor.u32 v2, v1;
	_ =	sdelay $0x3  }
0x108: {  	[tilespmem:s18+$0x220] =	vst v0  }
0x109: {  	v0 =	vld.idx.msk [tilespmem:v2+s2+$0x0], $0xffff;
	v2 =	vor.u32 $0x1A00, v4  }
0x10a: {  	[tilespmem:$0x1FC90] =	vst v2;
	v2 =	vor.u32 v2, v1;
	_ =	sdelay $0x3  }
0x10b: {  	[tilespmem:s18+$0x230] =	vst v0  }
0x10c: {  	v0 =	vld.idx.msk [tilespmem:v2+s2+$0x0], $0xffff;
	v2 =	vor.u32 $0x1A40, v4  }
0x10d: {  	[tilespmem:$0x1FCA0] =	vst v2;
	v2 =	vor.u32 v2, v1;
	_ =	sdelay $0x3  }
0x10e: {  	[tilespmem:s18+$0x240] =	vst v0  }
0x10f: {  	v0 =	vld.idx.msk [tilespmem:v2+s2+$0x0], $0xffff;
	v2 =	vor.u32 $0x1E00, v4  }
0x110: {  	[tilespmem:$0x1FCB0] =	vst v2;
	v2 =	vor.u32 v2, v1;
	_ =	sdelay $0x3  }
0x111: {  	[tilespmem:s18+$0x250] =	vst v0  }
0x112: {  	v0 =	vld.idx.msk [tilespmem:v2+s2+$0x0], $0xffff;
	v2 =	vor.u32 $0x1E40, v4  }
0x113: {  	[tilespmem:$0x1FCC0] =	vst v2;
	v2 =	vor.u32 v2, v1;
	_ =	sdelay $0x3  }
0x114: {  	[tilespmem:s18+$0x260] =	vst v0  }
0x115: {  	v0 =	vld.idx.msk [tilespmem:v2+s2+$0x0], $0xffff;
	v2 =	vor.u32 $0x280, v4  }
0x116: {  	[tilespmem:$0x1FCD0] =	vst v2;
	v2 =	vor.u32 v2, v1;
	_ =	sdelay $0x3  }
0x117: {  	[tilespmem:s18+$0x270] =	vst v0  }
0x118: {  	v0 =	vld.idx.msk [tilespmem:v2+s2+$0x0], $0xffff;
	v2 =	vor.u32 $0x2C0, v4  }
0x119: {  	[tilespmem:$0x1FCE0] =	vst v2;
	v2 =	vor.u32 v2, v1;
	_ =	sdelay $0x3  }
0x11a: {  	[tilespmem:s18+$0xFFFFFE80] =	vst v0  }
0x11b: {  	v0 =	vld.idx.msk [tilespmem:v2+s2+$0x0], $0xffff;
	v2 =	vor.u32 $0x680, v4  }
0x11c: {  	[tilespmem:$0x1FCF0] =	vst v2;
	v2 =	vor.u32 v2, v1;
	_ =	sdelay $0x3  }
0x11d: {  	[tilespmem:s18+$0xFFFFFE90] =	vst v0  }
0x11e: {  	v0 =	vld.idx.msk [tilespmem:v2+s2+$0x0], $0xffff;
	v2 =	vor.u32 $0x6C0, v4  }
0x11f: {  	[tilespmem:$0x1FD00] =	vst v2;
	v2 =	vor.u32 v2, v1;
	_ =	sdelay $0x3  }
0x120: {  	[tilespmem:s18+$0xFFFFFEA0] =	vst v0  }
0x121: {  	v0 =	vld.idx.msk [tilespmem:v2+s2+$0x0], $0xffff;
	v2 =	vor.u32 $0xA80, v4  }
0x122: {  	[tilespmem:$0x1FD10] =	vst v2;
	v2 =	vor.u32 v2, v1;
	_ =	sdelay $0x3  }
0x123: {  	[tilespmem:s18+$0xFFFFFEB0] =	vst v0  }
0x124: {  	v0 =	vld.idx.msk [tilespmem:v2+s2+$0x0], $0xffff;
	v2 =	vor.u32 $0xAC0, v4  }
0x125: {  	[tilespmem:$0x1FD20] =	vst v2;
	v2 =	vor.u32 v2, v1;
	_ =	sdelay $0x3  }
0x126: {  	[tilespmem:s18+$0xFFFFFEC0] =	vst v0  }
0x127: {  	v0 =	vld.idx.msk [tilespmem:v2+s2+$0x0], $0xffff;
	v2 =	vor.u32 $0xE80, v4  }
0x128: {  	[tilespmem:$0x1FD30] =	vst v2;
	v2 =	vor.u32 v2, v1;
	_ =	sdelay $0x3  }
0x129: {  	[tilespmem:s18+$0xFFFFFED0] =	vst v0  }
0x12a: {  	v0 =	vld.idx.msk [tilespmem:v2+s2+$0x0], $0xffff;
	v2 =	vor.u32 $0xEC0, v4  }
0x12b: {  	[tilespmem:$0x1FD40] =	vst v2;
	v2 =	vor.u32 v2, v1;
	_ =	sdelay $0x3  }
0x12c: {  	[tilespmem:s18+$0xFFFFFEE0] =	vst v0  }
0x12d: {  	v0 =	vld.idx.msk [tilespmem:v2+s2+$0x0], $0xffff;
	v2 =	vor.u32 $0x1280, v4  }
0x12e: {  	[tilespmem:$0x1FD50] =	vst v2;
	v2 =	vor.u32 v2, v1;
	_ =	sdelay $0x3  }
0x12f: {  	[tilespmem:s18+$0xFFFFFEF0] =	vst v0  }
0x130: {  	v0 =	vld.idx.msk [tilespmem:v2+s2+$0x0], $0xffff;
	v2 =	vor.u32 $0x12C0, v4  }
0x131: {  	[tilespmem:$0x1FD60] =	vst v2;
	v2 =	vor.u32 v2, v1;
	_ =	sdelay $0x3  }
0x132: {  	[tilespmem:s18+$0x280] =	vst v0  }
0x133: {  	v0 =	vld.idx.msk [tilespmem:v2+s2+$0x0], $0xffff;
	v2 =	vor.u32 $0x1680, v4  }
0x134: {  	[tilespmem:$0x1FD70] =	vst v2;
	v2 =	vor.u32 v2, v1;
	_ =	sdelay $0x3  }
0x135: {  	[tilespmem:s18+$0x290] =	vst v0  }
0x136: {  	v0 =	vld.idx.msk [tilespmem:v2+s2+$0x0], $0xffff;
	v2 =	vor.u32 $0x16C0, v4  }
0x137: {  	[tilespmem:$0x1FD80] =	vst v2;
	v2 =	vor.u32 v2, v1;
	_ =	sdelay $0x3  }
0x138: {  	[tilespmem:s18+$0x2A0] =	vst v0  }
0x139: {  	v0 =	vld.idx.msk [tilespmem:v2+s2+$0x0], $0xffff;
	v2 =	vor.u32 $0x1A80, v4  }
0x13a: {  	[tilespmem:$0x1FD90] =	vst v2;
	v2 =	vor.u32 v2, v1;
	_ =	sdelay $0x3  }
0x13b: {  	[tilespmem:s18+$0x2B0] =	vst v0  }
0x13c: {  	v0 =	vld.idx.msk [tilespmem:v2+s2+$0x0], $0xffff;
	v2 =	vor.u32 $0x1AC0, v4  }
0x13d: {  	[tilespmem:$0x1FDA0] =	vst v2;
	v2 =	vor.u32 v2, v1;
	_ =	sdelay $0x3  }
0x13e: {  	[tilespmem:s18+$0x2C0] =	vst v0  }
0x13f: {  	v0 =	vld.idx.msk [tilespmem:v2+s2+$0x0], $0xffff;
	v2 =	vor.u32 $0x1E80, v4  }
0x140: {  	[tilespmem:$0x1FDB0] =	vst v2;
	v2 =	vor.u32 v2, v1;
	_ =	sdelay $0x3  }
0x141: {  	[tilespmem:s18+$0x2D0] =	vst v0  }
0x142: {  	v0 =	vld.idx.msk [tilespmem:v2+s2+$0x0], $0xffff;
	v2 =	vor.u32 $0x1EC0, v4  }
0x143: {  	[tilespmem:$0x1FDC0] =	vst v2;
	v2 =	vor.u32 v2, v1;
	_ =	sdelay $0x3  }
0x144: {  	[tilespmem:s18+$0x2E0] =	vst v0  }
0x145: {  	v0 =	vld.idx.msk [tilespmem:v2+s2+$0x0], $0xffff;
	v2 =	vor.u32 $0x300, v4  }
0x146: {  	[tilespmem:$0x1FDD0] =	vst v2;
	v2 =	vor.u32 v2, v1;
	_ =	sdelay $0x3  }
0x147: {  	[tilespmem:s18+$0x2F0] =	vst v0  }
0x148: {  	v0 =	vld.idx.msk [tilespmem:v2+s2+$0x0], $0xffff;
	v2 =	vor.u32 $0x340, v4  }
0x149: {  	[tilespmem:$0x1FDE0] =	vst v2;
	v2 =	vor.u32 v2, v1;
	_ =	sdelay $0x3  }
0x14a: {  	[tilespmem:s18+$0xFFFFFF00] =	vst v0  }
0x14b: {  	v0 =	vld.idx.msk [tilespmem:v2+s2+$0x0], $0xffff;
	v2 =	vor.u32 $0x700, v4  }
0x14c: {  	[tilespmem:$0x1FDF0] =	vst v2;
	v2 =	vor.u32 v2, v1;
	_ =	sdelay $0x3  }
0x14d: {  	[tilespmem:s18+$0xFFFFFF10] =	vst v0  }
0x14e: {  	v0 =	vld.idx.msk [tilespmem:v2+s2+$0x0], $0xffff;
	v2 =	vor.u32 $0x740, v4  }
0x14f: {  	[tilespmem:$0x1FE00] =	vst v2;
	v2 =	vor.u32 v2, v1;
	_ =	sdelay $0x3  }
0x150: {  	[tilespmem:s18+$0xFFFFFF20] =	vst v0  }
0x151: {  	v0 =	vld.idx.msk [tilespmem:v2+s2+$0x0], $0xffff;
	v2 =	vor.u32 $0xB00, v4  }
0x152: {  	[tilespmem:$0x1FE10] =	vst v2;
	v2 =	vor.u32 v2, v1;
	_ =	sdelay $0x3  }
0x153: {  	[tilespmem:s18+$0xFFFFFF30] =	vst v0  }
0x154: {  	v0 =	vld.idx.msk [tilespmem:v2+s2+$0x0], $0xffff;
	v2 =	vor.u32 $0xB40, v4  }
0x155: {  	[tilespmem:$0x1FE20] =	vst v2;
	v2 =	vor.u32 v2, v1;
	_ =	sdelay $0x3  }
0x156: {  	[tilespmem:s18+$0xFFFFFF40] =	vst v0  }
0x157: {  	v0 =	vld.idx.msk [tilespmem:v2+s2+$0x0], $0xffff;
	v2 =	vor.u32 $0xF00, v4  }
0x158: {  	[tilespmem:$0x1FE30] =	vst v2;
	v2 =	vor.u32 v2, v1;
	_ =	sdelay $0x3  }
0x159: {  	[tilespmem:s18+$0xFFFFFF50] =	vst v0  }
0x15a: {  	v0 =	vld.idx.msk [tilespmem:v2+s2+$0x0], $0xffff;
	v2 =	vor.u32 $0xF40, v4  }
0x15b: {  	[tilespmem:$0x1FE40] =	vst v2;
	v2 =	vor.u32 v2, v1;
	_ =	sdelay $0x3  }
0x15c: {  	[tilespmem:s18+$0xFFFFFF60] =	vst v0  }
0x15d: {  	v0 =	vld.idx.msk [tilespmem:v2+s2+$0x0], $0xffff;
	v2 =	vor.u32 $0x1300, v4  }
0x15e: {  	[tilespmem:$0x1FE50] =	vst v2;
	v2 =	vor.u32 v2, v1;
	_ =	sdelay $0x3  }
0x15f: {  	[tilespmem:s18+$0xFFFFFF70] =	vst v0  }
0x160: {  	v0 =	vld.idx.msk [tilespmem:v2+s2+$0x0], $0xffff;
	v2 =	vor.u32 $0x1340, v4  }
0x161: {  	[tilespmem:$0x1FE60] =	vst v2;
	v2 =	vor.u32 v2, v1;
	_ =	sdelay $0x3  }
0x162: {  	[tilespmem:s18+$0x300] =	vst v0  }
0x163: {  	v0 =	vld.idx.msk [tilespmem:v2+s2+$0x0], $0xffff;
	v2 =	vor.u32 $0x1700, v4  }
0x164: {  	[tilespmem:$0x1FE70] =	vst v2;
	v2 =	vor.u32 v2, v1;
	_ =	sdelay $0x3  }
0x165: {  	[tilespmem:s18+$0x310] =	vst v0  }
0x166: {  	v0 =	vld.idx.msk [tilespmem:v2+s2+$0x0], $0xffff;
	v2 =	vor.u32 $0x1740, v4  }
0x167: {  	[tilespmem:$0x1FE80] =	vst v2;
	v2 =	vor.u32 v2, v1;
	_ =	sdelay $0x3  }
0x168: {  	[tilespmem:s18+$0x320] =	vst v0  }
0x169: {  	v0 =	vld.idx.msk [tilespmem:v2+s2+$0x0], $0xffff;
	v2 =	vor.u32 $0x1B00, v4  }
0x16a: {  	[tilespmem:$0x1FE90] =	vst v2;
	v2 =	vor.u32 v2, v1;
	_ =	sdelay $0x3  }
0x16b: {  	[tilespmem:s18+$0x330] =	vst v0  }
0x16c: {  	v0 =	vld.idx.msk [tilespmem:v2+s2+$0x0], $0xffff;
	v2 =	vor.u32 $0x1B40, v4  }
0x16d: {  	[tilespmem:$0x1FEA0] =	vst v2;
	v2 =	vor.u32 v2, v1;
	_ =	sdelay $0x3  }
0x16e: {  	[tilespmem:s18+$0x340] =	vst v0  }
0x16f: {  	v0 =	vld.idx.msk [tilespmem:v2+s2+$0x0], $0xffff;
	v2 =	vor.u32 $0x1F00, v4  }
0x170: {  	[tilespmem:$0x1FEB0] =	vst v2;
	v2 =	vor.u32 v2, v1;
	_ =	sdelay $0x3  }
0x171: {  	[tilespmem:s18+$0x350] =	vst v0  }
0x172: {  	v0 =	vld.idx.msk [tilespmem:v2+s2+$0x0], $0xffff;
	v2 =	vor.u32 $0x1F40, v4  }
0x173: {  	[tilespmem:$0x1FEC0] =	vst v2;
	v2 =	vor.u32 v2, v1;
	_ =	sdelay $0x3  }
0x174: {  	[tilespmem:s18+$0x360] =	vst v0  }
0x175: {  	v0 =	vld.idx.msk [tilespmem:v2+s2+$0x0], $0xffff;
	v2 =	vor.u32 $0x380, v4  }
0x176: {  	[tilespmem:$0x1FED0] =	vst v2;
	v2 =	vor.u32 v2, v1;
	_ =	sdelay $0x3  }
0x177: {  	[tilespmem:s18+$0x370] =	vst v0  }
0x178: {  	v0 =	vld.idx.msk [tilespmem:v2+s2+$0x0], $0xffff;
	v2 =	vor.u32 $0x3C0, v4  }
0x179: {  	[tilespmem:$0x1FEE0] =	vst v2;
	v2 =	vor.u32 v2, v1;
	_ =	sdelay $0x3  }
0x17a: {  	[tilespmem:s18+$0xFFFFFF80] =	vst v0  }
0x17b: {  	v0 =	vld.idx.msk [tilespmem:v2+s2+$0x0], $0xffff;
	v2 =	vor.u32 $0x780, v4  }
0x17c: {  	[tilespmem:$0x1FEF0] =	vst v2;
	v2 =	vor.u32 v2, v1;
	_ =	sdelay $0x3  }
0x17d: {  	[tilespmem:s18+$0xFFFFFF90] =	vst v0  }
0x17e: {  	v0 =	vld.idx.msk [tilespmem:v2+s2+$0x0], $0xffff;
	v2 =	vor.u32 $0x7C0, v4  }
0x17f: {  	[tilespmem:$0x1FF00] =	vst v2;
	v2 =	vor.u32 v2, v1;
	_ =	sdelay $0x3  }
0x180: {  	[tilespmem:s18+$0xFFFFFFA0] =	vst v0  }
0x181: {  	v0 =	vld.idx.msk [tilespmem:v2+s2+$0x0], $0xffff;
	v2 =	vor.u32 $0xB80, v4  }
0x182: {  	[tilespmem:$0x1FF10] =	vst v2;
	v2 =	vor.u32 v2, v1;
	_ =	sdelay $0x3  }
0x183: {  	[tilespmem:s18+$0xFFFFFFB0] =	vst v0  }
0x184: {  	v0 =	vld.idx.msk [tilespmem:v2+s2+$0x0], $0xffff;
	v2 =	vor.u32 $0xBC0, v4  }
0x185: {  	[tilespmem:$0x1FF20] =	vst v2;
	v2 =	vor.u32 v2, v1;
	_ =	sdelay $0x3  }
0x186: {  	[tilespmem:s18+$0xFFFFFFC0] =	vst v0  }
0x187: {  	v0 =	vld.idx.msk [tilespmem:v2+s2+$0x0], $0xffff;
	v2 =	vor.u32 $0xF80, v4  }
0x188: {  	[tilespmem:$0x1FF30] =	vst v2;
	v2 =	vor.u32 v2, v1;
	_ =	sdelay $0x3  }
0x189: {  	[tilespmem:s18+$0xFFFFFFD0] =	vst v0  }
0x18a: {  	v0 =	vld.idx.msk [tilespmem:v2+s2+$0x0], $0xffff;
	v2 =	vor.u32 $0xFC0, v4  }
0x18b: {  	[tilespmem:$0x1FF40] =	vst v2;
	v2 =	vor.u32 v2, v1;
	_ =	sdelay $0x3  }
0x18c: {  	[tilespmem:s18+$0xFFFFFFE0] =	vst v0  }
0x18d: {  	v3 =	vld.idx.msk [tilespmem:v2+s2+$0x0], $0xffff;
	v2 =	vor.u32 $0x1380, v4  }
0x18e: {  	[tilespmem:$0x1FF50] =	vst v2;
	v2 =	vor.u32 v2, v1;
	_ =	sdelay $0x3  }
0x18f: {  	[tilespmem:s18+$0xFFFFFFF0] =	vst v3  }
0x190: {  	v3 =	vld.idx.msk [tilespmem:v2+s2+$0x0], $0xffff;
	v2 =	vor.u32 $0x13C0, v4  }
0x191: {  	[tilespmem:$0x1FF60] =	vst v2;
	v2 =	vor.u32 v2, v1;
	_ =	sdelay $0x3  }
0x192: {  	[tilespmem:s18+$0x380] =	vst v3  }
0x193: {  	v3 =	vld.idx.msk [tilespmem:v2+s2+$0x0], $0xffff;
	v2 =	vor.u32 $0x1780, v4  }
0x194: {  	[tilespmem:$0x1FF70] =	vst v2;
	v2 =	vor.u32 v2, v1;
	_ =	sdelay $0x3  }
0x195: {  	[tilespmem:s18+$0x390] =	vst v3  }
0x196: {  	v3 =	vld.idx.msk [tilespmem:v2+s2+$0x0], $0xffff;
	v2 =	vor.u32 $0x17C0, v4  }
0x197: {  	[tilespmem:$0x1FF80] =	vst v2;
	v2 =	vor.u32 v2, v1;
	_ =	sdelay $0x3  }
0x198: {  	[tilespmem:s18+$0x3A0] =	vst v3  }
0x199: {  	v3 =	vld.idx.msk [tilespmem:v2+s2+$0x0], $0xffff;
	v2 =	vor.u32 $0x1B80, v4  }
0x19a: {  	[tilespmem:$0x1FF90] =	vst v2;
	v2 =	vor.u32 v2, v1;
	_ =	sdelay $0x3  }
0x19b: {  	[tilespmem:s18+$0x3B0] =	vst v3  }
0x19c: {  	v3 =	vld.idx.msk [tilespmem:v2+s2+$0x0], $0xffff;
	v2 =	vor.u32 $0x1BC0, v4  }
0x19d: {  	v9 =	vmov v2;
	v2 =	vor.u32 v2, v1;
	_ =	sdelay $0x3  }
0x19e: {  	[tilespmem:s18+$0x3C0] =	vst v3  }
0x19f: {  	v3 =	vld.idx.msk [tilespmem:v2+s2+$0x0], $0xffff;
	v2 =	vor.u32 $0x1F80, v4  }
0x1a0: {  	v0 =	vmov v2;
	v2 =	vor.u32 v2, v1;
	_ =	sdelay $0x3  }
0x1a1: {  	[tilespmem:s18+$0x3D0] =	vst v3;
	v3 =	vor.u32 $0x1FC0, v4  }
0x1a2: {  	v2 =	vld.idx.msk [tilespmem:v2+s2+$0x0], $0xffff;
	v7 =	vmov v3;
	v3 =	vor.u32 v3, v1  }
.LBB2_3:
0x1a3: {  	s17 =	sadd.s32 $0x8, s17  }
0x1a4: {  	v1 =	vmov s17  }
0x1a5: {  	v1 =	vshrl.u32 v1, $0x3  }
0x1a6: {  	v1 =	vshll.u32 v1, $0xD  }
0x1a7: {  	[tilespmem:s18+$0x3E0] =	vst v2;
	v1 =	vbroadcast v1, $0x0  }
0x1a8: {  	v2 =	vld.idx.msk [tilespmem:v3+s2+$0x0], $0xffff  }
0x1a9: {  	v3 =	vor.u32 v4, v1;
	_ =	sdelay $0x3  }
0x1aa: {  	[tilespmem:s18+$0x3F0] =	vst v2  }
0x1ab: {  	v2 =	vld.idx.msk [tilespmem:v3+s2+$0x0], $0xffff  }
0x1ac: {  	v3 =	vld [tilespmem:$0x1FFC0];
	_ =	sdelay $0x4  }
0x1ad: {  	v3 =	vor.u32 v3, v1;
	_ =	sdelay $0x2  }
0x1ae: {  	s18 =	sadd.s32 $0x800, s18  }
0x1af: {  	[tilespmem:s18+$0xFFFFFC00] =	vst v2  }
0x1b0: {  	v2 =	vld.idx.msk [tilespmem:v3+s2+$0x0], $0xffff  }
0x1b1: {  	v3 =	vld [tilespmem:$0x1FFD0];
	_ =	sdelay $0x4  }
0x1b2: {  	v3 =	vor.u32 v3, v1;
	_ =	sdelay $0x3  }
0x1b3: {  	[tilespmem:s18+$0xFFFFFC10] =	vst v2  }
0x1b4: {  	v2 =	vld.idx.msk [tilespmem:v3+s2+$0x0], $0xffff  }
0x1b5: {  	v3 =	vor.u32 v6, v1;
	_ =	sdelay $0x3  }
0x1b6: {  	[tilespmem:s18+$0xFFFFFC20] =	vst v2  }
0x1b7: {  	v2 =	vld.idx.msk [tilespmem:v3+s2+$0x0], $0xffff  }
0x1b8: {  	v3 =	vld [tilespmem:$0x1FFE0];
	_ =	sdelay $0x4  }
0x1b9: {  	v3 =	vor.u32 v3, v1;
	_ =	sdelay $0x3  }
0x1ba: {  	[tilespmem:s18+$0xFFFFFC30] =	vst v2  }
0x1bb: {  	v2 =	vld.idx.msk [tilespmem:v3+s2+$0x0], $0xffff  }
0x1bc: {  	v3 =	vor.u32 v8, v1;
	_ =	sdelay $0x3  }
0x1bd: {  	[tilespmem:s18+$0xFFFFFC40] =	vst v2  }
0x1be: {  	v2 =	vld.idx.msk [tilespmem:v3+s2+$0x0], $0xffff  }
0x1bf: {  	v3 =	vld [tilespmem:$0x1FFF0];
	_ =	sdelay $0x4  }
0x1c0: {  	v3 =	vor.u32 v3, v1;
	_ =	sdelay $0x3  }
0x1c1: {  	[tilespmem:s18+$0xFFFFFC50] =	vst v2  }
0x1c2: {  	v2 =	vld.idx.msk [tilespmem:v3+s2+$0x0], $0xffff  }
0x1c3: {  	v3 =	vor.u32 v10, v1;
	_ =	sdelay $0x3  }
0x1c4: {  	[tilespmem:s18+$0xFFFFFC60] =	vst v2  }
0x1c5: {  	v2 =	vld.idx.msk [tilespmem:v3+s2+$0x0], $0xffff  }
0x1c6: {  	v3 =	vor.u32 v11, v1;
	_ =	sdelay $0x3  }
0x1c7: {  	[tilespmem:s18+$0xFFFFFC70] =	vst v2  }
0x1c8: {  	v2 =	vld.idx.msk [tilespmem:v3+s2+$0x0], $0xffff  }
0x1c9: {  	v3 =	vor.u32 v12, v1;
	_ =	sdelay $0x3  }
0x1ca: {  	[tilespmem:s18+$0x0] =	vst v2  }
0x1cb: {  	v2 =	vld.idx.msk [tilespmem:v3+s2+$0x0], $0xffff  }
0x1cc: {  	v3 =	vor.u32 v13, v1;
	_ =	sdelay $0x3  }
0x1cd: {  	[tilespmem:s18+$0x10] =	vst v2  }
0x1ce: {  	v2 =	vld.idx.msk [tilespmem:v3+s2+$0x0], $0xffff  }
0x1cf: {  	v3 =	vor.u32 v14, v1;
	_ =	sdelay $0x3  }
0x1d0: {  	[tilespmem:s18+$0x20] =	vst v2  }
0x1d1: {  	v2 =	vld.idx.msk [tilespmem:v3+s2+$0x0], $0xffff  }
0x1d2: {  	v3 =	vor.u32 v15, v1;
	_ =	sdelay $0x3  }
0x1d3: {  	[tilespmem:s18+$0x30] =	vst v2  }
0x1d4: {  	v2 =	vld.idx.msk [tilespmem:v3+s2+$0x0], $0xffff  }
0x1d5: {  	v3 =	vor.u32 v16, v1;
	_ =	sdelay $0x3  }
0x1d6: {  	[tilespmem:s18+$0x40] =	vst v2  }
0x1d7: {  	v2 =	vld.idx.msk [tilespmem:v3+s2+$0x0], $0xffff  }
0x1d8: {  	v3 =	vor.u32 v17, v1;
	_ =	sdelay $0x3  }
0x1d9: {  	[tilespmem:s18+$0x50] =	vst v2  }
0x1da: {  	v2 =	vld.idx.msk [tilespmem:v3+s2+$0x0], $0xffff  }
0x1db: {  	v3 =	vor.u32 v18, v1;
	_ =	sdelay $0x3  }
0x1dc: {  	[tilespmem:s18+$0x60] =	vst v2  }
0x1dd: {  	v2 =	vld.idx.msk [tilespmem:v3+s2+$0x0], $0xffff  }
0x1de: {  	v3 =	vor.u32 v19, v1;
	_ =	sdelay $0x3  }
0x1df: {  	[tilespmem:s18+$0x70] =	vst v2  }
0x1e0: {  	v2 =	vld.idx.msk [tilespmem:v3+s2+$0x0], $0xffff  }
0x1e1: {  	v3 =	vor.u32 v20, v1;
	_ =	sdelay $0x3  }
0x1e2: {  	[tilespmem:s18+$0xFFFFFC80] =	vst v2  }
0x1e3: {  	v2 =	vld.idx.msk [tilespmem:v3+s2+$0x0], $0xffff  }
0x1e4: {  	v3 =	vor.u32 v21, v1;
	_ =	sdelay $0x3  }
0x1e5: {  	[tilespmem:s18+$0xFFFFFC90] =	vst v2  }
0x1e6: {  	v2 =	vld.idx.msk [tilespmem:v3+s2+$0x0], $0xffff  }
0x1e7: {  	v3 =	vor.u32 v22, v1;
	_ =	sdelay $0x3  }
0x1e8: {  	[tilespmem:s18+$0xFFFFFCA0] =	vst v2  }
0x1e9: {  	v2 =	vld.idx.msk [tilespmem:v3+s2+$0x0], $0xffff  }
0x1ea: {  	v3 =	vor.u32 v23, v1;
	_ =	sdelay $0x3  }
0x1eb: {  	[tilespmem:s18+$0xFFFFFCB0] =	vst v2  }
0x1ec: {  	v2 =	vld.idx.msk [tilespmem:v3+s2+$0x0], $0xffff  }
0x1ed: {  	v3 =	vor.u32 v24, v1;
	_ =	sdelay $0x3  }
0x1ee: {  	[tilespmem:s18+$0xFFFFFCC0] =	vst v2  }
0x1ef: {  	v2 =	vld.idx.msk [tilespmem:v3+s2+$0x0], $0xffff  }
0x1f0: {  	v3 =	vor.u32 v25, v1;
	_ =	sdelay $0x3  }
0x1f1: {  	[tilespmem:s18+$0xFFFFFCD0] =	vst v2  }
0x1f2: {  	v2 =	vld.idx.msk [tilespmem:v3+s2+$0x0], $0xffff  }
0x1f3: {  	v3 =	vor.u32 v26, v1;
	_ =	sdelay $0x3  }
0x1f4: {  	[tilespmem:s18+$0xFFFFFCE0] =	vst v2  }
0x1f5: {  	v2 =	vld.idx.msk [tilespmem:v3+s2+$0x0], $0xffff  }
0x1f6: {  	v3 =	vor.u32 v27, v1;
	_ =	sdelay $0x3  }
0x1f7: {  	[tilespmem:s18+$0xFFFFFCF0] =	vst v2  }
0x1f8: {  	v2 =	vld.idx.msk [tilespmem:v3+s2+$0x0], $0xffff  }
0x1f9: {  	v3 =	vor.u32 v28, v1;
	_ =	sdelay $0x3  }
0x1fa: {  	[tilespmem:s18+$0x80] =	vst v2  }
0x1fb: {  	v2 =	vld.idx.msk [tilespmem:v3+s2+$0x0], $0xffff  }
0x1fc: {  	v3 =	vor.u32 v29, v1;
	_ =	sdelay $0x3  }
0x1fd: {  	[tilespmem:s18+$0x90] =	vst v2  }
0x1fe: {  	v2 =	vld.idx.msk [tilespmem:v3+s2+$0x0], $0xffff  }
0x1ff: {  	v3 =	vor.u32 v30, v1;
	_ =	sdelay $0x3  }
0x200: {  	[tilespmem:s18+$0xA0] =	vst v2  }
0x201: {  	v2 =	vld.idx.msk [tilespmem:v3+s2+$0x0], $0xffff  }
0x202: {  	v3 =	vor.u32 v31, v1;
	_ =	sdelay $0x3  }
0x203: {  	[tilespmem:s18+$0xB0] =	vst v2  }
0x204: {  	v2 =	vld.idx.msk [tilespmem:v3+s2+$0x0], $0xffff  }
0x205: {  	v3 =	vor.u32 v32, v1;
	_ =	sdelay $0x3  }
0x206: {  	[tilespmem:s18+$0xC0] =	vst v2  }
0x207: {  	v2 =	vld.idx.msk [tilespmem:v3+s2+$0x0], $0xffff  }
0x208: {  	v3 =	vor.u32 v33, v1;
	_ =	sdelay $0x3  }
0x209: {  	[tilespmem:s18+$0xD0] =	vst v2  }
0x20a: {  	v2 =	vld.idx.msk [tilespmem:v3+s2+$0x0], $0xffff  }
0x20b: {  	v3 =	vor.u32 v34, v1;
	_ =	sdelay $0x3  }
0x20c: {  	[tilespmem:s18+$0xE0] =	vst v2  }
0x20d: {  	v2 =	vld.idx.msk [tilespmem:v3+s2+$0x0], $0xffff  }
0x20e: {  	v3 =	vor.u32 v35, v1;
	_ =	sdelay $0x3  }
0x20f: {  	[tilespmem:s18+$0xF0] =	vst v2  }
0x210: {  	v2 =	vld.idx.msk [tilespmem:v3+s2+$0x0], $0xffff  }
0x211: {  	v3 =	vor.u32 v36, v1;
	_ =	sdelay $0x3  }
0x212: {  	[tilespmem:s18+$0xFFFFFD00] =	vst v2  }
0x213: {  	v2 =	vld.idx.msk [tilespmem:v3+s2+$0x0], $0xffff  }
0x214: {  	v3 =	vor.u32 v37, v1;
	_ =	sdelay $0x3  }
0x215: {  	[tilespmem:s18+$0xFFFFFD10] =	vst v2  }
0x216: {  	v2 =	vld.idx.msk [tilespmem:v3+s2+$0x0], $0xffff  }
0x217: {  	v3 =	vor.u32 v38, v1;
	_ =	sdelay $0x3  }
0x218: {  	[tilespmem:s18+$0xFFFFFD20] =	vst v2  }
0x219: {  	v2 =	vld.idx.msk [tilespmem:v3+s2+$0x0], $0xffff  }
0x21a: {  	v3 =	vor.u32 v39, v1;
	_ =	sdelay $0x3  }
0x21b: {  	[tilespmem:s18+$0xFFFFFD30] =	vst v2  }
0x21c: {  	v2 =	vld.idx.msk [tilespmem:v3+s2+$0x0], $0xffff  }
0x21d: {  	v3 =	vor.u32 v40, v1;
	_ =	sdelay $0x3  }
0x21e: {  	[tilespmem:s18+$0xFFFFFD40] =	vst v2  }
0x21f: {  	v2 =	vld.idx.msk [tilespmem:v3+s2+$0x0], $0xffff  }
0x220: {  	v3 =	vor.u32 v41, v1;
	_ =	sdelay $0x3  }
0x221: {  	[tilespmem:s18+$0xFFFFFD50] =	vst v2  }
0x222: {  	v2 =	vld.idx.msk [tilespmem:v3+s2+$0x0], $0xffff  }
0x223: {  	v3 =	vor.u32 v42, v1;
	_ =	sdelay $0x3  }
0x224: {  	[tilespmem:s18+$0xFFFFFD60] =	vst v2  }
0x225: {  	v2 =	vld.idx.msk [tilespmem:v3+s2+$0x0], $0xffff  }
0x226: {  	v3 =	vor.u32 v43, v1;
	_ =	sdelay $0x3  }
0x227: {  	[tilespmem:s18+$0xFFFFFD70] =	vst v2  }
0x228: {  	v2 =	vld.idx.msk [tilespmem:v3+s2+$0x0], $0xffff  }
0x229: {  	v3 =	vor.u32 v44, v1;
	_ =	sdelay $0x3  }
0x22a: {  	[tilespmem:s18+$0x100] =	vst v2  }
0x22b: {  	v2 =	vld.idx.msk [tilespmem:v3+s2+$0x0], $0xffff  }
0x22c: {  	v3 =	vor.u32 v45, v1;
	_ =	sdelay $0x3  }
0x22d: {  	[tilespmem:s18+$0x110] =	vst v2  }
0x22e: {  	v2 =	vld.idx.msk [tilespmem:v3+s2+$0x0], $0xffff  }
0x22f: {  	v3 =	vor.u32 v46, v1;
	_ =	sdelay $0x3  }
0x230: {  	[tilespmem:s18+$0x120] =	vst v2  }
0x231: {  	v2 =	vld.idx.msk [tilespmem:v3+s2+$0x0], $0xffff  }
0x232: {  	v3 =	vor.u32 v47, v1;
	_ =	sdelay $0x3  }
0x233: {  	[tilespmem:s18+$0x130] =	vst v2  }
0x234: {  	v2 =	vld.idx.msk [tilespmem:v3+s2+$0x0], $0xffff  }
0x235: {  	v3 =	vor.u32 v48, v1;
	_ =	sdelay $0x3  }
0x236: {  	[tilespmem:s18+$0x140] =	vst v2  }
0x237: {  	v2 =	vld.idx.msk [tilespmem:v3+s2+$0x0], $0xffff  }
0x238: {  	v3 =	vor.u32 v49, v1;
	_ =	sdelay $0x3  }
0x239: {  	[tilespmem:s18+$0x150] =	vst v2  }
0x23a: {  	v2 =	vld.idx.msk [tilespmem:v3+s2+$0x0], $0xffff  }
0x23b: {  	v3 =	vor.u32 v50, v1;
	_ =	sdelay $0x3  }
0x23c: {  	[tilespmem:s18+$0x160] =	vst v2  }
0x23d: {  	v2 =	vld.idx.msk [tilespmem:v3+s2+$0x0], $0xffff  }
0x23e: {  	v3 =	vor.u32 v51, v1;
	_ =	sdelay $0x3  }
0x23f: {  	[tilespmem:s18+$0x170] =	vst v2  }
0x240: {  	v2 =	vld.idx.msk [tilespmem:v3+s2+$0x0], $0xffff  }
0x241: {  	v3 =	vor.u32 v52, v1;
	_ =	sdelay $0x3  }
0x242: {  	[tilespmem:s18+$0xFFFFFD80] =	vst v2  }
0x243: {  	v2 =	vld.idx.msk [tilespmem:v3+s2+$0x0], $0xffff  }
0x244: {  	v3 =	vor.u32 v53, v1;
	_ =	sdelay $0x3  }
0x245: {  	[tilespmem:s18+$0xFFFFFD90] =	vst v2  }
0x246: {  	v2 =	vld.idx.msk [tilespmem:v3+s2+$0x0], $0xffff  }
0x247: {  	v3 =	vor.u32 v54, v1;
	_ =	sdelay $0x3  }
0x248: {  	[tilespmem:s18+$0xFFFFFDA0] =	vst v2  }
0x249: {  	v2 =	vld.idx.msk [tilespmem:v3+s2+$0x0], $0xffff  }
0x24a: {  	v3 =	vor.u32 v55, v1;
	_ =	sdelay $0x3  }
0x24b: {  	[tilespmem:s18+$0xFFFFFDB0] =	vst v2  }
0x24c: {  	v2 =	vld.idx.msk [tilespmem:v3+s2+$0x0], $0xffff  }
0x24d: {  	v3 =	vor.u32 v56, v1;
	_ =	sdelay $0x3  }
0x24e: {  	[tilespmem:s18+$0xFFFFFDC0] =	vst v2  }
0x24f: {  	v2 =	vld.idx.msk [tilespmem:v3+s2+$0x0], $0xffff  }
0x250: {  	v3 =	vor.u32 v57, v1;
	_ =	sdelay $0x3  }
0x251: {  	[tilespmem:s18+$0xFFFFFDD0] =	vst v2  }
0x252: {  	v2 =	vld.idx.msk [tilespmem:v3+s2+$0x0], $0xffff  }
0x253: {  	v3 =	vor.u32 v58, v1;
	_ =	sdelay $0x3  }
0x254: {  	[tilespmem:s18+$0xFFFFFDE0] =	vst v2  }
0x255: {  	v2 =	vld.idx.msk [tilespmem:v3+s2+$0x0], $0xffff  }
0x256: {  	v3 =	vor.u32 v59, v1;
	_ =	sdelay $0x3  }
0x257: {  	[tilespmem:s18+$0xFFFFFDF0] =	vst v2  }
0x258: {  	v2 =	vld.idx.msk [tilespmem:v3+s2+$0x0], $0xffff  }
0x259: {  	v3 =	vor.u32 v60, v1;
	_ =	sdelay $0x3  }
0x25a: {  	[tilespmem:s18+$0x180] =	vst v2  }
0x25b: {  	v2 =	vld.idx.msk [tilespmem:v3+s2+$0x0], $0xffff  }
0x25c: {  	v3 =	vor.u32 v61, v1;
	_ =	sdelay $0x3  }
0x25d: {  	[tilespmem:s18+$0x190] =	vst v2  }
0x25e: {  	v2 =	vld.idx.msk [tilespmem:v3+s2+$0x0], $0xffff  }
0x25f: {  	v3 =	vor.u32 v62, v1;
	_ =	sdelay $0x3  }
0x260: {  	[tilespmem:s18+$0x1A0] =	vst v2  }
0x261: {  	v2 =	vld.idx.msk [tilespmem:v3+s2+$0x0], $0xffff  }
0x262: {  	v3 =	vor.u32 v63, v1;
	_ =	sdelay $0x3  }
0x263: {  	[tilespmem:s18+$0x1B0] =	vst v2  }
0x264: {  	v2 =	vld.idx.msk [tilespmem:v3+s2+$0x0], $0xffff  }
0x265: {  	v3 =	vor.u32 v5, v1;
	_ =	sdelay $0x3  }
0x266: {  	[tilespmem:s18+$0x1C0] =	vst v2  }
0x267: {  	v2 =	vld.idx.msk [tilespmem:v3+s2+$0x0], $0xffff  }
0x268: {  	v3 =	vld [tilespmem:$0x1FFA0];
	_ =	sdelay $0x4  }
0x269: {  	v3 =	vor.u32 v3, v1;
	_ =	sdelay $0x3  }
0x26a: {  	[tilespmem:s18+$0x1D0] =	vst v2  }
0x26b: {  	v2 =	vld.idx.msk [tilespmem:v3+s2+$0x0], $0xffff  }
0x26c: {  	v3 =	vld [tilespmem:$0x1FFB0];
	_ =	sdelay $0x4  }
0x26d: {  	v3 =	vor.u32 v3, v1;
	_ =	sdelay $0x3  }
0x26e: {  	[tilespmem:s18+$0x1E0] =	vst v2  }
0x26f: {  	v2 =	vld.idx.msk [tilespmem:v3+s2+$0x0], $0xffff  }
0x270: {  	v3 =	vld [tilespmem:$0x1FBD0];
	_ =	sdelay $0x4  }
0x271: {  	v3 =	vor.u32 v3, v1;
	_ =	sdelay $0x3  }
0x272: {  	[tilespmem:s18+$0x1F0] =	vst v2  }
0x273: {  	v2 =	vld.idx.msk [tilespmem:v3+s2+$0x0], $0xffff  }
0x274: {  	v3 =	vld [tilespmem:$0x1FBE0];
	_ =	sdelay $0x4  }
0x275: {  	v3 =	vor.u32 v3, v1;
	_ =	sdelay $0x3  }
0x276: {  	[tilespmem:s18+$0xFFFFFE00] =	vst v2  }
0x277: {  	v2 =	vld.idx.msk [tilespmem:v3+s2+$0x0], $0xffff  }
0x278: {  	v3 =	vld [tilespmem:$0x1FBF0];
	_ =	sdelay $0x4  }
0x279: {  	v3 =	vor.u32 v3, v1;
	_ =	sdelay $0x3  }
0x27a: {  	[tilespmem:s18+$0xFFFFFE10] =	vst v2  }
0x27b: {  	v2 =	vld.idx.msk [tilespmem:v3+s2+$0x0], $0xffff  }
0x27c: {  	v3 =	vld [tilespmem:$0x1FC00];
	_ =	sdelay $0x4  }
0x27d: {  	v3 =	vor.u32 v3, v1;
	_ =	sdelay $0x3  }
0x27e: {  	[tilespmem:s18+$0xFFFFFE20] =	vst v2  }
0x27f: {  	v2 =	vld.idx.msk [tilespmem:v3+s2+$0x0], $0xffff  }
0x280: {  	v3 =	vld [tilespmem:$0x1FC10];
	_ =	sdelay $0x4  }
0x281: {  	v3 =	vor.u32 v3, v1;
	_ =	sdelay $0x3  }
0x282: {  	[tilespmem:s18+$0xFFFFFE30] =	vst v2  }
0x283: {  	v2 =	vld.idx.msk [tilespmem:v3+s2+$0x0], $0xffff  }
0x284: {  	v3 =	vld [tilespmem:$0x1FC20];
	_ =	sdelay $0x4  }
0x285: {  	v3 =	vor.u32 v3, v1;
	_ =	sdelay $0x3  }
0x286: {  	[tilespmem:s18+$0xFFFFFE40] =	vst v2  }
0x287: {  	v2 =	vld.idx.msk [tilespmem:v3+s2+$0x0], $0xffff  }
0x288: {  	v3 =	vld [tilespmem:$0x1FC30];
	_ =	sdelay $0x4  }
0x289: {  	v3 =	vor.u32 v3, v1;
	_ =	sdelay $0x3  }
0x28a: {  	[tilespmem:s18+$0xFFFFFE50] =	vst v2  }
0x28b: {  	v2 =	vld.idx.msk [tilespmem:v3+s2+$0x0], $0xffff  }
0x28c: {  	v3 =	vld [tilespmem:$0x1FC40];
	_ =	sdelay $0x4  }
0x28d: {  	v3 =	vor.u32 v3, v1;
	_ =	sdelay $0x3  }
0x28e: {  	[tilespmem:s18+$0xFFFFFE60] =	vst v2  }
0x28f: {  	v2 =	vld.idx.msk [tilespmem:v3+s2+$0x0], $0xffff  }
0x290: {  	v3 =	vld [tilespmem:$0x1FC50];
	_ =	sdelay $0x4  }
0x291: {  	v3 =	vor.u32 v3, v1;
	_ =	sdelay $0x3  }
0x292: {  	[tilespmem:s18+$0xFFFFFE70] =	vst v2  }
0x293: {  	v2 =	vld.idx.msk [tilespmem:v3+s2+$0x0], $0xffff  }
0x294: {  	v3 =	vld [tilespmem:$0x1FC60];
	_ =	sdelay $0x4  }
0x295: {  	v3 =	vor.u32 v3, v1;
	_ =	sdelay $0x3  }
0x296: {  	[tilespmem:s18+$0x200] =	vst v2  }
0x297: {  	v2 =	vld.idx.msk [tilespmem:v3+s2+$0x0], $0xffff  }
0x298: {  	v3 =	vld [tilespmem:$0x1FC70];
	_ =	sdelay $0x4  }
0x299: {  	v3 =	vor.u32 v3, v1;
	_ =	sdelay $0x3  }
0x29a: {  	[tilespmem:s18+$0x210] =	vst v2  }
0x29b: {  	v2 =	vld.idx.msk [tilespmem:v3+s2+$0x0], $0xffff  }
0x29c: {  	v3 =	vld [tilespmem:$0x1FC80];
	_ =	sdelay $0x4  }
0x29d: {  	v3 =	vor.u32 v3, v1;
	_ =	sdelay $0x3  }
0x29e: {  	[tilespmem:s18+$0x220] =	vst v2  }
0x29f: {  	v2 =	vld.idx.msk [tilespmem:v3+s2+$0x0], $0xffff  }
0x2a0: {  	v3 =	vld [tilespmem:$0x1FC90];
	_ =	sdelay $0x4  }
0x2a1: {  	v3 =	vor.u32 v3, v1;
	_ =	sdelay $0x3  }
0x2a2: {  	[tilespmem:s18+$0x230] =	vst v2  }
0x2a3: {  	v2 =	vld.idx.msk [tilespmem:v3+s2+$0x0], $0xffff  }
0x2a4: {  	v3 =	vld [tilespmem:$0x1FCA0];
	_ =	sdelay $0x4  }
0x2a5: {  	v3 =	vor.u32 v3, v1;
	_ =	sdelay $0x3  }
0x2a6: {  	[tilespmem:s18+$0x240] =	vst v2  }
0x2a7: {  	v2 =	vld.idx.msk [tilespmem:v3+s2+$0x0], $0xffff  }
0x2a8: {  	v3 =	vld [tilespmem:$0x1FCB0];
	_ =	sdelay $0x4  }
0x2a9: {  	v3 =	vor.u32 v3, v1;
	_ =	sdelay $0x3  }
0x2aa: {  	[tilespmem:s18+$0x250] =	vst v2  }
0x2ab: {  	v2 =	vld.idx.msk [tilespmem:v3+s2+$0x0], $0xffff  }
0x2ac: {  	v3 =	vld [tilespmem:$0x1FCC0];
	_ =	sdelay $0x4  }
0x2ad: {  	v3 =	vor.u32 v3, v1;
	_ =	sdelay $0x3  }
0x2ae: {  	[tilespmem:s18+$0x260] =	vst v2  }
0x2af: {  	v2 =	vld.idx.msk [tilespmem:v3+s2+$0x0], $0xffff  }
0x2b0: {  	v3 =	vld [tilespmem:$0x1FCD0];
	_ =	sdelay $0x4  }
0x2b1: {  	v3 =	vor.u32 v3, v1;
	_ =	sdelay $0x3  }
0x2b2: {  	[tilespmem:s18+$0x270] =	vst v2  }
0x2b3: {  	v2 =	vld.idx.msk [tilespmem:v3+s2+$0x0], $0xffff  }
0x2b4: {  	v3 =	vld [tilespmem:$0x1FCE0];
	_ =	sdelay $0x4  }
0x2b5: {  	v3 =	vor.u32 v3, v1;
	_ =	sdelay $0x3  }
0x2b6: {  	[tilespmem:s18+$0xFFFFFE80] =	vst v2  }
0x2b7: {  	v2 =	vld.idx.msk [tilespmem:v3+s2+$0x0], $0xffff  }
0x2b8: {  	v3 =	vld [tilespmem:$0x1FCF0];
	_ =	sdelay $0x4  }
0x2b9: {  	v3 =	vor.u32 v3, v1;
	_ =	sdelay $0x3  }
0x2ba: {  	[tilespmem:s18+$0xFFFFFE90] =	vst v2  }
0x2bb: {  	v2 =	vld.idx.msk [tilespmem:v3+s2+$0x0], $0xffff  }
0x2bc: {  	v3 =	vld [tilespmem:$0x1FD00];
	_ =	sdelay $0x4  }
0x2bd: {  	v3 =	vor.u32 v3, v1;
	_ =	sdelay $0x3  }
0x2be: {  	[tilespmem:s18+$0xFFFFFEA0] =	vst v2  }
0x2bf: {  	v2 =	vld.idx.msk [tilespmem:v3+s2+$0x0], $0xffff  }
0x2c0: {  	v3 =	vld [tilespmem:$0x1FD10];
	_ =	sdelay $0x4  }
0x2c1: {  	v3 =	vor.u32 v3, v1;
	_ =	sdelay $0x3  }
0x2c2: {  	[tilespmem:s18+$0xFFFFFEB0] =	vst v2  }
0x2c3: {  	v2 =	vld.idx.msk [tilespmem:v3+s2+$0x0], $0xffff  }
0x2c4: {  	v3 =	vld [tilespmem:$0x1FD20];
	_ =	sdelay $0x4  }
0x2c5: {  	v3 =	vor.u32 v3, v1;
	_ =	sdelay $0x3  }
0x2c6: {  	[tilespmem:s18+$0xFFFFFEC0] =	vst v2  }
0x2c7: {  	v2 =	vld.idx.msk [tilespmem:v3+s2+$0x0], $0xffff  }
0x2c8: {  	v3 =	vld [tilespmem:$0x1FD30];
	_ =	sdelay $0x4  }
0x2c9: {  	v3 =	vor.u32 v3, v1;
	_ =	sdelay $0x3  }
0x2ca: {  	[tilespmem:s18+$0xFFFFFED0] =	vst v2  }
0x2cb: {  	v2 =	vld.idx.msk [tilespmem:v3+s2+$0x0], $0xffff  }
0x2cc: {  	v3 =	vld [tilespmem:$0x1FD40];
	_ =	sdelay $0x4  }
0x2cd: {  	v3 =	vor.u32 v3, v1;
	_ =	sdelay $0x3  }
0x2ce: {  	[tilespmem:s18+$0xFFFFFEE0] =	vst v2  }
0x2cf: {  	v2 =	vld.idx.msk [tilespmem:v3+s2+$0x0], $0xffff  }
0x2d0: {  	v3 =	vld [tilespmem:$0x1FD50];
	_ =	sdelay $0x4  }
0x2d1: {  	v3 =	vor.u32 v3, v1;
	_ =	sdelay $0x3  }
0x2d2: {  	[tilespmem:s18+$0xFFFFFEF0] =	vst v2  }
0x2d3: {  	v2 =	vld.idx.msk [tilespmem:v3+s2+$0x0], $0xffff  }
0x2d4: {  	v3 =	vld [tilespmem:$0x1FD60];
	_ =	sdelay $0x4  }
0x2d5: {  	v3 =	vor.u32 v3, v1;
	_ =	sdelay $0x3  }
0x2d6: {  	[tilespmem:s18+$0x280] =	vst v2  }
0x2d7: {  	v2 =	vld.idx.msk [tilespmem:v3+s2+$0x0], $0xffff  }
0x2d8: {  	v3 =	vld [tilespmem:$0x1FD70];
	_ =	sdelay $0x4  }
0x2d9: {  	v3 =	vor.u32 v3, v1;
	_ =	sdelay $0x3  }
0x2da: {  	[tilespmem:s18+$0x290] =	vst v2  }
0x2db: {  	v2 =	vld.idx.msk [tilespmem:v3+s2+$0x0], $0xffff  }
0x2dc: {  	v3 =	vld [tilespmem:$0x1FD80];
	_ =	sdelay $0x4  }
0x2dd: {  	v3 =	vor.u32 v3, v1;
	_ =	sdelay $0x3  }
0x2de: {  	[tilespmem:s18+$0x2A0] =	vst v2  }
0x2df: {  	v2 =	vld.idx.msk [tilespmem:v3+s2+$0x0], $0xffff  }
0x2e0: {  	v3 =	vld [tilespmem:$0x1FD90];
	_ =	sdelay $0x4  }
0x2e1: {  	v3 =	vor.u32 v3, v1;
	_ =	sdelay $0x3  }
0x2e2: {  	[tilespmem:s18+$0x2B0] =	vst v2  }
0x2e3: {  	v2 =	vld.idx.msk [tilespmem:v3+s2+$0x0], $0xffff  }
0x2e4: {  	v3 =	vld [tilespmem:$0x1FDA0];
	_ =	sdelay $0x4  }
0x2e5: {  	v3 =	vor.u32 v3, v1;
	_ =	sdelay $0x3  }
0x2e6: {  	[tilespmem:s18+$0x2C0] =	vst v2  }
0x2e7: {  	v2 =	vld.idx.msk [tilespmem:v3+s2+$0x0], $0xffff  }
0x2e8: {  	v3 =	vld [tilespmem:$0x1FDB0];
	_ =	sdelay $0x4  }
0x2e9: {  	v3 =	vor.u32 v3, v1;
	_ =	sdelay $0x3  }
0x2ea: {  	[tilespmem:s18+$0x2D0] =	vst v2  }
0x2eb: {  	v2 =	vld.idx.msk [tilespmem:v3+s2+$0x0], $0xffff  }
0x2ec: {  	v3 =	vld [tilespmem:$0x1FDC0];
	_ =	sdelay $0x4  }
0x2ed: {  	v3 =	vor.u32 v3, v1;
	_ =	sdelay $0x3  }
0x2ee: {  	[tilespmem:s18+$0x2E0] =	vst v2  }
0x2ef: {  	v2 =	vld.idx.msk [tilespmem:v3+s2+$0x0], $0xffff  }
0x2f0: {  	v3 =	vld [tilespmem:$0x1FDD0];
	_ =	sdelay $0x4  }
0x2f1: {  	v3 =	vor.u32 v3, v1;
	_ =	sdelay $0x3  }
0x2f2: {  	[tilespmem:s18+$0x2F0] =	vst v2  }
0x2f3: {  	v2 =	vld.idx.msk [tilespmem:v3+s2+$0x0], $0xffff  }
0x2f4: {  	v3 =	vld [tilespmem:$0x1FDE0];
	_ =	sdelay $0x4  }
0x2f5: {  	v3 =	vor.u32 v3, v1;
	_ =	sdelay $0x3  }
0x2f6: {  	[tilespmem:s18+$0xFFFFFF00] =	vst v2  }
0x2f7: {  	v2 =	vld.idx.msk [tilespmem:v3+s2+$0x0], $0xffff  }
0x2f8: {  	v3 =	vld [tilespmem:$0x1FDF0];
	_ =	sdelay $0x4  }
0x2f9: {  	v3 =	vor.u32 v3, v1;
	_ =	sdelay $0x3  }
0x2fa: {  	[tilespmem:s18+$0xFFFFFF10] =	vst v2  }
0x2fb: {  	v2 =	vld.idx.msk [tilespmem:v3+s2+$0x0], $0xffff  }
0x2fc: {  	v3 =	vld [tilespmem:$0x1FE00];
	_ =	sdelay $0x4  }
0x2fd: {  	v3 =	vor.u32 v3, v1;
	_ =	sdelay $0x3  }
0x2fe: {  	[tilespmem:s18+$0xFFFFFF20] =	vst v2  }
0x2ff: {  	v2 =	vld.idx.msk [tilespmem:v3+s2+$0x0], $0xffff  }
0x300: {  	v3 =	vld [tilespmem:$0x1FE10];
	_ =	sdelay $0x4  }
0x301: {  	v3 =	vor.u32 v3, v1;
	_ =	sdelay $0x3  }
0x302: {  	[tilespmem:s18+$0xFFFFFF30] =	vst v2  }
0x303: {  	v2 =	vld.idx.msk [tilespmem:v3+s2+$0x0], $0xffff  }
0x304: {  	v3 =	vld [tilespmem:$0x1FE20];
	_ =	sdelay $0x4  }
0x305: {  	v3 =	vor.u32 v3, v1;
	_ =	sdelay $0x3  }
0x306: {  	[tilespmem:s18+$0xFFFFFF40] =	vst v2  }
0x307: {  	v2 =	vld.idx.msk [tilespmem:v3+s2+$0x0], $0xffff  }
0x308: {  	v3 =	vld [tilespmem:$0x1FE30];
	_ =	sdelay $0x4  }
0x309: {  	v3 =	vor.u32 v3, v1;
	_ =	sdelay $0x3  }
0x30a: {  	[tilespmem:s18+$0xFFFFFF50] =	vst v2  }
0x30b: {  	v2 =	vld.idx.msk [tilespmem:v3+s2+$0x0], $0xffff  }
0x30c: {  	v3 =	vld [tilespmem:$0x1FE40];
	_ =	sdelay $0x4  }
0x30d: {  	v3 =	vor.u32 v3, v1;
	_ =	sdelay $0x3  }
0x30e: {  	[tilespmem:s18+$0xFFFFFF60] =	vst v2  }
0x30f: {  	v2 =	vld.idx.msk [tilespmem:v3+s2+$0x0], $0xffff  }
0x310: {  	v3 =	vld [tilespmem:$0x1FE50];
	_ =	sdelay $0x4  }
0x311: {  	v3 =	vor.u32 v3, v1;
	_ =	sdelay $0x3  }
0x312: {  	[tilespmem:s18+$0xFFFFFF70] =	vst v2  }
0x313: {  	v2 =	vld.idx.msk [tilespmem:v3+s2+$0x0], $0xffff  }
0x314: {  	v3 =	vld [tilespmem:$0x1FE60];
	_ =	sdelay $0x4  }
0x315: {  	v3 =	vor.u32 v3, v1;
	_ =	sdelay $0x3  }
0x316: {  	[tilespmem:s18+$0x300] =	vst v2  }
0x317: {  	v2 =	vld.idx.msk [tilespmem:v3+s2+$0x0], $0xffff  }
0x318: {  	v3 =	vld [tilespmem:$0x1FE70];
	_ =	sdelay $0x4  }
0x319: {  	v3 =	vor.u32 v3, v1;
	_ =	sdelay $0x3  }
0x31a: {  	[tilespmem:s18+$0x310] =	vst v2  }
0x31b: {  	v2 =	vld.idx.msk [tilespmem:v3+s2+$0x0], $0xffff  }
0x31c: {  	v3 =	vld [tilespmem:$0x1FE80];
	_ =	sdelay $0x4  }
0x31d: {  	v3 =	vor.u32 v3, v1;
	_ =	sdelay $0x3  }
0x31e: {  	[tilespmem:s18+$0x320] =	vst v2  }
0x31f: {  	v2 =	vld.idx.msk [tilespmem:v3+s2+$0x0], $0xffff  }
0x320: {  	v3 =	vld [tilespmem:$0x1FE90];
	_ =	sdelay $0x4  }
0x321: {  	v3 =	vor.u32 v3, v1;
	_ =	sdelay $0x3  }
0x322: {  	[tilespmem:s18+$0x330] =	vst v2  }
0x323: {  	v2 =	vld.idx.msk [tilespmem:v3+s2+$0x0], $0xffff  }
0x324: {  	v3 =	vld [tilespmem:$0x1FEA0];
	_ =	sdelay $0x4  }
0x325: {  	v3 =	vor.u32 v3, v1;
	_ =	sdelay $0x3  }
0x326: {  	[tilespmem:s18+$0x340] =	vst v2  }
0x327: {  	v2 =	vld.idx.msk [tilespmem:v3+s2+$0x0], $0xffff  }
0x328: {  	v3 =	vld [tilespmem:$0x1FEB0];
	_ =	sdelay $0x4  }
0x329: {  	v3 =	vor.u32 v3, v1;
	_ =	sdelay $0x3  }
0x32a: {  	[tilespmem:s18+$0x350] =	vst v2  }
0x32b: {  	v2 =	vld.idx.msk [tilespmem:v3+s2+$0x0], $0xffff  }
0x32c: {  	v3 =	vld [tilespmem:$0x1FEC0];
	_ =	sdelay $0x4  }
0x32d: {  	v3 =	vor.u32 v3, v1;
	_ =	sdelay $0x3  }
0x32e: {  	[tilespmem:s18+$0x360] =	vst v2  }
0x32f: {  	v2 =	vld.idx.msk [tilespmem:v3+s2+$0x0], $0xffff  }
0x330: {  	v3 =	vld [tilespmem:$0x1FED0];
	_ =	sdelay $0x4  }
0x331: {  	v3 =	vor.u32 v3, v1;
	_ =	sdelay $0x3  }
0x332: {  	[tilespmem:s18+$0x370] =	vst v2  }
0x333: {  	v2 =	vld.idx.msk [tilespmem:v3+s2+$0x0], $0xffff  }
0x334: {  	v3 =	vld [tilespmem:$0x1FEE0];
	_ =	sdelay $0x4  }
0x335: {  	v3 =	vor.u32 v3, v1;
	_ =	sdelay $0x3  }
0x336: {  	[tilespmem:s18+$0xFFFFFF80] =	vst v2  }
0x337: {  	v2 =	vld.idx.msk [tilespmem:v3+s2+$0x0], $0xffff  }
0x338: {  	v3 =	vld [tilespmem:$0x1FEF0];
	_ =	sdelay $0x4  }
0x339: {  	v3 =	vor.u32 v3, v1;
	_ =	sdelay $0x3  }
0x33a: {  	[tilespmem:s18+$0xFFFFFF90] =	vst v2  }
0x33b: {  	v2 =	vld.idx.msk [tilespmem:v3+s2+$0x0], $0xffff  }
0x33c: {  	v3 =	vld [tilespmem:$0x1FF00];
	_ =	sdelay $0x4  }
0x33d: {  	v3 =	vor.u32 v3, v1;
	_ =	sdelay $0x3  }
0x33e: {  	[tilespmem:s18+$0xFFFFFFA0] =	vst v2  }
0x33f: {  	v2 =	vld.idx.msk [tilespmem:v3+s2+$0x0], $0xffff  }
0x340: {  	v3 =	vld [tilespmem:$0x1FF10];
	_ =	sdelay $0x4  }
0x341: {  	v3 =	vor.u32 v3, v1;
	_ =	sdelay $0x3  }
0x342: {  	[tilespmem:s18+$0xFFFFFFB0] =	vst v2  }
0x343: {  	v2 =	vld.idx.msk [tilespmem:v3+s2+$0x0], $0xffff  }
0x344: {  	v3 =	vld [tilespmem:$0x1FF20];
	_ =	sdelay $0x4  }
0x345: {  	v3 =	vor.u32 v3, v1;
	_ =	sdelay $0x3  }
0x346: {  	[tilespmem:s18+$0xFFFFFFC0] =	vst v2  }
0x347: {  	v2 =	vld.idx.msk [tilespmem:v3+s2+$0x0], $0xffff  }
0x348: {  	v3 =	vld [tilespmem:$0x1FF30];
	_ =	sdelay $0x4  }
0x349: {  	v3 =	vor.u32 v3, v1;
	_ =	sdelay $0x3  }
0x34a: {  	[tilespmem:s18+$0xFFFFFFD0] =	vst v2  }
0x34b: {  	v2 =	vld.idx.msk [tilespmem:v3+s2+$0x0], $0xffff  }
0x34c: {  	v3 =	vld [tilespmem:$0x1FF40];
	_ =	sdelay $0x4  }
0x34d: {  	v3 =	vor.u32 v3, v1;
	_ =	sdelay $0x3  }
0x34e: {  	[tilespmem:s18+$0xFFFFFFE0] =	vst v2  }
0x34f: {  	v2 =	vld.idx.msk [tilespmem:v3+s2+$0x0], $0xffff  }
0x350: {  	v3 =	vld [tilespmem:$0x1FF50];
	_ =	sdelay $0x4  }
0x351: {  	v3 =	vor.u32 v3, v1;
	_ =	sdelay $0x3  }
0x352: {  	[tilespmem:s18+$0xFFFFFFF0] =	vst v2  }
0x353: {  	v2 =	vld.idx.msk [tilespmem:v3+s2+$0x0], $0xffff  }
0x354: {  	v3 =	vld [tilespmem:$0x1FF60];
	_ =	sdelay $0x4  }
0x355: {  	v3 =	vor.u32 v3, v1;
	_ =	sdelay $0x3  }
0x356: {  	[tilespmem:s18+$0x380] =	vst v2  }
0x357: {  	v2 =	vld.idx.msk [tilespmem:v3+s2+$0x0], $0xffff  }
0x358: {  	v3 =	vld [tilespmem:$0x1FF70];
	_ =	sdelay $0x4  }
0x359: {  	v3 =	vor.u32 v3, v1;
	_ =	sdelay $0x3  }
0x35a: {  	[tilespmem:s18+$0x390] =	vst v2  }
0x35b: {  	v2 =	vld.idx.msk [tilespmem:v3+s2+$0x0], $0xffff  }
0x35c: {  	v3 =	vld [tilespmem:$0x1FF80];
	_ =	sdelay $0x4  }
0x35d: {  	v3 =	vor.u32 v3, v1;
	_ =	sdelay $0x3  }
0x35e: {  	[tilespmem:s18+$0x3A0] =	vst v2  }
0x35f: {  	v2 =	vld.idx.msk [tilespmem:v3+s2+$0x0], $0xffff  }
0x360: {  	v3 =	vld [tilespmem:$0x1FF90];
	_ =	sdelay $0x4  }
0x361: {  	v3 =	vor.u32 v3, v1;
	_ =	sdelay $0x3  }
0x362: {  	[tilespmem:s18+$0x3B0] =	vst v2  }
0x363: {  	v2 =	vld.idx.msk [tilespmem:v3+s2+$0x0], $0xffff  }
0x364: {  	v3 =	vor.u32 v9, v1;
	_ =	sdelay $0x3  }
0x365: {  	[tilespmem:s18+$0x3C0] =	vst v2  }
0x366: {  	v2 =	vld.idx.msk [tilespmem:v3+s2+$0x0], $0xffff  }
0x367: {  	p0 =	slt.u32 s17, $0x18;
	v3 =	vor.u32 v0, v1  }
.Ltmp0:
0x368: {  	_ = 	snop;
	(pc) =	sbr.rel @p0 .LBB2_3-.Ltmp0, $3  }
0x369: {  	_ =	sdelay $0x1  }
0x36a: {  	[tilespmem:s18+$0x3D0] =	vst v2  }
0x36b: {  	v2 =	vld.idx.msk [tilespmem:v3+s2+$0x0], $0xffff;
	v3 =	vor.u32 v7, v1  }
0x36c: {  	_ =	sdelay $0x3  }
0x36d: {  	[tilespmem:s18+$0x3E0] =	vst v2  }
0x36e: {  	v1 =	vld.idx.msk [tilespmem:v3+s2+$0x0], $0xffff;
	_ =	sdelay $0x3  }
0x36f: {  	p0 =	seq.s32 s15, $0x0  }
0x370: {  	[tilespmem:s18+$0x3F0] =	vst v1;
	s18 =	simm.s32 @!p0 $0x3  }
0x371: {  	s17 =	simm.s32 $0x0;
	_ =	swait.ge @!p0 [sflag:s18], $0x2000  }
0x372: {  	s19 =	sshll.u32 s15, $0xB;
	p1 =	seq.s32 s15, $0xF;
	v1 =	vmov s17;
	[sflag:s18] =	ssyncset.done @!p0 $0x0  }
0x373: {  	s31 =	sadd.s32 s19, s4;
	v1 =	vshrl.u32 v1, $0x3;
	[sflag:s18] =	ssyncadd.s32 @!p0 $0xFFFFE000;
	s18 =	sshll.u32 @!p1 s15, $0xD  }
0x374: {  	v1 =	vshll.u32 v1, $0xD;
	[hbm4b:s31+s2] =	stream.linear.scatter [tilespmem:s9], [sflag:$0x3], $0x2000, $0x38;
	[tilespmem:$0x14000] =	vst v63  }
0x375: {  	s19 =	simm.s32 @!p1 $0x0;
	v1 =	vbroadcast v1, $0x0;
	s18 =	sadd.s32 @!p1 s18, s5  }
0x376: {  	[tilespmem:s19], [sflag:$0x1] =	stream.linear.gather @!p1 [hbm4b:s18+s19], $0x8000, $0x38;
	[tilespmem:$0x14000] =	vst v63  }
0x377: {  	v2 =	vor.u32 v4, v1;
	_ =	swait.ge [sflag:s10], $0x8000  }
0x378: {  	v3 =	vld [tilespmem:$0x1FFC0];
	_ =	sdelay $0x1  }
0x379: {  	[sflag:s10] =	ssyncset.done $0x0  }
0x37a: {  	[sflag:s10] =	ssyncadd.s32 $0xFFFF8000  }
0x37b: {  	v2 =	vld.idx.msk [tilespmem:v2+s7+$0x0], $0xffff  }
0x37c: {  	v3 =	vor.u32 v3, v1;
	_ =	sdelay $0x2  }
0x37d: {  	s18 =	simm.s32 $0x12400  }
0x37e: {  	[tilespmem:s18+$0xFFFFFC00] =	vst v2  }
0x37f: {  	v2 =	vld.idx.msk [tilespmem:v3+s7+$0x0], $0xffff  }
0x380: {  	v3 =	vld [tilespmem:$0x1FFD0];
	_ =	sdelay $0x4  }
0x381: {  	v3 =	vor.u32 v3, v1;
	_ =	sdelay $0x3  }
0x382: {  	[tilespmem:s18+$0xFFFFFC10] =	vst v2  }
0x383: {  	v2 =	vld.idx.msk [tilespmem:v3+s7+$0x0], $0xffff  }
0x384: {  	v3 =	vor.u32 v6, v1;
	_ =	sdelay $0x3  }
0x385: {  	[tilespmem:s18+$0xFFFFFC20] =	vst v2  }
0x386: {  	v2 =	vld.idx.msk [tilespmem:v3+s7+$0x0], $0xffff  }
0x387: {  	v3 =	vld [tilespmem:$0x1FFE0];
	_ =	sdelay $0x4  }
0x388: {  	v3 =	vor.u32 v3, v1;
	_ =	sdelay $0x3  }
0x389: {  	[tilespmem:s18+$0xFFFFFC30] =	vst v2  }
0x38a: {  	v2 =	vld.idx.msk [tilespmem:v3+s7+$0x0], $0xffff  }
0x38b: {  	v3 =	vor.u32 v8, v1;
	_ =	sdelay $0x3  }
0x38c: {  	[tilespmem:s18+$0xFFFFFC40] =	vst v2  }
0x38d: {  	v2 =	vld.idx.msk [tilespmem:v3+s7+$0x0], $0xffff  }
0x38e: {  	v3 =	vld [tilespmem:$0x1FFF0];
	_ =	sdelay $0x4  }
0x38f: {  	v3 =	vor.u32 v3, v1;
	_ =	sdelay $0x3  }
0x390: {  	[tilespmem:s18+$0xFFFFFC50] =	vst v2  }
0x391: {  	v2 =	vld.idx.msk [tilespmem:v3+s7+$0x0], $0xffff  }
0x392: {  	v3 =	vor.u32 v10, v1;
	_ =	sdelay $0x3  }
0x393: {  	[tilespmem:s18+$0xFFFFFC60] =	vst v2  }
0x394: {  	v2 =	vld.idx.msk [tilespmem:v3+s7+$0x0], $0xffff  }
0x395: {  	v3 =	vor.u32 v11, v1;
	_ =	sdelay $0x3  }
0x396: {  	[tilespmem:s18+$0xFFFFFC70] =	vst v2  }
0x397: {  	v2 =	vld.idx.msk [tilespmem:v3+s7+$0x0], $0xffff  }
0x398: {  	v3 =	vor.u32 v12, v1;
	_ =	sdelay $0x3  }
0x399: {  	[tilespmem:s18+$0x0] =	vst v2  }
0x39a: {  	v2 =	vld.idx.msk [tilespmem:v3+s7+$0x0], $0xffff  }
0x39b: {  	v3 =	vor.u32 v13, v1;
	_ =	sdelay $0x3  }
0x39c: {  	[tilespmem:s18+$0x10] =	vst v2  }
0x39d: {  	v2 =	vld.idx.msk [tilespmem:v3+s7+$0x0], $0xffff  }
0x39e: {  	v3 =	vor.u32 v14, v1;
	_ =	sdelay $0x3  }
0x39f: {  	[tilespmem:s18+$0x20] =	vst v2  }
0x3a0: {  	v2 =	vld.idx.msk [tilespmem:v3+s7+$0x0], $0xffff  }
0x3a1: {  	v3 =	vor.u32 v15, v1;
	_ =	sdelay $0x3  }
0x3a2: {  	[tilespmem:s18+$0x30] =	vst v2  }
0x3a3: {  	v2 =	vld.idx.msk [tilespmem:v3+s7+$0x0], $0xffff  }
0x3a4: {  	v3 =	vor.u32 v16, v1;
	_ =	sdelay $0x3  }
0x3a5: {  	[tilespmem:s18+$0x40] =	vst v2  }
0x3a6: {  	v2 =	vld.idx.msk [tilespmem:v3+s7+$0x0], $0xffff  }
0x3a7: {  	v3 =	vor.u32 v17, v1;
	_ =	sdelay $0x3  }
0x3a8: {  	[tilespmem:s18+$0x50] =	vst v2  }
0x3a9: {  	v2 =	vld.idx.msk [tilespmem:v3+s7+$0x0], $0xffff  }
0x3aa: {  	v3 =	vor.u32 v18, v1;
	_ =	sdelay $0x3  }
0x3ab: {  	[tilespmem:s18+$0x60] =	vst v2  }
0x3ac: {  	v2 =	vld.idx.msk [tilespmem:v3+s7+$0x0], $0xffff  }
0x3ad: {  	v3 =	vor.u32 v19, v1;
	_ =	sdelay $0x3  }
0x3ae: {  	[tilespmem:s18+$0x70] =	vst v2  }
0x3af: {  	v2 =	vld.idx.msk [tilespmem:v3+s7+$0x0], $0xffff  }
0x3b0: {  	v3 =	vor.u32 v20, v1;
	_ =	sdelay $0x3  }
0x3b1: {  	[tilespmem:s18+$0xFFFFFC80] =	vst v2  }
0x3b2: {  	v2 =	vld.idx.msk [tilespmem:v3+s7+$0x0], $0xffff  }
0x3b3: {  	v3 =	vor.u32 v21, v1;
	_ =	sdelay $0x3  }
0x3b4: {  	[tilespmem:s18+$0xFFFFFC90] =	vst v2  }
0x3b5: {  	v2 =	vld.idx.msk [tilespmem:v3+s7+$0x0], $0xffff  }
0x3b6: {  	v3 =	vor.u32 v22, v1;
	_ =	sdelay $0x3  }
0x3b7: {  	[tilespmem:s18+$0xFFFFFCA0] =	vst v2  }
0x3b8: {  	v2 =	vld.idx.msk [tilespmem:v3+s7+$0x0], $0xffff  }
0x3b9: {  	v3 =	vor.u32 v23, v1;
	_ =	sdelay $0x3  }
0x3ba: {  	[tilespmem:s18+$0xFFFFFCB0] =	vst v2  }
0x3bb: {  	v2 =	vld.idx.msk [tilespmem:v3+s7+$0x0], $0xffff  }
0x3bc: {  	v3 =	vor.u32 v24, v1;
	_ =	sdelay $0x3  }
0x3bd: {  	[tilespmem:s18+$0xFFFFFCC0] =	vst v2  }
0x3be: {  	v2 =	vld.idx.msk [tilespmem:v3+s7+$0x0], $0xffff  }
0x3bf: {  	v3 =	vor.u32 v25, v1;
	_ =	sdelay $0x3  }
0x3c0: {  	[tilespmem:s18+$0xFFFFFCD0] =	vst v2  }
0x3c1: {  	v2 =	vld.idx.msk [tilespmem:v3+s7+$0x0], $0xffff  }
0x3c2: {  	v3 =	vor.u32 v26, v1;
	_ =	sdelay $0x3  }
0x3c3: {  	[tilespmem:s18+$0xFFFFFCE0] =	vst v2  }
0x3c4: {  	v2 =	vld.idx.msk [tilespmem:v3+s7+$0x0], $0xffff  }
0x3c5: {  	v3 =	vor.u32 v27, v1;
	_ =	sdelay $0x3  }
0x3c6: {  	[tilespmem:s18+$0xFFFFFCF0] =	vst v2  }
0x3c7: {  	v2 =	vld.idx.msk [tilespmem:v3+s7+$0x0], $0xffff  }
0x3c8: {  	v3 =	vor.u32 v28, v1;
	_ =	sdelay $0x3  }
0x3c9: {  	[tilespmem:s18+$0x80] =	vst v2  }
0x3ca: {  	v2 =	vld.idx.msk [tilespmem:v3+s7+$0x0], $0xffff  }
0x3cb: {  	v3 =	vor.u32 v29, v1;
	_ =	sdelay $0x3  }
0x3cc: {  	[tilespmem:s18+$0x90] =	vst v2  }
0x3cd: {  	v2 =	vld.idx.msk [tilespmem:v3+s7+$0x0], $0xffff  }
0x3ce: {  	v3 =	vor.u32 v30, v1;
	_ =	sdelay $0x3  }
0x3cf: {  	[tilespmem:s18+$0xA0] =	vst v2  }
0x3d0: {  	v2 =	vld.idx.msk [tilespmem:v3+s7+$0x0], $0xffff  }
0x3d1: {  	v3 =	vor.u32 v31, v1;
	_ =	sdelay $0x3  }
0x3d2: {  	[tilespmem:s18+$0xB0] =	vst v2  }
0x3d3: {  	v2 =	vld.idx.msk [tilespmem:v3+s7+$0x0], $0xffff  }
0x3d4: {  	v3 =	vor.u32 v32, v1;
	_ =	sdelay $0x3  }
0x3d5: {  	[tilespmem:s18+$0xC0] =	vst v2  }
0x3d6: {  	v2 =	vld.idx.msk [tilespmem:v3+s7+$0x0], $0xffff  }
0x3d7: {  	v3 =	vor.u32 v33, v1;
	_ =	sdelay $0x3  }
0x3d8: {  	[tilespmem:s18+$0xD0] =	vst v2  }
0x3d9: {  	v2 =	vld.idx.msk [tilespmem:v3+s7+$0x0], $0xffff  }
0x3da: {  	v3 =	vor.u32 v34, v1;
	_ =	sdelay $0x3  }
0x3db: {  	[tilespmem:s18+$0xE0] =	vst v2  }
0x3dc: {  	v2 =	vld.idx.msk [tilespmem:v3+s7+$0x0], $0xffff  }
0x3dd: {  	v3 =	vor.u32 v35, v1;
	_ =	sdelay $0x3  }
0x3de: {  	[tilespmem:s18+$0xF0] =	vst v2  }
0x3df: {  	v2 =	vld.idx.msk [tilespmem:v3+s7+$0x0], $0xffff  }
0x3e0: {  	v3 =	vor.u32 v36, v1;
	_ =	sdelay $0x3  }
0x3e1: {  	[tilespmem:s18+$0xFFFFFD00] =	vst v2  }
0x3e2: {  	v2 =	vld.idx.msk [tilespmem:v3+s7+$0x0], $0xffff  }
0x3e3: {  	v3 =	vor.u32 v37, v1;
	_ =	sdelay $0x3  }
0x3e4: {  	[tilespmem:s18+$0xFFFFFD10] =	vst v2  }
0x3e5: {  	v2 =	vld.idx.msk [tilespmem:v3+s7+$0x0], $0xffff  }
0x3e6: {  	v3 =	vor.u32 v38, v1;
	_ =	sdelay $0x3  }
0x3e7: {  	[tilespmem:s18+$0xFFFFFD20] =	vst v2  }
0x3e8: {  	v2 =	vld.idx.msk [tilespmem:v3+s7+$0x0], $0xffff  }
0x3e9: {  	v3 =	vor.u32 v39, v1;
	_ =	sdelay $0x3  }
0x3ea: {  	[tilespmem:s18+$0xFFFFFD30] =	vst v2  }
0x3eb: {  	v2 =	vld.idx.msk [tilespmem:v3+s7+$0x0], $0xffff  }
0x3ec: {  	v3 =	vor.u32 v40, v1;
	_ =	sdelay $0x3  }
0x3ed: {  	[tilespmem:s18+$0xFFFFFD40] =	vst v2  }
0x3ee: {  	v2 =	vld.idx.msk [tilespmem:v3+s7+$0x0], $0xffff  }
0x3ef: {  	v3 =	vor.u32 v41, v1;
	_ =	sdelay $0x3  }
0x3f0: {  	[tilespmem:s18+$0xFFFFFD50] =	vst v2  }
0x3f1: {  	v2 =	vld.idx.msk [tilespmem:v3+s7+$0x0], $0xffff  }
0x3f2: {  	v3 =	vor.u32 v42, v1;
	_ =	sdelay $0x3  }
0x3f3: {  	[tilespmem:s18+$0xFFFFFD60] =	vst v2  }
0x3f4: {  	v2 =	vld.idx.msk [tilespmem:v3+s7+$0x0], $0xffff  }
0x3f5: {  	v3 =	vor.u32 v43, v1;
	_ =	sdelay $0x3  }
0x3f6: {  	[tilespmem:s18+$0xFFFFFD70] =	vst v2  }
0x3f7: {  	v2 =	vld.idx.msk [tilespmem:v3+s7+$0x0], $0xffff  }
0x3f8: {  	v3 =	vor.u32 v44, v1;
	_ =	sdelay $0x3  }
0x3f9: {  	[tilespmem:s18+$0x100] =	vst v2  }
0x3fa: {  	v2 =	vld.idx.msk [tilespmem:v3+s7+$0x0], $0xffff  }
0x3fb: {  	v3 =	vor.u32 v45, v1;
	_ =	sdelay $0x3  }
0x3fc: {  	[tilespmem:s18+$0x110] =	vst v2  }
0x3fd: {  	v2 =	vld.idx.msk [tilespmem:v3+s7+$0x0], $0xffff  }
0x3fe: {  	v3 =	vor.u32 v46, v1;
	_ =	sdelay $0x3  }
0x3ff: {  	[tilespmem:s18+$0x120] =	vst v2  }
0x400: {  	v2 =	vld.idx.msk [tilespmem:v3+s7+$0x0], $0xffff  }
0x401: {  	v3 =	vor.u32 v47, v1;
	_ =	sdelay $0x3  }
0x402: {  	[tilespmem:s18+$0x130] =	vst v2  }
0x403: {  	v2 =	vld.idx.msk [tilespmem:v3+s7+$0x0], $0xffff  }
0x404: {  	v3 =	vor.u32 v48, v1;
	_ =	sdelay $0x3  }
0x405: {  	[tilespmem:s18+$0x140] =	vst v2  }
0x406: {  	v2 =	vld.idx.msk [tilespmem:v3+s7+$0x0], $0xffff  }
0x407: {  	v3 =	vor.u32 v49, v1;
	_ =	sdelay $0x3  }
0x408: {  	[tilespmem:s18+$0x150] =	vst v2  }
0x409: {  	v2 =	vld.idx.msk [tilespmem:v3+s7+$0x0], $0xffff  }
0x40a: {  	v3 =	vor.u32 v50, v1;
	_ =	sdelay $0x3  }
0x40b: {  	[tilespmem:s18+$0x160] =	vst v2  }
0x40c: {  	v2 =	vld.idx.msk [tilespmem:v3+s7+$0x0], $0xffff  }
0x40d: {  	v3 =	vor.u32 v51, v1;
	_ =	sdelay $0x3  }
0x40e: {  	[tilespmem:s18+$0x170] =	vst v2  }
0x40f: {  	v2 =	vld.idx.msk [tilespmem:v3+s7+$0x0], $0xffff  }
0x410: {  	v3 =	vor.u32 v52, v1;
	_ =	sdelay $0x3  }
0x411: {  	[tilespmem:s18+$0xFFFFFD80] =	vst v2  }
0x412: {  	v2 =	vld.idx.msk [tilespmem:v3+s7+$0x0], $0xffff  }
0x413: {  	v3 =	vor.u32 v53, v1;
	_ =	sdelay $0x3  }
0x414: {  	[tilespmem:s18+$0xFFFFFD90] =	vst v2  }
0x415: {  	v2 =	vld.idx.msk [tilespmem:v3+s7+$0x0], $0xffff  }
0x416: {  	v3 =	vor.u32 v54, v1;
	_ =	sdelay $0x3  }
0x417: {  	[tilespmem:s18+$0xFFFFFDA0] =	vst v2  }
0x418: {  	v2 =	vld.idx.msk [tilespmem:v3+s7+$0x0], $0xffff  }
0x419: {  	v3 =	vor.u32 v55, v1;
	_ =	sdelay $0x3  }
0x41a: {  	[tilespmem:s18+$0xFFFFFDB0] =	vst v2  }
0x41b: {  	v2 =	vld.idx.msk [tilespmem:v3+s7+$0x0], $0xffff  }
0x41c: {  	v3 =	vor.u32 v56, v1;
	_ =	sdelay $0x3  }
0x41d: {  	[tilespmem:s18+$0xFFFFFDC0] =	vst v2  }
0x41e: {  	v2 =	vld.idx.msk [tilespmem:v3+s7+$0x0], $0xffff  }
0x41f: {  	v3 =	vor.u32 v57, v1;
	_ =	sdelay $0x3  }
0x420: {  	[tilespmem:s18+$0xFFFFFDD0] =	vst v2  }
0x421: {  	v2 =	vld.idx.msk [tilespmem:v3+s7+$0x0], $0xffff  }
0x422: {  	v3 =	vor.u32 v58, v1;
	_ =	sdelay $0x3  }
0x423: {  	[tilespmem:s18+$0xFFFFFDE0] =	vst v2  }
0x424: {  	v2 =	vld.idx.msk [tilespmem:v3+s7+$0x0], $0xffff  }
0x425: {  	v3 =	vor.u32 v59, v1;
	_ =	sdelay $0x3  }
0x426: {  	[tilespmem:s18+$0xFFFFFDF0] =	vst v2  }
0x427: {  	v2 =	vld.idx.msk [tilespmem:v3+s7+$0x0], $0xffff  }
0x428: {  	v3 =	vor.u32 v60, v1;
	_ =	sdelay $0x3  }
0x429: {  	[tilespmem:s18+$0x180] =	vst v2  }
0x42a: {  	v2 =	vld.idx.msk [tilespmem:v3+s7+$0x0], $0xffff  }
0x42b: {  	v3 =	vor.u32 v61, v1;
	_ =	sdelay $0x3  }
0x42c: {  	[tilespmem:s18+$0x190] =	vst v2  }
0x42d: {  	v2 =	vld.idx.msk [tilespmem:v3+s7+$0x0], $0xffff  }
0x42e: {  	v3 =	vor.u32 v62, v1;
	_ =	sdelay $0x3  }
0x42f: {  	[tilespmem:s18+$0x1A0] =	vst v2  }
0x430: {  	v2 =	vld.idx.msk [tilespmem:v3+s7+$0x0], $0xffff  }
0x431: {  	v3 =	vor.u32 v63, v1;
	_ =	sdelay $0x3  }
0x432: {  	[tilespmem:s18+$0x1B0] =	vst v2  }
0x433: {  	v2 =	vld.idx.msk [tilespmem:v3+s7+$0x0], $0xffff  }
0x434: {  	v3 =	vor.u32 v5, v1;
	_ =	sdelay $0x3  }
0x435: {  	[tilespmem:s18+$0x1C0] =	vst v2  }
0x436: {  	v2 =	vld.idx.msk [tilespmem:v3+s7+$0x0], $0xffff  }
0x437: {  	v3 =	vld [tilespmem:$0x1FFA0];
	_ =	sdelay $0x4  }
0x438: {  	v3 =	vor.u32 v3, v1;
	_ =	sdelay $0x3  }
0x439: {  	[tilespmem:s18+$0x1D0] =	vst v2  }
0x43a: {  	v2 =	vld.idx.msk [tilespmem:v3+s7+$0x0], $0xffff  }
0x43b: {  	v3 =	vld [tilespmem:$0x1FFB0];
	_ =	sdelay $0x4  }
0x43c: {  	v3 =	vor.u32 v3, v1;
	_ =	sdelay $0x3  }
0x43d: {  	[tilespmem:s18+$0x1E0] =	vst v2  }
0x43e: {  	v2 =	vld.idx.msk [tilespmem:v3+s7+$0x0], $0xffff  }
0x43f: {  	v3 =	vld [tilespmem:$0x1FBD0];
	_ =	sdelay $0x4  }
0x440: {  	v3 =	vor.u32 v3, v1;
	_ =	sdelay $0x3  }
0x441: {  	[tilespmem:s18+$0x1F0] =	vst v2  }
0x442: {  	v2 =	vld.idx.msk [tilespmem:v3+s7+$0x0], $0xffff  }
0x443: {  	v3 =	vld [tilespmem:$0x1FBE0];
	_ =	sdelay $0x4  }
0x444: {  	v3 =	vor.u32 v3, v1;
	_ =	sdelay $0x3  }
0x445: {  	[tilespmem:s18+$0xFFFFFE00] =	vst v2  }
0x446: {  	v2 =	vld.idx.msk [tilespmem:v3+s7+$0x0], $0xffff  }
0x447: {  	v3 =	vld [tilespmem:$0x1FBF0];
	_ =	sdelay $0x4  }
0x448: {  	v3 =	vor.u32 v3, v1;
	_ =	sdelay $0x3  }
0x449: {  	[tilespmem:s18+$0xFFFFFE10] =	vst v2  }
0x44a: {  	v2 =	vld.idx.msk [tilespmem:v3+s7+$0x0], $0xffff  }
0x44b: {  	v3 =	vld [tilespmem:$0x1FC00];
	_ =	sdelay $0x4  }
0x44c: {  	v3 =	vor.u32 v3, v1;
	_ =	sdelay $0x3  }
0x44d: {  	[tilespmem:s18+$0xFFFFFE20] =	vst v2  }
0x44e: {  	v2 =	vld.idx.msk [tilespmem:v3+s7+$0x0], $0xffff  }
0x44f: {  	v3 =	vld [tilespmem:$0x1FC10];
	_ =	sdelay $0x4  }
0x450: {  	v3 =	vor.u32 v3, v1;
	_ =	sdelay $0x3  }
0x451: {  	[tilespmem:s18+$0xFFFFFE30] =	vst v2  }
0x452: {  	v2 =	vld.idx.msk [tilespmem:v3+s7+$0x0], $0xffff  }
0x453: {  	v3 =	vld [tilespmem:$0x1FC20];
	_ =	sdelay $0x4  }
0x454: {  	v3 =	vor.u32 v3, v1;
	_ =	sdelay $0x3  }
0x455: {  	[tilespmem:s18+$0xFFFFFE40] =	vst v2  }
0x456: {  	v2 =	vld.idx.msk [tilespmem:v3+s7+$0x0], $0xffff  }
0x457: {  	v3 =	vld [tilespmem:$0x1FC30];
	_ =	sdelay $0x4  }
0x458: {  	v3 =	vor.u32 v3, v1;
	_ =	sdelay $0x3  }
0x459: {  	[tilespmem:s18+$0xFFFFFE50] =	vst v2  }
0x45a: {  	v2 =	vld.idx.msk [tilespmem:v3+s7+$0x0], $0xffff  }
0x45b: {  	v3 =	vld [tilespmem:$0x1FC40];
	_ =	sdelay $0x4  }
0x45c: {  	v3 =	vor.u32 v3, v1;
	_ =	sdelay $0x3  }
0x45d: {  	[tilespmem:s18+$0xFFFFFE60] =	vst v2  }
0x45e: {  	v2 =	vld.idx.msk [tilespmem:v3+s7+$0x0], $0xffff  }
0x45f: {  	v3 =	vld [tilespmem:$0x1FC50];
	_ =	sdelay $0x4  }
0x460: {  	v3 =	vor.u32 v3, v1;
	_ =	sdelay $0x3  }
0x461: {  	[tilespmem:s18+$0xFFFFFE70] =	vst v2  }
0x462: {  	v2 =	vld.idx.msk [tilespmem:v3+s7+$0x0], $0xffff  }
0x463: {  	v3 =	vld [tilespmem:$0x1FC60];
	_ =	sdelay $0x4  }
0x464: {  	v3 =	vor.u32 v3, v1;
	_ =	sdelay $0x3  }
0x465: {  	[tilespmem:s18+$0x200] =	vst v2  }
0x466: {  	v2 =	vld.idx.msk [tilespmem:v3+s7+$0x0], $0xffff  }
0x467: {  	v3 =	vld [tilespmem:$0x1FC70];
	_ =	sdelay $0x4  }
0x468: {  	v3 =	vor.u32 v3, v1;
	_ =	sdelay $0x3  }
0x469: {  	[tilespmem:s18+$0x210] =	vst v2  }
0x46a: {  	v2 =	vld.idx.msk [tilespmem:v3+s7+$0x0], $0xffff  }
0x46b: {  	v3 =	vld [tilespmem:$0x1FC80];
	_ =	sdelay $0x4  }
0x46c: {  	v3 =	vor.u32 v3, v1;
	_ =	sdelay $0x3  }
0x46d: {  	[tilespmem:s18+$0x220] =	vst v2  }
0x46e: {  	v2 =	vld.idx.msk [tilespmem:v3+s7+$0x0], $0xffff  }
0x46f: {  	v3 =	vld [tilespmem:$0x1FC90];
	_ =	sdelay $0x4  }
0x470: {  	v3 =	vor.u32 v3, v1;
	_ =	sdelay $0x3  }
0x471: {  	[tilespmem:s18+$0x230] =	vst v2  }
0x472: {  	v2 =	vld.idx.msk [tilespmem:v3+s7+$0x0], $0xffff  }
0x473: {  	v3 =	vld [tilespmem:$0x1FCA0];
	_ =	sdelay $0x4  }
0x474: {  	v3 =	vor.u32 v3, v1;
	_ =	sdelay $0x3  }
0x475: {  	[tilespmem:s18+$0x240] =	vst v2  }
0x476: {  	v2 =	vld.idx.msk [tilespmem:v3+s7+$0x0], $0xffff  }
0x477: {  	v3 =	vld [tilespmem:$0x1FCB0];
	_ =	sdelay $0x4  }
0x478: {  	v3 =	vor.u32 v3, v1;
	_ =	sdelay $0x3  }
0x479: {  	[tilespmem:s18+$0x250] =	vst v2  }
0x47a: {  	v2 =	vld.idx.msk [tilespmem:v3+s7+$0x0], $0xffff  }
0x47b: {  	v3 =	vld [tilespmem:$0x1FCC0];
	_ =	sdelay $0x4  }
0x47c: {  	v3 =	vor.u32 v3, v1;
	_ =	sdelay $0x3  }
0x47d: {  	[tilespmem:s18+$0x260] =	vst v2  }
0x47e: {  	v2 =	vld.idx.msk [tilespmem:v3+s7+$0x0], $0xffff  }
0x47f: {  	v3 =	vld [tilespmem:$0x1FCD0];
	_ =	sdelay $0x4  }
0x480: {  	v3 =	vor.u32 v3, v1;
	_ =	sdelay $0x3  }
0x481: {  	[tilespmem:s18+$0x270] =	vst v2  }
0x482: {  	v2 =	vld.idx.msk [tilespmem:v3+s7+$0x0], $0xffff  }
0x483: {  	v3 =	vld [tilespmem:$0x1FCE0];
	_ =	sdelay $0x4  }
0x484: {  	v3 =	vor.u32 v3, v1;
	_ =	sdelay $0x3  }
0x485: {  	[tilespmem:s18+$0xFFFFFE80] =	vst v2  }
0x486: {  	v2 =	vld.idx.msk [tilespmem:v3+s7+$0x0], $0xffff  }
0x487: {  	v3 =	vld [tilespmem:$0x1FCF0];
	_ =	sdelay $0x4  }
0x488: {  	v3 =	vor.u32 v3, v1;
	_ =	sdelay $0x3  }
0x489: {  	[tilespmem:s18+$0xFFFFFE90] =	vst v2  }
0x48a: {  	v2 =	vld.idx.msk [tilespmem:v3+s7+$0x0], $0xffff  }
0x48b: {  	v3 =	vld [tilespmem:$0x1FD00];
	_ =	sdelay $0x4  }
0x48c: {  	v3 =	vor.u32 v3, v1;
	_ =	sdelay $0x3  }
0x48d: {  	[tilespmem:s18+$0xFFFFFEA0] =	vst v2  }
0x48e: {  	v2 =	vld.idx.msk [tilespmem:v3+s7+$0x0], $0xffff  }
0x48f: {  	v3 =	vld [tilespmem:$0x1FD10];
	_ =	sdelay $0x4  }
0x490: {  	v3 =	vor.u32 v3, v1;
	_ =	sdelay $0x3  }
0x491: {  	[tilespmem:s18+$0xFFFFFEB0] =	vst v2  }
0x492: {  	v2 =	vld.idx.msk [tilespmem:v3+s7+$0x0], $0xffff  }
0x493: {  	v3 =	vld [tilespmem:$0x1FD20];
	_ =	sdelay $0x4  }
0x494: {  	v3 =	vor.u32 v3, v1;
	_ =	sdelay $0x3  }
0x495: {  	[tilespmem:s18+$0xFFFFFEC0] =	vst v2  }
0x496: {  	v2 =	vld.idx.msk [tilespmem:v3+s7+$0x0], $0xffff  }
0x497: {  	v3 =	vld [tilespmem:$0x1FD30];
	_ =	sdelay $0x4  }
0x498: {  	v3 =	vor.u32 v3, v1;
	_ =	sdelay $0x3  }
0x499: {  	[tilespmem:s18+$0xFFFFFED0] =	vst v2  }
0x49a: {  	v2 =	vld.idx.msk [tilespmem:v3+s7+$0x0], $0xffff  }
0x49b: {  	v3 =	vld [tilespmem:$0x1FD40];
	_ =	sdelay $0x4  }
0x49c: {  	v3 =	vor.u32 v3, v1;
	_ =	sdelay $0x3  }
0x49d: {  	[tilespmem:s18+$0xFFFFFEE0] =	vst v2  }
0x49e: {  	v2 =	vld.idx.msk [tilespmem:v3+s7+$0x0], $0xffff  }
0x49f: {  	v3 =	vld [tilespmem:$0x1FD50];
	_ =	sdelay $0x4  }
0x4a0: {  	v3 =	vor.u32 v3, v1;
	_ =	sdelay $0x3  }
0x4a1: {  	[tilespmem:s18+$0xFFFFFEF0] =	vst v2  }
0x4a2: {  	v2 =	vld.idx.msk [tilespmem:v3+s7+$0x0], $0xffff  }
0x4a3: {  	v3 =	vld [tilespmem:$0x1FD60];
	_ =	sdelay $0x4  }
0x4a4: {  	v3 =	vor.u32 v3, v1;
	_ =	sdelay $0x3  }
0x4a5: {  	[tilespmem:s18+$0x280] =	vst v2  }
0x4a6: {  	v2 =	vld.idx.msk [tilespmem:v3+s7+$0x0], $0xffff  }
0x4a7: {  	v3 =	vld [tilespmem:$0x1FD70];
	_ =	sdelay $0x4  }
0x4a8: {  	v3 =	vor.u32 v3, v1;
	_ =	sdelay $0x3  }
0x4a9: {  	[tilespmem:s18+$0x290] =	vst v2  }
0x4aa: {  	v2 =	vld.idx.msk [tilespmem:v3+s7+$0x0], $0xffff  }
0x4ab: {  	v3 =	vld [tilespmem:$0x1FD80];
	_ =	sdelay $0x4  }
0x4ac: {  	v3 =	vor.u32 v3, v1;
	_ =	sdelay $0x3  }
0x4ad: {  	[tilespmem:s18+$0x2A0] =	vst v2  }
0x4ae: {  	v2 =	vld.idx.msk [tilespmem:v3+s7+$0x0], $0xffff  }
0x4af: {  	v3 =	vld [tilespmem:$0x1FD90];
	_ =	sdelay $0x4  }
0x4b0: {  	v3 =	vor.u32 v3, v1;
	_ =	sdelay $0x3  }
0x4b1: {  	[tilespmem:s18+$0x2B0] =	vst v2  }
0x4b2: {  	v2 =	vld.idx.msk [tilespmem:v3+s7+$0x0], $0xffff  }
0x4b3: {  	v3 =	vld [tilespmem:$0x1FDA0];
	_ =	sdelay $0x4  }
0x4b4: {  	v3 =	vor.u32 v3, v1;
	_ =	sdelay $0x3  }
0x4b5: {  	[tilespmem:s18+$0x2C0] =	vst v2  }
0x4b6: {  	v2 =	vld.idx.msk [tilespmem:v3+s7+$0x0], $0xffff  }
0x4b7: {  	v3 =	vld [tilespmem:$0x1FDB0];
	_ =	sdelay $0x4  }
0x4b8: {  	v3 =	vor.u32 v3, v1;
	_ =	sdelay $0x3  }
0x4b9: {  	[tilespmem:s18+$0x2D0] =	vst v2  }
0x4ba: {  	v2 =	vld.idx.msk [tilespmem:v3+s7+$0x0], $0xffff  }
0x4bb: {  	v3 =	vld [tilespmem:$0x1FDC0];
	_ =	sdelay $0x4  }
0x4bc: {  	v3 =	vor.u32 v3, v1;
	_ =	sdelay $0x3  }
0x4bd: {  	[tilespmem:s18+$0x2E0] =	vst v2  }
0x4be: {  	v2 =	vld.idx.msk [tilespmem:v3+s7+$0x0], $0xffff  }
0x4bf: {  	v3 =	vld [tilespmem:$0x1FDD0];
	_ =	sdelay $0x4  }
0x4c0: {  	v3 =	vor.u32 v3, v1;
	_ =	sdelay $0x3  }
0x4c1: {  	[tilespmem:s18+$0x2F0] =	vst v2  }
0x4c2: {  	v2 =	vld.idx.msk [tilespmem:v3+s7+$0x0], $0xffff  }
0x4c3: {  	v3 =	vld [tilespmem:$0x1FDE0];
	_ =	sdelay $0x4  }
0x4c4: {  	v3 =	vor.u32 v3, v1;
	_ =	sdelay $0x3  }
0x4c5: {  	[tilespmem:s18+$0xFFFFFF00] =	vst v2  }
0x4c6: {  	v2 =	vld.idx.msk [tilespmem:v3+s7+$0x0], $0xffff  }
0x4c7: {  	v3 =	vld [tilespmem:$0x1FDF0];
	_ =	sdelay $0x4  }
0x4c8: {  	v3 =	vor.u32 v3, v1;
	_ =	sdelay $0x3  }
0x4c9: {  	[tilespmem:s18+$0xFFFFFF10] =	vst v2  }
0x4ca: {  	v2 =	vld.idx.msk [tilespmem:v3+s7+$0x0], $0xffff  }
0x4cb: {  	v3 =	vld [tilespmem:$0x1FE00];
	_ =	sdelay $0x4  }
0x4cc: {  	v3 =	vor.u32 v3, v1;
	_ =	sdelay $0x3  }
0x4cd: {  	[tilespmem:s18+$0xFFFFFF20] =	vst v2  }
0x4ce: {  	v2 =	vld.idx.msk [tilespmem:v3+s7+$0x0], $0xffff  }
0x4cf: {  	v3 =	vld [tilespmem:$0x1FE10];
	_ =	sdelay $0x4  }
0x4d0: {  	v3 =	vor.u32 v3, v1;
	_ =	sdelay $0x3  }
0x4d1: {  	[tilespmem:s18+$0xFFFFFF30] =	vst v2  }
0x4d2: {  	v2 =	vld.idx.msk [tilespmem:v3+s7+$0x0], $0xffff  }
0x4d3: {  	v3 =	vld [tilespmem:$0x1FE20];
	_ =	sdelay $0x4  }
0x4d4: {  	v3 =	vor.u32 v3, v1;
	_ =	sdelay $0x3  }
0x4d5: {  	[tilespmem:s18+$0xFFFFFF40] =	vst v2  }
0x4d6: {  	v2 =	vld.idx.msk [tilespmem:v3+s7+$0x0], $0xffff  }
0x4d7: {  	v3 =	vld [tilespmem:$0x1FE30];
	_ =	sdelay $0x4  }
0x4d8: {  	v3 =	vor.u32 v3, v1;
	_ =	sdelay $0x3  }
0x4d9: {  	[tilespmem:s18+$0xFFFFFF50] =	vst v2  }
0x4da: {  	v2 =	vld.idx.msk [tilespmem:v3+s7+$0x0], $0xffff  }
0x4db: {  	v3 =	vld [tilespmem:$0x1FE40];
	_ =	sdelay $0x4  }
0x4dc: {  	v3 =	vor.u32 v3, v1;
	_ =	sdelay $0x3  }
0x4dd: {  	[tilespmem:s18+$0xFFFFFF60] =	vst v2  }
0x4de: {  	v2 =	vld.idx.msk [tilespmem:v3+s7+$0x0], $0xffff  }
0x4df: {  	v3 =	vld [tilespmem:$0x1FE50];
	_ =	sdelay $0x4  }
0x4e0: {  	v3 =	vor.u32 v3, v1;
	_ =	sdelay $0x3  }
0x4e1: {  	[tilespmem:s18+$0xFFFFFF70] =	vst v2  }
0x4e2: {  	v2 =	vld.idx.msk [tilespmem:v3+s7+$0x0], $0xffff  }
0x4e3: {  	v3 =	vld [tilespmem:$0x1FE60];
	_ =	sdelay $0x4  }
0x4e4: {  	v3 =	vor.u32 v3, v1;
	_ =	sdelay $0x3  }
0x4e5: {  	[tilespmem:s18+$0x300] =	vst v2  }
0x4e6: {  	v2 =	vld.idx.msk [tilespmem:v3+s7+$0x0], $0xffff  }
0x4e7: {  	v3 =	vld [tilespmem:$0x1FE70];
	_ =	sdelay $0x4  }
0x4e8: {  	v3 =	vor.u32 v3, v1;
	_ =	sdelay $0x3  }
0x4e9: {  	[tilespmem:s18+$0x310] =	vst v2  }
0x4ea: {  	v2 =	vld.idx.msk [tilespmem:v3+s7+$0x0], $0xffff  }
0x4eb: {  	v3 =	vld [tilespmem:$0x1FE80];
	_ =	sdelay $0x4  }
0x4ec: {  	v3 =	vor.u32 v3, v1;
	_ =	sdelay $0x3  }
0x4ed: {  	[tilespmem:s18+$0x320] =	vst v2  }
0x4ee: {  	v2 =	vld.idx.msk [tilespmem:v3+s7+$0x0], $0xffff  }
0x4ef: {  	v3 =	vld [tilespmem:$0x1FE90];
	_ =	sdelay $0x4  }
0x4f0: {  	v3 =	vor.u32 v3, v1;
	_ =	sdelay $0x3  }
0x4f1: {  	[tilespmem:s18+$0x330] =	vst v2  }
0x4f2: {  	v2 =	vld.idx.msk [tilespmem:v3+s7+$0x0], $0xffff  }
0x4f3: {  	v3 =	vld [tilespmem:$0x1FEA0];
	_ =	sdelay $0x4  }
0x4f4: {  	v3 =	vor.u32 v3, v1;
	_ =	sdelay $0x3  }
0x4f5: {  	[tilespmem:s18+$0x340] =	vst v2  }
0x4f6: {  	v2 =	vld.idx.msk [tilespmem:v3+s7+$0x0], $0xffff  }
0x4f7: {  	v3 =	vld [tilespmem:$0x1FEB0];
	_ =	sdelay $0x4  }
0x4f8: {  	v3 =	vor.u32 v3, v1;
	_ =	sdelay $0x3  }
0x4f9: {  	[tilespmem:s18+$0x350] =	vst v2  }
0x4fa: {  	v2 =	vld.idx.msk [tilespmem:v3+s7+$0x0], $0xffff  }
0x4fb: {  	v3 =	vld [tilespmem:$0x1FEC0];
	_ =	sdelay $0x4  }
0x4fc: {  	v3 =	vor.u32 v3, v1;
	_ =	sdelay $0x3  }
0x4fd: {  	[tilespmem:s18+$0x360] =	vst v2  }
0x4fe: {  	v2 =	vld.idx.msk [tilespmem:v3+s7+$0x0], $0xffff  }
0x4ff: {  	v3 =	vld [tilespmem:$0x1FED0];
	_ =	sdelay $0x4  }
0x500: {  	v3 =	vor.u32 v3, v1;
	_ =	sdelay $0x3  }
0x501: {  	[tilespmem:s18+$0x370] =	vst v2  }
0x502: {  	v2 =	vld.idx.msk [tilespmem:v3+s7+$0x0], $0xffff  }
0x503: {  	v3 =	vld [tilespmem:$0x1FEE0];
	_ =	sdelay $0x4  }
0x504: {  	v3 =	vor.u32 v3, v1;
	_ =	sdelay $0x3  }
0x505: {  	[tilespmem:s18+$0xFFFFFF80] =	vst v2  }
0x506: {  	v2 =	vld.idx.msk [tilespmem:v3+s7+$0x0], $0xffff  }
0x507: {  	v3 =	vld [tilespmem:$0x1FEF0];
	_ =	sdelay $0x4  }
0x508: {  	v3 =	vor.u32 v3, v1;
	_ =	sdelay $0x3  }
0x509: {  	[tilespmem:s18+$0xFFFFFF90] =	vst v2  }
0x50a: {  	v2 =	vld.idx.msk [tilespmem:v3+s7+$0x0], $0xffff  }
0x50b: {  	v3 =	vld [tilespmem:$0x1FF00];
	_ =	sdelay $0x4  }
0x50c: {  	v3 =	vor.u32 v3, v1;
	_ =	sdelay $0x3  }
0x50d: {  	[tilespmem:s18+$0xFFFFFFA0] =	vst v2  }
0x50e: {  	v2 =	vld.idx.msk [tilespmem:v3+s7+$0x0], $0xffff  }
0x50f: {  	v3 =	vld [tilespmem:$0x1FF10];
	_ =	sdelay $0x4  }
0x510: {  	v3 =	vor.u32 v3, v1;
	_ =	sdelay $0x3  }
0x511: {  	[tilespmem:s18+$0xFFFFFFB0] =	vst v2  }
0x512: {  	v2 =	vld.idx.msk [tilespmem:v3+s7+$0x0], $0xffff  }
0x513: {  	v3 =	vld [tilespmem:$0x1FF20];
	_ =	sdelay $0x4  }
0x514: {  	v3 =	vor.u32 v3, v1;
	_ =	sdelay $0x3  }
0x515: {  	[tilespmem:s18+$0xFFFFFFC0] =	vst v2  }
0x516: {  	v2 =	vld.idx.msk [tilespmem:v3+s7+$0x0], $0xffff  }
0x517: {  	v3 =	vld [tilespmem:$0x1FF30];
	_ =	sdelay $0x4  }
0x518: {  	v3 =	vor.u32 v3, v1;
	_ =	sdelay $0x3  }
0x519: {  	[tilespmem:s18+$0xFFFFFFD0] =	vst v2  }
0x51a: {  	v2 =	vld.idx.msk [tilespmem:v3+s7+$0x0], $0xffff  }
0x51b: {  	v3 =	vld [tilespmem:$0x1FF40];
	_ =	sdelay $0x4  }
0x51c: {  	v3 =	vor.u32 v3, v1;
	_ =	sdelay $0x3  }
0x51d: {  	[tilespmem:s18+$0xFFFFFFE0] =	vst v2  }
0x51e: {  	v2 =	vld.idx.msk [tilespmem:v3+s7+$0x0], $0xffff  }
0x51f: {  	v3 =	vld [tilespmem:$0x1FF50];
	_ =	sdelay $0x4  }
0x520: {  	v3 =	vor.u32 v3, v1;
	_ =	sdelay $0x3  }
0x521: {  	[tilespmem:s18+$0xFFFFFFF0] =	vst v2  }
0x522: {  	v2 =	vld.idx.msk [tilespmem:v3+s7+$0x0], $0xffff  }
0x523: {  	v3 =	vld [tilespmem:$0x1FF60];
	_ =	sdelay $0x4  }
0x524: {  	v3 =	vor.u32 v3, v1;
	_ =	sdelay $0x3  }
0x525: {  	[tilespmem:s18+$0x380] =	vst v2  }
0x526: {  	v2 =	vld.idx.msk [tilespmem:v3+s7+$0x0], $0xffff  }
0x527: {  	v3 =	vld [tilespmem:$0x1FF70];
	_ =	sdelay $0x4  }
0x528: {  	v3 =	vor.u32 v3, v1;
	_ =	sdelay $0x3  }
0x529: {  	[tilespmem:s18+$0x390] =	vst v2  }
0x52a: {  	v2 =	vld.idx.msk [tilespmem:v3+s7+$0x0], $0xffff  }
0x52b: {  	v3 =	vld [tilespmem:$0x1FF80];
	_ =	sdelay $0x4  }
0x52c: {  	v3 =	vor.u32 v3, v1;
	_ =	sdelay $0x3  }
0x52d: {  	[tilespmem:s18+$0x3A0] =	vst v2  }
0x52e: {  	v2 =	vld.idx.msk [tilespmem:v3+s7+$0x0], $0xffff  }
0x52f: {  	v3 =	vld [tilespmem:$0x1FF90];
	_ =	sdelay $0x4  }
0x530: {  	v3 =	vor.u32 v3, v1;
	_ =	sdelay $0x3  }
0x531: {  	[tilespmem:s18+$0x3B0] =	vst v2  }
0x532: {  	v2 =	vld.idx.msk [tilespmem:v3+s7+$0x0], $0xffff  }
0x533: {  	v3 =	vor.u32 v9, v1;
	_ =	sdelay $0x3  }
0x534: {  	[tilespmem:s18+$0x3C0] =	vst v2  }
0x535: {  	v2 =	vld.idx.msk [tilespmem:v3+s7+$0x0], $0xffff  }
0x536: {  	v3 =	vor.u32 v0, v1;
	_ =	sdelay $0x3  }
0x537: {  	[tilespmem:s18+$0x3D0] =	vst v2  }
0x538: {  	v2 =	vld.idx.msk [tilespmem:v3+s7+$0x0], $0xffff;
	v3 =	vor.u32 v7, v1  }
.LBB2_5:
0x539: {  	s17 =	sadd.s32 $0x8, s17  }
0x53a: {  	v1 =	vmov s17  }
0x53b: {  	v1 =	vshrl.u32 v1, $0x3  }
0x53c: {  	v1 =	vshll.u32 v1, $0xD  }
0x53d: {  	[tilespmem:s18+$0x3E0] =	vst v2;
	v1 =	vbroadcast v1, $0x0  }
0x53e: {  	v2 =	vld.idx.msk [tilespmem:v3+s7+$0x0], $0xffff  }
0x53f: {  	v3 =	vor.u32 v4, v1;
	_ =	sdelay $0x3  }
0x540: {  	[tilespmem:s18+$0x3F0] =	vst v2  }
0x541: {  	v2 =	vld.idx.msk [tilespmem:v3+s7+$0x0], $0xffff  }
0x542: {  	v3 =	vld [tilespmem:$0x1FFC0];
	_ =	sdelay $0x4  }
0x543: {  	v3 =	vor.u32 v3, v1;
	_ =	sdelay $0x2  }
0x544: {  	s18 =	sadd.s32 $0x800, s18  }
0x545: {  	[tilespmem:s18+$0xFFFFFC00] =	vst v2  }
0x546: {  	v2 =	vld.idx.msk [tilespmem:v3+s7+$0x0], $0xffff  }
0x547: {  	v3 =	vld [tilespmem:$0x1FFD0];
	_ =	sdelay $0x4  }
0x548: {  	v3 =	vor.u32 v3, v1;
	_ =	sdelay $0x3  }
0x549: {  	[tilespmem:s18+$0xFFFFFC10] =	vst v2  }
0x54a: {  	v2 =	vld.idx.msk [tilespmem:v3+s7+$0x0], $0xffff  }
0x54b: {  	v3 =	vor.u32 v6, v1;
	_ =	sdelay $0x3  }
0x54c: {  	[tilespmem:s18+$0xFFFFFC20] =	vst v2  }
0x54d: {  	v2 =	vld.idx.msk [tilespmem:v3+s7+$0x0], $0xffff  }
0x54e: {  	v3 =	vld [tilespmem:$0x1FFE0];
	_ =	sdelay $0x4  }
0x54f: {  	v3 =	vor.u32 v3, v1;
	_ =	sdelay $0x3  }
0x550: {  	[tilespmem:s18+$0xFFFFFC30] =	vst v2  }
0x551: {  	v2 =	vld.idx.msk [tilespmem:v3+s7+$0x0], $0xffff  }
0x552: {  	v3 =	vor.u32 v8, v1;
	_ =	sdelay $0x3  }
0x553: {  	[tilespmem:s18+$0xFFFFFC40] =	vst v2  }
0x554: {  	v2 =	vld.idx.msk [tilespmem:v3+s7+$0x0], $0xffff  }
0x555: {  	v3 =	vld [tilespmem:$0x1FFF0];
	_ =	sdelay $0x4  }
0x556: {  	v3 =	vor.u32 v3, v1;
	_ =	sdelay $0x3  }
0x557: {  	[tilespmem:s18+$0xFFFFFC50] =	vst v2  }
0x558: {  	v2 =	vld.idx.msk [tilespmem:v3+s7+$0x0], $0xffff  }
0x559: {  	v3 =	vor.u32 v10, v1;
	_ =	sdelay $0x3  }
0x55a: {  	[tilespmem:s18+$0xFFFFFC60] =	vst v2  }
0x55b: {  	v2 =	vld.idx.msk [tilespmem:v3+s7+$0x0], $0xffff  }
0x55c: {  	v3 =	vor.u32 v11, v1;
	_ =	sdelay $0x3  }
0x55d: {  	[tilespmem:s18+$0xFFFFFC70] =	vst v2  }
0x55e: {  	v2 =	vld.idx.msk [tilespmem:v3+s7+$0x0], $0xffff  }
0x55f: {  	v3 =	vor.u32 v12, v1;
	_ =	sdelay $0x3  }
0x560: {  	[tilespmem:s18+$0x0] =	vst v2  }
0x561: {  	v2 =	vld.idx.msk [tilespmem:v3+s7+$0x0], $0xffff  }
0x562: {  	v3 =	vor.u32 v13, v1;
	_ =	sdelay $0x3  }
0x563: {  	[tilespmem:s18+$0x10] =	vst v2  }
0x564: {  	v2 =	vld.idx.msk [tilespmem:v3+s7+$0x0], $0xffff  }
0x565: {  	v3 =	vor.u32 v14, v1;
	_ =	sdelay $0x3  }
0x566: {  	[tilespmem:s18+$0x20] =	vst v2  }
0x567: {  	v2 =	vld.idx.msk [tilespmem:v3+s7+$0x0], $0xffff  }
0x568: {  	v3 =	vor.u32 v15, v1;
	_ =	sdelay $0x3  }
0x569: {  	[tilespmem:s18+$0x30] =	vst v2  }
0x56a: {  	v2 =	vld.idx.msk [tilespmem:v3+s7+$0x0], $0xffff  }
0x56b: {  	v3 =	vor.u32 v16, v1;
	_ =	sdelay $0x3  }
0x56c: {  	[tilespmem:s18+$0x40] =	vst v2  }
0x56d: {  	v2 =	vld.idx.msk [tilespmem:v3+s7+$0x0], $0xffff  }
0x56e: {  	v3 =	vor.u32 v17, v1;
	_ =	sdelay $0x3  }
0x56f: {  	[tilespmem:s18+$0x50] =	vst v2  }
0x570: {  	v2 =	vld.idx.msk [tilespmem:v3+s7+$0x0], $0xffff  }
0x571: {  	v3 =	vor.u32 v18, v1;
	_ =	sdelay $0x3  }
0x572: {  	[tilespmem:s18+$0x60] =	vst v2  }
0x573: {  	v2 =	vld.idx.msk [tilespmem:v3+s7+$0x0], $0xffff  }
0x574: {  	v3 =	vor.u32 v19, v1;
	_ =	sdelay $0x3  }
0x575: {  	[tilespmem:s18+$0x70] =	vst v2  }
0x576: {  	v2 =	vld.idx.msk [tilespmem:v3+s7+$0x0], $0xffff  }
0x577: {  	v3 =	vor.u32 v20, v1;
	_ =	sdelay $0x3  }
0x578: {  	[tilespmem:s18+$0xFFFFFC80] =	vst v2  }
0x579: {  	v2 =	vld.idx.msk [tilespmem:v3+s7+$0x0], $0xffff  }
0x57a: {  	v3 =	vor.u32 v21, v1;
	_ =	sdelay $0x3  }
0x57b: {  	[tilespmem:s18+$0xFFFFFC90] =	vst v2  }
0x57c: {  	v2 =	vld.idx.msk [tilespmem:v3+s7+$0x0], $0xffff  }
0x57d: {  	v3 =	vor.u32 v22, v1;
	_ =	sdelay $0x3  }
0x57e: {  	[tilespmem:s18+$0xFFFFFCA0] =	vst v2  }
0x57f: {  	v2 =	vld.idx.msk [tilespmem:v3+s7+$0x0], $0xffff  }
0x580: {  	v3 =	vor.u32 v23, v1;
	_ =	sdelay $0x3  }
0x581: {  	[tilespmem:s18+$0xFFFFFCB0] =	vst v2  }
0x582: {  	v2 =	vld.idx.msk [tilespmem:v3+s7+$0x0], $0xffff  }
0x583: {  	v3 =	vor.u32 v24, v1;
	_ =	sdelay $0x3  }
0x584: {  	[tilespmem:s18+$0xFFFFFCC0] =	vst v2  }
0x585: {  	v2 =	vld.idx.msk [tilespmem:v3+s7+$0x0], $0xffff  }
0x586: {  	v3 =	vor.u32 v25, v1;
	_ =	sdelay $0x3  }
0x587: {  	[tilespmem:s18+$0xFFFFFCD0] =	vst v2  }
0x588: {  	v2 =	vld.idx.msk [tilespmem:v3+s7+$0x0], $0xffff  }
0x589: {  	v3 =	vor.u32 v26, v1;
	_ =	sdelay $0x3  }
0x58a: {  	[tilespmem:s18+$0xFFFFFCE0] =	vst v2  }
0x58b: {  	v2 =	vld.idx.msk [tilespmem:v3+s7+$0x0], $0xffff  }
0x58c: {  	v3 =	vor.u32 v27, v1;
	_ =	sdelay $0x3  }
0x58d: {  	[tilespmem:s18+$0xFFFFFCF0] =	vst v2  }
0x58e: {  	v2 =	vld.idx.msk [tilespmem:v3+s7+$0x0], $0xffff  }
0x58f: {  	v3 =	vor.u32 v28, v1;
	_ =	sdelay $0x3  }
0x590: {  	[tilespmem:s18+$0x80] =	vst v2  }
0x591: {  	v2 =	vld.idx.msk [tilespmem:v3+s7+$0x0], $0xffff  }
0x592: {  	v3 =	vor.u32 v29, v1;
	_ =	sdelay $0x3  }
0x593: {  	[tilespmem:s18+$0x90] =	vst v2  }
0x594: {  	v2 =	vld.idx.msk [tilespmem:v3+s7+$0x0], $0xffff  }
0x595: {  	v3 =	vor.u32 v30, v1;
	_ =	sdelay $0x3  }
0x596: {  	[tilespmem:s18+$0xA0] =	vst v2  }
0x597: {  	v2 =	vld.idx.msk [tilespmem:v3+s7+$0x0], $0xffff  }
0x598: {  	v3 =	vor.u32 v31, v1;
	_ =	sdelay $0x3  }
0x599: {  	[tilespmem:s18+$0xB0] =	vst v2  }
0x59a: {  	v2 =	vld.idx.msk [tilespmem:v3+s7+$0x0], $0xffff  }
0x59b: {  	v3 =	vor.u32 v32, v1;
	_ =	sdelay $0x3  }
0x59c: {  	[tilespmem:s18+$0xC0] =	vst v2  }
0x59d: {  	v2 =	vld.idx.msk [tilespmem:v3+s7+$0x0], $0xffff  }
0x59e: {  	v3 =	vor.u32 v33, v1;
	_ =	sdelay $0x3  }
0x59f: {  	[tilespmem:s18+$0xD0] =	vst v2  }
0x5a0: {  	v2 =	vld.idx.msk [tilespmem:v3+s7+$0x0], $0xffff  }
0x5a1: {  	v3 =	vor.u32 v34, v1;
	_ =	sdelay $0x3  }
0x5a2: {  	[tilespmem:s18+$0xE0] =	vst v2  }
0x5a3: {  	v2 =	vld.idx.msk [tilespmem:v3+s7+$0x0], $0xffff  }
0x5a4: {  	v3 =	vor.u32 v35, v1;
	_ =	sdelay $0x3  }
0x5a5: {  	[tilespmem:s18+$0xF0] =	vst v2  }
0x5a6: {  	v2 =	vld.idx.msk [tilespmem:v3+s7+$0x0], $0xffff  }
0x5a7: {  	v3 =	vor.u32 v36, v1;
	_ =	sdelay $0x3  }
0x5a8: {  	[tilespmem:s18+$0xFFFFFD00] =	vst v2  }
0x5a9: {  	v2 =	vld.idx.msk [tilespmem:v3+s7+$0x0], $0xffff  }
0x5aa: {  	v3 =	vor.u32 v37, v1;
	_ =	sdelay $0x3  }
0x5ab: {  	[tilespmem:s18+$0xFFFFFD10] =	vst v2  }
0x5ac: {  	v2 =	vld.idx.msk [tilespmem:v3+s7+$0x0], $0xffff  }
0x5ad: {  	v3 =	vor.u32 v38, v1;
	_ =	sdelay $0x3  }
0x5ae: {  	[tilespmem:s18+$0xFFFFFD20] =	vst v2  }
0x5af: {  	v2 =	vld.idx.msk [tilespmem:v3+s7+$0x0], $0xffff  }
0x5b0: {  	v3 =	vor.u32 v39, v1;
	_ =	sdelay $0x3  }
0x5b1: {  	[tilespmem:s18+$0xFFFFFD30] =	vst v2  }
0x5b2: {  	v2 =	vld.idx.msk [tilespmem:v3+s7+$0x0], $0xffff  }
0x5b3: {  	v3 =	vor.u32 v40, v1;
	_ =	sdelay $0x3  }
0x5b4: {  	[tilespmem:s18+$0xFFFFFD40] =	vst v2  }
0x5b5: {  	v2 =	vld.idx.msk [tilespmem:v3+s7+$0x0], $0xffff  }
0x5b6: {  	v3 =	vor.u32 v41, v1;
	_ =	sdelay $0x3  }
0x5b7: {  	[tilespmem:s18+$0xFFFFFD50] =	vst v2  }
0x5b8: {  	v2 =	vld.idx.msk [tilespmem:v3+s7+$0x0], $0xffff  }
0x5b9: {  	v3 =	vor.u32 v42, v1;
	_ =	sdelay $0x3  }
0x5ba: {  	[tilespmem:s18+$0xFFFFFD60] =	vst v2  }
0x5bb: {  	v2 =	vld.idx.msk [tilespmem:v3+s7+$0x0], $0xffff  }
0x5bc: {  	v3 =	vor.u32 v43, v1;
	_ =	sdelay $0x3  }
0x5bd: {  	[tilespmem:s18+$0xFFFFFD70] =	vst v2  }
0x5be: {  	v2 =	vld.idx.msk [tilespmem:v3+s7+$0x0], $0xffff  }
0x5bf: {  	v3 =	vor.u32 v44, v1;
	_ =	sdelay $0x3  }
0x5c0: {  	[tilespmem:s18+$0x100] =	vst v2  }
0x5c1: {  	v2 =	vld.idx.msk [tilespmem:v3+s7+$0x0], $0xffff  }
0x5c2: {  	v3 =	vor.u32 v45, v1;
	_ =	sdelay $0x3  }
0x5c3: {  	[tilespmem:s18+$0x110] =	vst v2  }
0x5c4: {  	v2 =	vld.idx.msk [tilespmem:v3+s7+$0x0], $0xffff  }
0x5c5: {  	v3 =	vor.u32 v46, v1;
	_ =	sdelay $0x3  }
0x5c6: {  	[tilespmem:s18+$0x120] =	vst v2  }
0x5c7: {  	v2 =	vld.idx.msk [tilespmem:v3+s7+$0x0], $0xffff  }
0x5c8: {  	v3 =	vor.u32 v47, v1;
	_ =	sdelay $0x3  }
0x5c9: {  	[tilespmem:s18+$0x130] =	vst v2  }
0x5ca: {  	v2 =	vld.idx.msk [tilespmem:v3+s7+$0x0], $0xffff  }
0x5cb: {  	v3 =	vor.u32 v48, v1;
	_ =	sdelay $0x3  }
0x5cc: {  	[tilespmem:s18+$0x140] =	vst v2  }
0x5cd: {  	v2 =	vld.idx.msk [tilespmem:v3+s7+$0x0], $0xffff  }
0x5ce: {  	v3 =	vor.u32 v49, v1;
	_ =	sdelay $0x3  }
0x5cf: {  	[tilespmem:s18+$0x150] =	vst v2  }
0x5d0: {  	v2 =	vld.idx.msk [tilespmem:v3+s7+$0x0], $0xffff  }
0x5d1: {  	v3 =	vor.u32 v50, v1;
	_ =	sdelay $0x3  }
0x5d2: {  	[tilespmem:s18+$0x160] =	vst v2  }
0x5d3: {  	v2 =	vld.idx.msk [tilespmem:v3+s7+$0x0], $0xffff  }
0x5d4: {  	v3 =	vor.u32 v51, v1;
	_ =	sdelay $0x3  }
0x5d5: {  	[tilespmem:s18+$0x170] =	vst v2  }
0x5d6: {  	v2 =	vld.idx.msk [tilespmem:v3+s7+$0x0], $0xffff  }
0x5d7: {  	v3 =	vor.u32 v52, v1;
	_ =	sdelay $0x3  }
0x5d8: {  	[tilespmem:s18+$0xFFFFFD80] =	vst v2  }
0x5d9: {  	v2 =	vld.idx.msk [tilespmem:v3+s7+$0x0], $0xffff  }
0x5da: {  	v3 =	vor.u32 v53, v1;
	_ =	sdelay $0x3  }
0x5db: {  	[tilespmem:s18+$0xFFFFFD90] =	vst v2  }
0x5dc: {  	v2 =	vld.idx.msk [tilespmem:v3+s7+$0x0], $0xffff  }
0x5dd: {  	v3 =	vor.u32 v54, v1;
	_ =	sdelay $0x3  }
0x5de: {  	[tilespmem:s18+$0xFFFFFDA0] =	vst v2  }
0x5df: {  	v2 =	vld.idx.msk [tilespmem:v3+s7+$0x0], $0xffff  }
0x5e0: {  	v3 =	vor.u32 v55, v1;
	_ =	sdelay $0x3  }
0x5e1: {  	[tilespmem:s18+$0xFFFFFDB0] =	vst v2  }
0x5e2: {  	v2 =	vld.idx.msk [tilespmem:v3+s7+$0x0], $0xffff  }
0x5e3: {  	v3 =	vor.u32 v56, v1;
	_ =	sdelay $0x3  }
0x5e4: {  	[tilespmem:s18+$0xFFFFFDC0] =	vst v2  }
0x5e5: {  	v2 =	vld.idx.msk [tilespmem:v3+s7+$0x0], $0xffff  }
0x5e6: {  	v3 =	vor.u32 v57, v1;
	_ =	sdelay $0x3  }
0x5e7: {  	[tilespmem:s18+$0xFFFFFDD0] =	vst v2  }
0x5e8: {  	v2 =	vld.idx.msk [tilespmem:v3+s7+$0x0], $0xffff  }
0x5e9: {  	v3 =	vor.u32 v58, v1;
	_ =	sdelay $0x3  }
0x5ea: {  	[tilespmem:s18+$0xFFFFFDE0] =	vst v2  }
0x5eb: {  	v2 =	vld.idx.msk [tilespmem:v3+s7+$0x0], $0xffff  }
0x5ec: {  	v3 =	vor.u32 v59, v1;
	_ =	sdelay $0x3  }
0x5ed: {  	[tilespmem:s18+$0xFFFFFDF0] =	vst v2  }
0x5ee: {  	v2 =	vld.idx.msk [tilespmem:v3+s7+$0x0], $0xffff  }
0x5ef: {  	v3 =	vor.u32 v60, v1;
	_ =	sdelay $0x3  }
0x5f0: {  	[tilespmem:s18+$0x180] =	vst v2  }
0x5f1: {  	v2 =	vld.idx.msk [tilespmem:v3+s7+$0x0], $0xffff  }
0x5f2: {  	v3 =	vor.u32 v61, v1;
	_ =	sdelay $0x3  }
0x5f3: {  	[tilespmem:s18+$0x190] =	vst v2  }
0x5f4: {  	v2 =	vld.idx.msk [tilespmem:v3+s7+$0x0], $0xffff  }
0x5f5: {  	v3 =	vor.u32 v62, v1;
	_ =	sdelay $0x3  }
0x5f6: {  	[tilespmem:s18+$0x1A0] =	vst v2  }
0x5f7: {  	v2 =	vld.idx.msk [tilespmem:v3+s7+$0x0], $0xffff  }
0x5f8: {  	v3 =	vor.u32 v63, v1;
	_ =	sdelay $0x3  }
0x5f9: {  	[tilespmem:s18+$0x1B0] =	vst v2  }
0x5fa: {  	v2 =	vld.idx.msk [tilespmem:v3+s7+$0x0], $0xffff  }
0x5fb: {  	v3 =	vor.u32 v5, v1;
	_ =	sdelay $0x3  }
0x5fc: {  	[tilespmem:s18+$0x1C0] =	vst v2  }
0x5fd: {  	v2 =	vld.idx.msk [tilespmem:v3+s7+$0x0], $0xffff  }
0x5fe: {  	v3 =	vld [tilespmem:$0x1FFA0];
	_ =	sdelay $0x4  }
0x5ff: {  	v3 =	vor.u32 v3, v1;
	_ =	sdelay $0x3  }
0x600: {  	[tilespmem:s18+$0x1D0] =	vst v2  }
0x601: {  	v2 =	vld.idx.msk [tilespmem:v3+s7+$0x0], $0xffff  }
0x602: {  	v3 =	vld [tilespmem:$0x1FFB0];
	_ =	sdelay $0x4  }
0x603: {  	v3 =	vor.u32 v3, v1;
	_ =	sdelay $0x3  }
0x604: {  	[tilespmem:s18+$0x1E0] =	vst v2  }
0x605: {  	v2 =	vld.idx.msk [tilespmem:v3+s7+$0x0], $0xffff  }
0x606: {  	v3 =	vld [tilespmem:$0x1FBD0];
	_ =	sdelay $0x4  }
0x607: {  	v3 =	vor.u32 v3, v1;
	_ =	sdelay $0x3  }
0x608: {  	[tilespmem:s18+$0x1F0] =	vst v2  }
0x609: {  	v2 =	vld.idx.msk [tilespmem:v3+s7+$0x0], $0xffff  }
0x60a: {  	v3 =	vld [tilespmem:$0x1FBE0];
	_ =	sdelay $0x4  }
0x60b: {  	v3 =	vor.u32 v3, v1;
	_ =	sdelay $0x3  }
0x60c: {  	[tilespmem:s18+$0xFFFFFE00] =	vst v2  }
0x60d: {  	v2 =	vld.idx.msk [tilespmem:v3+s7+$0x0], $0xffff  }
0x60e: {  	v3 =	vld [tilespmem:$0x1FBF0];
	_ =	sdelay $0x4  }
0x60f: {  	v3 =	vor.u32 v3, v1;
	_ =	sdelay $0x3  }
0x610: {  	[tilespmem:s18+$0xFFFFFE10] =	vst v2  }
0x611: {  	v2 =	vld.idx.msk [tilespmem:v3+s7+$0x0], $0xffff  }
0x612: {  	v3 =	vld [tilespmem:$0x1FC00];
	_ =	sdelay $0x4  }
0x613: {  	v3 =	vor.u32 v3, v1;
	_ =	sdelay $0x3  }
0x614: {  	[tilespmem:s18+$0xFFFFFE20] =	vst v2  }
0x615: {  	v2 =	vld.idx.msk [tilespmem:v3+s7+$0x0], $0xffff  }
0x616: {  	v3 =	vld [tilespmem:$0x1FC10];
	_ =	sdelay $0x4  }
0x617: {  	v3 =	vor.u32 v3, v1;
	_ =	sdelay $0x3  }
0x618: {  	[tilespmem:s18+$0xFFFFFE30] =	vst v2  }
0x619: {  	v2 =	vld.idx.msk [tilespmem:v3+s7+$0x0], $0xffff  }
0x61a: {  	v3 =	vld [tilespmem:$0x1FC20];
	_ =	sdelay $0x4  }
0x61b: {  	v3 =	vor.u32 v3, v1;
	_ =	sdelay $0x3  }
0x61c: {  	[tilespmem:s18+$0xFFFFFE40] =	vst v2  }
0x61d: {  	v2 =	vld.idx.msk [tilespmem:v3+s7+$0x0], $0xffff  }
0x61e: {  	v3 =	vld [tilespmem:$0x1FC30];
	_ =	sdelay $0x4  }
0x61f: {  	v3 =	vor.u32 v3, v1;
	_ =	sdelay $0x3  }
0x620: {  	[tilespmem:s18+$0xFFFFFE50] =	vst v2  }
0x621: {  	v2 =	vld.idx.msk [tilespmem:v3+s7+$0x0], $0xffff  }
0x622: {  	v3 =	vld [tilespmem:$0x1FC40];
	_ =	sdelay $0x4  }
0x623: {  	v3 =	vor.u32 v3, v1;
	_ =	sdelay $0x3  }
0x624: {  	[tilespmem:s18+$0xFFFFFE60] =	vst v2  }
0x625: {  	v2 =	vld.idx.msk [tilespmem:v3+s7+$0x0], $0xffff  }
0x626: {  	v3 =	vld [tilespmem:$0x1FC50];
	_ =	sdelay $0x4  }
0x627: {  	v3 =	vor.u32 v3, v1;
	_ =	sdelay $0x3  }
0x628: {  	[tilespmem:s18+$0xFFFFFE70] =	vst v2  }
0x629: {  	v2 =	vld.idx.msk [tilespmem:v3+s7+$0x0], $0xffff  }
0x62a: {  	v3 =	vld [tilespmem:$0x1FC60];
	_ =	sdelay $0x4  }
0x62b: {  	v3 =	vor.u32 v3, v1;
	_ =	sdelay $0x3  }
0x62c: {  	[tilespmem:s18+$0x200] =	vst v2  }
0x62d: {  	v2 =	vld.idx.msk [tilespmem:v3+s7+$0x0], $0xffff  }
0x62e: {  	v3 =	vld [tilespmem:$0x1FC70];
	_ =	sdelay $0x4  }
0x62f: {  	v3 =	vor.u32 v3, v1;
	_ =	sdelay $0x3  }
0x630: {  	[tilespmem:s18+$0x210] =	vst v2  }
0x631: {  	v2 =	vld.idx.msk [tilespmem:v3+s7+$0x0], $0xffff  }
0x632: {  	v3 =	vld [tilespmem:$0x1FC80];
	_ =	sdelay $0x4  }
0x633: {  	v3 =	vor.u32 v3, v1;
	_ =	sdelay $0x3  }
0x634: {  	[tilespmem:s18+$0x220] =	vst v2  }
0x635: {  	v2 =	vld.idx.msk [tilespmem:v3+s7+$0x0], $0xffff  }
0x636: {  	v3 =	vld [tilespmem:$0x1FC90];
	_ =	sdelay $0x4  }
0x637: {  	v3 =	vor.u32 v3, v1;
	_ =	sdelay $0x3  }
0x638: {  	[tilespmem:s18+$0x230] =	vst v2  }
0x639: {  	v2 =	vld.idx.msk [tilespmem:v3+s7+$0x0], $0xffff  }
0x63a: {  	v3 =	vld [tilespmem:$0x1FCA0];
	_ =	sdelay $0x4  }
0x63b: {  	v3 =	vor.u32 v3, v1;
	_ =	sdelay $0x3  }
0x63c: {  	[tilespmem:s18+$0x240] =	vst v2  }
0x63d: {  	v2 =	vld.idx.msk [tilespmem:v3+s7+$0x0], $0xffff  }
0x63e: {  	v3 =	vld [tilespmem:$0x1FCB0];
	_ =	sdelay $0x4  }
0x63f: {  	v3 =	vor.u32 v3, v1;
	_ =	sdelay $0x3  }
0x640: {  	[tilespmem:s18+$0x250] =	vst v2  }
0x641: {  	v2 =	vld.idx.msk [tilespmem:v3+s7+$0x0], $0xffff  }
0x642: {  	v3 =	vld [tilespmem:$0x1FCC0];
	_ =	sdelay $0x4  }
0x643: {  	v3 =	vor.u32 v3, v1;
	_ =	sdelay $0x3  }
0x644: {  	[tilespmem:s18+$0x260] =	vst v2  }
0x645: {  	v2 =	vld.idx.msk [tilespmem:v3+s7+$0x0], $0xffff  }
0x646: {  	v3 =	vld [tilespmem:$0x1FCD0];
	_ =	sdelay $0x4  }
0x647: {  	v3 =	vor.u32 v3, v1;
	_ =	sdelay $0x3  }
0x648: {  	[tilespmem:s18+$0x270] =	vst v2  }
0x649: {  	v2 =	vld.idx.msk [tilespmem:v3+s7+$0x0], $0xffff  }
0x64a: {  	v3 =	vld [tilespmem:$0x1FCE0];
	_ =	sdelay $0x4  }
0x64b: {  	v3 =	vor.u32 v3, v1;
	_ =	sdelay $0x3  }
0x64c: {  	[tilespmem:s18+$0xFFFFFE80] =	vst v2  }
0x64d: {  	v2 =	vld.idx.msk [tilespmem:v3+s7+$0x0], $0xffff  }
0x64e: {  	v3 =	vld [tilespmem:$0x1FCF0];
	_ =	sdelay $0x4  }
0x64f: {  	v3 =	vor.u32 v3, v1;
	_ =	sdelay $0x3  }
0x650: {  	[tilespmem:s18+$0xFFFFFE90] =	vst v2  }
0x651: {  	v2 =	vld.idx.msk [tilespmem:v3+s7+$0x0], $0xffff  }
0x652: {  	v3 =	vld [tilespmem:$0x1FD00];
	_ =	sdelay $0x4  }
0x653: {  	v3 =	vor.u32 v3, v1;
	_ =	sdelay $0x3  }
0x654: {  	[tilespmem:s18+$0xFFFFFEA0] =	vst v2  }
0x655: {  	v2 =	vld.idx.msk [tilespmem:v3+s7+$0x0], $0xffff  }
0x656: {  	v3 =	vld [tilespmem:$0x1FD10];
	_ =	sdelay $0x4  }
0x657: {  	v3 =	vor.u32 v3, v1;
	_ =	sdelay $0x3  }
0x658: {  	[tilespmem:s18+$0xFFFFFEB0] =	vst v2  }
0x659: {  	v2 =	vld.idx.msk [tilespmem:v3+s7+$0x0], $0xffff  }
0x65a: {  	v3 =	vld [tilespmem:$0x1FD20];
	_ =	sdelay $0x4  }
0x65b: {  	v3 =	vor.u32 v3, v1;
	_ =	sdelay $0x3  }
0x65c: {  	[tilespmem:s18+$0xFFFFFEC0] =	vst v2  }
0x65d: {  	v2 =	vld.idx.msk [tilespmem:v3+s7+$0x0], $0xffff  }
0x65e: {  	v3 =	vld [tilespmem:$0x1FD30];
	_ =	sdelay $0x4  }
0x65f: {  	v3 =	vor.u32 v3, v1;
	_ =	sdelay $0x3  }
0x660: {  	[tilespmem:s18+$0xFFFFFED0] =	vst v2  }
0x661: {  	v2 =	vld.idx.msk [tilespmem:v3+s7+$0x0], $0xffff  }
0x662: {  	v3 =	vld [tilespmem:$0x1FD40];
	_ =	sdelay $0x4  }
0x663: {  	v3 =	vor.u32 v3, v1;
	_ =	sdelay $0x3  }
0x664: {  	[tilespmem:s18+$0xFFFFFEE0] =	vst v2  }
0x665: {  	v2 =	vld.idx.msk [tilespmem:v3+s7+$0x0], $0xffff  }
0x666: {  	v3 =	vld [tilespmem:$0x1FD50];
	_ =	sdelay $0x4  }
0x667: {  	v3 =	vor.u32 v3, v1;
	_ =	sdelay $0x3  }
0x668: {  	[tilespmem:s18+$0xFFFFFEF0] =	vst v2  }
0x669: {  	v2 =	vld.idx.msk [tilespmem:v3+s7+$0x0], $0xffff  }
0x66a: {  	v3 =	vld [tilespmem:$0x1FD60];
	_ =	sdelay $0x4  }
0x66b: {  	v3 =	vor.u32 v3, v1;
	_ =	sdelay $0x3  }
0x66c: {  	[tilespmem:s18+$0x280] =	vst v2  }
0x66d: {  	v2 =	vld.idx.msk [tilespmem:v3+s7+$0x0], $0xffff  }
0x66e: {  	v3 =	vld [tilespmem:$0x1FD70];
	_ =	sdelay $0x4  }
0x66f: {  	v3 =	vor.u32 v3, v1;
	_ =	sdelay $0x3  }
0x670: {  	[tilespmem:s18+$0x290] =	vst v2  }
0x671: {  	v2 =	vld.idx.msk [tilespmem:v3+s7+$0x0], $0xffff  }
0x672: {  	v3 =	vld [tilespmem:$0x1FD80];
	_ =	sdelay $0x4  }
0x673: {  	v3 =	vor.u32 v3, v1;
	_ =	sdelay $0x3  }
0x674: {  	[tilespmem:s18+$0x2A0] =	vst v2  }
0x675: {  	v2 =	vld.idx.msk [tilespmem:v3+s7+$0x0], $0xffff  }
0x676: {  	v3 =	vld [tilespmem:$0x1FD90];
	_ =	sdelay $0x4  }
0x677: {  	v3 =	vor.u32 v3, v1;
	_ =	sdelay $0x3  }
0x678: {  	[tilespmem:s18+$0x2B0] =	vst v2  }
0x679: {  	v2 =	vld.idx.msk [tilespmem:v3+s7+$0x0], $0xffff  }
0x67a: {  	v3 =	vld [tilespmem:$0x1FDA0];
	_ =	sdelay $0x4  }
0x67b: {  	v3 =	vor.u32 v3, v1;
	_ =	sdelay $0x3  }
0x67c: {  	[tilespmem:s18+$0x2C0] =	vst v2  }
0x67d: {  	v2 =	vld.idx.msk [tilespmem:v3+s7+$0x0], $0xffff  }
0x67e: {  	v3 =	vld [tilespmem:$0x1FDB0];
	_ =	sdelay $0x4  }
0x67f: {  	v3 =	vor.u32 v3, v1;
	_ =	sdelay $0x3  }
0x680: {  	[tilespmem:s18+$0x2D0] =	vst v2  }
0x681: {  	v2 =	vld.idx.msk [tilespmem:v3+s7+$0x0], $0xffff  }
0x682: {  	v3 =	vld [tilespmem:$0x1FDC0];
	_ =	sdelay $0x4  }
0x683: {  	v3 =	vor.u32 v3, v1;
	_ =	sdelay $0x3  }
0x684: {  	[tilespmem:s18+$0x2E0] =	vst v2  }
0x685: {  	v2 =	vld.idx.msk [tilespmem:v3+s7+$0x0], $0xffff  }
0x686: {  	v3 =	vld [tilespmem:$0x1FDD0];
	_ =	sdelay $0x4  }
0x687: {  	v3 =	vor.u32 v3, v1;
	_ =	sdelay $0x3  }
0x688: {  	[tilespmem:s18+$0x2F0] =	vst v2  }
0x689: {  	v2 =	vld.idx.msk [tilespmem:v3+s7+$0x0], $0xffff  }
0x68a: {  	v3 =	vld [tilespmem:$0x1FDE0];
	_ =	sdelay $0x4  }
0x68b: {  	v3 =	vor.u32 v3, v1;
	_ =	sdelay $0x3  }
0x68c: {  	[tilespmem:s18+$0xFFFFFF00] =	vst v2  }
0x68d: {  	v2 =	vld.idx.msk [tilespmem:v3+s7+$0x0], $0xffff  }
0x68e: {  	v3 =	vld [tilespmem:$0x1FDF0];
	_ =	sdelay $0x4  }
0x68f: {  	v3 =	vor.u32 v3, v1;
	_ =	sdelay $0x3  }
0x690: {  	[tilespmem:s18+$0xFFFFFF10] =	vst v2  }
0x691: {  	v2 =	vld.idx.msk [tilespmem:v3+s7+$0x0], $0xffff  }
0x692: {  	v3 =	vld [tilespmem:$0x1FE00];
	_ =	sdelay $0x4  }
0x693: {  	v3 =	vor.u32 v3, v1;
	_ =	sdelay $0x3  }
0x694: {  	[tilespmem:s18+$0xFFFFFF20] =	vst v2  }
0x695: {  	v2 =	vld.idx.msk [tilespmem:v3+s7+$0x0], $0xffff  }
0x696: {  	v3 =	vld [tilespmem:$0x1FE10];
	_ =	sdelay $0x4  }
0x697: {  	v3 =	vor.u32 v3, v1;
	_ =	sdelay $0x3  }
0x698: {  	[tilespmem:s18+$0xFFFFFF30] =	vst v2  }
0x699: {  	v2 =	vld.idx.msk [tilespmem:v3+s7+$0x0], $0xffff  }
0x69a: {  	v3 =	vld [tilespmem:$0x1FE20];
	_ =	sdelay $0x4  }
0x69b: {  	v3 =	vor.u32 v3, v1;
	_ =	sdelay $0x3  }
0x69c: {  	[tilespmem:s18+$0xFFFFFF40] =	vst v2  }
0x69d: {  	v2 =	vld.idx.msk [tilespmem:v3+s7+$0x0], $0xffff  }
0x69e: {  	v3 =	vld [tilespmem:$0x1FE30];
	_ =	sdelay $0x4  }
0x69f: {  	v3 =	vor.u32 v3, v1;
	_ =	sdelay $0x3  }
0x6a0: {  	[tilespmem:s18+$0xFFFFFF50] =	vst v2  }
0x6a1: {  	v2 =	vld.idx.msk [tilespmem:v3+s7+$0x0], $0xffff  }
0x6a2: {  	v3 =	vld [tilespmem:$0x1FE40];
	_ =	sdelay $0x4  }
0x6a3: {  	v3 =	vor.u32 v3, v1;
	_ =	sdelay $0x3  }
0x6a4: {  	[tilespmem:s18+$0xFFFFFF60] =	vst v2  }
0x6a5: {  	v2 =	vld.idx.msk [tilespmem:v3+s7+$0x0], $0xffff  }
0x6a6: {  	v3 =	vld [tilespmem:$0x1FE50];
	_ =	sdelay $0x4  }
0x6a7: {  	v3 =	vor.u32 v3, v1;
	_ =	sdelay $0x3  }
0x6a8: {  	[tilespmem:s18+$0xFFFFFF70] =	vst v2  }
0x6a9: {  	v2 =	vld.idx.msk [tilespmem:v3+s7+$0x0], $0xffff  }
0x6aa: {  	v3 =	vld [tilespmem:$0x1FE60];
	_ =	sdelay $0x4  }
0x6ab: {  	v3 =	vor.u32 v3, v1;
	_ =	sdelay $0x3  }
0x6ac: {  	[tilespmem:s18+$0x300] =	vst v2  }
0x6ad: {  	v2 =	vld.idx.msk [tilespmem:v3+s7+$0x0], $0xffff  }
0x6ae: {  	v3 =	vld [tilespmem:$0x1FE70];
	_ =	sdelay $0x4  }
0x6af: {  	v3 =	vor.u32 v3, v1;
	_ =	sdelay $0x3  }
0x6b0: {  	[tilespmem:s18+$0x310] =	vst v2  }
0x6b1: {  	v2 =	vld.idx.msk [tilespmem:v3+s7+$0x0], $0xffff  }
0x6b2: {  	v3 =	vld [tilespmem:$0x1FE80];
	_ =	sdelay $0x4  }
0x6b3: {  	v3 =	vor.u32 v3, v1;
	_ =	sdelay $0x3  }
0x6b4: {  	[tilespmem:s18+$0x320] =	vst v2  }
0x6b5: {  	v2 =	vld.idx.msk [tilespmem:v3+s7+$0x0], $0xffff  }
0x6b6: {  	v3 =	vld [tilespmem:$0x1FE90];
	_ =	sdelay $0x4  }
0x6b7: {  	v3 =	vor.u32 v3, v1;
	_ =	sdelay $0x3  }
0x6b8: {  	[tilespmem:s18+$0x330] =	vst v2  }
0x6b9: {  	v2 =	vld.idx.msk [tilespmem:v3+s7+$0x0], $0xffff  }
0x6ba: {  	v3 =	vld [tilespmem:$0x1FEA0];
	_ =	sdelay $0x4  }
0x6bb: {  	v3 =	vor.u32 v3, v1;
	_ =	sdelay $0x3  }
0x6bc: {  	[tilespmem:s18+$0x340] =	vst v2  }
0x6bd: {  	v2 =	vld.idx.msk [tilespmem:v3+s7+$0x0], $0xffff  }
0x6be: {  	v3 =	vld [tilespmem:$0x1FEB0];
	_ =	sdelay $0x4  }
0x6bf: {  	v3 =	vor.u32 v3, v1;
	_ =	sdelay $0x3  }
0x6c0: {  	[tilespmem:s18+$0x350] =	vst v2  }
0x6c1: {  	v2 =	vld.idx.msk [tilespmem:v3+s7+$0x0], $0xffff  }
0x6c2: {  	v3 =	vld [tilespmem:$0x1FEC0];
	_ =	sdelay $0x4  }
0x6c3: {  	v3 =	vor.u32 v3, v1;
	_ =	sdelay $0x3  }
0x6c4: {  	[tilespmem:s18+$0x360] =	vst v2  }
0x6c5: {  	v2 =	vld.idx.msk [tilespmem:v3+s7+$0x0], $0xffff  }
0x6c6: {  	v3 =	vld [tilespmem:$0x1FED0];
	_ =	sdelay $0x4  }
0x6c7: {  	v3 =	vor.u32 v3, v1;
	_ =	sdelay $0x3  }
0x6c8: {  	[tilespmem:s18+$0x370] =	vst v2  }
0x6c9: {  	v2 =	vld.idx.msk [tilespmem:v3+s7+$0x0], $0xffff  }
0x6ca: {  	v3 =	vld [tilespmem:$0x1FEE0];
	_ =	sdelay $0x4  }
0x6cb: {  	v3 =	vor.u32 v3, v1;
	_ =	sdelay $0x3  }
0x6cc: {  	[tilespmem:s18+$0xFFFFFF80] =	vst v2  }
0x6cd: {  	v2 =	vld.idx.msk [tilespmem:v3+s7+$0x0], $0xffff  }
0x6ce: {  	v3 =	vld [tilespmem:$0x1FEF0];
	_ =	sdelay $0x4  }
0x6cf: {  	v3 =	vor.u32 v3, v1;
	_ =	sdelay $0x3  }
0x6d0: {  	[tilespmem:s18+$0xFFFFFF90] =	vst v2  }
0x6d1: {  	v2 =	vld.idx.msk [tilespmem:v3+s7+$0x0], $0xffff  }
0x6d2: {  	v3 =	vld [tilespmem:$0x1FF00];
	_ =	sdelay $0x4  }
0x6d3: {  	v3 =	vor.u32 v3, v1;
	_ =	sdelay $0x3  }
0x6d4: {  	[tilespmem:s18+$0xFFFFFFA0] =	vst v2  }
0x6d5: {  	v2 =	vld.idx.msk [tilespmem:v3+s7+$0x0], $0xffff  }
0x6d6: {  	v3 =	vld [tilespmem:$0x1FF10];
	_ =	sdelay $0x4  }
0x6d7: {  	v3 =	vor.u32 v3, v1;
	_ =	sdelay $0x3  }
0x6d8: {  	[tilespmem:s18+$0xFFFFFFB0] =	vst v2  }
0x6d9: {  	v2 =	vld.idx.msk [tilespmem:v3+s7+$0x0], $0xffff  }
0x6da: {  	v3 =	vld [tilespmem:$0x1FF20];
	_ =	sdelay $0x4  }
0x6db: {  	v3 =	vor.u32 v3, v1;
	_ =	sdelay $0x3  }
0x6dc: {  	[tilespmem:s18+$0xFFFFFFC0] =	vst v2  }
0x6dd: {  	v2 =	vld.idx.msk [tilespmem:v3+s7+$0x0], $0xffff  }
0x6de: {  	v3 =	vld [tilespmem:$0x1FF30];
	_ =	sdelay $0x4  }
0x6df: {  	v3 =	vor.u32 v3, v1;
	_ =	sdelay $0x3  }
0x6e0: {  	[tilespmem:s18+$0xFFFFFFD0] =	vst v2  }
0x6e1: {  	v2 =	vld.idx.msk [tilespmem:v3+s7+$0x0], $0xffff  }
0x6e2: {  	v3 =	vld [tilespmem:$0x1FF40];
	_ =	sdelay $0x4  }
0x6e3: {  	v3 =	vor.u32 v3, v1;
	_ =	sdelay $0x3  }
0x6e4: {  	[tilespmem:s18+$0xFFFFFFE0] =	vst v2  }
0x6e5: {  	v2 =	vld.idx.msk [tilespmem:v3+s7+$0x0], $0xffff  }
0x6e6: {  	v3 =	vld [tilespmem:$0x1FF50];
	_ =	sdelay $0x4  }
0x6e7: {  	v3 =	vor.u32 v3, v1;
	_ =	sdelay $0x3  }
0x6e8: {  	[tilespmem:s18+$0xFFFFFFF0] =	vst v2  }
0x6e9: {  	v2 =	vld.idx.msk [tilespmem:v3+s7+$0x0], $0xffff  }
0x6ea: {  	v3 =	vld [tilespmem:$0x1FF60];
	_ =	sdelay $0x4  }
0x6eb: {  	v3 =	vor.u32 v3, v1;
	_ =	sdelay $0x3  }
0x6ec: {  	[tilespmem:s18+$0x380] =	vst v2  }
0x6ed: {  	v2 =	vld.idx.msk [tilespmem:v3+s7+$0x0], $0xffff  }
0x6ee: {  	v3 =	vld [tilespmem:$0x1FF70];
	_ =	sdelay $0x4  }
0x6ef: {  	v3 =	vor.u32 v3, v1;
	_ =	sdelay $0x3  }
0x6f0: {  	[tilespmem:s18+$0x390] =	vst v2  }
0x6f1: {  	v2 =	vld.idx.msk [tilespmem:v3+s7+$0x0], $0xffff  }
0x6f2: {  	v3 =	vld [tilespmem:$0x1FF80];
	_ =	sdelay $0x4  }
0x6f3: {  	v3 =	vor.u32 v3, v1;
	_ =	sdelay $0x3  }
0x6f4: {  	[tilespmem:s18+$0x3A0] =	vst v2  }
0x6f5: {  	v2 =	vld.idx.msk [tilespmem:v3+s7+$0x0], $0xffff  }
0x6f6: {  	v3 =	vld [tilespmem:$0x1FF90];
	_ =	sdelay $0x4  }
0x6f7: {  	v3 =	vor.u32 v3, v1;
	_ =	sdelay $0x3  }
0x6f8: {  	[tilespmem:s18+$0x3B0] =	vst v2  }
0x6f9: {  	v2 =	vld.idx.msk [tilespmem:v3+s7+$0x0], $0xffff  }
0x6fa: {  	v3 =	vor.u32 v9, v1;
	_ =	sdelay $0x3  }
0x6fb: {  	[tilespmem:s18+$0x3C0] =	vst v2  }
0x6fc: {  	v2 =	vld.idx.msk [tilespmem:v3+s7+$0x0], $0xffff  }
0x6fd: {  	p1 =	slt.u32 s17, $0x18;
	v3 =	vor.u32 v0, v1  }
.Ltmp1:
0x6fe: {  	_ = 	snop;
	(pc) =	sbr.rel @p1 .LBB2_5-.Ltmp1, $3  }
0x6ff: {  	_ =	sdelay $0x1  }
0x700: {  	[tilespmem:s18+$0x3D0] =	vst v2  }
0x701: {  	v2 =	vld.idx.msk [tilespmem:v3+s7+$0x0], $0xffff;
	v3 =	vor.u32 v7, v1  }
0x702: {  	_ =	sdelay $0x3  }
0x703: {  	[tilespmem:s18+$0x3E0] =	vst v2  }
0x704: {  	v0 =	vld.idx.msk [tilespmem:v3+s7+$0x0], $0xffff;
	_ =	sdelay $0x4  }
0x705: {  	s17 =	simm.s32 @!p0 $0x4;
	[tilespmem:s18+$0x3F0] =	vst v0  }
0x706: {  	_ =	swait.ge @!p0 [sflag:s17], $0x2000  }
0x707: {  	s15 =	sadd.s32 $0x1, s15;
	[sflag:s17] =	ssyncset.done @!p0 $0x0  }
0x708: {  	[sflag:s17] =	ssyncadd.s32 @!p0 $0xFFFFE000;
	p0 =	sne.s32 s15, $0x10  }
.Ltmp2:
0x709: {  	_ = 	snop;
	(pc) =	sbr.rel @p0 .LBB2_2-.Ltmp2, $4  }
0x70a: {  	v2 =	vld [tilespmem:$0x1FFC0]  }
0x70b: {  	s16 =	sshll.u32 s16, $0xA;
	v7 =	vld [tilespmem:$0x1FFD0]  }
0x70c: {  	s16 =	sadd.s32 s16, s4;
	v9 =	vld [tilespmem:$0x1FFE0]  }
0x70d: {  	v3 =	vld [tilespmem:$0x1FFF0];
	[hbm4b:s16+s2] =	stream.linear.scatter [tilespmem:s11], [sflag:$0x4], $0x2000, $0x38  }
0x70e: {  	s14 =	sadd.s32 $0x1, s14  }
0x70f: {  	_ =	swait.ge [sflag:s12], $0x2000;
	p0 =	sne.s32 s14, s6  }
.Ltmp3:
0x710: {  	[sflag:s12] =	ssyncset.done $0x0;
	(pc) =	sbr.rel @p0 .LBB2_1-.Ltmp3, $4  }
0x711: {  	[sflag:s12] =	ssyncadd.s32 $0xFFFFE000  }
0x712: {  	_ =	swait.ge [sflag:s13], $0x2000  }
0x713: {  	[sflag:s13] =	ssyncset.done $0x0  }
0x714: {  	[sflag:s13] =	ssyncadd.s32 $0xFFFFE000  }
0x715: {  	_ =	sfence.sel $0x180000  }
0x716: {  	[bflag:$0x0] =	sbarrier.arrive $0xFFFF  }
0x717: {  	p0 =	sne.s32 s1, $0x0;
	_ =	strace $0x90000047  }
0x718: {  	s0 =	sadd.s32 @!p0 $0x100000, s0;
	[bflag:$0x2] =	sbarrier.arrive $0xFFFF  }
0x719: {  	[sflag:s0] =	ssyncadd.tile.s32 @!p0 $0x1;
	_ =	shalt  }
.Lfunc_end2:
_tile_overlayer_lowered:
.L_overlay_start_2:
0x71a: {  	(tag) =	ssettag $0x2  }
0x71b: {  	s0 =	rddreg [dreg:$0x0];
	s2 =	stileid.u32  }
0x71c: {  	s1 =	rddreg [dreg:$0x1];
	p0 =	sne.s32 s2, $0x0  }
0x71d: {  	s3 =	rddreg [dreg:$0x2];
	[bflag:$0x3] =	sbarrier.arrive $0xFFFF;
	s2 =	simm.s32 @!p0 $0x1C05  }
0x71e: {  	[timem:s3], [sflag:s2] =	dma.local @!p0 [hbm:s0], s1  }
0x71f: {  	s0 =	simm.s32 @!p0 $0x5  }
0x720: {  	_ =	swait.ge @!p0 [sflag:s0], s1  }
0x721: {  	s1 =	ssub.s32 @!p0 $0x0, s1;
	[sflag:s0] =	ssyncset.done @!p0 $0x0  }
0x722: {  	[sflag:s0] =	ssyncadd.s32 @!p0 s1  }
0x723: {  	[bflag:$0x3] =	sbarrier.arrive $0xFFFF  }
0x724: {  	_ =	shalt  }

</sc_bundles>
